<compile_context>
chip_gen: v7x
topology: tpu7x:2x2x1
jax: 0.10.2.dev20260603
libtpu: 0.0.44.dev20260713+nightly
codegen_flags: <defaults>
</compile_context>

<pallas_src>
import functools

import jax
import jax.numpy as jnp
from jax import lax
from jax.experimental import pallas as pl
from jax.experimental.pallas import tpu as pltpu
from jax.experimental.pallas import tpu_sc as plsc

_EMBED = 384
_NPOS = 64
_D3 = 128
_LANES = 16

_NC, _NS = 2, 16
_NW = _NC * _NS


def _fold_body(d_ref, h_ref, w_ref, wt_ref, b_ref, out_ref):
    dot = functools.partial(
        jnp.dot,
        preferred_element_type=jnp.float32,
        precision=lax.Precision.HIGHEST,
    )
    bias = b_ref[0, :]
    out_ref[0:_NPOS, :] = dot(d_ref[...], wt_ref[0:_D3, :]) + bias[None, :]
    out_ref[_NPOS : 2 * _NPOS, :] = dot(h_ref[...], wt_ref[_D3 : 2 * _D3, :])
    out_ref[2 * _NPOS : 3 * _NPOS, :] = dot(w_ref[...], wt_ref[2 * _D3 :, :])


def _build_fused_table(d_table, h_table, w_table, proj_w, proj_b):
    return pl.pallas_call(
        _fold_body,
        out_shape=jax.ShapeDtypeStruct((3 * _NPOS, _EMBED), jnp.float32),
    )(d_table, h_table, w_table, proj_w.T, proj_b.reshape(1, _EMBED))


def _make_sc_kernel(n_batch, n_seq, chunk):
    n_tok = n_batch * n_seq
    per_w = n_tok // _NW
    n_chunks = per_w // chunk
    n_groups = chunk // _LANES
    w_per_b = n_seq // per_w
    mesh = plsc.VectorSubcoreMesh(core_axis_name="c", subcore_axis_name="s")

    @functools.partial(
        pl.kernel,
        out_type=jax.ShapeDtypeStruct((n_batch, n_seq, _EMBED), jnp.float32),
        mesh=mesh,
        scratch_types=[
            pltpu.VMEM((3 * _NPOS, _EMBED // 2), jnp.int32),
            pltpu.VMEM((per_w,), jnp.int32),
            pltpu.VMEM((per_w,), jnp.int32),
            pltpu.VMEM((per_w,), jnp.int32),
            pltpu.VMEM((chunk, _EMBED), jnp.float32),
            pltpu.VMEM((chunk, _EMBED), jnp.float32),
            pltpu.SemaphoreType.DMA,
            pltpu.SemaphoreType.DMA,
        ],
        compiler_params=pltpu.CompilerParams(
            use_tc_tiling_on_sc=True, needs_layout_passes=False
        ),
    )
    def sc_kernel(
        p_hbm, i0_hbm, i1_hbm, i2_hbm, out_hbm,
        p_v, idx0_v, idx1_v, idx2_v, ov0, ov1, semo0, semo1,
    ):
        wid = lax.axis_index("s") * _NC + lax.axis_index("c")
        base = wid * per_w
        bi = wid // w_per_b
        n0 = (wid % w_per_b) * per_w
        semo = (semo0, semo1)
        out_v = (ov0, ov1)

        pltpu.sync_copy(p_hbm, p_v)
        for src, dst in ((i0_hbm, idx0_v), (i1_hbm, idx1_v), (i2_hbm, idx2_v)):
            pltpu.sync_copy(src.at[pl.ds(base, per_w)], dst)

        def pair_body(gg, carry):
            for s in range(2):
                g = gg * 2 + s

                @pl.when(gg >= 1)
                def _():
                    pltpu.make_async_copy(
                        out_v[s], out_hbm.at[0, pl.ds(0, chunk)], semo[s]
                    ).wait()

                def grp_body(grp, carry2, s=s, g=g):
                    off = g * chunk + grp * _LANES
                    r0 = idx0_v[pl.ds(off, _LANES)]
                    r1 = idx1_v[pl.ds(off, _LANES)]
                    r2 = idx2_v[pl.ds(off, _LANES)]
                    tok0 = grp * _LANES
                    rows = [(r0[k], r1[k], r2[k]) for k in range(_LANES)]

                    @plsc.parallel_loop(0, _EMBED // (2 * _LANES), unroll=4)
                    def slice_body(cp):
                        slp = pl.ds(cp * _LANES, _LANES)
                        for k in range(_LANES):
                            a0, a1, a2 = rows[k]
                            e0, o0 = plsc.unpack(
                                plsc.bitcast(p_v[a0, slp], jnp.bfloat16),
                                format=plsc.PackFormat.INTERLEAVED,
                            )
                            e1, o1 = plsc.unpack(
                                plsc.bitcast(p_v[a1, slp], jnp.bfloat16),
                                format=plsc.PackFormat.INTERLEAVED,
                            )
                            e2, o2 = plsc.unpack(
                                plsc.bitcast(p_v[a2, slp], jnp.bfloat16),
                                format=plsc.PackFormat.INTERLEAVED,
                            )
                            out_v[s][tok0 + k, pl.ds(cp * 2 * _LANES, _LANES)] = (
                                e0 + e1 + e2
                            )
                            out_v[s][
                                tok0 + k, pl.ds(cp * 2 * _LANES + _LANES, _LANES)
                            ] = o0 + o1 + o2

                    return carry2

                lax.fori_loop(0, n_groups, grp_body, 0)

                pltpu.async_copy(
                    out_v[s],
                    out_hbm.at[bi, pl.ds(n0 + g * chunk, chunk)],
                    semo[s],
                )
            return carry

        lax.fori_loop(0, n_chunks // 2, pair_body, 0)
        for s in range(2):
            pltpu.make_async_copy(
                out_v[s], out_hbm.at[0, pl.ds(0, chunk)], semo[s]
            ).wait()

    return sc_kernel


def kernel(positions, d_table, h_table, w_table, proj_w, proj_b):
    b, n, _ = positions.shape
    n_tok = b * n
    pos = jnp.clip(positions.astype(jnp.int32), 0, _NPOS - 1).reshape(n_tok, 3)
    i0 = pos[:, 0]
    i1 = pos[:, 1] + _NPOS
    i2 = pos[:, 2] + 2 * _NPOS

    fused = _build_fused_table(d_table, h_table, w_table, proj_w, proj_b)
    fb = fused.astype(jnp.bfloat16)
    fb = fb.reshape(3 * _NPOS, _EMBED // 32, 2, _LANES).swapaxes(2, 3)
    fi = jax.lax.bitcast_convert_type(
        fb.reshape(3 * _NPOS, _EMBED // 2, 2), jnp.int32
    )
    return _make_sc_kernel(b, n, 64)(fi, i0, i1, i2)

# --- scband reference (transcript-rebuilt; emitter-appended) ---
"""Pipeline reference for scband-learnable-positional-encoding3-d-17480516895330 (READ-ONLY COPY).

The authoritative reference and input builder live on the scoring server;
editing this copy changes nothing except your own understanding.
"""

import jax, jax.numpy as jnp
import numpy as np

EMBED_DIM = 384
MAX_POS = 64
D3 = EMBED_DIM // 3  # 128

def setup_inputs(seed: int = 0) -> dict:
    key = jax.random.key(seed)
    k1, k2, k3, k4, k5, k6 = jax.random.split(key, 6)
    positions = jax.random.randint(k1, (4, 16384, 3), 0, MAX_POS, dtype=jnp.int64 if jax.config.jax_enable_x64 else jnp.int32).astype(jnp.int32)
    d_table = jax.random.normal(k2, (MAX_POS, D3), dtype=jnp.float32)
    h_table = jax.random.normal(k3, (MAX_POS, D3), dtype=jnp.float32)
    w_table = jax.random.normal(k4, (MAX_POS, D3), dtype=jnp.float32)
    # nn.Linear(384, 384): weight [out, in], bias [out]
    bound = 1.0 / np.sqrt(3 * D3)
    proj_w = jax.random.uniform(k5, (EMBED_DIM, 3 * D3), minval=-bound, maxval=bound, dtype=jnp.float32)
    proj_b = jax.random.uniform(k6, (EMBED_DIM,), minval=-bound, maxval=bound, dtype=jnp.float32)
    return {"positions": positions, "d_table": d_table, "h_table": h_table, "w_table": w_table, "proj_w": proj_w, "proj_b": proj_b}

def reference(positions, d_table, h_table, w_table, proj_w, proj_b):
    pos = jnp.clip(positions.astype(jnp.int32), 0, MAX_POS - 1)
    d_enc = jnp.take(d_table, pos[:, :, 0], axis=0)
    h_enc = jnp.take(h_table, pos[:, :, 1], axis=0)
    w_enc = jnp.take(w_table, pos[:, :, 2], axis=0)
    combined = jnp.concatenate([d_enc, h_enc, w_enc], axis=-1)
    out = jnp.einsum('bnd,od->bno', combined, proj_w) + proj_b
    return out

if __name__ == "__main__":
    import jax
    _d = setup_inputs()
    print(jax.jit(kernel)(*tuple(_d.values())))

</pallas_src>

<mosaic_0001>
#map = affine_map<(d0, d1) -> (0, 0)>
#map1 = affine_map<(d0, d1) -> (0)>
#map2 = affine_map<(d0, d1) -> (0, 0, 0)>
module attributes {stable_mosaic.version = 14 : i64} {
  func.func @sc_kernel(%arg0: i32, %arg1: i32, %arg2: memref<192x192xi32, #tpu.memory_space<hbm>>, %arg3: memref<65536xi32, #tpu.memory_space<hbm>>, %arg4: memref<65536xi32, #tpu.memory_space<hbm>>, %arg5: memref<65536xi32, #tpu.memory_space<hbm>>, %arg6: memref<4x16384x384xf32, #tpu.memory_space<hbm>>, %arg7: memref<192x192xi32, #tpu.memory_space<vmem>>, %arg8: memref<2048xi32, #tpu.memory_space<vmem>>, %arg9: memref<2048xi32, #tpu.memory_space<vmem>>, %arg10: memref<2048xi32, #tpu.memory_space<vmem>>, %arg11: memref<64x384xf32, #tpu.memory_space<vmem>>, %arg12: memref<64x384xf32, #tpu.memory_space<vmem>>, %arg13: memref<!tpu.dma_semaphore, #tpu.memory_space<semaphore_mem>>, %arg14: memref<!tpu.dma_semaphore, #tpu.memory_space<semaphore_mem>>) attributes {dimension_semantics = [#tpu.dimension_semantics<core_parallel>, #tpu.dimension_semantics<subcore_parallel>], iteration_bounds = array<i64: 2, 16>, scalar_prefetch = 0 : i64, scratch_operands = 8 : i64, tpu.core_type = #tpu.core_type<sc_vector_subcore>, window_params = [{transform_indices = #map}, {transform_indices = #map1}, {transform_indices = #map1}, {transform_indices = #map1}, {transform_indices = #map2}]} {
    %mul3A = arith.constant 2 : i32
    %mul3A_0 = arith.muli %arg1, %mul3A : i32
    %add3A = arith.addi %mul3A_0, %arg0 : i32
    %mul3A_1 = arith.constant 2048 : i32
    %mul3A_2 = arith.muli %add3A, %mul3A_1 : i32
    %jit3A = arith.constant 8 : i32
    %div3A = arith.divsi %add3A, %jit3A : i32
    %sign3A = arith.constant 0 : i32
    %sign3A_3 = arith.cmpi sgt, %add3A, %sign3A : i32
    %sign3A_4 = arith.extui %sign3A_3 : i1 to i32
    %sign3A_5 = arith.constant 0 : i32
    %sign3A_6 = arith.cmpi slt, %add3A, %sign3A_5 : i32
    %sign3A_7 = arith.extui %sign3A_6 : i1 to i32
    %sign3A_8 = arith.subi %sign3A_4, %sign3A_7 : i32
    %sign3A_9 = arith.constant 0 : i32
    %sign3A_10 = arith.cmpi sgt, %jit3A, %sign3A_9 : i32
    %sign3A_11 = arith.extui %sign3A_10 : i1 to i32
    %sign3A_12 = arith.constant 0 : i32
    %sign3A_13 = arith.cmpi slt, %jit3A, %sign3A_12 : i32
    %sign3A_14 = arith.extui %sign3A_13 : i1 to i32
    %sign3A_15 = arith.subi %sign3A_11, %sign3A_14 : i32
    %ne3A = arith.cmpi ne, %sign3A_8, %sign3A_15 : i32
    %rem3A = arith.remsi %add3A, %jit3A : i32
    %ne3A_16 = arith.constant 0 : i32
    %ne3A_17 = arith.cmpi ne, %rem3A, %ne3A_16 : i32
    %and3A = arith.andi %ne3A, %ne3A_17 : i1
    %sub3A = arith.constant 1 : i32
    %sub3A_18 = arith.subi %div3A, %sub3A : i32
    %select_n3A = arith.select %and3A, %sub3A_18, %div3A : i32
    %jit3A_19 = arith.constant 8 : i32
    %eq3A = arith.constant 0 : i32
    %eq3A_20 = arith.cmpi eq, %jit3A_19, %eq3A : i32
    %jit3A_21 = arith.constant 1 : i32
    %select_n3A_22 = arith.select %eq3A_20, %jit3A_21, %jit3A_19 : i32
    %rem3A_23 = arith.remsi %add3A, %select_n3A_22 : i32
    %ne3A_24 = arith.constant 0 : i32
    %ne3A_25 = arith.cmpi ne, %rem3A_23, %ne3A_24 : i32
    %lt3A = arith.constant 0 : i32
    %lt3A_26 = arith.cmpi slt, %rem3A_23, %lt3A : i32
    %lt3A_27 = arith.constant 0 : i32
    %lt3A_28 = arith.cmpi slt, %select_n3A_22, %lt3A_27 : i32
    %ne3A_29 = arith.xori %lt3A_26, %lt3A_28 : i1
    %and3A_30 = arith.andi %ne3A_29, %ne3A_25 : i1
    %add3A_31 = arith.addi %rem3A_23, %select_n3A_22 : i32
    %select_n3A_32 = arith.select %and3A_30, %add3A_31, %rem3A_23 : i32
    %mul3A_33 = arith.constant 2048 : i32
    %mul3A_34 = arith.muli %select_n3A_32, %mul3A_33 : i32
    "tpu.region"() ({
      %run_scoped3A = tpu.sem_alloc : memref<!tpu.dma_semaphore, #tpu.memory_space<semaphore_mem>>
      tpu.enqueue_dma source(%arg2 : memref<192x192xi32, #tpu.memory_space<hbm>>) target(%arg7 : memref<192x192xi32, #tpu.memory_space<vmem>>) target_semaphore(%run_scoped3A : memref<!tpu.dma_semaphore, #tpu.memory_space<semaphore_mem>>)
      tpu.wait_dma2 semaphore(%run_scoped3A : memref<!tpu.dma_semaphore, #tpu.memory_space<semaphore_mem>>) src(%arg2 : memref<192x192xi32, #tpu.memory_space<hbm>>) dst(%arg7 : memref<192x192xi32, #tpu.memory_space<vmem>>)
      tpu.yield
    }) : () -> ()
    "tpu.region"() ({
      %run_scoped3A = tpu.sem_alloc : memref<!tpu.dma_semaphore, #tpu.memory_space<semaphore_mem>>
      %dma_start3A = tpu.memref_slice %arg3[%mul3A_2] : memref<65536xi32, #tpu.memory_space<hbm>> -> memref<2048xi32, #tpu.memory_space<hbm>>
      %dma_start3A_57 = tpu.memref_slice %arg3[%mul3A_2] : memref<65536xi32, #tpu.memory_space<hbm>> -> memref<2048xi32, #tpu.memory_space<hbm>>
      tpu.enqueue_dma source(%dma_start3A_57 : memref<2048xi32, #tpu.memory_space<hbm>>) target(%arg8 : memref<2048xi32, #tpu.memory_space<vmem>>) target_semaphore(%run_scoped3A : memref<!tpu.dma_semaphore, #tpu.memory_space<semaphore_mem>>)
      %dma_wait3A_58 = tpu.memref_slice %arg3[%mul3A_2] : memref<65536xi32, #tpu.memory_space<hbm>> -> memref<2048xi32, #tpu.memory_space<hbm>>
      %dma_wait3A_59 = tpu.memref_slice %arg3[%mul3A_2] : memref<65536xi32, #tpu.memory_space<hbm>> -> memref<2048xi32, #tpu.memory_space<hbm>>
      tpu.wait_dma2 semaphore(%run_scoped3A : memref<!tpu.dma_semaphore, #tpu.memory_space<semaphore_mem>>) src(%dma_wait3A_59 : memref<2048xi32, #tpu.memory_space<hbm>>) dst(%arg8 : memref<2048xi32, #tpu.memory_space<vmem>>)
      tpu.yield
    }) : () -> ()
    "tpu.region"() ({
      %run_scoped3A = tpu.sem_alloc : memref<!tpu.dma_semaphore, #tpu.memory_space<semaphore_mem>>
      %dma_start3A = tpu.memref_slice %arg4[%mul3A_2] : memref<65536xi32, #tpu.memory_space<hbm>> -> memref<2048xi32, #tpu.memory_space<hbm>>
      %dma_start3A_57 = tpu.memref_slice %arg4[%mul3A_2] : memref<65536xi32, #tpu.memory_space<hbm>> -> memref<2048xi32, #tpu.memory_space<hbm>>
      tpu.enqueue_dma source(%dma_start3A_57 : memref<2048xi32, #tpu.memory_space<hbm>>) target(%arg9 : memref<2048xi32, #tpu.memory_space<vmem>>) target_semaphore(%run_scoped3A : memref<!tpu.dma_semaphore, #tpu.memory_space<semaphore_mem>>)
      %dma_wait3A_58 = tpu.memref_slice %arg4[%mul3A_2] : memref<65536xi32, #tpu.memory_space<hbm>> -> memref<2048xi32, #tpu.memory_space<hbm>>
      %dma_wait3A_59 = tpu.memref_slice %arg4[%mul3A_2] : memref<65536xi32, #tpu.memory_space<hbm>> -> memref<2048xi32, #tpu.memory_space<hbm>>
      tpu.wait_dma2 semaphore(%run_scoped3A : memref<!tpu.dma_semaphore, #tpu.memory_space<semaphore_mem>>) src(%dma_wait3A_59 : memref<2048xi32, #tpu.memory_space<hbm>>) dst(%arg9 : memref<2048xi32, #tpu.memory_space<vmem>>)
      tpu.yield
    }) : () -> ()
    "tpu.region"() ({
      %run_scoped3A = tpu.sem_alloc : memref<!tpu.dma_semaphore, #tpu.memory_space<semaphore_mem>>
      %dma_start3A = tpu.memref_slice %arg5[%mul3A_2] : memref<65536xi32, #tpu.memory_space<hbm>> -> memref<2048xi32, #tpu.memory_space<hbm>>
      %dma_start3A_57 = tpu.memref_slice %arg5[%mul3A_2] : memref<65536xi32, #tpu.memory_space<hbm>> -> memref<2048xi32, #tpu.memory_space<hbm>>
      tpu.enqueue_dma source(%dma_start3A_57 : memref<2048xi32, #tpu.memory_space<hbm>>) target(%arg10 : memref<2048xi32, #tpu.memory_space<vmem>>) target_semaphore(%run_scoped3A : memref<!tpu.dma_semaphore, #tpu.memory_space<semaphore_mem>>)
      %dma_wait3A_58 = tpu.memref_slice %arg5[%mul3A_2] : memref<65536xi32, #tpu.memory_space<hbm>> -> memref<2048xi32, #tpu.memory_space<hbm>>
      %dma_wait3A_59 = tpu.memref_slice %arg5[%mul3A_2] : memref<65536xi32, #tpu.memory_space<hbm>> -> memref<2048xi32, #tpu.memory_space<hbm>>
      tpu.wait_dma2 semaphore(%run_scoped3A : memref<!tpu.dma_semaphore, #tpu.memory_space<semaphore_mem>>) src(%dma_wait3A_59 : memref<2048xi32, #tpu.memory_space<hbm>>) dst(%arg10 : memref<2048xi32, #tpu.memory_space<vmem>>)
      tpu.yield
    }) : () -> ()
    %scan3A = arith.constant 0 : i32
    %scan3A_35 = arith.constant 0 : i32
    %scan3A_36 = arith.constant 16 : i32
    %scan3A_37 = arith.addi %scan3A_35, %scan3A_36 : i32
    %scan3A_38 = arith.constant 1 : i32
    scf.for %scan3A_57 = %scan3A_35 to %scan3A_37 step %scan3A_38  : i32 {
      %mul3A_58 = arith.constant 2 : i32
      %mul3A_59 = arith.muli %scan3A_57, %mul3A_58 : i32
      %add3A_60 = arith.constant 0 : i32
      %add3A_61 = arith.addi %mul3A_59, %add3A_60 : i32
      %ge3A = arith.constant 1 : i32
      %ge3A_62 = arith.cmpi sge, %scan3A_57, %ge3A : i32
      %convert_element_type3A = arith.extui %ge3A_62 : i1 to i32
      %cond3A = arith.constant 0 : i32
      %cond3A_63 = arith.cmpi ne, %convert_element_type3A, %cond3A : i32
      scf.if %cond3A_63 {
        %dma_wait3A_102 = arith.constant 0 : i32
        %dma_wait3A_103 = arith.constant 0 : i32
        %dma_wait3A_104 = arith.constant 0 : i32
        %dma_wait3A_105 = tpu.memref_slice %arg6[%dma_wait3A_102, %dma_wait3A_103, %dma_wait3A_104] : memref<4x16384x384xf32, #tpu.memory_space<hbm>> -> memref<1x64x384xf32, #tpu.memory_space<hbm>>
        %dma_wait3A_106 = tpu.memref_squeeze %dma_wait3A_105 : memref<1x64x384xf32, #tpu.memory_space<hbm>> -> memref<64x384xf32, #tpu.memory_space<hbm>>
        %dma_wait3A_107 = arith.constant 0 : i32
        %dma_wait3A_108 = arith.constant 0 : i32
        %dma_wait3A_109 = tpu.memref_slice %arg6[%dma_wait3A_102, %dma_wait3A_107, %dma_wait3A_108] : memref<4x16384x384xf32, #tpu.memory_space<hbm>> -> memref<1x64x384xf32, #tpu.memory_space<hbm>>
        %dma_wait3A_110 = tpu.memref_squeeze %dma_wait3A_109 : memref<1x64x384xf32, #tpu.memory_space<hbm>> -> memref<64x384xf32, #tpu.memory_space<hbm>>
        tpu.wait_dma2 semaphore(%arg13 : memref<!tpu.dma_semaphore, #tpu.memory_space<semaphore_mem>>) src(%arg11 : memref<64x384xf32, #tpu.memory_space<vmem>>) dst(%dma_wait3A_110 : memref<64x384xf32, #tpu.memory_space<hbm>>)
      } else {
      }
      %scan3A_64 = arith.constant 0 : i32
      %scan3A_65 = arith.constant 0 : i32
      %scan3A_66 = arith.constant 4 : i32
      %scan3A_67 = arith.addi %scan3A_65, %scan3A_66 : i32
      %scan3A_68 = arith.constant 1 : i32
      scf.for %scan3A_102 = %scan3A_65 to %scan3A_67 step %scan3A_68  : i32 {
        %mul3A_103 = arith.constant 64 : i32
        %mul3A_104 = arith.muli %add3A_61, %mul3A_103 : i32
        %mul3A_105 = arith.constant 16 : i32
        %mul3A_106 = arith.muli %scan3A_102, %mul3A_105 : i32
        %add3A_107 = arith.addi %mul3A_104, %mul3A_106 : i32
        %get3A = arith.index_cast %add3A_107 : i32 to index
        %get3A_108 = tpu.vector_load %arg8[%get3A] {strides = array<i32>} : memref<2048xi32, #tpu.memory_space<vmem>>, vector<16xi32>,
        %get3A_109 = arith.index_cast %add3A_107 : i32 to index
        %get3A_110 = tpu.vector_load %arg9[%get3A_109] {strides = array<i32>} : memref<2048xi32, #tpu.memory_space<vmem>>, vector<16xi32>,
        %get3A_111 = arith.index_cast %add3A_107 : i32 to index
        %get3A_112 = tpu.vector_load %arg10[%get3A_111] {strides = array<i32>} : memref<2048xi32, #tpu.memory_space<vmem>>, vector<16xi32>,
        %mul3A_113 = arith.constant 16 : i32
        %mul3A_114 = arith.muli %scan3A_102, %mul3A_113 : i32
        %slice3A = vector.extract_strided_slice %get3A_108 {offsets = [0], sizes = [1], strides = [1]} : vector<16xi32> to vector<1xi32>
        %squeeze3A = vector.extract %slice3A[0] : i32 from vector<1xi32>
        %slice3A_115 = vector.extract_strided_slice %get3A_110 {offsets = [0], sizes = [1], strides = [1]} : vector<16xi32> to vector<1xi32>
        %squeeze3A_116 = vector.extract %slice3A_115[0] : i32 from vector<1xi32>
        %slice3A_117 = vector.extract_strided_slice %get3A_112 {offsets = [0], sizes = [1], strides = [1]} : vector<16xi32> to vector<1xi32>
        %squeeze3A_118 = vector.extract %slice3A_117[0] : i32 from vector<1xi32>
        %slice3A_119 = vector.extract_strided_slice %get3A_108 {offsets = [1], sizes = [1], strides = [1]} : vector<16xi32> to vector<1xi32>
        %squeeze3A_120 = vector.extract %slice3A_119[0] : i32 from vector<1xi32>
        %slice3A_121 = vector.extract_strided_slice %get3A_110 {offsets = [1], sizes = [1], strides = [1]} : vector<16xi32> to vector<1xi32>
        %squeeze3A_122 = vector.extract %slice3A_121[0] : i32 from vector<1xi32>
        %slice3A_123 = vector.extract_strided_slice %get3A_112 {offsets = [1], sizes = [1], strides = [1]} : vector<16xi32> to vector<1xi32>
        %squeeze3A_124 = vector.extract %slice3A_123[0] : i32 from vector<1xi32>
        %slice3A_125 = vector.extract_strided_slice %get3A_108 {offsets = [2], sizes = [1], strides = [1]} : vector<16xi32> to vector<1xi32>
        %squeeze3A_126 = vector.extract %slice3A_125[0] : i32 from vector<1xi32>
        %slice3A_127 = vector.extract_strided_slice %get3A_110 {offsets = [2], sizes = [1], strides = [1]} : vector<16xi32> to vector<1xi32>
        %squeeze3A_128 = vector.extract %slice3A_127[0] : i32 from vector<1xi32>
        %slice3A_129 = vector.extract_strided_slice %get3A_112 {offsets = [2], sizes = [1], strides = [1]} : vector<16xi32> to vector<1xi32>
        %squeeze3A_130 = vector.extract %slice3A_129[0] : i32 from vector<1xi32>
        %slice3A_131 = vector.extract_strided_slice %get3A_108 {offsets = [3], sizes = [1], strides = [1]} : vector<16xi32> to vector<1xi32>
        %squeeze3A_132 = vector.extract %slice3A_131[0] : i32 from vector<1xi32>
        %slice3A_133 = vector.extract_strided_slice %get3A_110 {offsets = [3], sizes = [1], strides = [1]} : vector<16xi32> to vector<1xi32>
        %squeeze3A_134 = vector.extract %slice3A_133[0] : i32 from vector<1xi32>
        %slice3A_135 = vector.extract_strided_slice %get3A_112 {offsets = [3], sizes = [1], strides = [1]} : vector<16xi32> to vector<1xi32>
        %squeeze3A_136 = vector.extract %slice3A_135[0] : i32 from vector<1xi32>
        %slice3A_137 = vector.extract_strided_slice %get3A_108 {offsets = [4], sizes = [1], strides = [1]} : vector<16xi32> to vector<1xi32>
        %squeeze3A_138 = vector.extract %slice3A_137[0] : i32 from vector<1xi32>
        %slice3A_139 = vector.extract_strided_slice %get3A_110 {offsets = [4], sizes = [1], strides = [1]} : vector<16xi32> to vector<1xi32>
        %squeeze3A_140 = vector.extract %slice3A_139[0] : i32 from vector<1xi32>
        %slice3A_141 = vector.extract_strided_slice %get3A_112 {offsets = [4], sizes = [1], strides = [1]} : vector<16xi32> to vector<1xi32>
        %squeeze3A_142 = vector.extract %slice3A_141[0] : i32 from vector<1xi32>
        %slice3A_143 = vector.extract_strided_slice %get3A_108 {offsets = [5], sizes = [1], strides = [1]} : vector<16xi32> to vector<1xi32>
        %squeeze3A_144 = vector.extract %slice3A_143[0] : i32 from vector<1xi32>
        %slice3A_145 = vector.extract_strided_slice %get3A_110 {offsets = [5], sizes = [1], strides = [1]} : vector<16xi32> to vector<1xi32>
        %squeeze3A_146 = vector.extract %slice3A_145[0] : i32 from vector<1xi32>
        %slice3A_147 = vector.extract_strided_slice %get3A_112 {offsets = [5], sizes = [1], strides = [1]} : vector<16xi32> to vector<1xi32>
        %squeeze3A_148 = vector.extract %slice3A_147[0] : i32 from vector<1xi32>
        %slice3A_149 = vector.extract_strided_slice %get3A_108 {offsets = [6], sizes = [1], strides = [1]} : vector<16xi32> to vector<1xi32>
        %squeeze3A_150 = vector.extract %slice3A_149[0] : i32 from vector<1xi32>
        %slice3A_151 = vector.extract_strided_slice %get3A_110 {offsets = [6], sizes = [1], strides = [1]} : vector<16xi32> to vector<1xi32>
        %squeeze3A_152 = vector.extract %slice3A_151[0] : i32 from vector<1xi32>
        %slice3A_153 = vector.extract_strided_slice %get3A_112 {offsets = [6], sizes = [1], strides = [1]} : vector<16xi32> to vector<1xi32>
        %squeeze3A_154 = vector.extract %slice3A_153[0] : i32 from vector<1xi32>
        %slice3A_155 = vector.extract_strided_slice %get3A_108 {offsets = [7], sizes = [1], strides = [1]} : vector<16xi32> to vector<1xi32>
        %squeeze3A_156 = vector.extract %slice3A_155[0] : i32 from vector<1xi32>
        %slice3A_157 = vector.extract_strided_slice %get3A_110 {offsets = [7], sizes = [1], strides = [1]} : vector<16xi32> to vector<1xi32>
        %squeeze3A_158 = vector.extract %slice3A_157[0] : i32 from vector<1xi32>
        %slice3A_159 = vector.extract_strided_slice %get3A_112 {offsets = [7], sizes = [1], strides = [1]} : vector<16xi32> to vector<1xi32>
        %squeeze3A_160 = vector.extract %slice3A_159[0] : i32 from vector<1xi32>
        %slice3A_161 = vector.extract_strided_slice %get3A_108 {offsets = [8], sizes = [1], strides = [1]} : vector<16xi32> to vector<1xi32>
        %squeeze3A_162 = vector.extract %slice3A_161[0] : i32 from vector<1xi32>
        %slice3A_163 = vector.extract_strided_slice %get3A_110 {offsets = [8], sizes = [1], strides = [1]} : vector<16xi32> to vector<1xi32>
        %squeeze3A_164 = vector.extract %slice3A_163[0] : i32 from vector<1xi32>
        %slice3A_165 = vector.extract_strided_slice %get3A_112 {offsets = [8], sizes = [1], strides = [1]} : vector<16xi32> to vector<1xi32>
        %squeeze3A_166 = vector.extract %slice3A_165[0] : i32 from vector<1xi32>
        %slice3A_167 = vector.extract_strided_slice %get3A_108 {offsets = [9], sizes = [1], strides = [1]} : vector<16xi32> to vector<1xi32>
        %squeeze3A_168 = vector.extract %slice3A_167[0] : i32 from vector<1xi32>
        %slice3A_169 = vector.extract_strided_slice %get3A_110 {offsets = [9], sizes = [1], strides = [1]} : vector<16xi32> to vector<1xi32>
        %squeeze3A_170 = vector.extract %slice3A_169[0] : i32 from vector<1xi32>
        %slice3A_171 = vector.extract_strided_slice %get3A_112 {offsets = [9], sizes = [1], strides = [1]} : vector<16xi32> to vector<1xi32>
        %squeeze3A_172 = vector.extract %slice3A_171[0] : i32 from vector<1xi32>
        %slice3A_173 = vector.extract_strided_slice %get3A_108 {offsets = [10], sizes = [1], strides = [1]} : vector<16xi32> to vector<1xi32>
        %squeeze3A_174 = vector.extract %slice3A_173[0] : i32 from vector<1xi32>
        %slice3A_175 = vector.extract_strided_slice %get3A_110 {offsets = [10], sizes = [1], strides = [1]} : vector<16xi32> to vector<1xi32>
        %squeeze3A_176 = vector.extract %slice3A_175[0] : i32 from vector<1xi32>
        %slice3A_177 = vector.extract_strided_slice %get3A_112 {offsets = [10], sizes = [1], strides = [1]} : vector<16xi32> to vector<1xi32>
        %squeeze3A_178 = vector.extract %slice3A_177[0] : i32 from vector<1xi32>
        %slice3A_179 = vector.extract_strided_slice %get3A_108 {offsets = [11], sizes = [1], strides = [1]} : vector<16xi32> to vector<1xi32>
        %squeeze3A_180 = vector.extract %slice3A_179[0] : i32 from vector<1xi32>
        %slice3A_181 = vector.extract_strided_slice %get3A_110 {offsets = [11], sizes = [1], strides = [1]} : vector<16xi32> to vector<1xi32>
        %squeeze3A_182 = vector.extract %slice3A_181[0] : i32 from vector<1xi32>
        %slice3A_183 = vector.extract_strided_slice %get3A_112 {offsets = [11], sizes = [1], strides = [1]} : vector<16xi32> to vector<1xi32>
        %squeeze3A_184 = vector.extract %slice3A_183[0] : i32 from vector<1xi32>
        %slice3A_185 = vector.extract_strided_slice %get3A_108 {offsets = [12], sizes = [1], strides = [1]} : vector<16xi32> to vector<1xi32>
        %squeeze3A_186 = vector.extract %slice3A_185[0] : i32 from vector<1xi32>
        %slice3A_187 = vector.extract_strided_slice %get3A_110 {offsets = [12], sizes = [1], strides = [1]} : vector<16xi32> to vector<1xi32>
        %squeeze3A_188 = vector.extract %slice3A_187[0] : i32 from vector<1xi32>
        %slice3A_189 = vector.extract_strided_slice %get3A_112 {offsets = [12], sizes = [1], strides = [1]} : vector<16xi32> to vector<1xi32>
        %squeeze3A_190 = vector.extract %slice3A_189[0] : i32 from vector<1xi32>
        %slice3A_191 = vector.extract_strided_slice %get3A_108 {offsets = [13], sizes = [1], strides = [1]} : vector<16xi32> to vector<1xi32>
        %squeeze3A_192 = vector.extract %slice3A_191[0] : i32 from vector<1xi32>
        %slice3A_193 = vector.extract_strided_slice %get3A_110 {offsets = [13], sizes = [1], strides = [1]} : vector<16xi32> to vector<1xi32>
        %squeeze3A_194 = vector.extract %slice3A_193[0] : i32 from vector<1xi32>
        %slice3A_195 = vector.extract_strided_slice %get3A_112 {offsets = [13], sizes = [1], strides = [1]} : vector<16xi32> to vector<1xi32>
        %squeeze3A_196 = vector.extract %slice3A_195[0] : i32 from vector<1xi32>
        %slice3A_197 = vector.extract_strided_slice %get3A_108 {offsets = [14], sizes = [1], strides = [1]} : vector<16xi32> to vector<1xi32>
        %squeeze3A_198 = vector.extract %slice3A_197[0] : i32 from vector<1xi32>
        %slice3A_199 = vector.extract_strided_slice %get3A_110 {offsets = [14], sizes = [1], strides = [1]} : vector<16xi32> to vector<1xi32>
        %squeeze3A_200 = vector.extract %slice3A_199[0] : i32 from vector<1xi32>
        %slice3A_201 = vector.extract_strided_slice %get3A_112 {offsets = [14], sizes = [1], strides = [1]} : vector<16xi32> to vector<1xi32>
        %squeeze3A_202 = vector.extract %slice3A_201[0] : i32 from vector<1xi32>
        %slice3A_203 = vector.extract_strided_slice %get3A_108 {offsets = [15], sizes = [1], strides = [1]} : vector<16xi32> to vector<1xi32>
        %squeeze3A_204 = vector.extract %slice3A_203[0] : i32 from vector<1xi32>
        %slice3A_205 = vector.extract_strided_slice %get3A_110 {offsets = [15], sizes = [1], strides = [1]} : vector<16xi32> to vector<1xi32>
        %squeeze3A_206 = vector.extract %slice3A_205[0] : i32 from vector<1xi32>
        %slice3A_207 = vector.extract_strided_slice %get3A_112 {offsets = [15], sizes = [1], strides = [1]} : vector<16xi32> to vector<1xi32>
        %squeeze3A_208 = vector.extract %slice3A_207[0] : i32 from vector<1xi32>
        %parallel_loop3A = arith.constant 0 : i32
        %parallel_loop3A_209 = arith.constant 12 : i32
        %parallel_loop3A_210 = arith.constant 1 : i32
        scf.for %parallel_loop3A_211 = %parallel_loop3A to %parallel_loop3A_209 step %parallel_loop3A_210  : i32 {
          %parallel_loop3A_212 = arith.constant 16 : i32
          %parallel_loop3A_213 = arith.muli %parallel_loop3A_211, %parallel_loop3A_212 : i32
          %parallel_loop3A_214 = arith.index_cast %squeeze3A : i32 to index
          %parallel_loop3A_215 = arith.index_cast %parallel_loop3A_213 : i32 to index
          %parallel_loop3A_216 = tpu.vector_load %arg7[%parallel_loop3A_214, %parallel_loop3A_215] {strides = array<i32>} : memref<192x192xi32, #tpu.memory_space<vmem>>, vector<16xi32>,
          %parallel_loop3A_217 = vector.bitcast %parallel_loop3A_216 : vector<16xi32> to vector<32xbf16>
          %parallel_loop3A_218 = tpu.unpack_subelements %parallel_loop3A_217, 0 {pack_format = #tpu.pack_format<interleaved>} : vector<32xbf16> -> vector<16xf32>
          %parallel_loop3A_219 = tpu.unpack_subelements %parallel_loop3A_217, 1 {pack_format = #tpu.pack_format<interleaved>} : vector<32xbf16> -> vector<16xf32>
          %parallel_loop3A_220 = arith.index_cast %squeeze3A_116 : i32 to index
          %parallel_loop3A_221 = arith.index_cast %parallel_loop3A_213 : i32 to index
          %parallel_loop3A_222 = tpu.vector_load %arg7[%parallel_loop3A_220, %parallel_loop3A_221] {strides = array<i32>} : memref<192x192xi32, #tpu.memory_space<vmem>>, vector<16xi32>,
          %parallel_loop3A_223 = vector.bitcast %parallel_loop3A_222 : vector<16xi32> to vector<32xbf16>
          %parallel_loop3A_224 = tpu.unpack_subelements %parallel_loop3A_223, 0 {pack_format = #tpu.pack_format<interleaved>} : vector<32xbf16> -> vector<16xf32>
          %parallel_loop3A_225 = tpu.unpack_subelements %parallel_loop3A_223, 1 {pack_format = #tpu.pack_format<interleaved>} : vector<32xbf16> -> vector<16xf32>
          %parallel_loop3A_226 = arith.index_cast %squeeze3A_118 : i32 to index
          %parallel_loop3A_227 = arith.index_cast %parallel_loop3A_213 : i32 to index
          %parallel_loop3A_228 = tpu.vector_load %arg7[%parallel_loop3A_226, %parallel_loop3A_227] {strides = array<i32>} : memref<192x192xi32, #tpu.memory_space<vmem>>, vector<16xi32>,
          %parallel_loop3A_229 = vector.bitcast %parallel_loop3A_228 : vector<16xi32> to vector<32xbf16>
          %parallel_loop3A_230 = tpu.unpack_subelements %parallel_loop3A_229, 0 {pack_format = #tpu.pack_format<interleaved>} : vector<32xbf16> -> vector<16xf32>
          %parallel_loop3A_231 = tpu.unpack_subelements %parallel_loop3A_229, 1 {pack_format = #tpu.pack_format<interleaved>} : vector<32xbf16> -> vector<16xf32>
          %parallel_loop3A_232 = arith.addf %parallel_loop3A_218, %parallel_loop3A_224 : vector<16xf32>
          %parallel_loop3A_233 = arith.addf %parallel_loop3A_232, %parallel_loop3A_230 : vector<16xf32>
          %parallel_loop3A_234 = arith.constant 0 : i32
          %parallel_loop3A_235 = arith.addi %mul3A_114, %parallel_loop3A_234 : i32
          %parallel_loop3A_236 = arith.constant 2 : i32
          %parallel_loop3A_237 = arith.muli %parallel_loop3A_211, %parallel_loop3A_236 : i32
          %parallel_loop3A_238 = arith.constant 16 : i32
          %parallel_loop3A_239 = arith.muli %parallel_loop3A_237, %parallel_loop3A_238 : i32
          %parallel_loop3A_240 = arith.index_cast %parallel_loop3A_235 : i32 to index
          %parallel_loop3A_241 = arith.index_cast %parallel_loop3A_239 : i32 to index
          %parallel_loop3A_242 = tpu.vector_load %arg11[%parallel_loop3A_240, %parallel_loop3A_241] {strides = array<i32>} : memref<64x384xf32, #tpu.memory_space<vmem>>, vector<16xf32>,
          tpu.vector_store %arg11[%parallel_loop3A_240, %parallel_loop3A_241], %parallel_loop3A_233 {strides = array<i32>} : memref<64x384xf32, #tpu.memory_space<vmem>>, vector<16xf32>,
          %parallel_loop3A_243 = arith.addf %parallel_loop3A_219, %parallel_loop3A_225 : vector<16xf32>
          %parallel_loop3A_244 = arith.addf %parallel_loop3A_243, %parallel_loop3A_231 : vector<16xf32>
          %parallel_loop3A_245 = arith.constant 0 : i32
          %parallel_loop3A_246 = arith.addi %mul3A_114, %parallel_loop3A_245 : i32
          %parallel_loop3A_247 = arith.constant 2 : i32
          %parallel_loop3A_248 = arith.muli %parallel_loop3A_211, %parallel_loop3A_247 : i32
          %parallel_loop3A_249 = arith.constant 16 : i32
          %parallel_loop3A_250 = arith.muli %parallel_loop3A_248, %parallel_loop3A_249 : i32
          %parallel_loop3A_251 = arith.constant 16 : i32
          %parallel_loop3A_252 = arith.addi %parallel_loop3A_250, %parallel_loop3A_251 : i32
          %parallel_loop3A_253 = arith.index_cast %parallel_loop3A_246 : i32 to index
          %parallel_loop3A_254 = arith.index_cast %parallel_loop3A_252 : i32 to index
          %parallel_loop3A_255 = tpu.vector_load %arg11[%parallel_loop3A_253, %parallel_loop3A_254] {strides = array<i32>} : memref<64x384xf32, #tpu.memory_space<vmem>>, vector<16xf32>,
          tpu.vector_store %arg11[%parallel_loop3A_253, %parallel_loop3A_254], %parallel_loop3A_244 {strides = array<i32>} : memref<64x384xf32, #tpu.memory_space<vmem>>, vector<16xf32>,
          %parallel_loop3A_256 = arith.index_cast %squeeze3A_120 : i32 to index
          %parallel_loop3A_257 = arith.index_cast %parallel_loop3A_213 : i32 to index
          %parallel_loop3A_258 = tpu.vector_load %arg7[%parallel_loop3A_256, %parallel_loop3A_257] {strides = array<i32>} : memref<192x192xi32, #tpu.memory_space<vmem>>, vector<16xi32>,
          %parallel_loop3A_259 = vector.bitcast %parallel_loop3A_258 : vector<16xi32> to vector<32xbf16>
          %parallel_loop3A_260 = tpu.unpack_subelements %parallel_loop3A_259, 0 {pack_format = #tpu.pack_format<interleaved>} : vector<32xbf16> -> vector<16xf32>
          %parallel_loop3A_261 = tpu.unpack_subelements %parallel_loop3A_259, 1 {pack_format = #tpu.pack_format<interleaved>} : vector<32xbf16> -> vector<16xf32>
          %parallel_loop3A_262 = arith.index_cast %squeeze3A_122 : i32 to index
          %parallel_loop3A_263 = arith.index_cast %parallel_loop3A_213 : i32 to index
          %parallel_loop3A_264 = tpu.vector_load %arg7[%parallel_loop3A_262, %parallel_loop3A_263] {strides = array<i32>} : memref<192x192xi32, #tpu.memory_space<vmem>>, vector<16xi32>,
          %parallel_loop3A_265 = vector.bitcast %parallel_loop3A_264 : vector<16xi32> to vector<32xbf16>
          %parallel_loop3A_266 = tpu.unpack_subelements %parallel_loop3A_265, 0 {pack_format = #tpu.pack_format<interleaved>} : vector<32xbf16> -> vector<16xf32>
          %parallel_loop3A_267 = tpu.unpack_subelements %parallel_loop3A_265, 1 {pack_format = #tpu.pack_format<interleaved>} : vector<32xbf16> -> vector<16xf32>
          %parallel_loop3A_268 = arith.index_cast %squeeze3A_124 : i32 to index
          %parallel_loop3A_269 = arith.index_cast %parallel_loop3A_213 : i32 to index
          %parallel_loop3A_270 = tpu.vector_load %arg7[%parallel_loop3A_268, %parallel_loop3A_269] {strides = array<i32>} : memref<192x192xi32, #tpu.memory_space<vmem>>, vector<16xi32>,
          %parallel_loop3A_271 = vector.bitcast %parallel_loop3A_270 : vector<16xi32> to vector<32xbf16>
          %parallel_loop3A_272 = tpu.unpack_subelements %parallel_loop3A_271, 0 {pack_format = #tpu.pack_format<interleaved>} : vector<32xbf16> -> vector<16xf32>
          %parallel_loop3A_273 = tpu.unpack_subelements %parallel_loop3A_271, 1 {pack_format = #tpu.pack_format<interleaved>} : vector<32xbf16> -> vector<16xf32>
          %parallel_loop3A_274 = arith.addf %parallel_loop3A_260, %parallel_loop3A_266 : vector<16xf32>
          %parallel_loop3A_275 = arith.addf %parallel_loop3A_274, %parallel_loop3A_272 : vector<16xf32>
          %parallel_loop3A_276 = arith.constant 1 : i32
          %parallel_loop3A_277 = arith.addi %mul3A_114, %parallel_loop3A_276 : i32
          %parallel_loop3A_278 = arith.constant 2 : i32
          %parallel_loop3A_279 = arith.muli %parallel_loop3A_211, %parallel_loop3A_278 : i32
          %parallel_loop3A_280 = arith.constant 16 : i32
          %parallel_loop3A_281 = arith.muli %parallel_loop3A_279, %parallel_loop3A_280 : i32
          %parallel_loop3A_282 = arith.index_cast %parallel_loop3A_277 : i32 to index
          %parallel_loop3A_283 = arith.index_cast %parallel_loop3A_281 : i32 to index
          %parallel_loop3A_284 = tpu.vector_load %arg11[%parallel_loop3A_282, %parallel_loop3A_283] {strides = array<i32>} : memref<64x384xf32, #tpu.memory_space<vmem>>, vector<16xf32>,
          tpu.vector_store %arg11[%parallel_loop3A_282, %parallel_loop3A_283], %parallel_loop3A_275 {strides = array<i32>} : memref<64x384xf32, #tpu.memory_space<vmem>>, vector<16xf32>,
          %parallel_loop3A_285 = arith.addf %parallel_loop3A_261, %parallel_loop3A_267 : vector<16xf32>
          %parallel_loop3A_286 = arith.addf %parallel_loop3A_285, %parallel_loop3A_273 : vector<16xf32>
          %parallel_loop3A_287 = arith.constant 1 : i32
          %parallel_loop3A_288 = arith.addi %mul3A_114, %parallel_loop3A_287 : i32
          %parallel_loop3A_289 = arith.constant 2 : i32
          %parallel_loop3A_290 = arith.muli %parallel_loop3A_211, %parallel_loop3A_289 : i32
          %parallel_loop3A_291 = arith.constant 16 : i32
          %parallel_loop3A_292 = arith.muli %parallel_loop3A_290, %parallel_loop3A_291 : i32
          %parallel_loop3A_293 = arith.constant 16 : i32
          %parallel_loop3A_294 = arith.addi %parallel_loop3A_292, %parallel_loop3A_293 : i32
          %parallel_loop3A_295 = arith.index_cast %parallel_loop3A_288 : i32 to index
          %parallel_loop3A_296 = arith.index_cast %parallel_loop3A_294 : i32 to index
          %parallel_loop3A_297 = tpu.vector_load %arg11[%parallel_loop3A_295, %parallel_loop3A_296] {strides = array<i32>} : memref<64x384xf32, #tpu.memory_space<vmem>>, vector<16xf32>,
          tpu.vector_store %arg11[%parallel_loop3A_295, %parallel_loop3A_296], %parallel_loop3A_286 {strides = array<i32>} : memref<64x384xf32, #tpu.memory_space<vmem>>, vector<16xf32>,
          %parallel_loop3A_298 = arith.index_cast %squeeze3A_126 : i32 to index
          %parallel_loop3A_299 = arith.index_cast %parallel_loop3A_213 : i32 to index
          %parallel_loop3A_300 = tpu.vector_load %arg7[%parallel_loop3A_298, %parallel_loop3A_299] {strides = array<i32>} : memref<192x192xi32, #tpu.memory_space<vmem>>, vector<16xi32>,
          %parallel_loop3A_301 = vector.bitcast %parallel_loop3A_300 : vector<16xi32> to vector<32xbf16>
          %parallel_loop3A_302 = tpu.unpack_subelements %parallel_loop3A_301, 0 {pack_format = #tpu.pack_format<interleaved>} : vector<32xbf16> -> vector<16xf32>
          %parallel_loop3A_303 = tpu.unpack_subelements %parallel_loop3A_301, 1 {pack_format = #tpu.pack_format<interleaved>} : vector<32xbf16> -> vector<16xf32>
          %parallel_loop3A_304 = arith.index_cast %squeeze3A_128 : i32 to index
          %parallel_loop3A_305 = arith.index_cast %parallel_loop3A_213 : i32 to index
          %parallel_loop3A_306 = tpu.vector_load %arg7[%parallel_loop3A_304, %parallel_loop3A_305] {strides = array<i32>} : memref<192x192xi32, #tpu.memory_space<vmem>>, vector<16xi32>,
          %parallel_loop3A_307 = vector.bitcast %parallel_loop3A_306 : vector<16xi32> to vector<32xbf16>
          %parallel_loop3A_308 = tpu.unpack_subelements %parallel_loop3A_307, 0 {pack_format = #tpu.pack_format<interleaved>} : vector<32xbf16> -> vector<16xf32>
          %parallel_loop3A_309 = tpu.unpack_subelements %parallel_loop3A_307, 1 {pack_format = #tpu.pack_format<interleaved>} : vector<32xbf16> -> vector<16xf32>
          %parallel_loop3A_310 = arith.index_cast %squeeze3A_130 : i32 to index
          %parallel_loop3A_311 = arith.index_cast %parallel_loop3A_213 : i32 to index
          %parallel_loop3A_312 = tpu.vector_load %arg7[%parallel_loop3A_310, %parallel_loop3A_311] {strides = array<i32>} : memref<192x192xi32, #tpu.memory_space<vmem>>, vector<16xi32>,
          %parallel_loop3A_313 = vector.bitcast %parallel_loop3A_312 : vector<16xi32> to vector<32xbf16>
          %parallel_loop3A_314 = tpu.unpack_subelements %parallel_loop3A_313, 0 {pack_format = #tpu.pack_format<interleaved>} : vector<32xbf16> -> vector<16xf32>
          %parallel_loop3A_315 = tpu.unpack_subelements %parallel_loop3A_313, 1 {pack_format = #tpu.pack_format<interleaved>} : vector<32xbf16> -> vector<16xf32>
          %parallel_loop3A_316 = arith.addf %parallel_loop3A_302, %parallel_loop3A_308 : vector<16xf32>
          %parallel_loop3A_317 = arith.addf %parallel_loop3A_316, %parallel_loop3A_314 : vector<16xf32>
          %parallel_loop3A_318 = arith.constant 2 : i32
          %parallel_loop3A_319 = arith.addi %mul3A_114, %parallel_loop3A_318 : i32
          %parallel_loop3A_320 = arith.constant 2 : i32
          %parallel_loop3A_321 = arith.muli %parallel_loop3A_211, %parallel_loop3A_320 : i32
          %parallel_loop3A_322 = arith.constant 16 : i32
          %parallel_loop3A_323 = arith.muli %parallel_loop3A_321, %parallel_loop3A_322 : i32
          %parallel_loop3A_324 = arith.index_cast %parallel_loop3A_319 : i32 to index
          %parallel_loop3A_325 = arith.index_cast %parallel_loop3A_323 : i32 to index
          %parallel_loop3A_326 = tpu.vector_load %arg11[%parallel_loop3A_324, %parallel_loop3A_325] {strides = array<i32>} : memref<64x384xf32, #tpu.memory_space<vmem>>, vector<16xf32>,
          tpu.vector_store %arg11[%parallel_loop3A_324, %parallel_loop3A_325], %parallel_loop3A_317 {strides = array<i32>} : memref<64x384xf32, #tpu.memory_space<vmem>>, vector<16xf32>,
          %parallel_loop3A_327 = arith.addf %parallel_loop3A_303, %parallel_loop3A_309 : vector<16xf32>
          %parallel_loop3A_328 = arith.addf %parallel_loop3A_327, %parallel_loop3A_315 : vector<16xf32>
          %parallel_loop3A_329 = arith.constant 2 : i32
          %parallel_loop3A_330 = arith.addi %mul3A_114, %parallel_loop3A_329 : i32
          %parallel_loop3A_331 = arith.constant 2 : i32
          %parallel_loop3A_332 = arith.muli %parallel_loop3A_211, %parallel_loop3A_331 : i32
          %parallel_loop3A_333 = arith.constant 16 : i32
          %parallel_loop3A_334 = arith.muli %parallel_loop3A_332, %parallel_loop3A_333 : i32
          %parallel_loop3A_335 = arith.constant 16 : i32
          %parallel_loop3A_336 = arith.addi %parallel_loop3A_334, %parallel_loop3A_335 : i32
          %parallel_loop3A_337 = arith.index_cast %parallel_loop3A_330 : i32 to index
          %parallel_loop3A_338 = arith.index_cast %parallel_loop3A_336 : i32 to index
          %parallel_loop3A_339 = tpu.vector_load %arg11[%parallel_loop3A_337, %parallel_loop3A_338] {strides = array<i32>} : memref<64x384xf32, #tpu.memory_space<vmem>>, vector<16xf32>,
          tpu.vector_store %arg11[%parallel_loop3A_337, %parallel_loop3A_338], %parallel_loop3A_328 {strides = array<i32>} : memref<64x384xf32, #tpu.memory_space<vmem>>, vector<16xf32>,
          %parallel_loop3A_340 = arith.index_cast %squeeze3A_132 : i32 to index
          %parallel_loop3A_341 = arith.index_cast %parallel_loop3A_213 : i32 to index
          %parallel_loop3A_342 = tpu.vector_load %arg7[%parallel_loop3A_340, %parallel_loop3A_341] {strides = array<i32>} : memref<192x192xi32, #tpu.memory_space<vmem>>, vector<16xi32>,
          %parallel_loop3A_343 = vector.bitcast %parallel_loop3A_342 : vector<16xi32> to vector<32xbf16>
          %parallel_loop3A_344 = tpu.unpack_subelements %parallel_loop3A_343, 0 {pack_format = #tpu.pack_format<interleaved>} : vector<32xbf16> -> vector<16xf32>
          %parallel_loop3A_345 = tpu.unpack_subelements %parallel_loop3A_343, 1 {pack_format = #tpu.pack_format<interleaved>} : vector<32xbf16> -> vector<16xf32>
          %parallel_loop3A_346 = arith.index_cast %squeeze3A_134 : i32 to index
          %parallel_loop3A_347 = arith.index_cast %parallel_loop3A_213 : i32 to index
          %parallel_loop3A_348 = tpu.vector_load %arg7[%parallel_loop3A_346, %parallel_loop3A_347] {strides = array<i32>} : memref<192x192xi32, #tpu.memory_space<vmem>>, vector<16xi32>,
          %parallel_loop3A_349 = vector.bitcast %parallel_loop3A_348 : vector<16xi32> to vector<32xbf16>
          %parallel_loop3A_350 = tpu.unpack_subelements %parallel_loop3A_349, 0 {pack_format = #tpu.pack_format<interleaved>} : vector<32xbf16> -> vector<16xf32>
          %parallel_loop3A_351 = tpu.unpack_subelements %parallel_loop3A_349, 1 {pack_format = #tpu.pack_format<interleaved>} : vector<32xbf16> -> vector<16xf32>
          %parallel_loop3A_352 = arith.index_cast %squeeze3A_136 : i32 to index
          %parallel_loop3A_353 = arith.index_cast %parallel_loop3A_213 : i32 to index
          %parallel_loop3A_354 = tpu.vector_load %arg7[%parallel_loop3A_352, %parallel_loop3A_353] {strides = array<i32>} : memref<192x192xi32, #tpu.memory_space<vmem>>, vector<16xi32>,
          %parallel_loop3A_355 = vector.bitcast %parallel_loop3A_354 : vector<16xi32> to vector<32xbf16>
          %parallel_loop3A_356 = tpu.unpack_subelements %parallel_loop3A_355, 0 {pack_format = #tpu.pack_format<interleaved>} : vector<32xbf16> -> vector<16xf32>
          %parallel_loop3A_357 = tpu.unpack_subelements %parallel_loop3A_355, 1 {pack_format = #tpu.pack_format<interleaved>} : vector<32xbf16> -> vector<16xf32>
          %parallel_loop3A_358 = arith.addf %parallel_loop3A_344, %parallel_loop3A_350 : vector<16xf32>
          %parallel_loop3A_359 = arith.addf %parallel_loop3A_358, %parallel_loop3A_356 : vector<16xf32>
          %parallel_loop3A_360 = arith.constant 3 : i32
          %parallel_loop3A_361 = arith.addi %mul3A_114, %parallel_loop3A_360 : i32
          %parallel_loop3A_362 = arith.constant 2 : i32
          %parallel_loop3A_363 = arith.muli %parallel_loop3A_211, %parallel_loop3A_362 : i32
          %parallel_loop3A_364 = arith.constant 16 : i32
          %parallel_loop3A_365 = arith.muli %parallel_loop3A_363, %parallel_loop3A_364 : i32
          %parallel_loop3A_366 = arith.index_cast %parallel_loop3A_361 : i32 to index
          %parallel_loop3A_367 = arith.index_cast %parallel_loop3A_365 : i32 to index
          %parallel_loop3A_368 = tpu.vector_load %arg11[%parallel_loop3A_366, %parallel_loop3A_367] {strides = array<i32>} : memref<64x384xf32, #tpu.memory_space<vmem>>, vector<16xf32>,
          tpu.vector_store %arg11[%parallel_loop3A_366, %parallel_loop3A_367], %parallel_loop3A_359 {strides = array<i32>} : memref<64x384xf32, #tpu.memory_space<vmem>>, vector<16xf32>,
          %parallel_loop3A_369 = arith.addf %parallel_loop3A_345, %parallel_loop3A_351 : vector<16xf32>
          %parallel_loop3A_370 = arith.addf %parallel_loop3A_369, %parallel_loop3A_357 : vector<16xf32>
          %parallel_loop3A_371 = arith.constant 3 : i32
          %parallel_loop3A_372 = arith.addi %mul3A_114, %parallel_loop3A_371 : i32
          %parallel_loop3A_373 = arith.constant 2 : i32
          %parallel_loop3A_374 = arith.muli %parallel_loop3A_211, %parallel_loop3A_373 : i32
          %parallel_loop3A_375 = arith.constant 16 : i32
          %parallel_loop3A_376 = arith.muli %parallel_loop3A_374, %parallel_loop3A_375 : i32
          %parallel_loop3A_377 = arith.constant 16 : i32
          %parallel_loop3A_378 = arith.addi %parallel_loop3A_376, %parallel_loop3A_377 : i32
          %parallel_loop3A_379 = arith.index_cast %parallel_loop3A_372 : i32 to index
          %parallel_loop3A_380 = arith.index_cast %parallel_loop3A_378 : i32 to index
          %parallel_loop3A_381 = tpu.vector_load %arg11[%parallel_loop3A_379, %parallel_loop3A_380] {strides = array<i32>} : memref<64x384xf32, #tpu.memory_space<vmem>>, vector<16xf32>,
          tpu.vector_store %arg11[%parallel_loop3A_379, %parallel_loop3A_380], %parallel_loop3A_370 {strides = array<i32>} : memref<64x384xf32, #tpu.memory_space<vmem>>, vector<16xf32>,
          %parallel_loop3A_382 = arith.index_cast %squeeze3A_138 : i32 to index
          %parallel_loop3A_383 = arith.index_cast %parallel_loop3A_213 : i32 to index
          %parallel_loop3A_384 = tpu.vector_load %arg7[%parallel_loop3A_382, %parallel_loop3A_383] {strides = array<i32>} : memref<192x192xi32, #tpu.memory_space<vmem>>, vector<16xi32>,
          %parallel_loop3A_385 = vector.bitcast %parallel_loop3A_384 : vector<16xi32> to vector<32xbf16>
          %parallel_loop3A_386 = tpu.unpack_subelements %parallel_loop3A_385, 0 {pack_format = #tpu.pack_format<interleaved>} : vector<32xbf16> -> vector<16xf32>
          %parallel_loop3A_387 = tpu.unpack_subelements %parallel_loop3A_385, 1 {pack_format = #tpu.pack_format<interleaved>} : vector<32xbf16> -> vector<16xf32>
          %parallel_loop3A_388 = arith.index_cast %squeeze3A_140 : i32 to index
          %parallel_loop3A_389 = arith.index_cast %parallel_loop3A_213 : i32 to index
          %parallel_loop3A_390 = tpu.vector_load %arg7[%parallel_loop3A_388, %parallel_loop3A_389] {strides = array<i32>} : memref<192x192xi32, #tpu.memory_space<vmem>>, vector<16xi32>,
          %parallel_loop3A_391 = vector.bitcast %parallel_loop3A_390 : vector<16xi32> to vector<32xbf16>
          %parallel_loop3A_392 = tpu.unpack_subelements %parallel_loop3A_391, 0 {pack_format = #tpu.pack_format<interleaved>} : vector<32xbf16> -> vector<16xf32>
          %parallel_loop3A_393 = tpu.unpack_subelements %parallel_loop3A_391, 1 {pack_format = #tpu.pack_format<interleaved>} : vector<32xbf16> -> vector<16xf32>
          %parallel_loop3A_394 = arith.index_cast %squeeze3A_142 : i32 to index
          %parallel_loop3A_395 = arith.index_cast %parallel_loop3A_213 : i32 to index
          %parallel_loop3A_396 = tpu.vector_load %arg7[%parallel_loop3A_394, %parallel_loop3A_395] {strides = array<i32>} : memref<192x192xi32, #tpu.memory_space<vmem>>, vector<16xi32>,
          %parallel_loop3A_397 = vector.bitcast %parallel_loop3A_396 : vector<16xi32> to vector<32xbf16>
          %parallel_loop3A_398 = tpu.unpack_subelements %parallel_loop3A_397, 0 {pack_format = #tpu.pack_format<interleaved>} : vector<32xbf16> -> vector<16xf32>
          %parallel_loop3A_399 = tpu.unpack_subelements %parallel_loop3A_397, 1 {pack_format = #tpu.pack_format<interleaved>} : vector<32xbf16> -> vector<16xf32>
          %parallel_loop3A_400 = arith.addf %parallel_loop3A_386, %parallel_loop3A_392 : vector<16xf32>
          %parallel_loop3A_401 = arith.addf %parallel_loop3A_400, %parallel_loop3A_398 : vector<16xf32>
          %parallel_loop3A_402 = arith.constant 4 : i32
          %parallel_loop3A_403 = arith.addi %mul3A_114, %parallel_loop3A_402 : i32
          %parallel_loop3A_404 = arith.constant 2 : i32
          %parallel_loop3A_405 = arith.muli %parallel_loop3A_211, %parallel_loop3A_404 : i32
          %parallel_loop3A_406 = arith.constant 16 : i32
          %parallel_loop3A_407 = arith.muli %parallel_loop3A_405, %parallel_loop3A_406 : i32
          %parallel_loop3A_408 = arith.index_cast %parallel_loop3A_403 : i32 to index
          %parallel_loop3A_409 = arith.index_cast %parallel_loop3A_407 : i32 to index
          %parallel_loop3A_410 = tpu.vector_load %arg11[%parallel_loop3A_408, %parallel_loop3A_409] {strides = array<i32>} : memref<64x384xf32, #tpu.memory_space<vmem>>, vector<16xf32>,
          tpu.vector_store %arg11[%parallel_loop3A_408, %parallel_loop3A_409], %parallel_loop3A_401 {strides = array<i32>} : memref<64x384xf32, #tpu.memory_space<vmem>>, vector<16xf32>,
          %parallel_loop3A_411 = arith.addf %parallel_loop3A_387, %parallel_loop3A_393 : vector<16xf32>
          %parallel_loop3A_412 = arith.addf %parallel_loop3A_411, %parallel_loop3A_399 : vector<16xf32>
          %parallel_loop3A_413 = arith.constant 4 : i32
          %parallel_loop3A_414 = arith.addi %mul3A_114, %parallel_loop3A_413 : i32
          %parallel_loop3A_415 = arith.constant 2 : i32
          %parallel_loop3A_416 = arith.muli %parallel_loop3A_211, %parallel_loop3A_415 : i32
          %parallel_loop3A_417 = arith.constant 16 : i32
          %parallel_loop3A_418 = arith.muli %parallel_loop3A_416, %parallel_loop3A_417 : i32
          %parallel_loop3A_419 = arith.constant 16 : i32
          %parallel_loop3A_420 = arith.addi %parallel_loop3A_418, %parallel_loop3A_419 : i32
          %parallel_loop3A_421 = arith.index_cast %parallel_loop3A_414 : i32 to index
          %parallel_loop3A_422 = arith.index_cast %parallel_loop3A_420 : i32 to index
          %parallel_loop3A_423 = tpu.vector_load %arg11[%parallel_loop3A_421, %parallel_loop3A_422] {strides = array<i32>} : memref<64x384xf32, #tpu.memory_space<vmem>>, vector<16xf32>,
          tpu.vector_store %arg11[%parallel_loop3A_421, %parallel_loop3A_422], %parallel_loop3A_412 {strides = array<i32>} : memref<64x384xf32, #tpu.memory_space<vmem>>, vector<16xf32>,
          %parallel_loop3A_424 = arith.index_cast %squeeze3A_144 : i32 to index
          %parallel_loop3A_425 = arith.index_cast %parallel_loop3A_213 : i32 to index
          %parallel_loop3A_426 = tpu.vector_load %arg7[%parallel_loop3A_424, %parallel_loop3A_425] {strides = array<i32>} : memref<192x192xi32, #tpu.memory_space<vmem>>, vector<16xi32>,
          %parallel_loop3A_427 = vector.bitcast %parallel_loop3A_426 : vector<16xi32> to vector<32xbf16>
          %parallel_loop3A_428 = tpu.unpack_subelements %parallel_loop3A_427, 0 {pack_format = #tpu.pack_format<interleaved>} : vector<32xbf16> -> vector<16xf32>
          %parallel_loop3A_429 = tpu.unpack_subelements %parallel_loop3A_427, 1 {pack_format = #tpu.pack_format<interleaved>} : vector<32xbf16> -> vector<16xf32>
          %parallel_loop3A_430 = arith.index_cast %squeeze3A_146 : i32 to index
          %parallel_loop3A_431 = arith.index_cast %parallel_loop3A_213 : i32 to index
          %parallel_loop3A_432 = tpu.vector_load %arg7[%parallel_loop3A_430, %parallel_loop3A_431] {strides = array<i32>} : memref<192x192xi32, #tpu.memory_space<vmem>>, vector<16xi32>,
          %parallel_loop3A_433 = vector.bitcast %parallel_loop3A_432 : vector<16xi32> to vector<32xbf16>
          %parallel_loop3A_434 = tpu.unpack_subelements %parallel_loop3A_433, 0 {pack_format = #tpu.pack_format<interleaved>} : vector<32xbf16> -> vector<16xf32>
          %parallel_loop3A_435 = tpu.unpack_subelements %parallel_loop3A_433, 1 {pack_format = #tpu.pack_format<interleaved>} : vector<32xbf16> -> vector<16xf32>
          %parallel_loop3A_436 = arith.index_cast %squeeze3A_148 : i32 to index
          %parallel_loop3A_437 = arith.index_cast %parallel_loop3A_213 : i32 to index
          %parallel_loop3A_438 = tpu.vector_load %arg7[%parallel_loop3A_436, %parallel_loop3A_437] {strides = array<i32>} : memref<192x192xi32, #tpu.memory_space<vmem>>, vector<16xi32>,
          %parallel_loop3A_439 = vector.bitcast %parallel_loop3A_438 : vector<16xi32> to vector<32xbf16>
          %parallel_loop3A_440 = tpu.unpack_subelements %parallel_loop3A_439, 0 {pack_format = #tpu.pack_format<interleaved>} : vector<32xbf16> -> vector<16xf32>
          %parallel_loop3A_441 = tpu.unpack_subelements %parallel_loop3A_439, 1 {pack_format = #tpu.pack_format<interleaved>} : vector<32xbf16> -> vector<16xf32>
          %parallel_loop3A_442 = arith.addf %parallel_loop3A_428, %parallel_loop3A_434 : vector<16xf32>
          %parallel_loop3A_443 = arith.addf %parallel_loop3A_442, %parallel_loop3A_440 : vector<16xf32>
          %parallel_loop3A_444 = arith.constant 5 : i32
          %parallel_loop3A_445 = arith.addi %mul3A_114, %parallel_loop3A_444 : i32
          %parallel_loop3A_446 = arith.constant 2 : i32
          %parallel_loop3A_447 = arith.muli %parallel_loop3A_211, %parallel_loop3A_446 : i32
          %parallel_loop3A_448 = arith.constant 16 : i32
          %parallel_loop3A_449 = arith.muli %parallel_loop3A_447, %parallel_loop3A_448 : i32
          %parallel_loop3A_450 = arith.index_cast %parallel_loop3A_445 : i32 to index
          %parallel_loop3A_451 = arith.index_cast %parallel_loop3A_449 : i32 to index
          %parallel_loop3A_452 = tpu.vector_load %arg11[%parallel_loop3A_450, %parallel_loop3A_451] {strides = array<i32>} : memref<64x384xf32, #tpu.memory_space<vmem>>, vector<16xf32>,
          tpu.vector_store %arg11[%parallel_loop3A_450, %parallel_loop3A_451], %parallel_loop3A_443 {strides = array<i32>} : memref<64x384xf32, #tpu.memory_space<vmem>>, vector<16xf32>,
          %parallel_loop3A_453 = arith.addf %parallel_loop3A_429, %parallel_loop3A_435 : vector<16xf32>
          %parallel_loop3A_454 = arith.addf %parallel_loop3A_453, %parallel_loop3A_441 : vector<16xf32>
          %parallel_loop3A_455 = arith.constant 5 : i32
          %parallel_loop3A_456 = arith.addi %mul3A_114, %parallel_loop3A_455 : i32
          %parallel_loop3A_457 = arith.constant 2 : i32
          %parallel_loop3A_458 = arith.muli %parallel_loop3A_211, %parallel_loop3A_457 : i32
          %parallel_loop3A_459 = arith.constant 16 : i32
          %parallel_loop3A_460 = arith.muli %parallel_loop3A_458, %parallel_loop3A_459 : i32
          %parallel_loop3A_461 = arith.constant 16 : i32
          %parallel_loop3A_462 = arith.addi %parallel_loop3A_460, %parallel_loop3A_461 : i32
          %parallel_loop3A_463 = arith.index_cast %parallel_loop3A_456 : i32 to index
          %parallel_loop3A_464 = arith.index_cast %parallel_loop3A_462 : i32 to index
          %parallel_loop3A_465 = tpu.vector_load %arg11[%parallel_loop3A_463, %parallel_loop3A_464] {strides = array<i32>} : memref<64x384xf32, #tpu.memory_space<vmem>>, vector<16xf32>,
          tpu.vector_store %arg11[%parallel_loop3A_463, %parallel_loop3A_464], %parallel_loop3A_454 {strides = array<i32>} : memref<64x384xf32, #tpu.memory_space<vmem>>, vector<16xf32>,
          %parallel_loop3A_466 = arith.index_cast %squeeze3A_150 : i32 to index
          %parallel_loop3A_467 = arith.index_cast %parallel_loop3A_213 : i32 to index
          %parallel_loop3A_468 = tpu.vector_load %arg7[%parallel_loop3A_466, %parallel_loop3A_467] {strides = array<i32>} : memref<192x192xi32, #tpu.memory_space<vmem>>, vector<16xi32>,
          %parallel_loop3A_469 = vector.bitcast %parallel_loop3A_468 : vector<16xi32> to vector<32xbf16>
          %parallel_loop3A_470 = tpu.unpack_subelements %parallel_loop3A_469, 0 {pack_format = #tpu.pack_format<interleaved>} : vector<32xbf16> -> vector<16xf32>
          %parallel_loop3A_471 = tpu.unpack_subelements %parallel_loop3A_469, 1 {pack_format = #tpu.pack_format<interleaved>} : vector<32xbf16> -> vector<16xf32>
          %parallel_loop3A_472 = arith.index_cast %squeeze3A_152 : i32 to index
          %parallel_loop3A_473 = arith.index_cast %parallel_loop3A_213 : i32 to index
          %parallel_loop3A_474 = tpu.vector_load %arg7[%parallel_loop3A_472, %parallel_loop3A_473] {strides = array<i32>} : memref<192x192xi32, #tpu.memory_space<vmem>>, vector<16xi32>,
          %parallel_loop3A_475 = vector.bitcast %parallel_loop3A_474 : vector<16xi32> to vector<32xbf16>
          %parallel_loop3A_476 = tpu.unpack_subelements %parallel_loop3A_475, 0 {pack_format = #tpu.pack_format<interleaved>} : vector<32xbf16> -> vector<16xf32>
          %parallel_loop3A_477 = tpu.unpack_subelements %parallel_loop3A_475, 1 {pack_format = #tpu.pack_format<interleaved>} : vector<32xbf16> -> vector<16xf32>
          %parallel_loop3A_478 = arith.index_cast %squeeze3A_154 : i32 to index
          %parallel_loop3A_479 = arith.index_cast %parallel_loop3A_213 : i32 to index
          %parallel_loop3A_480 = tpu.vector_load %arg7[%parallel_loop3A_478, %parallel_loop3A_479] {strides = array<i32>} : memref<192x192xi32, #tpu.memory_space<vmem>>, vector<16xi32>,
          %parallel_loop3A_481 = vector.bitcast %parallel_loop3A_480 : vector<16xi32> to vector<32xbf16>
          %parallel_loop3A_482 = tpu.unpack_subelements %parallel_loop3A_481, 0 {pack_format = #tpu.pack_format<interleaved>} : vector<32xbf16> -> vector<16xf32>
          %parallel_loop3A_483 = tpu.unpack_subelements %parallel_loop3A_481, 1 {pack_format = #tpu.pack_format<interleaved>} : vector<32xbf16> -> vector<16xf32>
          %parallel_loop3A_484 = arith.addf %parallel_loop3A_470, %parallel_loop3A_476 : vector<16xf32>
          %parallel_loop3A_485 = arith.addf %parallel_loop3A_484, %parallel_loop3A_482 : vector<16xf32>
          %parallel_loop3A_486 = arith.constant 6 : i32
          %parallel_loop3A_487 = arith.addi %mul3A_114, %parallel_loop3A_486 : i32
          %parallel_loop3A_488 = arith.constant 2 : i32
          %parallel_loop3A_489 = arith.muli %parallel_loop3A_211, %parallel_loop3A_488 : i32
          %parallel_loop3A_490 = arith.constant 16 : i32
          %parallel_loop3A_491 = arith.muli %parallel_loop3A_489, %parallel_loop3A_490 : i32
          %parallel_loop3A_492 = arith.index_cast %parallel_loop3A_487 : i32 to index
          %parallel_loop3A_493 = arith.index_cast %parallel_loop3A_491 : i32 to index
          %parallel_loop3A_494 = tpu.vector_load %arg11[%parallel_loop3A_492, %parallel_loop3A_493] {strides = array<i32>} : memref<64x384xf32, #tpu.memory_space<vmem>>, vector<16xf32>,
          tpu.vector_store %arg11[%parallel_loop3A_492, %parallel_loop3A_493], %parallel_loop3A_485 {strides = array<i32>} : memref<64x384xf32, #tpu.memory_space<vmem>>, vector<16xf32>,
          %parallel_loop3A_495 = arith.addf %parallel_loop3A_471, %parallel_loop3A_477 : vector<16xf32>
          %parallel_loop3A_496 = arith.addf %parallel_loop3A_495, %parallel_loop3A_483 : vector<16xf32>
          %parallel_loop3A_497 = arith.constant 6 : i32
          %parallel_loop3A_498 = arith.addi %mul3A_114, %parallel_loop3A_497 : i32
          %parallel_loop3A_499 = arith.constant 2 : i32
          %parallel_loop3A_500 = arith.muli %parallel_loop3A_211, %parallel_loop3A_499 : i32
          %parallel_loop3A_501 = arith.constant 16 : i32
          %parallel_loop3A_502 = arith.muli %parallel_loop3A_500, %parallel_loop3A_501 : i32
          %parallel_loop3A_503 = arith.constant 16 : i32
          %parallel_loop3A_504 = arith.addi %parallel_loop3A_502, %parallel_loop3A_503 : i32
          %parallel_loop3A_505 = arith.index_cast %parallel_loop3A_498 : i32 to index
          %parallel_loop3A_506 = arith.index_cast %parallel_loop3A_504 : i32 to index
          %parallel_loop3A_507 = tpu.vector_load %arg11[%parallel_loop3A_505, %parallel_loop3A_506] {strides = array<i32>} : memref<64x384xf32, #tpu.memory_space<vmem>>, vector<16xf32>,
          tpu.vector_store %arg11[%parallel_loop3A_505, %parallel_loop3A_506], %parallel_loop3A_496 {strides = array<i32>} : memref<64x384xf32, #tpu.memory_space<vmem>>, vector<16xf32>,
          %parallel_loop3A_508 = arith.index_cast %squeeze3A_156 : i32 to index
          %parallel_loop3A_509 = arith.index_cast %parallel_loop3A_213 : i32 to index
          %parallel_loop3A_510 = tpu.vector_load %arg7[%parallel_loop3A_508, %parallel_loop3A_509] {strides = array<i32>} : memref<192x192xi32, #tpu.memory_space<vmem>>, vector<16xi32>,
          %parallel_loop3A_511 = vector.bitcast %parallel_loop3A_510 : vector<16xi32> to vector<32xbf16>
          %parallel_loop3A_512 = tpu.unpack_subelements %parallel_loop3A_511, 0 {pack_format = #tpu.pack_format<interleaved>} : vector<32xbf16> -> vector<16xf32>
          %parallel_loop3A_513 = tpu.unpack_subelements %parallel_loop3A_511, 1 {pack_format = #tpu.pack_format<interleaved>} : vector<32xbf16> -> vector<16xf32>
          %parallel_loop3A_514 = arith.index_cast %squeeze3A_158 : i32 to index
          %parallel_loop3A_515 = arith.index_cast %parallel_loop3A_213 : i32 to index
          %parallel_loop3A_516 = tpu.vector_load %arg7[%parallel_loop3A_514, %parallel_loop3A_515] {strides = array<i32>} : memref<192x192xi32, #tpu.memory_space<vmem>>, vector<16xi32>,
          %parallel_loop3A_517 = vector.bitcast %parallel_loop3A_516 : vector<16xi32> to vector<32xbf16>
          %parallel_loop3A_518 = tpu.unpack_subelements %parallel_loop3A_517, 0 {pack_format = #tpu.pack_format<interleaved>} : vector<32xbf16> -> vector<16xf32>
          %parallel_loop3A_519 = tpu.unpack_subelements %parallel_loop3A_517, 1 {pack_format = #tpu.pack_format<interleaved>} : vector<32xbf16> -> vector<16xf32>
          %parallel_loop3A_520 = arith.index_cast %squeeze3A_160 : i32 to index
          %parallel_loop3A_521 = arith.index_cast %parallel_loop3A_213 : i32 to index
          %parallel_loop3A_522 = tpu.vector_load %arg7[%parallel_loop3A_520, %parallel_loop3A_521] {strides = array<i32>} : memref<192x192xi32, #tpu.memory_space<vmem>>, vector<16xi32>,
          %parallel_loop3A_523 = vector.bitcast %parallel_loop3A_522 : vector<16xi32> to vector<32xbf16>
          %parallel_loop3A_524 = tpu.unpack_subelements %parallel_loop3A_523, 0 {pack_format = #tpu.pack_format<interleaved>} : vector<32xbf16> -> vector<16xf32>
          %parallel_loop3A_525 = tpu.unpack_subelements %parallel_loop3A_523, 1 {pack_format = #tpu.pack_format<interleaved>} : vector<32xbf16> -> vector<16xf32>
          %parallel_loop3A_526 = arith.addf %parallel_loop3A_512, %parallel_loop3A_518 : vector<16xf32>
          %parallel_loop3A_527 = arith.addf %parallel_loop3A_526, %parallel_loop3A_524 : vector<16xf32>
          %parallel_loop3A_528 = arith.constant 7 : i32
          %parallel_loop3A_529 = arith.addi %mul3A_114, %parallel_loop3A_528 : i32
          %parallel_loop3A_530 = arith.constant 2 : i32
          %parallel_loop3A_531 = arith.muli %parallel_loop3A_211, %parallel_loop3A_530 : i32
          %parallel_loop3A_532 = arith.constant 16 : i32
          %parallel_loop3A_533 = arith.muli %parallel_loop3A_531, %parallel_loop3A_532 : i32
          %parallel_loop3A_534 = arith.index_cast %parallel_loop3A_529 : i32 to index
          %parallel_loop3A_535 = arith.index_cast %parallel_loop3A_533 : i32 to index
          %parallel_loop3A_536 = tpu.vector_load %arg11[%parallel_loop3A_534, %parallel_loop3A_535] {strides = array<i32>} : memref<64x384xf32, #tpu.memory_space<vmem>>, vector<16xf32>,
          tpu.vector_store %arg11[%parallel_loop3A_534, %parallel_loop3A_535], %parallel_loop3A_527 {strides = array<i32>} : memref<64x384xf32, #tpu.memory_space<vmem>>, vector<16xf32>,
          %parallel_loop3A_537 = arith.addf %parallel_loop3A_513, %parallel_loop3A_519 : vector<16xf32>
          %parallel_loop3A_538 = arith.addf %parallel_loop3A_537, %parallel_loop3A_525 : vector<16xf32>
          %parallel_loop3A_539 = arith.constant 7 : i32
          %parallel_loop3A_540 = arith.addi %mul3A_114, %parallel_loop3A_539 : i32
          %parallel_loop3A_541 = arith.constant 2 : i32
          %parallel_loop3A_542 = arith.muli %parallel_loop3A_211, %parallel_loop3A_541 : i32
          %parallel_loop3A_543 = arith.constant 16 : i32
          %parallel_loop3A_544 = arith.muli %parallel_loop3A_542, %parallel_loop3A_543 : i32
          %parallel_loop3A_545 = arith.constant 16 : i32
          %parallel_loop3A_546 = arith.addi %parallel_loop3A_544, %parallel_loop3A_545 : i32
          %parallel_loop3A_547 = arith.index_cast %parallel_loop3A_540 : i32 to index
          %parallel_loop3A_548 = arith.index_cast %parallel_loop3A_546 : i32 to index
          %parallel_loop3A_549 = tpu.vector_load %arg11[%parallel_loop3A_547, %parallel_loop3A_548] {strides = array<i32>} : memref<64x384xf32, #tpu.memory_space<vmem>>, vector<16xf32>,
          tpu.vector_store %arg11[%parallel_loop3A_547, %parallel_loop3A_548], %parallel_loop3A_538 {strides = array<i32>} : memref<64x384xf32, #tpu.memory_space<vmem>>, vector<16xf32>,
          %parallel_loop3A_550 = arith.index_cast %squeeze3A_162 : i32 to index
          %parallel_loop3A_551 = arith.index_cast %parallel_loop3A_213 : i32 to index
          %parallel_loop3A_552 = tpu.vector_load %arg7[%parallel_loop3A_550, %parallel_loop3A_551] {strides = array<i32>} : memref<192x192xi32, #tpu.memory_space<vmem>>, vector<16xi32>,
          %parallel_loop3A_553 = vector.bitcast %parallel_loop3A_552 : vector<16xi32> to vector<32xbf16>
          %parallel_loop3A_554 = tpu.unpack_subelements %parallel_loop3A_553, 0 {pack_format = #tpu.pack_format<interleaved>} : vector<32xbf16> -> vector<16xf32>
          %parallel_loop3A_555 = tpu.unpack_subelements %parallel_loop3A_553, 1 {pack_format = #tpu.pack_format<interleaved>} : vector<32xbf16> -> vector<16xf32>
          %parallel_loop3A_556 = arith.index_cast %squeeze3A_164 : i32 to index
          %parallel_loop3A_557 = arith.index_cast %parallel_loop3A_213 : i32 to index
          %parallel_loop3A_558 = tpu.vector_load %arg7[%parallel_loop3A_556, %parallel_loop3A_557] {strides = array<i32>} : memref<192x192xi32, #tpu.memory_space<vmem>>, vector<16xi32>,
          %parallel_loop3A_559 = vector.bitcast %parallel_loop3A_558 : vector<16xi32> to vector<32xbf16>
          %parallel_loop3A_560 = tpu.unpack_subelements %parallel_loop3A_559, 0 {pack_format = #tpu.pack_format<interleaved>} : vector<32xbf16> -> vector<16xf32>
          %parallel_loop3A_561 = tpu.unpack_subelements %parallel_loop3A_559, 1 {pack_format = #tpu.pack_format<interleaved>} : vector<32xbf16> -> vector<16xf32>
          %parallel_loop3A_562 = arith.index_cast %squeeze3A_166 : i32 to index
          %parallel_loop3A_563 = arith.index_cast %parallel_loop3A_213 : i32 to index
          %parallel_loop3A_564 = tpu.vector_load %arg7[%parallel_loop3A_562, %parallel_loop3A_563] {strides = array<i32>} : memref<192x192xi32, #tpu.memory_space<vmem>>, vector<16xi32>,
          %parallel_loop3A_565 = vector.bitcast %parallel_loop3A_564 : vector<16xi32> to vector<32xbf16>
          %parallel_loop3A_566 = tpu.unpack_subelements %parallel_loop3A_565, 0 {pack_format = #tpu.pack_format<interleaved>} : vector<32xbf16> -> vector<16xf32>
          %parallel_loop3A_567 = tpu.unpack_subelements %parallel_loop3A_565, 1 {pack_format = #tpu.pack_format<interleaved>} : vector<32xbf16> -> vector<16xf32>
          %parallel_loop3A_568 = arith.addf %parallel_loop3A_554, %parallel_loop3A_560 : vector<16xf32>
          %parallel_loop3A_569 = arith.addf %parallel_loop3A_568, %parallel_loop3A_566 : vector<16xf32>
          %parallel_loop3A_570 = arith.constant 8 : i32
          %parallel_loop3A_571 = arith.addi %mul3A_114, %parallel_loop3A_570 : i32
          %parallel_loop3A_572 = arith.constant 2 : i32
          %parallel_loop3A_573 = arith.muli %parallel_loop3A_211, %parallel_loop3A_572 : i32
          %parallel_loop3A_574 = arith.constant 16 : i32
          %parallel_loop3A_575 = arith.muli %parallel_loop3A_573, %parallel_loop3A_574 : i32
          %parallel_loop3A_576 = arith.index_cast %parallel_loop3A_571 : i32 to index
          %parallel_loop3A_577 = arith.index_cast %parallel_loop3A_575 : i32 to index
          %parallel_loop3A_578 = tpu.vector_load %arg11[%parallel_loop3A_576, %parallel_loop3A_577] {strides = array<i32>} : memref<64x384xf32, #tpu.memory_space<vmem>>, vector<16xf32>,
          tpu.vector_store %arg11[%parallel_loop3A_576, %parallel_loop3A_577], %parallel_loop3A_569 {strides = array<i32>} : memref<64x384xf32, #tpu.memory_space<vmem>>, vector<16xf32>,
          %parallel_loop3A_579 = arith.addf %parallel_loop3A_555, %parallel_loop3A_561 : vector<16xf32>
          %parallel_loop3A_580 = arith.addf %parallel_loop3A_579, %parallel_loop3A_567 : vector<16xf32>
          %parallel_loop3A_581 = arith.constant 8 : i32
          %parallel_loop3A_582 = arith.addi %mul3A_114, %parallel_loop3A_581 : i32
          %parallel_loop3A_583 = arith.constant 2 : i32
          %parallel_loop3A_584 = arith.muli %parallel_loop3A_211, %parallel_loop3A_583 : i32
          %parallel_loop3A_585 = arith.constant 16 : i32
          %parallel_loop3A_586 = arith.muli %parallel_loop3A_584, %parallel_loop3A_585 : i32
          %parallel_loop3A_587 = arith.constant 16 : i32
          %parallel_loop3A_588 = arith.addi %parallel_loop3A_586, %parallel_loop3A_587 : i32
          %parallel_loop3A_589 = arith.index_cast %parallel_loop3A_582 : i32 to index
          %parallel_loop3A_590 = arith.index_cast %parallel_loop3A_588 : i32 to index
          %parallel_loop3A_591 = tpu.vector_load %arg11[%parallel_loop3A_589, %parallel_loop3A_590] {strides = array<i32>} : memref<64x384xf32, #tpu.memory_space<vmem>>, vector<16xf32>,
          tpu.vector_store %arg11[%parallel_loop3A_589, %parallel_loop3A_590], %parallel_loop3A_580 {strides = array<i32>} : memref<64x384xf32, #tpu.memory_space<vmem>>, vector<16xf32>,
          %parallel_loop3A_592 = arith.index_cast %squeeze3A_168 : i32 to index
          %parallel_loop3A_593 = arith.index_cast %parallel_loop3A_213 : i32 to index
          %parallel_loop3A_594 = tpu.vector_load %arg7[%parallel_loop3A_592, %parallel_loop3A_593] {strides = array<i32>} : memref<192x192xi32, #tpu.memory_space<vmem>>, vector<16xi32>,
          %parallel_loop3A_595 = vector.bitcast %parallel_loop3A_594 : vector<16xi32> to vector<32xbf16>
          %parallel_loop3A_596 = tpu.unpack_subelements %parallel_loop3A_595, 0 {pack_format = #tpu.pack_format<interleaved>} : vector<32xbf16> -> vector<16xf32>
          %parallel_loop3A_597 = tpu.unpack_subelements %parallel_loop3A_595, 1 {pack_format = #tpu.pack_format<interleaved>} : vector<32xbf16> -> vector<16xf32>
          %parallel_loop3A_598 = arith.index_cast %squeeze3A_170 : i32 to index
          %parallel_loop3A_599 = arith.index_cast %parallel_loop3A_213 : i32 to index
          %parallel_loop3A_600 = tpu.vector_load %arg7[%parallel_loop3A_598, %parallel_loop3A_599] {strides = array<i32>} : memref<192x192xi32, #tpu.memory_space<vmem>>, vector<16xi32>,
          %parallel_loop3A_601 = vector.bitcast %parallel_loop3A_600 : vector<16xi32> to vector<32xbf16>
          %parallel_loop3A_602 = tpu.unpack_subelements %parallel_loop3A_601, 0 {pack_format = #tpu.pack_format<interleaved>} : vector<32xbf16> -> vector<16xf32>
          %parallel_loop3A_603 = tpu.unpack_subelements %parallel_loop3A_601, 1 {pack_format = #tpu.pack_format<interleaved>} : vector<32xbf16> -> vector<16xf32>
          %parallel_loop3A_604 = arith.index_cast %squeeze3A_172 : i32 to index
          %parallel_loop3A_605 = arith.index_cast %parallel_loop3A_213 : i32 to index
          %parallel_loop3A_606 = tpu.vector_load %arg7[%parallel_loop3A_604, %parallel_loop3A_605] {strides = array<i32>} : memref<192x192xi32, #tpu.memory_space<vmem>>, vector<16xi32>,
          %parallel_loop3A_607 = vector.bitcast %parallel_loop3A_606 : vector<16xi32> to vector<32xbf16>
          %parallel_loop3A_608 = tpu.unpack_subelements %parallel_loop3A_607, 0 {pack_format = #tpu.pack_format<interleaved>} : vector<32xbf16> -> vector<16xf32>
          %parallel_loop3A_609 = tpu.unpack_subelements %parallel_loop3A_607, 1 {pack_format = #tpu.pack_format<interleaved>} : vector<32xbf16> -> vector<16xf32>
          %parallel_loop3A_610 = arith.addf %parallel_loop3A_596, %parallel_loop3A_602 : vector<16xf32>
          %parallel_loop3A_611 = arith.addf %parallel_loop3A_610, %parallel_loop3A_608 : vector<16xf32>
          %parallel_loop3A_612 = arith.constant 9 : i32
          %parallel_loop3A_613 = arith.addi %mul3A_114, %parallel_loop3A_612 : i32
          %parallel_loop3A_614 = arith.constant 2 : i32
          %parallel_loop3A_615 = arith.muli %parallel_loop3A_211, %parallel_loop3A_614 : i32
          %parallel_loop3A_616 = arith.constant 16 : i32
          %parallel_loop3A_617 = arith.muli %parallel_loop3A_615, %parallel_loop3A_616 : i32
          %parallel_loop3A_618 = arith.index_cast %parallel_loop3A_613 : i32 to index
          %parallel_loop3A_619 = arith.index_cast %parallel_loop3A_617 : i32 to index
          %parallel_loop3A_620 = tpu.vector_load %arg11[%parallel_loop3A_618, %parallel_loop3A_619] {strides = array<i32>} : memref<64x384xf32, #tpu.memory_space<vmem>>, vector<16xf32>,
          tpu.vector_store %arg11[%parallel_loop3A_618, %parallel_loop3A_619], %parallel_loop3A_611 {strides = array<i32>} : memref<64x384xf32, #tpu.memory_space<vmem>>, vector<16xf32>,
          %parallel_loop3A_621 = arith.addf %parallel_loop3A_597, %parallel_loop3A_603 : vector<16xf32>
          %parallel_loop3A_622 = arith.addf %parallel_loop3A_621, %parallel_loop3A_609 : vector<16xf32>
          %parallel_loop3A_623 = arith.constant 9 : i32
          %parallel_loop3A_624 = arith.addi %mul3A_114, %parallel_loop3A_623 : i32
          %parallel_loop3A_625 = arith.constant 2 : i32
          %parallel_loop3A_626 = arith.muli %parallel_loop3A_211, %parallel_loop3A_625 : i32
          %parallel_loop3A_627 = arith.constant 16 : i32
          %parallel_loop3A_628 = arith.muli %parallel_loop3A_626, %parallel_loop3A_627 : i32
          %parallel_loop3A_629 = arith.constant 16 : i32
          %parallel_loop3A_630 = arith.addi %parallel_loop3A_628, %parallel_loop3A_629 : i32
          %parallel_loop3A_631 = arith.index_cast %parallel_loop3A_624 : i32 to index
          %parallel_loop3A_632 = arith.index_cast %parallel_loop3A_630 : i32 to index
          %parallel_loop3A_633 = tpu.vector_load %arg11[%parallel_loop3A_631, %parallel_loop3A_632] {strides = array<i32>} : memref<64x384xf32, #tpu.memory_space<vmem>>, vector<16xf32>,
          tpu.vector_store %arg11[%parallel_loop3A_631, %parallel_loop3A_632], %parallel_loop3A_622 {strides = array<i32>} : memref<64x384xf32, #tpu.memory_space<vmem>>, vector<16xf32>,
          %parallel_loop3A_634 = arith.index_cast %squeeze3A_174 : i32 to index
          %parallel_loop3A_635 = arith.index_cast %parallel_loop3A_213 : i32 to index
          %parallel_loop3A_636 = tpu.vector_load %arg7[%parallel_loop3A_634, %parallel_loop3A_635] {strides = array<i32>} : memref<192x192xi32, #tpu.memory_space<vmem>>, vector<16xi32>,
          %parallel_loop3A_637 = vector.bitcast %parallel_loop3A_636 : vector<16xi32> to vector<32xbf16>
          %parallel_loop3A_638 = tpu.unpack_subelements %parallel_loop3A_637, 0 {pack_format = #tpu.pack_format<interleaved>} : vector<32xbf16> -> vector<16xf32>
          %parallel_loop3A_639 = tpu.unpack_subelements %parallel_loop3A_637, 1 {pack_format = #tpu.pack_format<interleaved>} : vector<32xbf16> -> vector<16xf32>
          %parallel_loop3A_640 = arith.index_cast %squeeze3A_176 : i32 to index
          %parallel_loop3A_641 = arith.index_cast %parallel_loop3A_213 : i32 to index
          %parallel_loop3A_642 = tpu.vector_load %arg7[%parallel_loop3A_640, %parallel_loop3A_641] {strides = array<i32>} : memref<192x192xi32, #tpu.memory_space<vmem>>, vector<16xi32>,
          %parallel_loop3A_643 = vector.bitcast %parallel_loop3A_642 : vector<16xi32> to vector<32xbf16>
          %parallel_loop3A_644 = tpu.unpack_subelements %parallel_loop3A_643, 0 {pack_format = #tpu.pack_format<interleaved>} : vector<32xbf16> -> vector<16xf32>
          %parallel_loop3A_645 = tpu.unpack_subelements %parallel_loop3A_643, 1 {pack_format = #tpu.pack_format<interleaved>} : vector<32xbf16> -> vector<16xf32>
          %parallel_loop3A_646 = arith.index_cast %squeeze3A_178 : i32 to index
          %parallel_loop3A_647 = arith.index_cast %parallel_loop3A_213 : i32 to index
          %parallel_loop3A_648 = tpu.vector_load %arg7[%parallel_loop3A_646, %parallel_loop3A_647] {strides = array<i32>} : memref<192x192xi32, #tpu.memory_space<vmem>>, vector<16xi32>,
          %parallel_loop3A_649 = vector.bitcast %parallel_loop3A_648 : vector<16xi32> to vector<32xbf16>
          %parallel_loop3A_650 = tpu.unpack_subelements %parallel_loop3A_649, 0 {pack_format = #tpu.pack_format<interleaved>} : vector<32xbf16> -> vector<16xf32>
          %parallel_loop3A_651 = tpu.unpack_subelements %parallel_loop3A_649, 1 {pack_format = #tpu.pack_format<interleaved>} : vector<32xbf16> -> vector<16xf32>
          %parallel_loop3A_652 = arith.addf %parallel_loop3A_638, %parallel_loop3A_644 : vector<16xf32>
          %parallel_loop3A_653 = arith.addf %parallel_loop3A_652, %parallel_loop3A_650 : vector<16xf32>
          %parallel_loop3A_654 = arith.constant 10 : i32
          %parallel_loop3A_655 = arith.addi %mul3A_114, %parallel_loop3A_654 : i32
          %parallel_loop3A_656 = arith.constant 2 : i32
          %parallel_loop3A_657 = arith.muli %parallel_loop3A_211, %parallel_loop3A_656 : i32
          %parallel_loop3A_658 = arith.constant 16 : i32
          %parallel_loop3A_659 = arith.muli %parallel_loop3A_657, %parallel_loop3A_658 : i32
          %parallel_loop3A_660 = arith.index_cast %parallel_loop3A_655 : i32 to index
          %parallel_loop3A_661 = arith.index_cast %parallel_loop3A_659 : i32 to index
          %parallel_loop3A_662 = tpu.vector_load %arg11[%parallel_loop3A_660, %parallel_loop3A_661] {strides = array<i32>} : memref<64x384xf32, #tpu.memory_space<vmem>>, vector<16xf32>,
          tpu.vector_store %arg11[%parallel_loop3A_660, %parallel_loop3A_661], %parallel_loop3A_653 {strides = array<i32>} : memref<64x384xf32, #tpu.memory_space<vmem>>, vector<16xf32>,
          %parallel_loop3A_663 = arith.addf %parallel_loop3A_639, %parallel_loop3A_645 : vector<16xf32>
          %parallel_loop3A_664 = arith.addf %parallel_loop3A_663, %parallel_loop3A_651 : vector<16xf32>
          %parallel_loop3A_665 = arith.constant 10 : i32
          %parallel_loop3A_666 = arith.addi %mul3A_114, %parallel_loop3A_665 : i32
          %parallel_loop3A_667 = arith.constant 2 : i32
          %parallel_loop3A_668 = arith.muli %parallel_loop3A_211, %parallel_loop3A_667 : i32
          %parallel_loop3A_669 = arith.constant 16 : i32
          %parallel_loop3A_670 = arith.muli %parallel_loop3A_668, %parallel_loop3A_669 : i32
          %parallel_loop3A_671 = arith.constant 16 : i32
          %parallel_loop3A_672 = arith.addi %parallel_loop3A_670, %parallel_loop3A_671 : i32
          %parallel_loop3A_673 = arith.index_cast %parallel_loop3A_666 : i32 to index
          %parallel_loop3A_674 = arith.index_cast %parallel_loop3A_672 : i32 to index
          %parallel_loop3A_675 = tpu.vector_load %arg11[%parallel_loop3A_673, %parallel_loop3A_674] {strides = array<i32>} : memref<64x384xf32, #tpu.memory_space<vmem>>, vector<16xf32>,
          tpu.vector_store %arg11[%parallel_loop3A_673, %parallel_loop3A_674], %parallel_loop3A_664 {strides = array<i32>} : memref<64x384xf32, #tpu.memory_space<vmem>>, vector<16xf32>,
          %parallel_loop3A_676 = arith.index_cast %squeeze3A_180 : i32 to index
          %parallel_loop3A_677 = arith.index_cast %parallel_loop3A_213 : i32 to index
          %parallel_loop3A_678 = tpu.vector_load %arg7[%parallel_loop3A_676, %parallel_loop3A_677] {strides = array<i32>} : memref<192x192xi32, #tpu.memory_space<vmem>>, vector<16xi32>,
          %parallel_loop3A_679 = vector.bitcast %parallel_loop3A_678 : vector<16xi32> to vector<32xbf16>
          %parallel_loop3A_680 = tpu.unpack_subelements %parallel_loop3A_679, 0 {pack_format = #tpu.pack_format<interleaved>} : vector<32xbf16> -> vector<16xf32>
          %parallel_loop3A_681 = tpu.unpack_subelements %parallel_loop3A_679, 1 {pack_format = #tpu.pack_format<interleaved>} : vector<32xbf16> -> vector<16xf32>
          %parallel_loop3A_682 = arith.index_cast %squeeze3A_182 : i32 to index
          %parallel_loop3A_683 = arith.index_cast %parallel_loop3A_213 : i32 to index
          %parallel_loop3A_684 = tpu.vector_load %arg7[%parallel_loop3A_682, %parallel_loop3A_683] {strides = array<i32>} : memref<192x192xi32, #tpu.memory_space<vmem>>, vector<16xi32>,
          %parallel_loop3A_685 = vector.bitcast %parallel_loop3A_684 : vector<16xi32> to vector<32xbf16>
          %parallel_loop3A_686 = tpu.unpack_subelements %parallel_loop3A_685, 0 {pack_format = #tpu.pack_format<interleaved>} : vector<32xbf16> -> vector<16xf32>
          %parallel_loop3A_687 = tpu.unpack_subelements %parallel_loop3A_685, 1 {pack_format = #tpu.pack_format<interleaved>} : vector<32xbf16> -> vector<16xf32>
          %parallel_loop3A_688 = arith.index_cast %squeeze3A_184 : i32 to index
          %parallel_loop3A_689 = arith.index_cast %parallel_loop3A_213 : i32 to index
          %parallel_loop3A_690 = tpu.vector_load %arg7[%parallel_loop3A_688, %parallel_loop3A_689] {strides = array<i32>} : memref<192x192xi32, #tpu.memory_space<vmem>>, vector<16xi32>,
          %parallel_loop3A_691 = vector.bitcast %parallel_loop3A_690 : vector<16xi32> to vector<32xbf16>
          %parallel_loop3A_692 = tpu.unpack_subelements %parallel_loop3A_691, 0 {pack_format = #tpu.pack_format<interleaved>} : vector<32xbf16> -> vector<16xf32>
          %parallel_loop3A_693 = tpu.unpack_subelements %parallel_loop3A_691, 1 {pack_format = #tpu.pack_format<interleaved>} : vector<32xbf16> -> vector<16xf32>
          %parallel_loop3A_694 = arith.addf %parallel_loop3A_680, %parallel_loop3A_686 : vector<16xf32>
          %parallel_loop3A_695 = arith.addf %parallel_loop3A_694, %parallel_loop3A_692 : vector<16xf32>
          %parallel_loop3A_696 = arith.constant 11 : i32
          %parallel_loop3A_697 = arith.addi %mul3A_114, %parallel_loop3A_696 : i32
          %parallel_loop3A_698 = arith.constant 2 : i32
          %parallel_loop3A_699 = arith.muli %parallel_loop3A_211, %parallel_loop3A_698 : i32
          %parallel_loop3A_700 = arith.constant 16 : i32
          %parallel_loop3A_701 = arith.muli %parallel_loop3A_699, %parallel_loop3A_700 : i32
          %parallel_loop3A_702 = arith.index_cast %parallel_loop3A_697 : i32 to index
          %parallel_loop3A_703 = arith.index_cast %parallel_loop3A_701 : i32 to index
          %parallel_loop3A_704 = tpu.vector_load %arg11[%parallel_loop3A_702, %parallel_loop3A_703] {strides = array<i32>} : memref<64x384xf32, #tpu.memory_space<vmem>>, vector<16xf32>,
          tpu.vector_store %arg11[%parallel_loop3A_702, %parallel_loop3A_703], %parallel_loop3A_695 {strides = array<i32>} : memref<64x384xf32, #tpu.memory_space<vmem>>, vector<16xf32>,
          %parallel_loop3A_705 = arith.addf %parallel_loop3A_681, %parallel_loop3A_687 : vector<16xf32>
          %parallel_loop3A_706 = arith.addf %parallel_loop3A_705, %parallel_loop3A_693 : vector<16xf32>
          %parallel_loop3A_707 = arith.constant 11 : i32
          %parallel_loop3A_708 = arith.addi %mul3A_114, %parallel_loop3A_707 : i32
          %parallel_loop3A_709 = arith.constant 2 : i32
          %parallel_loop3A_710 = arith.muli %parallel_loop3A_211, %parallel_loop3A_709 : i32
          %parallel_loop3A_711 = arith.constant 16 : i32
          %parallel_loop3A_712 = arith.muli %parallel_loop3A_710, %parallel_loop3A_711 : i32
          %parallel_loop3A_713 = arith.constant 16 : i32
          %parallel_loop3A_714 = arith.addi %parallel_loop3A_712, %parallel_loop3A_713 : i32
          %parallel_loop3A_715 = arith.index_cast %parallel_loop3A_708 : i32 to index
          %parallel_loop3A_716 = arith.index_cast %parallel_loop3A_714 : i32 to index
          %parallel_loop3A_717 = tpu.vector_load %arg11[%parallel_loop3A_715, %parallel_loop3A_716] {strides = array<i32>} : memref<64x384xf32, #tpu.memory_space<vmem>>, vector<16xf32>,
          tpu.vector_store %arg11[%parallel_loop3A_715, %parallel_loop3A_716], %parallel_loop3A_706 {strides = array<i32>} : memref<64x384xf32, #tpu.memory_space<vmem>>, vector<16xf32>,
          %parallel_loop3A_718 = arith.index_cast %squeeze3A_186 : i32 to index
          %parallel_loop3A_719 = arith.index_cast %parallel_loop3A_213 : i32 to index
          %parallel_loop3A_720 = tpu.vector_load %arg7[%parallel_loop3A_718, %parallel_loop3A_719] {strides = array<i32>} : memref<192x192xi32, #tpu.memory_space<vmem>>, vector<16xi32>,
          %parallel_loop3A_721 = vector.bitcast %parallel_loop3A_720 : vector<16xi32> to vector<32xbf16>
          %parallel_loop3A_722 = tpu.unpack_subelements %parallel_loop3A_721, 0 {pack_format = #tpu.pack_format<interleaved>} : vector<32xbf16> -> vector<16xf32>
          %parallel_loop3A_723 = tpu.unpack_subelements %parallel_loop3A_721, 1 {pack_format = #tpu.pack_format<interleaved>} : vector<32xbf16> -> vector<16xf32>
          %parallel_loop3A_724 = arith.index_cast %squeeze3A_188 : i32 to index
          %parallel_loop3A_725 = arith.index_cast %parallel_loop3A_213 : i32 to index
          %parallel_loop3A_726 = tpu.vector_load %arg7[%parallel_loop3A_724, %parallel_loop3A_725] {strides = array<i32>} : memref<192x192xi32, #tpu.memory_space<vmem>>, vector<16xi32>,
          %parallel_loop3A_727 = vector.bitcast %parallel_loop3A_726 : vector<16xi32> to vector<32xbf16>
          %parallel_loop3A_728 = tpu.unpack_subelements %parallel_loop3A_727, 0 {pack_format = #tpu.pack_format<interleaved>} : vector<32xbf16> -> vector<16xf32>
          %parallel_loop3A_729 = tpu.unpack_subelements %parallel_loop3A_727, 1 {pack_format = #tpu.pack_format<interleaved>} : vector<32xbf16> -> vector<16xf32>
          %parallel_loop3A_730 = arith.index_cast %squeeze3A_190 : i32 to index
          %parallel_loop3A_731 = arith.index_cast %parallel_loop3A_213 : i32 to index
          %parallel_loop3A_732 = tpu.vector_load %arg7[%parallel_loop3A_730, %parallel_loop3A_731] {strides = array<i32>} : memref<192x192xi32, #tpu.memory_space<vmem>>, vector<16xi32>,
          %parallel_loop3A_733 = vector.bitcast %parallel_loop3A_732 : vector<16xi32> to vector<32xbf16>
          %parallel_loop3A_734 = tpu.unpack_subelements %parallel_loop3A_733, 0 {pack_format = #tpu.pack_format<interleaved>} : vector<32xbf16> -> vector<16xf32>
          %parallel_loop3A_735 = tpu.unpack_subelements %parallel_loop3A_733, 1 {pack_format = #tpu.pack_format<interleaved>} : vector<32xbf16> -> vector<16xf32>
          %parallel_loop3A_736 = arith.addf %parallel_loop3A_722, %parallel_loop3A_728 : vector<16xf32>
          %parallel_loop3A_737 = arith.addf %parallel_loop3A_736, %parallel_loop3A_734 : vector<16xf32>
          %parallel_loop3A_738 = arith.constant 12 : i32
          %parallel_loop3A_739 = arith.addi %mul3A_114, %parallel_loop3A_738 : i32
          %parallel_loop3A_740 = arith.constant 2 : i32
          %parallel_loop3A_741 = arith.muli %parallel_loop3A_211, %parallel_loop3A_740 : i32
          %parallel_loop3A_742 = arith.constant 16 : i32
          %parallel_loop3A_743 = arith.muli %parallel_loop3A_741, %parallel_loop3A_742 : i32
          %parallel_loop3A_744 = arith.index_cast %parallel_loop3A_739 : i32 to index
          %parallel_loop3A_745 = arith.index_cast %parallel_loop3A_743 : i32 to index
          %parallel_loop3A_746 = tpu.vector_load %arg11[%parallel_loop3A_744, %parallel_loop3A_745] {strides = array<i32>} : memref<64x384xf32, #tpu.memory_space<vmem>>, vector<16xf32>,
          tpu.vector_store %arg11[%parallel_loop3A_744, %parallel_loop3A_745], %parallel_loop3A_737 {strides = array<i32>} : memref<64x384xf32, #tpu.memory_space<vmem>>, vector<16xf32>,
          %parallel_loop3A_747 = arith.addf %parallel_loop3A_723, %parallel_loop3A_729 : vector<16xf32>
          %parallel_loop3A_748 = arith.addf %parallel_loop3A_747, %parallel_loop3A_735 : vector<16xf32>
          %parallel_loop3A_749 = arith.constant 12 : i32
          %parallel_loop3A_750 = arith.addi %mul3A_114, %parallel_loop3A_749 : i32
          %parallel_loop3A_751 = arith.constant 2 : i32
          %parallel_loop3A_752 = arith.muli %parallel_loop3A_211, %parallel_loop3A_751 : i32
          %parallel_loop3A_753 = arith.constant 16 : i32
          %parallel_loop3A_754 = arith.muli %parallel_loop3A_752, %parallel_loop3A_753 : i32
          %parallel_loop3A_755 = arith.constant 16 : i32
          %parallel_loop3A_756 = arith.addi %parallel_loop3A_754, %parallel_loop3A_755 : i32
          %parallel_loop3A_757 = arith.index_cast %parallel_loop3A_750 : i32 to index
          %parallel_loop3A_758 = arith.index_cast %parallel_loop3A_756 : i32 to index
          %parallel_loop3A_759 = tpu.vector_load %arg11[%parallel_loop3A_757, %parallel_loop3A_758] {strides = array<i32>} : memref<64x384xf32, #tpu.memory_space<vmem>>, vector<16xf32>,
          tpu.vector_store %arg11[%parallel_loop3A_757, %parallel_loop3A_758], %parallel_loop3A_748 {strides = array<i32>} : memref<64x384xf32, #tpu.memory_space<vmem>>, vector<16xf32>,
          %parallel_loop3A_760 = arith.index_cast %squeeze3A_192 : i32 to index
          %parallel_loop3A_761 = arith.index_cast %parallel_loop3A_213 : i32 to index
          %parallel_loop3A_762 = tpu.vector_load %arg7[%parallel_loop3A_760, %parallel_loop3A_761] {strides = array<i32>} : memref<192x192xi32, #tpu.memory_space<vmem>>, vector<16xi32>,
          %parallel_loop3A_763 = vector.bitcast %parallel_loop3A_762 : vector<16xi32> to vector<32xbf16>
          %parallel_loop3A_764 = tpu.unpack_subelements %parallel_loop3A_763, 0 {pack_format = #tpu.pack_format<interleaved>} : vector<32xbf16> -> vector<16xf32>
          %parallel_loop3A_765 = tpu.unpack_subelements %parallel_loop3A_763, 1 {pack_format = #tpu.pack_format<interleaved>} : vector<32xbf16> -> vector<16xf32>
          %parallel_loop3A_766 = arith.index_cast %squeeze3A_194 : i32 to index
          %parallel_loop3A_767 = arith.index_cast %parallel_loop3A_213 : i32 to index
          %parallel_loop3A_768 = tpu.vector_load %arg7[%parallel_loop3A_766, %parallel_loop3A_767] {strides = array<i32>} : memref<192x192xi32, #tpu.memory_space<vmem>>, vector<16xi32>,
          %parallel_loop3A_769 = vector.bitcast %parallel_loop3A_768 : vector<16xi32> to vector<32xbf16>
          %parallel_loop3A_770 = tpu.unpack_subelements %parallel_loop3A_769, 0 {pack_format = #tpu.pack_format<interleaved>} : vector<32xbf16> -> vector<16xf32>
          %parallel_loop3A_771 = tpu.unpack_subelements %parallel_loop3A_769, 1 {pack_format = #tpu.pack_format<interleaved>} : vector<32xbf16> -> vector<16xf32>
          %parallel_loop3A_772 = arith.index_cast %squeeze3A_196 : i32 to index
          %parallel_loop3A_773 = arith.index_cast %parallel_loop3A_213 : i32 to index
          %parallel_loop3A_774 = tpu.vector_load %arg7[%parallel_loop3A_772, %parallel_loop3A_773] {strides = array<i32>} : memref<192x192xi32, #tpu.memory_space<vmem>>, vector<16xi32>,
          %parallel_loop3A_775 = vector.bitcast %parallel_loop3A_774 : vector<16xi32> to vector<32xbf16>
          %parallel_loop3A_776 = tpu.unpack_subelements %parallel_loop3A_775, 0 {pack_format = #tpu.pack_format<interleaved>} : vector<32xbf16> -> vector<16xf32>
          %parallel_loop3A_777 = tpu.unpack_subelements %parallel_loop3A_775, 1 {pack_format = #tpu.pack_format<interleaved>} : vector<32xbf16> -> vector<16xf32>
          %parallel_loop3A_778 = arith.addf %parallel_loop3A_764, %parallel_loop3A_770 : vector<16xf32>
          %parallel_loop3A_779 = arith.addf %parallel_loop3A_778, %parallel_loop3A_776 : vector<16xf32>
          %parallel_loop3A_780 = arith.constant 13 : i32
          %parallel_loop3A_781 = arith.addi %mul3A_114, %parallel_loop3A_780 : i32
          %parallel_loop3A_782 = arith.constant 2 : i32
          %parallel_loop3A_783 = arith.muli %parallel_loop3A_211, %parallel_loop3A_782 : i32
          %parallel_loop3A_784 = arith.constant 16 : i32
          %parallel_loop3A_785 = arith.muli %parallel_loop3A_783, %parallel_loop3A_784 : i32
          %parallel_loop3A_786 = arith.index_cast %parallel_loop3A_781 : i32 to index
          %parallel_loop3A_787 = arith.index_cast %parallel_loop3A_785 : i32 to index
          %parallel_loop3A_788 = tpu.vector_load %arg11[%parallel_loop3A_786, %parallel_loop3A_787] {strides = array<i32>} : memref<64x384xf32, #tpu.memory_space<vmem>>, vector<16xf32>,
          tpu.vector_store %arg11[%parallel_loop3A_786, %parallel_loop3A_787], %parallel_loop3A_779 {strides = array<i32>} : memref<64x384xf32, #tpu.memory_space<vmem>>, vector<16xf32>,
          %parallel_loop3A_789 = arith.addf %parallel_loop3A_765, %parallel_loop3A_771 : vector<16xf32>
          %parallel_loop3A_790 = arith.addf %parallel_loop3A_789, %parallel_loop3A_777 : vector<16xf32>
          %parallel_loop3A_791 = arith.constant 13 : i32
          %parallel_loop3A_792 = arith.addi %mul3A_114, %parallel_loop3A_791 : i32
          %parallel_loop3A_793 = arith.constant 2 : i32
          %parallel_loop3A_794 = arith.muli %parallel_loop3A_211, %parallel_loop3A_793 : i32
          %parallel_loop3A_795 = arith.constant 16 : i32
          %parallel_loop3A_796 = arith.muli %parallel_loop3A_794, %parallel_loop3A_795 : i32
          %parallel_loop3A_797 = arith.constant 16 : i32
          %parallel_loop3A_798 = arith.addi %parallel_loop3A_796, %parallel_loop3A_797 : i32
          %parallel_loop3A_799 = arith.index_cast %parallel_loop3A_792 : i32 to index
          %parallel_loop3A_800 = arith.index_cast %parallel_loop3A_798 : i32 to index
          %parallel_loop3A_801 = tpu.vector_load %arg11[%parallel_loop3A_799, %parallel_loop3A_800] {strides = array<i32>} : memref<64x384xf32, #tpu.memory_space<vmem>>, vector<16xf32>,
          tpu.vector_store %arg11[%parallel_loop3A_799, %parallel_loop3A_800], %parallel_loop3A_790 {strides = array<i32>} : memref<64x384xf32, #tpu.memory_space<vmem>>, vector<16xf32>,
          %parallel_loop3A_802 = arith.index_cast %squeeze3A_198 : i32 to index
          %parallel_loop3A_803 = arith.index_cast %parallel_loop3A_213 : i32 to index
          %parallel_loop3A_804 = tpu.vector_load %arg7[%parallel_loop3A_802, %parallel_loop3A_803] {strides = array<i32>} : memref<192x192xi32, #tpu.memory_space<vmem>>, vector<16xi32>,
          %parallel_loop3A_805 = vector.bitcast %parallel_loop3A_804 : vector<16xi32> to vector<32xbf16>
          %parallel_loop3A_806 = tpu.unpack_subelements %parallel_loop3A_805, 0 {pack_format = #tpu.pack_format<interleaved>} : vector<32xbf16> -> vector<16xf32>
          %parallel_loop3A_807 = tpu.unpack_subelements %parallel_loop3A_805, 1 {pack_format = #tpu.pack_format<interleaved>} : vector<32xbf16> -> vector<16xf32>
          %parallel_loop3A_808 = arith.index_cast %squeeze3A_200 : i32 to index
          %parallel_loop3A_809 = arith.index_cast %parallel_loop3A_213 : i32 to index
          %parallel_loop3A_810 = tpu.vector_load %arg7[%parallel_loop3A_808, %parallel_loop3A_809] {strides = array<i32>} : memref<192x192xi32, #tpu.memory_space<vmem>>, vector<16xi32>,
          %parallel_loop3A_811 = vector.bitcast %parallel_loop3A_810 : vector<16xi32> to vector<32xbf16>
          %parallel_loop3A_812 = tpu.unpack_subelements %parallel_loop3A_811, 0 {pack_format = #tpu.pack_format<interleaved>} : vector<32xbf16> -> vector<16xf32>
          %parallel_loop3A_813 = tpu.unpack_subelements %parallel_loop3A_811, 1 {pack_format = #tpu.pack_format<interleaved>} : vector<32xbf16> -> vector<16xf32>
          %parallel_loop3A_814 = arith.index_cast %squeeze3A_202 : i32 to index
          %parallel_loop3A_815 = arith.index_cast %parallel_loop3A_213 : i32 to index
          %parallel_loop3A_816 = tpu.vector_load %arg7[%parallel_loop3A_814, %parallel_loop3A_815] {strides = array<i32>} : memref<192x192xi32, #tpu.memory_space<vmem>>, vector<16xi32>,
          %parallel_loop3A_817 = vector.bitcast %parallel_loop3A_816 : vector<16xi32> to vector<32xbf16>
          %parallel_loop3A_818 = tpu.unpack_subelements %parallel_loop3A_817, 0 {pack_format = #tpu.pack_format<interleaved>} : vector<32xbf16> -> vector<16xf32>
          %parallel_loop3A_819 = tpu.unpack_subelements %parallel_loop3A_817, 1 {pack_format = #tpu.pack_format<interleaved>} : vector<32xbf16> -> vector<16xf32>
          %parallel_loop3A_820 = arith.addf %parallel_loop3A_806, %parallel_loop3A_812 : vector<16xf32>
          %parallel_loop3A_821 = arith.addf %parallel_loop3A_820, %parallel_loop3A_818 : vector<16xf32>
          %parallel_loop3A_822 = arith.constant 14 : i32
          %parallel_loop3A_823 = arith.addi %mul3A_114, %parallel_loop3A_822 : i32
          %parallel_loop3A_824 = arith.constant 2 : i32
          %parallel_loop3A_825 = arith.muli %parallel_loop3A_211, %parallel_loop3A_824 : i32
          %parallel_loop3A_826 = arith.constant 16 : i32
          %parallel_loop3A_827 = arith.muli %parallel_loop3A_825, %parallel_loop3A_826 : i32
          %parallel_loop3A_828 = arith.index_cast %parallel_loop3A_823 : i32 to index
          %parallel_loop3A_829 = arith.index_cast %parallel_loop3A_827 : i32 to index
          %parallel_loop3A_830 = tpu.vector_load %arg11[%parallel_loop3A_828, %parallel_loop3A_829] {strides = array<i32>} : memref<64x384xf32, #tpu.memory_space<vmem>>, vector<16xf32>,
          tpu.vector_store %arg11[%parallel_loop3A_828, %parallel_loop3A_829], %parallel_loop3A_821 {strides = array<i32>} : memref<64x384xf32, #tpu.memory_space<vmem>>, vector<16xf32>,
          %parallel_loop3A_831 = arith.addf %parallel_loop3A_807, %parallel_loop3A_813 : vector<16xf32>
          %parallel_loop3A_832 = arith.addf %parallel_loop3A_831, %parallel_loop3A_819 : vector<16xf32>
          %parallel_loop3A_833 = arith.constant 14 : i32
          %parallel_loop3A_834 = arith.addi %mul3A_114, %parallel_loop3A_833 : i32
          %parallel_loop3A_835 = arith.constant 2 : i32
          %parallel_loop3A_836 = arith.muli %parallel_loop3A_211, %parallel_loop3A_835 : i32
          %parallel_loop3A_837 = arith.constant 16 : i32
          %parallel_loop3A_838 = arith.muli %parallel_loop3A_836, %parallel_loop3A_837 : i32
          %parallel_loop3A_839 = arith.constant 16 : i32
          %parallel_loop3A_840 = arith.addi %parallel_loop3A_838, %parallel_loop3A_839 : i32
          %parallel_loop3A_841 = arith.index_cast %parallel_loop3A_834 : i32 to index
          %parallel_loop3A_842 = arith.index_cast %parallel_loop3A_840 : i32 to index
          %parallel_loop3A_843 = tpu.vector_load %arg11[%parallel_loop3A_841, %parallel_loop3A_842] {strides = array<i32>} : memref<64x384xf32, #tpu.memory_space<vmem>>, vector<16xf32>,
          tpu.vector_store %arg11[%parallel_loop3A_841, %parallel_loop3A_842], %parallel_loop3A_832 {strides = array<i32>} : memref<64x384xf32, #tpu.memory_space<vmem>>, vector<16xf32>,
          %parallel_loop3A_844 = arith.index_cast %squeeze3A_204 : i32 to index
          %parallel_loop3A_845 = arith.index_cast %parallel_loop3A_213 : i32 to index
          %parallel_loop3A_846 = tpu.vector_load %arg7[%parallel_loop3A_844, %parallel_loop3A_845] {strides = array<i32>} : memref<192x192xi32, #tpu.memory_space<vmem>>, vector<16xi32>,
          %parallel_loop3A_847 = vector.bitcast %parallel_loop3A_846 : vector<16xi32> to vector<32xbf16>
          %parallel_loop3A_848 = tpu.unpack_subelements %parallel_loop3A_847, 0 {pack_format = #tpu.pack_format<interleaved>} : vector<32xbf16> -> vector<16xf32>
          %parallel_loop3A_849 = tpu.unpack_subelements %parallel_loop3A_847, 1 {pack_format = #tpu.pack_format<interleaved>} : vector<32xbf16> -> vector<16xf32>
          %parallel_loop3A_850 = arith.index_cast %squeeze3A_206 : i32 to index
          %parallel_loop3A_851 = arith.index_cast %parallel_loop3A_213 : i32 to index
          %parallel_loop3A_852 = tpu.vector_load %arg7[%parallel_loop3A_850, %parallel_loop3A_851] {strides = array<i32>} : memref<192x192xi32, #tpu.memory_space<vmem>>, vector<16xi32>,
          %parallel_loop3A_853 = vector.bitcast %parallel_loop3A_852 : vector<16xi32> to vector<32xbf16>
          %parallel_loop3A_854 = tpu.unpack_subelements %parallel_loop3A_853, 0 {pack_format = #tpu.pack_format<interleaved>} : vector<32xbf16> -> vector<16xf32>
          %parallel_loop3A_855 = tpu.unpack_subelements %parallel_loop3A_853, 1 {pack_format = #tpu.pack_format<interleaved>} : vector<32xbf16> -> vector<16xf32>
          %parallel_loop3A_856 = arith.index_cast %squeeze3A_208 : i32 to index
          %parallel_loop3A_857 = arith.index_cast %parallel_loop3A_213 : i32 to index
          %parallel_loop3A_858 = tpu.vector_load %arg7[%parallel_loop3A_856, %parallel_loop3A_857] {strides = array<i32>} : memref<192x192xi32, #tpu.memory_space<vmem>>, vector<16xi32>,
          %parallel_loop3A_859 = vector.bitcast %parallel_loop3A_858 : vector<16xi32> to vector<32xbf16>
          %parallel_loop3A_860 = tpu.unpack_subelements %parallel_loop3A_859, 0 {pack_format = #tpu.pack_format<interleaved>} : vector<32xbf16> -> vector<16xf32>
          %parallel_loop3A_861 = tpu.unpack_subelements %parallel_loop3A_859, 1 {pack_format = #tpu.pack_format<interleaved>} : vector<32xbf16> -> vector<16xf32>
          %parallel_loop3A_862 = arith.addf %parallel_loop3A_848, %parallel_loop3A_854 : vector<16xf32>
          %parallel_loop3A_863 = arith.addf %parallel_loop3A_862, %parallel_loop3A_860 : vector<16xf32>
          %parallel_loop3A_864 = arith.constant 15 : i32
          %parallel_loop3A_865 = arith.addi %mul3A_114, %parallel_loop3A_864 : i32
          %parallel_loop3A_866 = arith.constant 2 : i32
          %parallel_loop3A_867 = arith.muli %parallel_loop3A_211, %parallel_loop3A_866 : i32
          %parallel_loop3A_868 = arith.constant 16 : i32
          %parallel_loop3A_869 = arith.muli %parallel_loop3A_867, %parallel_loop3A_868 : i32
          %parallel_loop3A_870 = arith.index_cast %parallel_loop3A_865 : i32 to index
          %parallel_loop3A_871 = arith.index_cast %parallel_loop3A_869 : i32 to index
          %parallel_loop3A_872 = tpu.vector_load %arg11[%parallel_loop3A_870, %parallel_loop3A_871] {strides = array<i32>} : memref<64x384xf32, #tpu.memory_space<vmem>>, vector<16xf32>,
          tpu.vector_store %arg11[%parallel_loop3A_870, %parallel_loop3A_871], %parallel_loop3A_863 {strides = array<i32>} : memref<64x384xf32, #tpu.memory_space<vmem>>, vector<16xf32>,
          %parallel_loop3A_873 = arith.addf %parallel_loop3A_849, %parallel_loop3A_855 : vector<16xf32>
          %parallel_loop3A_874 = arith.addf %parallel_loop3A_873, %parallel_loop3A_861 : vector<16xf32>
          %parallel_loop3A_875 = arith.constant 15 : i32
          %parallel_loop3A_876 = arith.addi %mul3A_114, %parallel_loop3A_875 : i32
          %parallel_loop3A_877 = arith.constant 2 : i32
          %parallel_loop3A_878 = arith.muli %parallel_loop3A_211, %parallel_loop3A_877 : i32
          %parallel_loop3A_879 = arith.constant 16 : i32
          %parallel_loop3A_880 = arith.muli %parallel_loop3A_878, %parallel_loop3A_879 : i32
          %parallel_loop3A_881 = arith.constant 16 : i32
          %parallel_loop3A_882 = arith.addi %parallel_loop3A_880, %parallel_loop3A_881 : i32
          %parallel_loop3A_883 = arith.index_cast %parallel_loop3A_876 : i32 to index
          %parallel_loop3A_884 = arith.index_cast %parallel_loop3A_882 : i32 to index
          %parallel_loop3A_885 = tpu.vector_load %arg11[%parallel_loop3A_883, %parallel_loop3A_884] {strides = array<i32>} : memref<64x384xf32, #tpu.memory_space<vmem>>, vector<16xf32>,
          tpu.vector_store %arg11[%parallel_loop3A_883, %parallel_loop3A_884], %parallel_loop3A_874 {strides = array<i32>} : memref<64x384xf32, #tpu.memory_space<vmem>>, vector<16xf32>,
        } {sc.loop_unroll_factor = 4 : i64, sc.parallel_access}
      }
      %scan3A_69 = arith.constant 4 : i32
      %mul3A_70 = arith.constant 64 : i32
      %mul3A_71 = arith.muli %add3A_61, %mul3A_70 : i32
      %add3A_72 = arith.addi %mul3A_34, %mul3A_71 : i32
      %dma_start3A = arith.constant 0 : i32
      %dma_start3A_73 = tpu.memref_slice %arg6[%select_n3A, %add3A_72, %dma_start3A] : memref<4x16384x384xf32, #tpu.memory_space<hbm>> -> memref<1x64x384xf32, #tpu.memory_space<hbm>>
      %dma_start3A_74 = tpu.memref_squeeze %dma_start3A_73 : memref<1x64x384xf32, #tpu.memory_space<hbm>> -> memref<64x384xf32, #tpu.memory_space<hbm>>
      %dma_start3A_75 = arith.constant 0 : i32
      %dma_start3A_76 = tpu.memref_slice %arg6[%select_n3A, %add3A_72, %dma_start3A_75] : memref<4x16384x384xf32, #tpu.memory_space<hbm>> -> memref<1x64x384xf32, #tpu.memory_space<hbm>>
      %dma_start3A_77 = tpu.memref_squeeze %dma_start3A_76 : memref<1x64x384xf32, #tpu.memory_space<hbm>> -> memref<64x384xf32, #tpu.memory_space<hbm>>
      tpu.enqueue_dma source(%arg11 : memref<64x384xf32, #tpu.memory_space<vmem>>) target(%dma_start3A_77 : memref<64x384xf32, #tpu.memory_space<hbm>>) target_semaphore(%arg13 : memref<!tpu.dma_semaphore, #tpu.memory_space<semaphore_mem>>)
      %mul3A_78 = arith.constant 2 : i32
      %mul3A_79 = arith.muli %scan3A_57, %mul3A_78 : i32
      %add3A_80 = arith.constant 1 : i32
      %add3A_81 = arith.addi %mul3A_79, %add3A_80 : i32
      %ge3A_82 = arith.constant 1 : i32
      %ge3A_83 = arith.cmpi sge, %scan3A_57, %ge3A_82 : i32
      %convert_element_type3A_84 = arith.extui %ge3A_83 : i1 to i32
      %cond3A_85 = arith.constant 0 : i32
      %cond3A_86 = arith.cmpi ne, %convert_element_type3A_84, %cond3A_85 : i32
      scf.if %cond3A_86 {
        %dma_wait3A_102 = arith.constant 0 : i32
        %dma_wait3A_103 = arith.constant 0 : i32
        %dma_wait3A_104 = arith.constant 0 : i32
        %dma_wait3A_105 = tpu.memref_slice %arg6[%dma_wait3A_102, %dma_wait3A_103, %dma_wait3A_104] : memref<4x16384x384xf32, #tpu.memory_space<hbm>> -> memref<1x64x384xf32, #tpu.memory_space<hbm>>
        %dma_wait3A_106 = tpu.memref_squeeze %dma_wait3A_105 : memref<1x64x384xf32, #tpu.memory_space<hbm>> -> memref<64x384xf32, #tpu.memory_space<hbm>>
        %dma_wait3A_107 = arith.constant 0 : i32
        %dma_wait3A_108 = arith.constant 0 : i32
        %dma_wait3A_109 = tpu.memref_slice %arg6[%dma_wait3A_102, %dma_wait3A_107, %dma_wait3A_108] : memref<4x16384x384xf32, #tpu.memory_space<hbm>> -> memref<1x64x384xf32, #tpu.memory_space<hbm>>
        %dma_wait3A_110 = tpu.memref_squeeze %dma_wait3A_109 : memref<1x64x384xf32, #tpu.memory_space<hbm>> -> memref<64x384xf32, #tpu.memory_space<hbm>>
        tpu.wait_dma2 semaphore(%arg14 : memref<!tpu.dma_semaphore, #tpu.memory_space<semaphore_mem>>) src(%arg12 : memref<64x384xf32, #tpu.memory_space<vmem>>) dst(%dma_wait3A_110 : memref<64x384xf32, #tpu.memory_space<hbm>>)
      } else {
      }
      %scan3A_87 = arith.constant 0 : i32
      %scan3A_88 = arith.constant 0 : i32
      %scan3A_89 = arith.constant 4 : i32
      %scan3A_90 = arith.addi %scan3A_88, %scan3A_89 : i32
      %scan3A_91 = arith.constant 1 : i32
      scf.for %scan3A_102 = %scan3A_88 to %scan3A_90 step %scan3A_91  : i32 {
        %mul3A_103 = arith.constant 64 : i32
        %mul3A_104 = arith.muli %add3A_81, %mul3A_103 : i32
        %mul3A_105 = arith.constant 16 : i32
        %mul3A_106 = arith.muli %scan3A_102, %mul3A_105 : i32
        %add3A_107 = arith.addi %mul3A_104, %mul3A_106 : i32
        %get3A = arith.index_cast %add3A_107 : i32 to index
        %get3A_108 = tpu.vector_load %arg8[%get3A] {strides = array<i32>} : memref<2048xi32, #tpu.memory_space<vmem>>, vector<16xi32>,
        %get3A_109 = arith.index_cast %add3A_107 : i32 to index
        %get3A_110 = tpu.vector_load %arg9[%get3A_109] {strides = array<i32>} : memref<2048xi32, #tpu.memory_space<vmem>>, vector<16xi32>,
        %get3A_111 = arith.index_cast %add3A_107 : i32 to index
        %get3A_112 = tpu.vector_load %arg10[%get3A_111] {strides = array<i32>} : memref<2048xi32, #tpu.memory_space<vmem>>, vector<16xi32>,
        %mul3A_113 = arith.constant 16 : i32
        %mul3A_114 = arith.muli %scan3A_102, %mul3A_113 : i32
        %slice3A = vector.extract_strided_slice %get3A_108 {offsets = [0], sizes = [1], strides = [1]} : vector<16xi32> to vector<1xi32>
        %squeeze3A = vector.extract %slice3A[0] : i32 from vector<1xi32>
        %slice3A_115 = vector.extract_strided_slice %get3A_110 {offsets = [0], sizes = [1], strides = [1]} : vector<16xi32> to vector<1xi32>
        %squeeze3A_116 = vector.extract %slice3A_115[0] : i32 from vector<1xi32>
        %slice3A_117 = vector.extract_strided_slice %get3A_112 {offsets = [0], sizes = [1], strides = [1]} : vector<16xi32> to vector<1xi32>
        %squeeze3A_118 = vector.extract %slice3A_117[0] : i32 from vector<1xi32>
        %slice3A_119 = vector.extract_strided_slice %get3A_108 {offsets = [1], sizes = [1], strides = [1]} : vector<16xi32> to vector<1xi32>
        %squeeze3A_120 = vector.extract %slice3A_119[0] : i32 from vector<1xi32>
        %slice3A_121 = vector.extract_strided_slice %get3A_110 {offsets = [1], sizes = [1], strides = [1]} : vector<16xi32> to vector<1xi32>
        %squeeze3A_122 = vector.extract %slice3A_121[0] : i32 from vector<1xi32>
        %slice3A_123 = vector.extract_strided_slice %get3A_112 {offsets = [1], sizes = [1], strides = [1]} : vector<16xi32> to vector<1xi32>
        %squeeze3A_124 = vector.extract %slice3A_123[0] : i32 from vector<1xi32>
        %slice3A_125 = vector.extract_strided_slice %get3A_108 {offsets = [2], sizes = [1], strides = [1]} : vector<16xi32> to vector<1xi32>
        %squeeze3A_126 = vector.extract %slice3A_125[0] : i32 from vector<1xi32>
        %slice3A_127 = vector.extract_strided_slice %get3A_110 {offsets = [2], sizes = [1], strides = [1]} : vector<16xi32> to vector<1xi32>
        %squeeze3A_128 = vector.extract %slice3A_127[0] : i32 from vector<1xi32>
        %slice3A_129 = vector.extract_strided_slice %get3A_112 {offsets = [2], sizes = [1], strides = [1]} : vector<16xi32> to vector<1xi32>
        %squeeze3A_130 = vector.extract %slice3A_129[0] : i32 from vector<1xi32>
        %slice3A_131 = vector.extract_strided_slice %get3A_108 {offsets = [3], sizes = [1], strides = [1]} : vector<16xi32> to vector<1xi32>
        %squeeze3A_132 = vector.extract %slice3A_131[0] : i32 from vector<1xi32>
        %slice3A_133 = vector.extract_strided_slice %get3A_110 {offsets = [3], sizes = [1], strides = [1]} : vector<16xi32> to vector<1xi32>
        %squeeze3A_134 = vector.extract %slice3A_133[0] : i32 from vector<1xi32>
        %slice3A_135 = vector.extract_strided_slice %get3A_112 {offsets = [3], sizes = [1], strides = [1]} : vector<16xi32> to vector<1xi32>
        %squeeze3A_136 = vector.extract %slice3A_135[0] : i32 from vector<1xi32>
        %slice3A_137 = vector.extract_strided_slice %get3A_108 {offsets = [4], sizes = [1], strides = [1]} : vector<16xi32> to vector<1xi32>
        %squeeze3A_138 = vector.extract %slice3A_137[0] : i32 from vector<1xi32>
        %slice3A_139 = vector.extract_strided_slice %get3A_110 {offsets = [4], sizes = [1], strides = [1]} : vector<16xi32> to vector<1xi32>
        %squeeze3A_140 = vector.extract %slice3A_139[0] : i32 from vector<1xi32>
        %slice3A_141 = vector.extract_strided_slice %get3A_112 {offsets = [4], sizes = [1], strides = [1]} : vector<16xi32> to vector<1xi32>
        %squeeze3A_142 = vector.extract %slice3A_141[0] : i32 from vector<1xi32>
        %slice3A_143 = vector.extract_strided_slice %get3A_108 {offsets = [5], sizes = [1], strides = [1]} : vector<16xi32> to vector<1xi32>
        %squeeze3A_144 = vector.extract %slice3A_143[0] : i32 from vector<1xi32>
        %slice3A_145 = vector.extract_strided_slice %get3A_110 {offsets = [5], sizes = [1], strides = [1]} : vector<16xi32> to vector<1xi32>
        %squeeze3A_146 = vector.extract %slice3A_145[0] : i32 from vector<1xi32>
        %slice3A_147 = vector.extract_strided_slice %get3A_112 {offsets = [5], sizes = [1], strides = [1]} : vector<16xi32> to vector<1xi32>
        %squeeze3A_148 = vector.extract %slice3A_147[0] : i32 from vector<1xi32>
        %slice3A_149 = vector.extract_strided_slice %get3A_108 {offsets = [6], sizes = [1], strides = [1]} : vector<16xi32> to vector<1xi32>
        %squeeze3A_150 = vector.extract %slice3A_149[0] : i32 from vector<1xi32>
        %slice3A_151 = vector.extract_strided_slice %get3A_110 {offsets = [6], sizes = [1], strides = [1]} : vector<16xi32> to vector<1xi32>
        %squeeze3A_152 = vector.extract %slice3A_151[0] : i32 from vector<1xi32>
        %slice3A_153 = vector.extract_strided_slice %get3A_112 {offsets = [6], sizes = [1], strides = [1]} : vector<16xi32> to vector<1xi32>
        %squeeze3A_154 = vector.extract %slice3A_153[0] : i32 from vector<1xi32>
        %slice3A_155 = vector.extract_strided_slice %get3A_108 {offsets = [7], sizes = [1], strides = [1]} : vector<16xi32> to vector<1xi32>
        %squeeze3A_156 = vector.extract %slice3A_155[0] : i32 from vector<1xi32>
        %slice3A_157 = vector.extract_strided_slice %get3A_110 {offsets = [7], sizes = [1], strides = [1]} : vector<16xi32> to vector<1xi32>
        %squeeze3A_158 = vector.extract %slice3A_157[0] : i32 from vector<1xi32>
        %slice3A_159 = vector.extract_strided_slice %get3A_112 {offsets = [7], sizes = [1], strides = [1]} : vector<16xi32> to vector<1xi32>
        %squeeze3A_160 = vector.extract %slice3A_159[0] : i32 from vector<1xi32>
        %slice3A_161 = vector.extract_strided_slice %get3A_108 {offsets = [8], sizes = [1], strides = [1]} : vector<16xi32> to vector<1xi32>
        %squeeze3A_162 = vector.extract %slice3A_161[0] : i32 from vector<1xi32>
        %slice3A_163 = vector.extract_strided_slice %get3A_110 {offsets = [8], sizes = [1], strides = [1]} : vector<16xi32> to vector<1xi32>
        %squeeze3A_164 = vector.extract %slice3A_163[0] : i32 from vector<1xi32>
        %slice3A_165 = vector.extract_strided_slice %get3A_112 {offsets = [8], sizes = [1], strides = [1]} : vector<16xi32> to vector<1xi32>
        %squeeze3A_166 = vector.extract %slice3A_165[0] : i32 from vector<1xi32>
        %slice3A_167 = vector.extract_strided_slice %get3A_108 {offsets = [9], sizes = [1], strides = [1]} : vector<16xi32> to vector<1xi32>
        %squeeze3A_168 = vector.extract %slice3A_167[0] : i32 from vector<1xi32>
        %slice3A_169 = vector.extract_strided_slice %get3A_110 {offsets = [9], sizes = [1], strides = [1]} : vector<16xi32> to vector<1xi32>
        %squeeze3A_170 = vector.extract %slice3A_169[0] : i32 from vector<1xi32>
        %slice3A_171 = vector.extract_strided_slice %get3A_112 {offsets = [9], sizes = [1], strides = [1]} : vector<16xi32> to vector<1xi32>
        %squeeze3A_172 = vector.extract %slice3A_171[0] : i32 from vector<1xi32>
        %slice3A_173 = vector.extract_strided_slice %get3A_108 {offsets = [10], sizes = [1], strides = [1]} : vector<16xi32> to vector<1xi32>
        %squeeze3A_174 = vector.extract %slice3A_173[0] : i32 from vector<1xi32>
        %slice3A_175 = vector.extract_strided_slice %get3A_110 {offsets = [10], sizes = [1], strides = [1]} : vector<16xi32> to vector<1xi32>
        %squeeze3A_176 = vector.extract %slice3A_175[0] : i32 from vector<1xi32>
        %slice3A_177 = vector.extract_strided_slice %get3A_112 {offsets = [10], sizes = [1], strides = [1]} : vector<16xi32> to vector<1xi32>
        %squeeze3A_178 = vector.extract %slice3A_177[0] : i32 from vector<1xi32>
        %slice3A_179 = vector.extract_strided_slice %get3A_108 {offsets = [11], sizes = [1], strides = [1]} : vector<16xi32> to vector<1xi32>
        %squeeze3A_180 = vector.extract %slice3A_179[0] : i32 from vector<1xi32>
        %slice3A_181 = vector.extract_strided_slice %get3A_110 {offsets = [11], sizes = [1], strides = [1]} : vector<16xi32> to vector<1xi32>
        %squeeze3A_182 = vector.extract %slice3A_181[0] : i32 from vector<1xi32>
        %slice3A_183 = vector.extract_strided_slice %get3A_112 {offsets = [11], sizes = [1], strides = [1]} : vector<16xi32> to vector<1xi32>
        %squeeze3A_184 = vector.extract %slice3A_183[0] : i32 from vector<1xi32>
        %slice3A_185 = vector.extract_strided_slice %get3A_108 {offsets = [12], sizes = [1], strides = [1]} : vector<16xi32> to vector<1xi32>
        %squeeze3A_186 = vector.extract %slice3A_185[0] : i32 from vector<1xi32>
        %slice3A_187 = vector.extract_strided_slice %get3A_110 {offsets = [12], sizes = [1], strides = [1]} : vector<16xi32> to vector<1xi32>
        %squeeze3A_188 = vector.extract %slice3A_187[0] : i32 from vector<1xi32>
        %slice3A_189 = vector.extract_strided_slice %get3A_112 {offsets = [12], sizes = [1], strides = [1]} : vector<16xi32> to vector<1xi32>
        %squeeze3A_190 = vector.extract %slice3A_189[0] : i32 from vector<1xi32>
        %slice3A_191 = vector.extract_strided_slice %get3A_108 {offsets = [13], sizes = [1], strides = [1]} : vector<16xi32> to vector<1xi32>
        %squeeze3A_192 = vector.extract %slice3A_191[0] : i32 from vector<1xi32>
        %slice3A_193 = vector.extract_strided_slice %get3A_110 {offsets = [13], sizes = [1], strides = [1]} : vector<16xi32> to vector<1xi32>
        %squeeze3A_194 = vector.extract %slice3A_193[0] : i32 from vector<1xi32>
        %slice3A_195 = vector.extract_strided_slice %get3A_112 {offsets = [13], sizes = [1], strides = [1]} : vector<16xi32> to vector<1xi32>
        %squeeze3A_196 = vector.extract %slice3A_195[0] : i32 from vector<1xi32>
        %slice3A_197 = vector.extract_strided_slice %get3A_108 {offsets = [14], sizes = [1], strides = [1]} : vector<16xi32> to vector<1xi32>
        %squeeze3A_198 = vector.extract %slice3A_197[0] : i32 from vector<1xi32>
        %slice3A_199 = vector.extract_strided_slice %get3A_110 {offsets = [14], sizes = [1], strides = [1]} : vector<16xi32> to vector<1xi32>
        %squeeze3A_200 = vector.extract %slice3A_199[0] : i32 from vector<1xi32>
        %slice3A_201 = vector.extract_strided_slice %get3A_112 {offsets = [14], sizes = [1], strides = [1]} : vector<16xi32> to vector<1xi32>
        %squeeze3A_202 = vector.extract %slice3A_201[0] : i32 from vector<1xi32>
        %slice3A_203 = vector.extract_strided_slice %get3A_108 {offsets = [15], sizes = [1], strides = [1]} : vector<16xi32> to vector<1xi32>
        %squeeze3A_204 = vector.extract %slice3A_203[0] : i32 from vector<1xi32>
        %slice3A_205 = vector.extract_strided_slice %get3A_110 {offsets = [15], sizes = [1], strides = [1]} : vector<16xi32> to vector<1xi32>
        %squeeze3A_206 = vector.extract %slice3A_205[0] : i32 from vector<1xi32>
        %slice3A_207 = vector.extract_strided_slice %get3A_112 {offsets = [15], sizes = [1], strides = [1]} : vector<16xi32> to vector<1xi32>
        %squeeze3A_208 = vector.extract %slice3A_207[0] : i32 from vector<1xi32>
        %parallel_loop3A = arith.constant 0 : i32
        %parallel_loop3A_209 = arith.constant 12 : i32
        %parallel_loop3A_210 = arith.constant 1 : i32
        scf.for %parallel_loop3A_211 = %parallel_loop3A to %parallel_loop3A_209 step %parallel_loop3A_210  : i32 {
          %parallel_loop3A_212 = arith.constant 16 : i32
          %parallel_loop3A_213 = arith.muli %parallel_loop3A_211, %parallel_loop3A_212 : i32
          %parallel_loop3A_214 = arith.index_cast %squeeze3A : i32 to index
          %parallel_loop3A_215 = arith.index_cast %parallel_loop3A_213 : i32 to index
          %parallel_loop3A_216 = tpu.vector_load %arg7[%parallel_loop3A_214, %parallel_loop3A_215] {strides = array<i32>} : memref<192x192xi32, #tpu.memory_space<vmem>>, vector<16xi32>,
          %parallel_loop3A_217 = vector.bitcast %parallel_loop3A_216 : vector<16xi32> to vector<32xbf16>
          %parallel_loop3A_218 = tpu.unpack_subelements %parallel_loop3A_217, 0 {pack_format = #tpu.pack_format<interleaved>} : vector<32xbf16> -> vector<16xf32>
          %parallel_loop3A_219 = tpu.unpack_subelements %parallel_loop3A_217, 1 {pack_format = #tpu.pack_format<interleaved>} : vector<32xbf16> -> vector<16xf32>
          %parallel_loop3A_220 = arith.index_cast %squeeze3A_116 : i32 to index
          %parallel_loop3A_221 = arith.index_cast %parallel_loop3A_213 : i32 to index
          %parallel_loop3A_222 = tpu.vector_load %arg7[%parallel_loop3A_220, %parallel_loop3A_221] {strides = array<i32>} : memref<192x192xi32, #tpu.memory_space<vmem>>, vector<16xi32>,
          %parallel_loop3A_223 = vector.bitcast %parallel_loop3A_222 : vector<16xi32> to vector<32xbf16>
          %parallel_loop3A_224 = tpu.unpack_subelements %parallel_loop3A_223, 0 {pack_format = #tpu.pack_format<interleaved>} : vector<32xbf16> -> vector<16xf32>
          %parallel_loop3A_225 = tpu.unpack_subelements %parallel_loop3A_223, 1 {pack_format = #tpu.pack_format<interleaved>} : vector<32xbf16> -> vector<16xf32>
          %parallel_loop3A_226 = arith.index_cast %squeeze3A_118 : i32 to index
          %parallel_loop3A_227 = arith.index_cast %parallel_loop3A_213 : i32 to index
          %parallel_loop3A_228 = tpu.vector_load %arg7[%parallel_loop3A_226, %parallel_loop3A_227] {strides = array<i32>} : memref<192x192xi32, #tpu.memory_space<vmem>>, vector<16xi32>,
          %parallel_loop3A_229 = vector.bitcast %parallel_loop3A_228 : vector<16xi32> to vector<32xbf16>
          %parallel_loop3A_230 = tpu.unpack_subelements %parallel_loop3A_229, 0 {pack_format = #tpu.pack_format<interleaved>} : vector<32xbf16> -> vector<16xf32>
          %parallel_loop3A_231 = tpu.unpack_subelements %parallel_loop3A_229, 1 {pack_format = #tpu.pack_format<interleaved>} : vector<32xbf16> -> vector<16xf32>
          %parallel_loop3A_232 = arith.addf %parallel_loop3A_218, %parallel_loop3A_224 : vector<16xf32>
          %parallel_loop3A_233 = arith.addf %parallel_loop3A_232, %parallel_loop3A_230 : vector<16xf32>
          %parallel_loop3A_234 = arith.constant 0 : i32
          %parallel_loop3A_235 = arith.addi %mul3A_114, %parallel_loop3A_234 : i32
          %parallel_loop3A_236 = arith.constant 2 : i32
          %parallel_loop3A_237 = arith.muli %parallel_loop3A_211, %parallel_loop3A_236 : i32
          %parallel_loop3A_238 = arith.constant 16 : i32
          %parallel_loop3A_239 = arith.muli %parallel_loop3A_237, %parallel_loop3A_238 : i32
          %parallel_loop3A_240 = arith.index_cast %parallel_loop3A_235 : i32 to index
          %parallel_loop3A_241 = arith.index_cast %parallel_loop3A_239 : i32 to index
          %parallel_loop3A_242 = tpu.vector_load %arg12[%parallel_loop3A_240, %parallel_loop3A_241] {strides = array<i32>} : memref<64x384xf32, #tpu.memory_space<vmem>>, vector<16xf32>,
          tpu.vector_store %arg12[%parallel_loop3A_240, %parallel_loop3A_241], %parallel_loop3A_233 {strides = array<i32>} : memref<64x384xf32, #tpu.memory_space<vmem>>, vector<16xf32>,
          %parallel_loop3A_243 = arith.addf %parallel_loop3A_219, %parallel_loop3A_225 : vector<16xf32>
          %parallel_loop3A_244 = arith.addf %parallel_loop3A_243, %parallel_loop3A_231 : vector<16xf32>
          %parallel_loop3A_245 = arith.constant 0 : i32
          %parallel_loop3A_246 = arith.addi %mul3A_114, %parallel_loop3A_245 : i32
          %parallel_loop3A_247 = arith.constant 2 : i32
          %parallel_loop3A_248 = arith.muli %parallel_loop3A_211, %parallel_loop3A_247 : i32
          %parallel_loop3A_249 = arith.constant 16 : i32
          %parallel_loop3A_250 = arith.muli %parallel_loop3A_248, %parallel_loop3A_249 : i32
          %parallel_loop3A_251 = arith.constant 16 : i32
          %parallel_loop3A_252 = arith.addi %parallel_loop3A_250, %parallel_loop3A_251 : i32
          %parallel_loop3A_253 = arith.index_cast %parallel_loop3A_246 : i32 to index
          %parallel_loop3A_254 = arith.index_cast %parallel_loop3A_252 : i32 to index
          %parallel_loop3A_255 = tpu.vector_load %arg12[%parallel_loop3A_253, %parallel_loop3A_254] {strides = array<i32>} : memref<64x384xf32, #tpu.memory_space<vmem>>, vector<16xf32>,
          tpu.vector_store %arg12[%parallel_loop3A_253, %parallel_loop3A_254], %parallel_loop3A_244 {strides = array<i32>} : memref<64x384xf32, #tpu.memory_space<vmem>>, vector<16xf32>,
          %parallel_loop3A_256 = arith.index_cast %squeeze3A_120 : i32 to index
          %parallel_loop3A_257 = arith.index_cast %parallel_loop3A_213 : i32 to index
          %parallel_loop3A_258 = tpu.vector_load %arg7[%parallel_loop3A_256, %parallel_loop3A_257] {strides = array<i32>} : memref<192x192xi32, #tpu.memory_space<vmem>>, vector<16xi32>,
          %parallel_loop3A_259 = vector.bitcast %parallel_loop3A_258 : vector<16xi32> to vector<32xbf16>
          %parallel_loop3A_260 = tpu.unpack_subelements %parallel_loop3A_259, 0 {pack_format = #tpu.pack_format<interleaved>} : vector<32xbf16> -> vector<16xf32>
          %parallel_loop3A_261 = tpu.unpack_subelements %parallel_loop3A_259, 1 {pack_format = #tpu.pack_format<interleaved>} : vector<32xbf16> -> vector<16xf32>
          %parallel_loop3A_262 = arith.index_cast %squeeze3A_122 : i32 to index
          %parallel_loop3A_263 = arith.index_cast %parallel_loop3A_213 : i32 to index
          %parallel_loop3A_264 = tpu.vector_load %arg7[%parallel_loop3A_262, %parallel_loop3A_263] {strides = array<i32>} : memref<192x192xi32, #tpu.memory_space<vmem>>, vector<16xi32>,
          %parallel_loop3A_265 = vector.bitcast %parallel_loop3A_264 : vector<16xi32> to vector<32xbf16>
          %parallel_loop3A_266 = tpu.unpack_subelements %parallel_loop3A_265, 0 {pack_format = #tpu.pack_format<interleaved>} : vector<32xbf16> -> vector<16xf32>
          %parallel_loop3A_267 = tpu.unpack_subelements %parallel_loop3A_265, 1 {pack_format = #tpu.pack_format<interleaved>} : vector<32xbf16> -> vector<16xf32>
          %parallel_loop3A_268 = arith.index_cast %squeeze3A_124 : i32 to index
          %parallel_loop3A_269 = arith.index_cast %parallel_loop3A_213 : i32 to index
          %parallel_loop3A_270 = tpu.vector_load %arg7[%parallel_loop3A_268, %parallel_loop3A_269] {strides = array<i32>} : memref<192x192xi32, #tpu.memory_space<vmem>>, vector<16xi32>,
          %parallel_loop3A_271 = vector.bitcast %parallel_loop3A_270 : vector<16xi32> to vector<32xbf16>
          %parallel_loop3A_272 = tpu.unpack_subelements %parallel_loop3A_271, 0 {pack_format = #tpu.pack_format<interleaved>} : vector<32xbf16> -> vector<16xf32>
          %parallel_loop3A_273 = tpu.unpack_subelements %parallel_loop3A_271, 1 {pack_format = #tpu.pack_format<interleaved>} : vector<32xbf16> -> vector<16xf32>
          %parallel_loop3A_274 = arith.addf %parallel_loop3A_260, %parallel_loop3A_266 : vector<16xf32>
          %parallel_loop3A_275 = arith.addf %parallel_loop3A_274, %parallel_loop3A_272 : vector<16xf32>
          %parallel_loop3A_276 = arith.constant 1 : i32
          %parallel_loop3A_277 = arith.addi %mul3A_114, %parallel_loop3A_276 : i32
          %parallel_loop3A_278 = arith.constant 2 : i32
          %parallel_loop3A_279 = arith.muli %parallel_loop3A_211, %parallel_loop3A_278 : i32
          %parallel_loop3A_280 = arith.constant 16 : i32
          %parallel_loop3A_281 = arith.muli %parallel_loop3A_279, %parallel_loop3A_280 : i32
          %parallel_loop3A_282 = arith.index_cast %parallel_loop3A_277 : i32 to index
          %parallel_loop3A_283 = arith.index_cast %parallel_loop3A_281 : i32 to index
          %parallel_loop3A_284 = tpu.vector_load %arg12[%parallel_loop3A_282, %parallel_loop3A_283] {strides = array<i32>} : memref<64x384xf32, #tpu.memory_space<vmem>>, vector<16xf32>,
          tpu.vector_store %arg12[%parallel_loop3A_282, %parallel_loop3A_283], %parallel_loop3A_275 {strides = array<i32>} : memref<64x384xf32, #tpu.memory_space<vmem>>, vector<16xf32>,
          %parallel_loop3A_285 = arith.addf %parallel_loop3A_261, %parallel_loop3A_267 : vector<16xf32>
          %parallel_loop3A_286 = arith.addf %parallel_loop3A_285, %parallel_loop3A_273 : vector<16xf32>
          %parallel_loop3A_287 = arith.constant 1 : i32
          %parallel_loop3A_288 = arith.addi %mul3A_114, %parallel_loop3A_287 : i32
          %parallel_loop3A_289 = arith.constant 2 : i32
          %parallel_loop3A_290 = arith.muli %parallel_loop3A_211, %parallel_loop3A_289 : i32
          %parallel_loop3A_291 = arith.constant 16 : i32
          %parallel_loop3A_292 = arith.muli %parallel_loop3A_290, %parallel_loop3A_291 : i32
          %parallel_loop3A_293 = arith.constant 16 : i32
          %parallel_loop3A_294 = arith.addi %parallel_loop3A_292, %parallel_loop3A_293 : i32
          %parallel_loop3A_295 = arith.index_cast %parallel_loop3A_288 : i32 to index
          %parallel_loop3A_296 = arith.index_cast %parallel_loop3A_294 : i32 to index
          %parallel_loop3A_297 = tpu.vector_load %arg12[%parallel_loop3A_295, %parallel_loop3A_296] {strides = array<i32>} : memref<64x384xf32, #tpu.memory_space<vmem>>, vector<16xf32>,
          tpu.vector_store %arg12[%parallel_loop3A_295, %parallel_loop3A_296], %parallel_loop3A_286 {strides = array<i32>} : memref<64x384xf32, #tpu.memory_space<vmem>>, vector<16xf32>,
          %parallel_loop3A_298 = arith.index_cast %squeeze3A_126 : i32 to index
          %parallel_loop3A_299 = arith.index_cast %parallel_loop3A_213 : i32 to index
          %parallel_loop3A_300 = tpu.vector_load %arg7[%parallel_loop3A_298, %parallel_loop3A_299] {strides = array<i32>} : memref<192x192xi32, #tpu.memory_space<vmem>>, vector<16xi32>,
          %parallel_loop3A_301 = vector.bitcast %parallel_loop3A_300 : vector<16xi32> to vector<32xbf16>
          %parallel_loop3A_302 = tpu.unpack_subelements %parallel_loop3A_301, 0 {pack_format = #tpu.pack_format<interleaved>} : vector<32xbf16> -> vector<16xf32>
          %parallel_loop3A_303 = tpu.unpack_subelements %parallel_loop3A_301, 1 {pack_format = #tpu.pack_format<interleaved>} : vector<32xbf16> -> vector<16xf32>
          %parallel_loop3A_304 = arith.index_cast %squeeze3A_128 : i32 to index
          %parallel_loop3A_305 = arith.index_cast %parallel_loop3A_213 : i32 to index
          %parallel_loop3A_306 = tpu.vector_load %arg7[%parallel_loop3A_304, %parallel_loop3A_305] {strides = array<i32>} : memref<192x192xi32, #tpu.memory_space<vmem>>, vector<16xi32>,
          %parallel_loop3A_307 = vector.bitcast %parallel_loop3A_306 : vector<16xi32> to vector<32xbf16>
          %parallel_loop3A_308 = tpu.unpack_subelements %parallel_loop3A_307, 0 {pack_format = #tpu.pack_format<interleaved>} : vector<32xbf16> -> vector<16xf32>
          %parallel_loop3A_309 = tpu.unpack_subelements %parallel_loop3A_307, 1 {pack_format = #tpu.pack_format<interleaved>} : vector<32xbf16> -> vector<16xf32>
          %parallel_loop3A_310 = arith.index_cast %squeeze3A_130 : i32 to index
          %parallel_loop3A_311 = arith.index_cast %parallel_loop3A_213 : i32 to index
          %parallel_loop3A_312 = tpu.vector_load %arg7[%parallel_loop3A_310, %parallel_loop3A_311] {strides = array<i32>} : memref<192x192xi32, #tpu.memory_space<vmem>>, vector<16xi32>,
          %parallel_loop3A_313 = vector.bitcast %parallel_loop3A_312 : vector<16xi32> to vector<32xbf16>
          %parallel_loop3A_314 = tpu.unpack_subelements %parallel_loop3A_313, 0 {pack_format = #tpu.pack_format<interleaved>} : vector<32xbf16> -> vector<16xf32>
          %parallel_loop3A_315 = tpu.unpack_subelements %parallel_loop3A_313, 1 {pack_format = #tpu.pack_format<interleaved>} : vector<32xbf16> -> vector<16xf32>
          %parallel_loop3A_316 = arith.addf %parallel_loop3A_302, %parallel_loop3A_308 : vector<16xf32>
          %parallel_loop3A_317 = arith.addf %parallel_loop3A_316, %parallel_loop3A_314 : vector<16xf32>
          %parallel_loop3A_318 = arith.constant 2 : i32
          %parallel_loop3A_319 = arith.addi %mul3A_114, %parallel_loop3A_318 : i32
          %parallel_loop3A_320 = arith.constant 2 : i32
          %parallel_loop3A_321 = arith.muli %parallel_loop3A_211, %parallel_loop3A_320 : i32
          %parallel_loop3A_322 = arith.constant 16 : i32
          %parallel_loop3A_323 = arith.muli %parallel_loop3A_321, %parallel_loop3A_322 : i32
          %parallel_loop3A_324 = arith.index_cast %parallel_loop3A_319 : i32 to index
          %parallel_loop3A_325 = arith.index_cast %parallel_loop3A_323 : i32 to index
          %parallel_loop3A_326 = tpu.vector_load %arg12[%parallel_loop3A_324, %parallel_loop3A_325] {strides = array<i32>} : memref<64x384xf32, #tpu.memory_space<vmem>>, vector<16xf32>,
          tpu.vector_store %arg12[%parallel_loop3A_324, %parallel_loop3A_325], %parallel_loop3A_317 {strides = array<i32>} : memref<64x384xf32, #tpu.memory_space<vmem>>, vector<16xf32>,
          %parallel_loop3A_327 = arith.addf %parallel_loop3A_303, %parallel_loop3A_309 : vector<16xf32>
          %parallel_loop3A_328 = arith.addf %parallel_loop3A_327, %parallel_loop3A_315 : vector<16xf32>
          %parallel_loop3A_329 = arith.constant 2 : i32
          %parallel_loop3A_330 = arith.addi %mul3A_114, %parallel_loop3A_329 : i32
          %parallel_loop3A_331 = arith.constant 2 : i32
          %parallel_loop3A_332 = arith.muli %parallel_loop3A_211, %parallel_loop3A_331 : i32
          %parallel_loop3A_333 = arith.constant 16 : i32
          %parallel_loop3A_334 = arith.muli %parallel_loop3A_332, %parallel_loop3A_333 : i32
          %parallel_loop3A_335 = arith.constant 16 : i32
          %parallel_loop3A_336 = arith.addi %parallel_loop3A_334, %parallel_loop3A_335 : i32
          %parallel_loop3A_337 = arith.index_cast %parallel_loop3A_330 : i32 to index
          %parallel_loop3A_338 = arith.index_cast %parallel_loop3A_336 : i32 to index
          %parallel_loop3A_339 = tpu.vector_load %arg12[%parallel_loop3A_337, %parallel_loop3A_338] {strides = array<i32>} : memref<64x384xf32, #tpu.memory_space<vmem>>, vector<16xf32>,
          tpu.vector_store %arg12[%parallel_loop3A_337, %parallel_loop3A_338], %parallel_loop3A_328 {strides = array<i32>} : memref<64x384xf32, #tpu.memory_space<vmem>>, vector<16xf32>,
          %parallel_loop3A_340 = arith.index_cast %squeeze3A_132 : i32 to index
          %parallel_loop3A_341 = arith.index_cast %parallel_loop3A_213 : i32 to index
          %parallel_loop3A_342 = tpu.vector_load %arg7[%parallel_loop3A_340, %parallel_loop3A_341] {strides = array<i32>} : memref<192x192xi32, #tpu.memory_space<vmem>>, vector<16xi32>,
          %parallel_loop3A_343 = vector.bitcast %parallel_loop3A_342 : vector<16xi32> to vector<32xbf16>
          %parallel_loop3A_344 = tpu.unpack_subelements %parallel_loop3A_343, 0 {pack_format = #tpu.pack_format<interleaved>} : vector<32xbf16> -> vector<16xf32>
          %parallel_loop3A_345 = tpu.unpack_subelements %parallel_loop3A_343, 1 {pack_format = #tpu.pack_format<interleaved>} : vector<32xbf16> -> vector<16xf32>
          %parallel_loop3A_346 = arith.index_cast %squeeze3A_134 : i32 to index
          %parallel_loop3A_347 = arith.index_cast %parallel_loop3A_213 : i32 to index
          %parallel_loop3A_348 = tpu.vector_load %arg7[%parallel_loop3A_346, %parallel_loop3A_347] {strides = array<i32>} : memref<192x192xi32, #tpu.memory_space<vmem>>, vector<16xi32>,
          %parallel_loop3A_349 = vector.bitcast %parallel_loop3A_348 : vector<16xi32> to vector<32xbf16>
          %parallel_loop3A_350 = tpu.unpack_subelements %parallel_loop3A_349, 0 {pack_format = #tpu.pack_format<interleaved>} : vector<32xbf16> -> vector<16xf32>
          %parallel_loop3A_351 = tpu.unpack_subelements %parallel_loop3A_349, 1 {pack_format = #tpu.pack_format<interleaved>} : vector<32xbf16> -> vector<16xf32>
          %parallel_loop3A_352 = arith.index_cast %squeeze3A_136 : i32 to index
          %parallel_loop3A_353 = arith.index_cast %parallel_loop3A_213 : i32 to index
          %parallel_loop3A_354 = tpu.vector_load %arg7[%parallel_loop3A_352, %parallel_loop3A_353] {strides = array<i32>} : memref<192x192xi32, #tpu.memory_space<vmem>>, vector<16xi32>,
          %parallel_loop3A_355 = vector.bitcast %parallel_loop3A_354 : vector<16xi32> to vector<32xbf16>
          %parallel_loop3A_356 = tpu.unpack_subelements %parallel_loop3A_355, 0 {pack_format = #tpu.pack_format<interleaved>} : vector<32xbf16> -> vector<16xf32>
          %parallel_loop3A_357 = tpu.unpack_subelements %parallel_loop3A_355, 1 {pack_format = #tpu.pack_format<interleaved>} : vector<32xbf16> -> vector<16xf32>
          %parallel_loop3A_358 = arith.addf %parallel_loop3A_344, %parallel_loop3A_350 : vector<16xf32>
          %parallel_loop3A_359 = arith.addf %parallel_loop3A_358, %parallel_loop3A_356 : vector<16xf32>
          %parallel_loop3A_360 = arith.constant 3 : i32
          %parallel_loop3A_361 = arith.addi %mul3A_114, %parallel_loop3A_360 : i32
          %parallel_loop3A_362 = arith.constant 2 : i32
          %parallel_loop3A_363 = arith.muli %parallel_loop3A_211, %parallel_loop3A_362 : i32
          %parallel_loop3A_364 = arith.constant 16 : i32
          %parallel_loop3A_365 = arith.muli %parallel_loop3A_363, %parallel_loop3A_364 : i32
          %parallel_loop3A_366 = arith.index_cast %parallel_loop3A_361 : i32 to index
          %parallel_loop3A_367 = arith.index_cast %parallel_loop3A_365 : i32 to index
          %parallel_loop3A_368 = tpu.vector_load %arg12[%parallel_loop3A_366, %parallel_loop3A_367] {strides = array<i32>} : memref<64x384xf32, #tpu.memory_space<vmem>>, vector<16xf32>,
          tpu.vector_store %arg12[%parallel_loop3A_366, %parallel_loop3A_367], %parallel_loop3A_359 {strides = array<i32>} : memref<64x384xf32, #tpu.memory_space<vmem>>, vector<16xf32>,
          %parallel_loop3A_369 = arith.addf %parallel_loop3A_345, %parallel_loop3A_351 : vector<16xf32>
          %parallel_loop3A_370 = arith.addf %parallel_loop3A_369, %parallel_loop3A_357 : vector<16xf32>
          %parallel_loop3A_371 = arith.constant 3 : i32
          %parallel_loop3A_372 = arith.addi %mul3A_114, %parallel_loop3A_371 : i32
          %parallel_loop3A_373 = arith.constant 2 : i32
          %parallel_loop3A_374 = arith.muli %parallel_loop3A_211, %parallel_loop3A_373 : i32
          %parallel_loop3A_375 = arith.constant 16 : i32
          %parallel_loop3A_376 = arith.muli %parallel_loop3A_374, %parallel_loop3A_375 : i32
          %parallel_loop3A_377 = arith.constant 16 : i32
          %parallel_loop3A_378 = arith.addi %parallel_loop3A_376, %parallel_loop3A_377 : i32
          %parallel_loop3A_379 = arith.index_cast %parallel_loop3A_372 : i32 to index
          %parallel_loop3A_380 = arith.index_cast %parallel_loop3A_378 : i32 to index
          %parallel_loop3A_381 = tpu.vector_load %arg12[%parallel_loop3A_379, %parallel_loop3A_380] {strides = array<i32>} : memref<64x384xf32, #tpu.memory_space<vmem>>, vector<16xf32>,
          tpu.vector_store %arg12[%parallel_loop3A_379, %parallel_loop3A_380], %parallel_loop3A_370 {strides = array<i32>} : memref<64x384xf32, #tpu.memory_space<vmem>>, vector<16xf32>,
          %parallel_loop3A_382 = arith.index_cast %squeeze3A_138 : i32 to index
          %parallel_loop3A_383 = arith.index_cast %parallel_loop3A_213 : i32 to index
          %parallel_loop3A_384 = tpu.vector_load %arg7[%parallel_loop3A_382, %parallel_loop3A_383] {strides = array<i32>} : memref<192x192xi32, #tpu.memory_space<vmem>>, vector<16xi32>,
          %parallel_loop3A_385 = vector.bitcast %parallel_loop3A_384 : vector<16xi32> to vector<32xbf16>
          %parallel_loop3A_386 = tpu.unpack_subelements %parallel_loop3A_385, 0 {pack_format = #tpu.pack_format<interleaved>} : vector<32xbf16> -> vector<16xf32>
          %parallel_loop3A_387 = tpu.unpack_subelements %parallel_loop3A_385, 1 {pack_format = #tpu.pack_format<interleaved>} : vector<32xbf16> -> vector<16xf32>
          %parallel_loop3A_388 = arith.index_cast %squeeze3A_140 : i32 to index
          %parallel_loop3A_389 = arith.index_cast %parallel_loop3A_213 : i32 to index
          %parallel_loop3A_390 = tpu.vector_load %arg7[%parallel_loop3A_388, %parallel_loop3A_389] {strides = array<i32>} : memref<192x192xi32, #tpu.memory_space<vmem>>, vector<16xi32>,
          %parallel_loop3A_391 = vector.bitcast %parallel_loop3A_390 : vector<16xi32> to vector<32xbf16>
          %parallel_loop3A_392 = tpu.unpack_subelements %parallel_loop3A_391, 0 {pack_format = #tpu.pack_format<interleaved>} : vector<32xbf16> -> vector<16xf32>
          %parallel_loop3A_393 = tpu.unpack_subelements %parallel_loop3A_391, 1 {pack_format = #tpu.pack_format<interleaved>} : vector<32xbf16> -> vector<16xf32>
          %parallel_loop3A_394 = arith.index_cast %squeeze3A_142 : i32 to index
          %parallel_loop3A_395 = arith.index_cast %parallel_loop3A_213 : i32 to index
          %parallel_loop3A_396 = tpu.vector_load %arg7[%parallel_loop3A_394, %parallel_loop3A_395] {strides = array<i32>} : memref<192x192xi32, #tpu.memory_space<vmem>>, vector<16xi32>,
          %parallel_loop3A_397 = vector.bitcast %parallel_loop3A_396 : vector<16xi32> to vector<32xbf16>
          %parallel_loop3A_398 = tpu.unpack_subelements %parallel_loop3A_397, 0 {pack_format = #tpu.pack_format<interleaved>} : vector<32xbf16> -> vector<16xf32>
          %parallel_loop3A_399 = tpu.unpack_subelements %parallel_loop3A_397, 1 {pack_format = #tpu.pack_format<interleaved>} : vector<32xbf16> -> vector<16xf32>
          %parallel_loop3A_400 = arith.addf %parallel_loop3A_386, %parallel_loop3A_392 : vector<16xf32>
          %parallel_loop3A_401 = arith.addf %parallel_loop3A_400, %parallel_loop3A_398 : vector<16xf32>
          %parallel_loop3A_402 = arith.constant 4 : i32
          %parallel_loop3A_403 = arith.addi %mul3A_114, %parallel_loop3A_402 : i32
          %parallel_loop3A_404 = arith.constant 2 : i32
          %parallel_loop3A_405 = arith.muli %parallel_loop3A_211, %parallel_loop3A_404 : i32
          %parallel_loop3A_406 = arith.constant 16 : i32
          %parallel_loop3A_407 = arith.muli %parallel_loop3A_405, %parallel_loop3A_406 : i32
          %parallel_loop3A_408 = arith.index_cast %parallel_loop3A_403 : i32 to index
          %parallel_loop3A_409 = arith.index_cast %parallel_loop3A_407 : i32 to index
          %parallel_loop3A_410 = tpu.vector_load %arg12[%parallel_loop3A_408, %parallel_loop3A_409] {strides = array<i32>} : memref<64x384xf32, #tpu.memory_space<vmem>>, vector<16xf32>,
          tpu.vector_store %arg12[%parallel_loop3A_408, %parallel_loop3A_409], %parallel_loop3A_401 {strides = array<i32>} : memref<64x384xf32, #tpu.memory_space<vmem>>, vector<16xf32>,
          %parallel_loop3A_411 = arith.addf %parallel_loop3A_387, %parallel_loop3A_393 : vector<16xf32>
          %parallel_loop3A_412 = arith.addf %parallel_loop3A_411, %parallel_loop3A_399 : vector<16xf32>
          %parallel_loop3A_413 = arith.constant 4 : i32
          %parallel_loop3A_414 = arith.addi %mul3A_114, %parallel_loop3A_413 : i32
          %parallel_loop3A_415 = arith.constant 2 : i32
          %parallel_loop3A_416 = arith.muli %parallel_loop3A_211, %parallel_loop3A_415 : i32
          %parallel_loop3A_417 = arith.constant 16 : i32
          %parallel_loop3A_418 = arith.muli %parallel_loop3A_416, %parallel_loop3A_417 : i32
          %parallel_loop3A_419 = arith.constant 16 : i32
          %parallel_loop3A_420 = arith.addi %parallel_loop3A_418, %parallel_loop3A_419 : i32
          %parallel_loop3A_421 = arith.index_cast %parallel_loop3A_414 : i32 to index
          %parallel_loop3A_422 = arith.index_cast %parallel_loop3A_420 : i32 to index
          %parallel_loop3A_423 = tpu.vector_load %arg12[%parallel_loop3A_421, %parallel_loop3A_422] {strides = array<i32>} : memref<64x384xf32, #tpu.memory_space<vmem>>, vector<16xf32>,
          tpu.vector_store %arg12[%parallel_loop3A_421, %parallel_loop3A_422], %parallel_loop3A_412 {strides = array<i32>} : memref<64x384xf32, #tpu.memory_space<vmem>>, vector<16xf32>,
          %parallel_loop3A_424 = arith.index_cast %squeeze3A_144 : i32 to index
          %parallel_loop3A_425 = arith.index_cast %parallel_loop3A_213 : i32 to index
          %parallel_loop3A_426 = tpu.vector_load %arg7[%parallel_loop3A_424, %parallel_loop3A_425] {strides = array<i32>} : memref<192x192xi32, #tpu.memory_space<vmem>>, vector<16xi32>,
          %parallel_loop3A_427 = vector.bitcast %parallel_loop3A_426 : vector<16xi32> to vector<32xbf16>
          %parallel_loop3A_428 = tpu.unpack_subelements %parallel_loop3A_427, 0 {pack_format = #tpu.pack_format<interleaved>} : vector<32xbf16> -> vector<16xf32>
          %parallel_loop3A_429 = tpu.unpack_subelements %parallel_loop3A_427, 1 {pack_format = #tpu.pack_format<interleaved>} : vector<32xbf16> -> vector<16xf32>
          %parallel_loop3A_430 = arith.index_cast %squeeze3A_146 : i32 to index
          %parallel_loop3A_431 = arith.index_cast %parallel_loop3A_213 : i32 to index
          %parallel_loop3A_432 = tpu.vector_load %arg7[%parallel_loop3A_430, %parallel_loop3A_431] {strides = array<i32>} : memref<192x192xi32, #tpu.memory_space<vmem>>, vector<16xi32>,
          %parallel_loop3A_433 = vector.bitcast %parallel_loop3A_432 : vector<16xi32> to vector<32xbf16>
          %parallel_loop3A_434 = tpu.unpack_subelements %parallel_loop3A_433, 0 {pack_format = #tpu.pack_format<interleaved>} : vector<32xbf16> -> vector<16xf32>
          %parallel_loop3A_435 = tpu.unpack_subelements %parallel_loop3A_433, 1 {pack_format = #tpu.pack_format<interleaved>} : vector<32xbf16> -> vector<16xf32>
          %parallel_loop3A_436 = arith.index_cast %squeeze3A_148 : i32 to index
          %parallel_loop3A_437 = arith.index_cast %parallel_loop3A_213 : i32 to index
          %parallel_loop3A_438 = tpu.vector_load %arg7[%parallel_loop3A_436, %parallel_loop3A_437] {strides = array<i32>} : memref<192x192xi32, #tpu.memory_space<vmem>>, vector<16xi32>,
          %parallel_loop3A_439 = vector.bitcast %parallel_loop3A_438 : vector<16xi32> to vector<32xbf16>
          %parallel_loop3A_440 = tpu.unpack_subelements %parallel_loop3A_439, 0 {pack_format = #tpu.pack_format<interleaved>} : vector<32xbf16> -> vector<16xf32>
          %parallel_loop3A_441 = tpu.unpack_subelements %parallel_loop3A_439, 1 {pack_format = #tpu.pack_format<interleaved>} : vector<32xbf16> -> vector<16xf32>
          %parallel_loop3A_442 = arith.addf %parallel_loop3A_428, %parallel_loop3A_434 : vector<16xf32>
          %parallel_loop3A_443 = arith.addf %parallel_loop3A_442, %parallel_loop3A_440 : vector<16xf32>
          %parallel_loop3A_444 = arith.constant 5 : i32
          %parallel_loop3A_445 = arith.addi %mul3A_114, %parallel_loop3A_444 : i32
          %parallel_loop3A_446 = arith.constant 2 : i32
          %parallel_loop3A_447 = arith.muli %parallel_loop3A_211, %parallel_loop3A_446 : i32
          %parallel_loop3A_448 = arith.constant 16 : i32
          %parallel_loop3A_449 = arith.muli %parallel_loop3A_447, %parallel_loop3A_448 : i32
          %parallel_loop3A_450 = arith.index_cast %parallel_loop3A_445 : i32 to index
          %parallel_loop3A_451 = arith.index_cast %parallel_loop3A_449 : i32 to index
          %parallel_loop3A_452 = tpu.vector_load %arg12[%parallel_loop3A_450, %parallel_loop3A_451] {strides = array<i32>} : memref<64x384xf32, #tpu.memory_space<vmem>>, vector<16xf32>,
          tpu.vector_store %arg12[%parallel_loop3A_450, %parallel_loop3A_451], %parallel_loop3A_443 {strides = array<i32>} : memref<64x384xf32, #tpu.memory_space<vmem>>, vector<16xf32>,
          %parallel_loop3A_453 = arith.addf %parallel_loop3A_429, %parallel_loop3A_435 : vector<16xf32>
          %parallel_loop3A_454 = arith.addf %parallel_loop3A_453, %parallel_loop3A_441 : vector<16xf32>
          %parallel_loop3A_455 = arith.constant 5 : i32
          %parallel_loop3A_456 = arith.addi %mul3A_114, %parallel_loop3A_455 : i32
          %parallel_loop3A_457 = arith.constant 2 : i32
          %parallel_loop3A_458 = arith.muli %parallel_loop3A_211, %parallel_loop3A_457 : i32
          %parallel_loop3A_459 = arith.constant 16 : i32
          %parallel_loop3A_460 = arith.muli %parallel_loop3A_458, %parallel_loop3A_459 : i32
          %parallel_loop3A_461 = arith.constant 16 : i32
          %parallel_loop3A_462 = arith.addi %parallel_loop3A_460, %parallel_loop3A_461 : i32
          %parallel_loop3A_463 = arith.index_cast %parallel_loop3A_456 : i32 to index
          %parallel_loop3A_464 = arith.index_cast %parallel_loop3A_462 : i32 to index
          %parallel_loop3A_465 = tpu.vector_load %arg12[%parallel_loop3A_463, %parallel_loop3A_464] {strides = array<i32>} : memref<64x384xf32, #tpu.memory_space<vmem>>, vector<16xf32>,
          tpu.vector_store %arg12[%parallel_loop3A_463, %parallel_loop3A_464], %parallel_loop3A_454 {strides = array<i32>} : memref<64x384xf32, #tpu.memory_space<vmem>>, vector<16xf32>,
          %parallel_loop3A_466 = arith.index_cast %squeeze3A_150 : i32 to index
          %parallel_loop3A_467 = arith.index_cast %parallel_loop3A_213 : i32 to index
          %parallel_loop3A_468 = tpu.vector_load %arg7[%parallel_loop3A_466, %parallel_loop3A_467] {strides = array<i32>} : memref<192x192xi32, #tpu.memory_space<vmem>>, vector<16xi32>,
          %parallel_loop3A_469 = vector.bitcast %parallel_loop3A_468 : vector<16xi32> to vector<32xbf16>
          %parallel_loop3A_470 = tpu.unpack_subelements %parallel_loop3A_469, 0 {pack_format = #tpu.pack_format<interleaved>} : vector<32xbf16> -> vector<16xf32>
          %parallel_loop3A_471 = tpu.unpack_subelements %parallel_loop3A_469, 1 {pack_format = #tpu.pack_format<interleaved>} : vector<32xbf16> -> vector<16xf32>
          %parallel_loop3A_472 = arith.index_cast %squeeze3A_152 : i32 to index
          %parallel_loop3A_473 = arith.index_cast %parallel_loop3A_213 : i32 to index
          %parallel_loop3A_474 = tpu.vector_load %arg7[%parallel_loop3A_472, %parallel_loop3A_473] {strides = array<i32>} : memref<192x192xi32, #tpu.memory_space<vmem>>, vector<16xi32>,
          %parallel_loop3A_475 = vector.bitcast %parallel_loop3A_474 : vector<16xi32> to vector<32xbf16>
          %parallel_loop3A_476 = tpu.unpack_subelements %parallel_loop3A_475, 0 {pack_format = #tpu.pack_format<interleaved>} : vector<32xbf16> -> vector<16xf32>
          %parallel_loop3A_477 = tpu.unpack_subelements %parallel_loop3A_475, 1 {pack_format = #tpu.pack_format<interleaved>} : vector<32xbf16> -> vector<16xf32>
          %parallel_loop3A_478 = arith.index_cast %squeeze3A_154 : i32 to index
          %parallel_loop3A_479 = arith.index_cast %parallel_loop3A_213 : i32 to index
          %parallel_loop3A_480 = tpu.vector_load %arg7[%parallel_loop3A_478, %parallel_loop3A_479] {strides = array<i32>} : memref<192x192xi32, #tpu.memory_space<vmem>>, vector<16xi32>,
          %parallel_loop3A_481 = vector.bitcast %parallel_loop3A_480 : vector<16xi32> to vector<32xbf16>
          %parallel_loop3A_482 = tpu.unpack_subelements %parallel_loop3A_481, 0 {pack_format = #tpu.pack_format<interleaved>} : vector<32xbf16> -> vector<16xf32>
          %parallel_loop3A_483 = tpu.unpack_subelements %parallel_loop3A_481, 1 {pack_format = #tpu.pack_format<interleaved>} : vector<32xbf16> -> vector<16xf32>
          %parallel_loop3A_484 = arith.addf %parallel_loop3A_470, %parallel_loop3A_476 : vector<16xf32>
          %parallel_loop3A_485 = arith.addf %parallel_loop3A_484, %parallel_loop3A_482 : vector<16xf32>
          %parallel_loop3A_486 = arith.constant 6 : i32
          %parallel_loop3A_487 = arith.addi %mul3A_114, %parallel_loop3A_486 : i32
          %parallel_loop3A_488 = arith.constant 2 : i32
          %parallel_loop3A_489 = arith.muli %parallel_loop3A_211, %parallel_loop3A_488 : i32
          %parallel_loop3A_490 = arith.constant 16 : i32
          %parallel_loop3A_491 = arith.muli %parallel_loop3A_489, %parallel_loop3A_490 : i32
          %parallel_loop3A_492 = arith.index_cast %parallel_loop3A_487 : i32 to index
          %parallel_loop3A_493 = arith.index_cast %parallel_loop3A_491 : i32 to index
          %parallel_loop3A_494 = tpu.vector_load %arg12[%parallel_loop3A_492, %parallel_loop3A_493] {strides = array<i32>} : memref<64x384xf32, #tpu.memory_space<vmem>>, vector<16xf32>,
          tpu.vector_store %arg12[%parallel_loop3A_492, %parallel_loop3A_493], %parallel_loop3A_485 {strides = array<i32>} : memref<64x384xf32, #tpu.memory_space<vmem>>, vector<16xf32>,
          %parallel_loop3A_495 = arith.addf %parallel_loop3A_471, %parallel_loop3A_477 : vector<16xf32>
          %parallel_loop3A_496 = arith.addf %parallel_loop3A_495, %parallel_loop3A_483 : vector<16xf32>
          %parallel_loop3A_497 = arith.constant 6 : i32
          %parallel_loop3A_498 = arith.addi %mul3A_114, %parallel_loop3A_497 : i32
          %parallel_loop3A_499 = arith.constant 2 : i32
          %parallel_loop3A_500 = arith.muli %parallel_loop3A_211, %parallel_loop3A_499 : i32
          %parallel_loop3A_501 = arith.constant 16 : i32
          %parallel_loop3A_502 = arith.muli %parallel_loop3A_500, %parallel_loop3A_501 : i32
          %parallel_loop3A_503 = arith.constant 16 : i32
          %parallel_loop3A_504 = arith.addi %parallel_loop3A_502, %parallel_loop3A_503 : i32
          %parallel_loop3A_505 = arith.index_cast %parallel_loop3A_498 : i32 to index
          %parallel_loop3A_506 = arith.index_cast %parallel_loop3A_504 : i32 to index
          %parallel_loop3A_507 = tpu.vector_load %arg12[%parallel_loop3A_505, %parallel_loop3A_506] {strides = array<i32>} : memref<64x384xf32, #tpu.memory_space<vmem>>, vector<16xf32>,
          tpu.vector_store %arg12[%parallel_loop3A_505, %parallel_loop3A_506], %parallel_loop3A_496 {strides = array<i32>} : memref<64x384xf32, #tpu.memory_space<vmem>>, vector<16xf32>,
          %parallel_loop3A_508 = arith.index_cast %squeeze3A_156 : i32 to index
          %parallel_loop3A_509 = arith.index_cast %parallel_loop3A_213 : i32 to index
          %parallel_loop3A_510 = tpu.vector_load %arg7[%parallel_loop3A_508, %parallel_loop3A_509] {strides = array<i32>} : memref<192x192xi32, #tpu.memory_space<vmem>>, vector<16xi32>,
          %parallel_loop3A_511 = vector.bitcast %parallel_loop3A_510 : vector<16xi32> to vector<32xbf16>
          %parallel_loop3A_512 = tpu.unpack_subelements %parallel_loop3A_511, 0 {pack_format = #tpu.pack_format<interleaved>} : vector<32xbf16> -> vector<16xf32>
          %parallel_loop3A_513 = tpu.unpack_subelements %parallel_loop3A_511, 1 {pack_format = #tpu.pack_format<interleaved>} : vector<32xbf16> -> vector<16xf32>
          %parallel_loop3A_514 = arith.index_cast %squeeze3A_158 : i32 to index
          %parallel_loop3A_515 = arith.index_cast %parallel_loop3A_213 : i32 to index
          %parallel_loop3A_516 = tpu.vector_load %arg7[%parallel_loop3A_514, %parallel_loop3A_515] {strides = array<i32>} : memref<192x192xi32, #tpu.memory_space<vmem>>, vector<16xi32>,
          %parallel_loop3A_517 = vector.bitcast %parallel_loop3A_516 : vector<16xi32> to vector<32xbf16>
          %parallel_loop3A_518 = tpu.unpack_subelements %parallel_loop3A_517, 0 {pack_format = #tpu.pack_format<interleaved>} : vector<32xbf16> -> vector<16xf32>
          %parallel_loop3A_519 = tpu.unpack_subelements %parallel_loop3A_517, 1 {pack_format = #tpu.pack_format<interleaved>} : vector<32xbf16> -> vector<16xf32>
          %parallel_loop3A_520 = arith.index_cast %squeeze3A_160 : i32 to index
          %parallel_loop3A_521 = arith.index_cast %parallel_loop3A_213 : i32 to index
          %parallel_loop3A_522 = tpu.vector_load %arg7[%parallel_loop3A_520, %parallel_loop3A_521] {strides = array<i32>} : memref<192x192xi32, #tpu.memory_space<vmem>>, vector<16xi32>,
          %parallel_loop3A_523 = vector.bitcast %parallel_loop3A_522 : vector<16xi32> to vector<32xbf16>
          %parallel_loop3A_524 = tpu.unpack_subelements %parallel_loop3A_523, 0 {pack_format = #tpu.pack_format<interleaved>} : vector<32xbf16> -> vector<16xf32>
          %parallel_loop3A_525 = tpu.unpack_subelements %parallel_loop3A_523, 1 {pack_format = #tpu.pack_format<interleaved>} : vector<32xbf16> -> vector<16xf32>
          %parallel_loop3A_526 = arith.addf %parallel_loop3A_512, %parallel_loop3A_518 : vector<16xf32>
          %parallel_loop3A_527 = arith.addf %parallel_loop3A_526, %parallel_loop3A_524 : vector<16xf32>
          %parallel_loop3A_528 = arith.constant 7 : i32
          %parallel_loop3A_529 = arith.addi %mul3A_114, %parallel_loop3A_528 : i32
          %parallel_loop3A_530 = arith.constant 2 : i32
          %parallel_loop3A_531 = arith.muli %parallel_loop3A_211, %parallel_loop3A_530 : i32
          %parallel_loop3A_532 = arith.constant 16 : i32
          %parallel_loop3A_533 = arith.muli %parallel_loop3A_531, %parallel_loop3A_532 : i32
          %parallel_loop3A_534 = arith.index_cast %parallel_loop3A_529 : i32 to index
          %parallel_loop3A_535 = arith.index_cast %parallel_loop3A_533 : i32 to index
          %parallel_loop3A_536 = tpu.vector_load %arg12[%parallel_loop3A_534, %parallel_loop3A_535] {strides = array<i32>} : memref<64x384xf32, #tpu.memory_space<vmem>>, vector<16xf32>,
          tpu.vector_store %arg12[%parallel_loop3A_534, %parallel_loop3A_535], %parallel_loop3A_527 {strides = array<i32>} : memref<64x384xf32, #tpu.memory_space<vmem>>, vector<16xf32>,
          %parallel_loop3A_537 = arith.addf %parallel_loop3A_513, %parallel_loop3A_519 : vector<16xf32>
          %parallel_loop3A_538 = arith.addf %parallel_loop3A_537, %parallel_loop3A_525 : vector<16xf32>
          %parallel_loop3A_539 = arith.constant 7 : i32
          %parallel_loop3A_540 = arith.addi %mul3A_114, %parallel_loop3A_539 : i32
          %parallel_loop3A_541 = arith.constant 2 : i32
          %parallel_loop3A_542 = arith.muli %parallel_loop3A_211, %parallel_loop3A_541 : i32
          %parallel_loop3A_543 = arith.constant 16 : i32
          %parallel_loop3A_544 = arith.muli %parallel_loop3A_542, %parallel_loop3A_543 : i32
          %parallel_loop3A_545 = arith.constant 16 : i32
          %parallel_loop3A_546 = arith.addi %parallel_loop3A_544, %parallel_loop3A_545 : i32
          %parallel_loop3A_547 = arith.index_cast %parallel_loop3A_540 : i32 to index
          %parallel_loop3A_548 = arith.index_cast %parallel_loop3A_546 : i32 to index
          %parallel_loop3A_549 = tpu.vector_load %arg12[%parallel_loop3A_547, %parallel_loop3A_548] {strides = array<i32>} : memref<64x384xf32, #tpu.memory_space<vmem>>, vector<16xf32>,
          tpu.vector_store %arg12[%parallel_loop3A_547, %parallel_loop3A_548], %parallel_loop3A_538 {strides = array<i32>} : memref<64x384xf32, #tpu.memory_space<vmem>>, vector<16xf32>,
          %parallel_loop3A_550 = arith.index_cast %squeeze3A_162 : i32 to index
          %parallel_loop3A_551 = arith.index_cast %parallel_loop3A_213 : i32 to index
          %parallel_loop3A_552 = tpu.vector_load %arg7[%parallel_loop3A_550, %parallel_loop3A_551] {strides = array<i32>} : memref<192x192xi32, #tpu.memory_space<vmem>>, vector<16xi32>,
          %parallel_loop3A_553 = vector.bitcast %parallel_loop3A_552 : vector<16xi32> to vector<32xbf16>
          %parallel_loop3A_554 = tpu.unpack_subelements %parallel_loop3A_553, 0 {pack_format = #tpu.pack_format<interleaved>} : vector<32xbf16> -> vector<16xf32>
          %parallel_loop3A_555 = tpu.unpack_subelements %parallel_loop3A_553, 1 {pack_format = #tpu.pack_format<interleaved>} : vector<32xbf16> -> vector<16xf32>
          %parallel_loop3A_556 = arith.index_cast %squeeze3A_164 : i32 to index
          %parallel_loop3A_557 = arith.index_cast %parallel_loop3A_213 : i32 to index
          %parallel_loop3A_558 = tpu.vector_load %arg7[%parallel_loop3A_556, %parallel_loop3A_557] {strides = array<i32>} : memref<192x192xi32, #tpu.memory_space<vmem>>, vector<16xi32>,
          %parallel_loop3A_559 = vector.bitcast %parallel_loop3A_558 : vector<16xi32> to vector<32xbf16>
          %parallel_loop3A_560 = tpu.unpack_subelements %parallel_loop3A_559, 0 {pack_format = #tpu.pack_format<interleaved>} : vector<32xbf16> -> vector<16xf32>
          %parallel_loop3A_561 = tpu.unpack_subelements %parallel_loop3A_559, 1 {pack_format = #tpu.pack_format<interleaved>} : vector<32xbf16> -> vector<16xf32>
          %parallel_loop3A_562 = arith.index_cast %squeeze3A_166 : i32 to index
          %parallel_loop3A_563 = arith.index_cast %parallel_loop3A_213 : i32 to index
          %parallel_loop3A_564 = tpu.vector_load %arg7[%parallel_loop3A_562, %parallel_loop3A_563] {strides = array<i32>} : memref<192x192xi32, #tpu.memory_space<vmem>>, vector<16xi32>,
          %parallel_loop3A_565 = vector.bitcast %parallel_loop3A_564 : vector<16xi32> to vector<32xbf16>
          %parallel_loop3A_566 = tpu.unpack_subelements %parallel_loop3A_565, 0 {pack_format = #tpu.pack_format<interleaved>} : vector<32xbf16> -> vector<16xf32>
          %parallel_loop3A_567 = tpu.unpack_subelements %parallel_loop3A_565, 1 {pack_format = #tpu.pack_format<interleaved>} : vector<32xbf16> -> vector<16xf32>
          %parallel_loop3A_568 = arith.addf %parallel_loop3A_554, %parallel_loop3A_560 : vector<16xf32>
          %parallel_loop3A_569 = arith.addf %parallel_loop3A_568, %parallel_loop3A_566 : vector<16xf32>
          %parallel_loop3A_570 = arith.constant 8 : i32
          %parallel_loop3A_571 = arith.addi %mul3A_114, %parallel_loop3A_570 : i32
          %parallel_loop3A_572 = arith.constant 2 : i32
          %parallel_loop3A_573 = arith.muli %parallel_loop3A_211, %parallel_loop3A_572 : i32
          %parallel_loop3A_574 = arith.constant 16 : i32
          %parallel_loop3A_575 = arith.muli %parallel_loop3A_573, %parallel_loop3A_574 : i32
          %parallel_loop3A_576 = arith.index_cast %parallel_loop3A_571 : i32 to index
          %parallel_loop3A_577 = arith.index_cast %parallel_loop3A_575 : i32 to index
          %parallel_loop3A_578 = tpu.vector_load %arg12[%parallel_loop3A_576, %parallel_loop3A_577] {strides = array<i32>} : memref<64x384xf32, #tpu.memory_space<vmem>>, vector<16xf32>,
          tpu.vector_store %arg12[%parallel_loop3A_576, %parallel_loop3A_577], %parallel_loop3A_569 {strides = array<i32>} : memref<64x384xf32, #tpu.memory_space<vmem>>, vector<16xf32>,
          %parallel_loop3A_579 = arith.addf %parallel_loop3A_555, %parallel_loop3A_561 : vector<16xf32>
          %parallel_loop3A_580 = arith.addf %parallel_loop3A_579, %parallel_loop3A_567 : vector<16xf32>
          %parallel_loop3A_581 = arith.constant 8 : i32
          %parallel_loop3A_582 = arith.addi %mul3A_114, %parallel_loop3A_581 : i32
          %parallel_loop3A_583 = arith.constant 2 : i32
          %parallel_loop3A_584 = arith.muli %parallel_loop3A_211, %parallel_loop3A_583 : i32
          %parallel_loop3A_585 = arith.constant 16 : i32
          %parallel_loop3A_586 = arith.muli %parallel_loop3A_584, %parallel_loop3A_585 : i32
          %parallel_loop3A_587 = arith.constant 16 : i32
          %parallel_loop3A_588 = arith.addi %parallel_loop3A_586, %parallel_loop3A_587 : i32
          %parallel_loop3A_589 = arith.index_cast %parallel_loop3A_582 : i32 to index
          %parallel_loop3A_590 = arith.index_cast %parallel_loop3A_588 : i32 to index
          %parallel_loop3A_591 = tpu.vector_load %arg12[%parallel_loop3A_589, %parallel_loop3A_590] {strides = array<i32>} : memref<64x384xf32, #tpu.memory_space<vmem>>, vector<16xf32>,
          tpu.vector_store %arg12[%parallel_loop3A_589, %parallel_loop3A_590], %parallel_loop3A_580 {strides = array<i32>} : memref<64x384xf32, #tpu.memory_space<vmem>>, vector<16xf32>,
          %parallel_loop3A_592 = arith.index_cast %squeeze3A_168 : i32 to index
          %parallel_loop3A_593 = arith.index_cast %parallel_loop3A_213 : i32 to index
          %parallel_loop3A_594 = tpu.vector_load %arg7[%parallel_loop3A_592, %parallel_loop3A_593] {strides = array<i32>} : memref<192x192xi32, #tpu.memory_space<vmem>>, vector<16xi32>,
          %parallel_loop3A_595 = vector.bitcast %parallel_loop3A_594 : vector<16xi32> to vector<32xbf16>
          %parallel_loop3A_596 = tpu.unpack_subelements %parallel_loop3A_595, 0 {pack_format = #tpu.pack_format<interleaved>} : vector<32xbf16> -> vector<16xf32>
          %parallel_loop3A_597 = tpu.unpack_subelements %parallel_loop3A_595, 1 {pack_format = #tpu.pack_format<interleaved>} : vector<32xbf16> -> vector<16xf32>
          %parallel_loop3A_598 = arith.index_cast %squeeze3A_170 : i32 to index
          %parallel_loop3A_599 = arith.index_cast %parallel_loop3A_213 : i32 to index
          %parallel_loop3A_600 = tpu.vector_load %arg7[%parallel_loop3A_598, %parallel_loop3A_599] {strides = array<i32>} : memref<192x192xi32, #tpu.memory_space<vmem>>, vector<16xi32>,
          %parallel_loop3A_601 = vector.bitcast %parallel_loop3A_600 : vector<16xi32> to vector<32xbf16>
          %parallel_loop3A_602 = tpu.unpack_subelements %parallel_loop3A_601, 0 {pack_format = #tpu.pack_format<interleaved>} : vector<32xbf16> -> vector<16xf32>
          %parallel_loop3A_603 = tpu.unpack_subelements %parallel_loop3A_601, 1 {pack_format = #tpu.pack_format<interleaved>} : vector<32xbf16> -> vector<16xf32>
          %parallel_loop3A_604 = arith.index_cast %squeeze3A_172 : i32 to index
          %parallel_loop3A_605 = arith.index_cast %parallel_loop3A_213 : i32 to index
          %parallel_loop3A_606 = tpu.vector_load %arg7[%parallel_loop3A_604, %parallel_loop3A_605] {strides = array<i32>} : memref<192x192xi32, #tpu.memory_space<vmem>>, vector<16xi32>,
          %parallel_loop3A_607 = vector.bitcast %parallel_loop3A_606 : vector<16xi32> to vector<32xbf16>
          %parallel_loop3A_608 = tpu.unpack_subelements %parallel_loop3A_607, 0 {pack_format = #tpu.pack_format<interleaved>} : vector<32xbf16> -> vector<16xf32>
          %parallel_loop3A_609 = tpu.unpack_subelements %parallel_loop3A_607, 1 {pack_format = #tpu.pack_format<interleaved>} : vector<32xbf16> -> vector<16xf32>
          %parallel_loop3A_610 = arith.addf %parallel_loop3A_596, %parallel_loop3A_602 : vector<16xf32>
          %parallel_loop3A_611 = arith.addf %parallel_loop3A_610, %parallel_loop3A_608 : vector<16xf32>
          %parallel_loop3A_612 = arith.constant 9 : i32
          %parallel_loop3A_613 = arith.addi %mul3A_114, %parallel_loop3A_612 : i32
          %parallel_loop3A_614 = arith.constant 2 : i32
          %parallel_loop3A_615 = arith.muli %parallel_loop3A_211, %parallel_loop3A_614 : i32
          %parallel_loop3A_616 = arith.constant 16 : i32
          %parallel_loop3A_617 = arith.muli %parallel_loop3A_615, %parallel_loop3A_616 : i32
          %parallel_loop3A_618 = arith.index_cast %parallel_loop3A_613 : i32 to index
          %parallel_loop3A_619 = arith.index_cast %parallel_loop3A_617 : i32 to index
          %parallel_loop3A_620 = tpu.vector_load %arg12[%parallel_loop3A_618, %parallel_loop3A_619] {strides = array<i32>} : memref<64x384xf32, #tpu.memory_space<vmem>>, vector<16xf32>,
          tpu.vector_store %arg12[%parallel_loop3A_618, %parallel_loop3A_619], %parallel_loop3A_611 {strides = array<i32>} : memref<64x384xf32, #tpu.memory_space<vmem>>, vector<16xf32>,
          %parallel_loop3A_621 = arith.addf %parallel_loop3A_597, %parallel_loop3A_603 : vector<16xf32>
          %parallel_loop3A_622 = arith.addf %parallel_loop3A_621, %parallel_loop3A_609 : vector<16xf32>
          %parallel_loop3A_623 = arith.constant 9 : i32
          %parallel_loop3A_624 = arith.addi %mul3A_114, %parallel_loop3A_623 : i32
          %parallel_loop3A_625 = arith.constant 2 : i32
          %parallel_loop3A_626 = arith.muli %parallel_loop3A_211, %parallel_loop3A_625 : i32
          %parallel_loop3A_627 = arith.constant 16 : i32
          %parallel_loop3A_628 = arith.muli %parallel_loop3A_626, %parallel_loop3A_627 : i32
          %parallel_loop3A_629 = arith.constant 16 : i32
          %parallel_loop3A_630 = arith.addi %parallel_loop3A_628, %parallel_loop3A_629 : i32
          %parallel_loop3A_631 = arith.index_cast %parallel_loop3A_624 : i32 to index
          %parallel_loop3A_632 = arith.index_cast %parallel_loop3A_630 : i32 to index
          %parallel_loop3A_633 = tpu.vector_load %arg12[%parallel_loop3A_631, %parallel_loop3A_632] {strides = array<i32>} : memref<64x384xf32, #tpu.memory_space<vmem>>, vector<16xf32>,
          tpu.vector_store %arg12[%parallel_loop3A_631, %parallel_loop3A_632], %parallel_loop3A_622 {strides = array<i32>} : memref<64x384xf32, #tpu.memory_space<vmem>>, vector<16xf32>,
          %parallel_loop3A_634 = arith.index_cast %squeeze3A_174 : i32 to index
          %parallel_loop3A_635 = arith.index_cast %parallel_loop3A_213 : i32 to index
          %parallel_loop3A_636 = tpu.vector_load %arg7[%parallel_loop3A_634, %parallel_loop3A_635] {strides = array<i32>} : memref<192x192xi32, #tpu.memory_space<vmem>>, vector<16xi32>,
          %parallel_loop3A_637 = vector.bitcast %parallel_loop3A_636 : vector<16xi32> to vector<32xbf16>
          %parallel_loop3A_638 = tpu.unpack_subelements %parallel_loop3A_637, 0 {pack_format = #tpu.pack_format<interleaved>} : vector<32xbf16> -> vector<16xf32>
          %parallel_loop3A_639 = tpu.unpack_subelements %parallel_loop3A_637, 1 {pack_format = #tpu.pack_format<interleaved>} : vector<32xbf16> -> vector<16xf32>
          %parallel_loop3A_640 = arith.index_cast %squeeze3A_176 : i32 to index
          %parallel_loop3A_641 = arith.index_cast %parallel_loop3A_213 : i32 to index
          %parallel_loop3A_642 = tpu.vector_load %arg7[%parallel_loop3A_640, %parallel_loop3A_641] {strides = array<i32>} : memref<192x192xi32, #tpu.memory_space<vmem>>, vector<16xi32>,
          %parallel_loop3A_643 = vector.bitcast %parallel_loop3A_642 : vector<16xi32> to vector<32xbf16>
          %parallel_loop3A_644 = tpu.unpack_subelements %parallel_loop3A_643, 0 {pack_format = #tpu.pack_format<interleaved>} : vector<32xbf16> -> vector<16xf32>
          %parallel_loop3A_645 = tpu.unpack_subelements %parallel_loop3A_643, 1 {pack_format = #tpu.pack_format<interleaved>} : vector<32xbf16> -> vector<16xf32>
          %parallel_loop3A_646 = arith.index_cast %squeeze3A_178 : i32 to index
          %parallel_loop3A_647 = arith.index_cast %parallel_loop3A_213 : i32 to index
          %parallel_loop3A_648 = tpu.vector_load %arg7[%parallel_loop3A_646, %parallel_loop3A_647] {strides = array<i32>} : memref<192x192xi32, #tpu.memory_space<vmem>>, vector<16xi32>,
          %parallel_loop3A_649 = vector.bitcast %parallel_loop3A_648 : vector<16xi32> to vector<32xbf16>
          %parallel_loop3A_650 = tpu.unpack_subelements %parallel_loop3A_649, 0 {pack_format = #tpu.pack_format<interleaved>} : vector<32xbf16> -> vector<16xf32>
          %parallel_loop3A_651 = tpu.unpack_subelements %parallel_loop3A_649, 1 {pack_format = #tpu.pack_format<interleaved>} : vector<32xbf16> -> vector<16xf32>
          %parallel_loop3A_652 = arith.addf %parallel_loop3A_638, %parallel_loop3A_644 : vector<16xf32>
          %parallel_loop3A_653 = arith.addf %parallel_loop3A_652, %parallel_loop3A_650 : vector<16xf32>
          %parallel_loop3A_654 = arith.constant 10 : i32
          %parallel_loop3A_655 = arith.addi %mul3A_114, %parallel_loop3A_654 : i32
          %parallel_loop3A_656 = arith.constant 2 : i32
          %parallel_loop3A_657 = arith.muli %parallel_loop3A_211, %parallel_loop3A_656 : i32
          %parallel_loop3A_658 = arith.constant 16 : i32
          %parallel_loop3A_659 = arith.muli %parallel_loop3A_657, %parallel_loop3A_658 : i32
          %parallel_loop3A_660 = arith.index_cast %parallel_loop3A_655 : i32 to index
          %parallel_loop3A_661 = arith.index_cast %parallel_loop3A_659 : i32 to index
          %parallel_loop3A_662 = tpu.vector_load %arg12[%parallel_loop3A_660, %parallel_loop3A_661] {strides = array<i32>} : memref<64x384xf32, #tpu.memory_space<vmem>>, vector<16xf32>,
          tpu.vector_store %arg12[%parallel_loop3A_660, %parallel_loop3A_661], %parallel_loop3A_653 {strides = array<i32>} : memref<64x384xf32, #tpu.memory_space<vmem>>, vector<16xf32>,
          %parallel_loop3A_663 = arith.addf %parallel_loop3A_639, %parallel_loop3A_645 : vector<16xf32>
          %parallel_loop3A_664 = arith.addf %parallel_loop3A_663, %parallel_loop3A_651 : vector<16xf32>
          %parallel_loop3A_665 = arith.constant 10 : i32
          %parallel_loop3A_666 = arith.addi %mul3A_114, %parallel_loop3A_665 : i32
          %parallel_loop3A_667 = arith.constant 2 : i32
          %parallel_loop3A_668 = arith.muli %parallel_loop3A_211, %parallel_loop3A_667 : i32
          %parallel_loop3A_669 = arith.constant 16 : i32
          %parallel_loop3A_670 = arith.muli %parallel_loop3A_668, %parallel_loop3A_669 : i32
          %parallel_loop3A_671 = arith.constant 16 : i32
          %parallel_loop3A_672 = arith.addi %parallel_loop3A_670, %parallel_loop3A_671 : i32
          %parallel_loop3A_673 = arith.index_cast %parallel_loop3A_666 : i32 to index
          %parallel_loop3A_674 = arith.index_cast %parallel_loop3A_672 : i32 to index
          %parallel_loop3A_675 = tpu.vector_load %arg12[%parallel_loop3A_673, %parallel_loop3A_674] {strides = array<i32>} : memref<64x384xf32, #tpu.memory_space<vmem>>, vector<16xf32>,
          tpu.vector_store %arg12[%parallel_loop3A_673, %parallel_loop3A_674], %parallel_loop3A_664 {strides = array<i32>} : memref<64x384xf32, #tpu.memory_space<vmem>>, vector<16xf32>,
          %parallel_loop3A_676 = arith.index_cast %squeeze3A_180 : i32 to index
          %parallel_loop3A_677 = arith.index_cast %parallel_loop3A_213 : i32 to index
          %parallel_loop3A_678 = tpu.vector_load %arg7[%parallel_loop3A_676, %parallel_loop3A_677] {strides = array<i32>} : memref<192x192xi32, #tpu.memory_space<vmem>>, vector<16xi32>,
          %parallel_loop3A_679 = vector.bitcast %parallel_loop3A_678 : vector<16xi32> to vector<32xbf16>
          %parallel_loop3A_680 = tpu.unpack_subelements %parallel_loop3A_679, 0 {pack_format = #tpu.pack_format<interleaved>} : vector<32xbf16> -> vector<16xf32>
          %parallel_loop3A_681 = tpu.unpack_subelements %parallel_loop3A_679, 1 {pack_format = #tpu.pack_format<interleaved>} : vector<32xbf16> -> vector<16xf32>
          %parallel_loop3A_682 = arith.index_cast %squeeze3A_182 : i32 to index
          %parallel_loop3A_683 = arith.index_cast %parallel_loop3A_213 : i32 to index
          %parallel_loop3A_684 = tpu.vector_load %arg7[%parallel_loop3A_682, %parallel_loop3A_683] {strides = array<i32>} : memref<192x192xi32, #tpu.memory_space<vmem>>, vector<16xi32>,
          %parallel_loop3A_685 = vector.bitcast %parallel_loop3A_684 : vector<16xi32> to vector<32xbf16>
          %parallel_loop3A_686 = tpu.unpack_subelements %parallel_loop3A_685, 0 {pack_format = #tpu.pack_format<interleaved>} : vector<32xbf16> -> vector<16xf32>
          %parallel_loop3A_687 = tpu.unpack_subelements %parallel_loop3A_685, 1 {pack_format = #tpu.pack_format<interleaved>} : vector<32xbf16> -> vector<16xf32>
          %parallel_loop3A_688 = arith.index_cast %squeeze3A_184 : i32 to index
          %parallel_loop3A_689 = arith.index_cast %parallel_loop3A_213 : i32 to index
          %parallel_loop3A_690 = tpu.vector_load %arg7[%parallel_loop3A_688, %parallel_loop3A_689] {strides = array<i32>} : memref<192x192xi32, #tpu.memory_space<vmem>>, vector<16xi32>,
          %parallel_loop3A_691 = vector.bitcast %parallel_loop3A_690 : vector<16xi32> to vector<32xbf16>
          %parallel_loop3A_692 = tpu.unpack_subelements %parallel_loop3A_691, 0 {pack_format = #tpu.pack_format<interleaved>} : vector<32xbf16> -> vector<16xf32>
          %parallel_loop3A_693 = tpu.unpack_subelements %parallel_loop3A_691, 1 {pack_format = #tpu.pack_format<interleaved>} : vector<32xbf16> -> vector<16xf32>
          %parallel_loop3A_694 = arith.addf %parallel_loop3A_680, %parallel_loop3A_686 : vector<16xf32>
          %parallel_loop3A_695 = arith.addf %parallel_loop3A_694, %parallel_loop3A_692 : vector<16xf32>
          %parallel_loop3A_696 = arith.constant 11 : i32
          %parallel_loop3A_697 = arith.addi %mul3A_114, %parallel_loop3A_696 : i32
          %parallel_loop3A_698 = arith.constant 2 : i32
          %parallel_loop3A_699 = arith.muli %parallel_loop3A_211, %parallel_loop3A_698 : i32
          %parallel_loop3A_700 = arith.constant 16 : i32
          %parallel_loop3A_701 = arith.muli %parallel_loop3A_699, %parallel_loop3A_700 : i32
          %parallel_loop3A_702 = arith.index_cast %parallel_loop3A_697 : i32 to index
          %parallel_loop3A_703 = arith.index_cast %parallel_loop3A_701 : i32 to index
          %parallel_loop3A_704 = tpu.vector_load %arg12[%parallel_loop3A_702, %parallel_loop3A_703] {strides = array<i32>} : memref<64x384xf32, #tpu.memory_space<vmem>>, vector<16xf32>,
          tpu.vector_store %arg12[%parallel_loop3A_702, %parallel_loop3A_703], %parallel_loop3A_695 {strides = array<i32>} : memref<64x384xf32, #tpu.memory_space<vmem>>, vector<16xf32>,
          %parallel_loop3A_705 = arith.addf %parallel_loop3A_681, %parallel_loop3A_687 : vector<16xf32>
          %parallel_loop3A_706 = arith.addf %parallel_loop3A_705, %parallel_loop3A_693 : vector<16xf32>
          %parallel_loop3A_707 = arith.constant 11 : i32
          %parallel_loop3A_708 = arith.addi %mul3A_114, %parallel_loop3A_707 : i32
          %parallel_loop3A_709 = arith.constant 2 : i32
          %parallel_loop3A_710 = arith.muli %parallel_loop3A_211, %parallel_loop3A_709 : i32
          %parallel_loop3A_711 = arith.constant 16 : i32
          %parallel_loop3A_712 = arith.muli %parallel_loop3A_710, %parallel_loop3A_711 : i32
          %parallel_loop3A_713 = arith.constant 16 : i32
          %parallel_loop3A_714 = arith.addi %parallel_loop3A_712, %parallel_loop3A_713 : i32
          %parallel_loop3A_715 = arith.index_cast %parallel_loop3A_708 : i32 to index
          %parallel_loop3A_716 = arith.index_cast %parallel_loop3A_714 : i32 to index
          %parallel_loop3A_717 = tpu.vector_load %arg12[%parallel_loop3A_715, %parallel_loop3A_716] {strides = array<i32>} : memref<64x384xf32, #tpu.memory_space<vmem>>, vector<16xf32>,
          tpu.vector_store %arg12[%parallel_loop3A_715, %parallel_loop3A_716], %parallel_loop3A_706 {strides = array<i32>} : memref<64x384xf32, #tpu.memory_space<vmem>>, vector<16xf32>,
          %parallel_loop3A_718 = arith.index_cast %squeeze3A_186 : i32 to index
          %parallel_loop3A_719 = arith.index_cast %parallel_loop3A_213 : i32 to index
          %parallel_loop3A_720 = tpu.vector_load %arg7[%parallel_loop3A_718, %parallel_loop3A_719] {strides = array<i32>} : memref<192x192xi32, #tpu.memory_space<vmem>>, vector<16xi32>,
          %parallel_loop3A_721 = vector.bitcast %parallel_loop3A_720 : vector<16xi32> to vector<32xbf16>
          %parallel_loop3A_722 = tpu.unpack_subelements %parallel_loop3A_721, 0 {pack_format = #tpu.pack_format<interleaved>} : vector<32xbf16> -> vector<16xf32>
          %parallel_loop3A_723 = tpu.unpack_subelements %parallel_loop3A_721, 1 {pack_format = #tpu.pack_format<interleaved>} : vector<32xbf16> -> vector<16xf32>
          %parallel_loop3A_724 = arith.index_cast %squeeze3A_188 : i32 to index
          %parallel_loop3A_725 = arith.index_cast %parallel_loop3A_213 : i32 to index
          %parallel_loop3A_726 = tpu.vector_load %arg7[%parallel_loop3A_724, %parallel_loop3A_725] {strides = array<i32>} : memref<192x192xi32, #tpu.memory_space<vmem>>, vector<16xi32>,
          %parallel_loop3A_727 = vector.bitcast %parallel_loop3A_726 : vector<16xi32> to vector<32xbf16>
          %parallel_loop3A_728 = tpu.unpack_subelements %parallel_loop3A_727, 0 {pack_format = #tpu.pack_format<interleaved>} : vector<32xbf16> -> vector<16xf32>
          %parallel_loop3A_729 = tpu.unpack_subelements %parallel_loop3A_727, 1 {pack_format = #tpu.pack_format<interleaved>} : vector<32xbf16> -> vector<16xf32>
          %parallel_loop3A_730 = arith.index_cast %squeeze3A_190 : i32 to index
          %parallel_loop3A_731 = arith.index_cast %parallel_loop3A_213 : i32 to index
          %parallel_loop3A_732 = tpu.vector_load %arg7[%parallel_loop3A_730, %parallel_loop3A_731] {strides = array<i32>} : memref<192x192xi32, #tpu.memory_space<vmem>>, vector<16xi32>,
          %parallel_loop3A_733 = vector.bitcast %parallel_loop3A_732 : vector<16xi32> to vector<32xbf16>
          %parallel_loop3A_734 = tpu.unpack_subelements %parallel_loop3A_733, 0 {pack_format = #tpu.pack_format<interleaved>} : vector<32xbf16> -> vector<16xf32>
          %parallel_loop3A_735 = tpu.unpack_subelements %parallel_loop3A_733, 1 {pack_format = #tpu.pack_format<interleaved>} : vector<32xbf16> -> vector<16xf32>
          %parallel_loop3A_736 = arith.addf %parallel_loop3A_722, %parallel_loop3A_728 : vector<16xf32>
          %parallel_loop3A_737 = arith.addf %parallel_loop3A_736, %parallel_loop3A_734 : vector<16xf32>
          %parallel_loop3A_738 = arith.constant 12 : i32
          %parallel_loop3A_739 = arith.addi %mul3A_114, %parallel_loop3A_738 : i32
          %parallel_loop3A_740 = arith.constant 2 : i32
          %parallel_loop3A_741 = arith.muli %parallel_loop3A_211, %parallel_loop3A_740 : i32
          %parallel_loop3A_742 = arith.constant 16 : i32
          %parallel_loop3A_743 = arith.muli %parallel_loop3A_741, %parallel_loop3A_742 : i32
          %parallel_loop3A_744 = arith.index_cast %parallel_loop3A_739 : i32 to index
          %parallel_loop3A_745 = arith.index_cast %parallel_loop3A_743 : i32 to index
          %parallel_loop3A_746 = tpu.vector_load %arg12[%parallel_loop3A_744, %parallel_loop3A_745] {strides = array<i32>} : memref<64x384xf32, #tpu.memory_space<vmem>>, vector<16xf32>,
          tpu.vector_store %arg12[%parallel_loop3A_744, %parallel_loop3A_745], %parallel_loop3A_737 {strides = array<i32>} : memref<64x384xf32, #tpu.memory_space<vmem>>, vector<16xf32>,
          %parallel_loop3A_747 = arith.addf %parallel_loop3A_723, %parallel_loop3A_729 : vector<16xf32>
          %parallel_loop3A_748 = arith.addf %parallel_loop3A_747, %parallel_loop3A_735 : vector<16xf32>
          %parallel_loop3A_749 = arith.constant 12 : i32
          %parallel_loop3A_750 = arith.addi %mul3A_114, %parallel_loop3A_749 : i32
          %parallel_loop3A_751 = arith.constant 2 : i32
          %parallel_loop3A_752 = arith.muli %parallel_loop3A_211, %parallel_loop3A_751 : i32
          %parallel_loop3A_753 = arith.constant 16 : i32
          %parallel_loop3A_754 = arith.muli %parallel_loop3A_752, %parallel_loop3A_753 : i32
          %parallel_loop3A_755 = arith.constant 16 : i32
          %parallel_loop3A_756 = arith.addi %parallel_loop3A_754, %parallel_loop3A_755 : i32
          %parallel_loop3A_757 = arith.index_cast %parallel_loop3A_750 : i32 to index
          %parallel_loop3A_758 = arith.index_cast %parallel_loop3A_756 : i32 to index
          %parallel_loop3A_759 = tpu.vector_load %arg12[%parallel_loop3A_757, %parallel_loop3A_758] {strides = array<i32>} : memref<64x384xf32, #tpu.memory_space<vmem>>, vector<16xf32>,
          tpu.vector_store %arg12[%parallel_loop3A_757, %parallel_loop3A_758], %parallel_loop3A_748 {strides = array<i32>} : memref<64x384xf32, #tpu.memory_space<vmem>>, vector<16xf32>,
          %parallel_loop3A_760 = arith.index_cast %squeeze3A_192 : i32 to index
          %parallel_loop3A_761 = arith.index_cast %parallel_loop3A_213 : i32 to index
          %parallel_loop3A_762 = tpu.vector_load %arg7[%parallel_loop3A_760, %parallel_loop3A_761] {strides = array<i32>} : memref<192x192xi32, #tpu.memory_space<vmem>>, vector<16xi32>,
          %parallel_loop3A_763 = vector.bitcast %parallel_loop3A_762 : vector<16xi32> to vector<32xbf16>
          %parallel_loop3A_764 = tpu.unpack_subelements %parallel_loop3A_763, 0 {pack_format = #tpu.pack_format<interleaved>} : vector<32xbf16> -> vector<16xf32>
          %parallel_loop3A_765 = tpu.unpack_subelements %parallel_loop3A_763, 1 {pack_format = #tpu.pack_format<interleaved>} : vector<32xbf16> -> vector<16xf32>
          %parallel_loop3A_766 = arith.index_cast %squeeze3A_194 : i32 to index
          %parallel_loop3A_767 = arith.index_cast %parallel_loop3A_213 : i32 to index
          %parallel_loop3A_768 = tpu.vector_load %arg7[%parallel_loop3A_766, %parallel_loop3A_767] {strides = array<i32>} : memref<192x192xi32, #tpu.memory_space<vmem>>, vector<16xi32>,
          %parallel_loop3A_769 = vector.bitcast %parallel_loop3A_768 : vector<16xi32> to vector<32xbf16>
          %parallel_loop3A_770 = tpu.unpack_subelements %parallel_loop3A_769, 0 {pack_format = #tpu.pack_format<interleaved>} : vector<32xbf16> -> vector<16xf32>
          %parallel_loop3A_771 = tpu.unpack_subelements %parallel_loop3A_769, 1 {pack_format = #tpu.pack_format<interleaved>} : vector<32xbf16> -> vector<16xf32>
          %parallel_loop3A_772 = arith.index_cast %squeeze3A_196 : i32 to index
          %parallel_loop3A_773 = arith.index_cast %parallel_loop3A_213 : i32 to index
          %parallel_loop3A_774 = tpu.vector_load %arg7[%parallel_loop3A_772, %parallel_loop3A_773] {strides = array<i32>} : memref<192x192xi32, #tpu.memory_space<vmem>>, vector<16xi32>,
          %parallel_loop3A_775 = vector.bitcast %parallel_loop3A_774 : vector<16xi32> to vector<32xbf16>
          %parallel_loop3A_776 = tpu.unpack_subelements %parallel_loop3A_775, 0 {pack_format = #tpu.pack_format<interleaved>} : vector<32xbf16> -> vector<16xf32>
          %parallel_loop3A_777 = tpu.unpack_subelements %parallel_loop3A_775, 1 {pack_format = #tpu.pack_format<interleaved>} : vector<32xbf16> -> vector<16xf32>
          %parallel_loop3A_778 = arith.addf %parallel_loop3A_764, %parallel_loop3A_770 : vector<16xf32>
          %parallel_loop3A_779 = arith.addf %parallel_loop3A_778, %parallel_loop3A_776 : vector<16xf32>
          %parallel_loop3A_780 = arith.constant 13 : i32
          %parallel_loop3A_781 = arith.addi %mul3A_114, %parallel_loop3A_780 : i32
          %parallel_loop3A_782 = arith.constant 2 : i32
          %parallel_loop3A_783 = arith.muli %parallel_loop3A_211, %parallel_loop3A_782 : i32
          %parallel_loop3A_784 = arith.constant 16 : i32
          %parallel_loop3A_785 = arith.muli %parallel_loop3A_783, %parallel_loop3A_784 : i32
          %parallel_loop3A_786 = arith.index_cast %parallel_loop3A_781 : i32 to index
          %parallel_loop3A_787 = arith.index_cast %parallel_loop3A_785 : i32 to index
          %parallel_loop3A_788 = tpu.vector_load %arg12[%parallel_loop3A_786, %parallel_loop3A_787] {strides = array<i32>} : memref<64x384xf32, #tpu.memory_space<vmem>>, vector<16xf32>,
          tpu.vector_store %arg12[%parallel_loop3A_786, %parallel_loop3A_787], %parallel_loop3A_779 {strides = array<i32>} : memref<64x384xf32, #tpu.memory_space<vmem>>, vector<16xf32>,
          %parallel_loop3A_789 = arith.addf %parallel_loop3A_765, %parallel_loop3A_771 : vector<16xf32>
          %parallel_loop3A_790 = arith.addf %parallel_loop3A_789, %parallel_loop3A_777 : vector<16xf32>
          %parallel_loop3A_791 = arith.constant 13 : i32
          %parallel_loop3A_792 = arith.addi %mul3A_114, %parallel_loop3A_791 : i32
          %parallel_loop3A_793 = arith.constant 2 : i32
          %parallel_loop3A_794 = arith.muli %parallel_loop3A_211, %parallel_loop3A_793 : i32
          %parallel_loop3A_795 = arith.constant 16 : i32
          %parallel_loop3A_796 = arith.muli %parallel_loop3A_794, %parallel_loop3A_795 : i32
          %parallel_loop3A_797 = arith.constant 16 : i32
          %parallel_loop3A_798 = arith.addi %parallel_loop3A_796, %parallel_loop3A_797 : i32
          %parallel_loop3A_799 = arith.index_cast %parallel_loop3A_792 : i32 to index
          %parallel_loop3A_800 = arith.index_cast %parallel_loop3A_798 : i32 to index
          %parallel_loop3A_801 = tpu.vector_load %arg12[%parallel_loop3A_799, %parallel_loop3A_800] {strides = array<i32>} : memref<64x384xf32, #tpu.memory_space<vmem>>, vector<16xf32>,
          tpu.vector_store %arg12[%parallel_loop3A_799, %parallel_loop3A_800], %parallel_loop3A_790 {strides = array<i32>} : memref<64x384xf32, #tpu.memory_space<vmem>>, vector<16xf32>,
          %parallel_loop3A_802 = arith.index_cast %squeeze3A_198 : i32 to index
          %parallel_loop3A_803 = arith.index_cast %parallel_loop3A_213 : i32 to index
          %parallel_loop3A_804 = tpu.vector_load %arg7[%parallel_loop3A_802, %parallel_loop3A_803] {strides = array<i32>} : memref<192x192xi32, #tpu.memory_space<vmem>>, vector<16xi32>,
          %parallel_loop3A_805 = vector.bitcast %parallel_loop3A_804 : vector<16xi32> to vector<32xbf16>
          %parallel_loop3A_806 = tpu.unpack_subelements %parallel_loop3A_805, 0 {pack_format = #tpu.pack_format<interleaved>} : vector<32xbf16> -> vector<16xf32>
          %parallel_loop3A_807 = tpu.unpack_subelements %parallel_loop3A_805, 1 {pack_format = #tpu.pack_format<interleaved>} : vector<32xbf16> -> vector<16xf32>
          %parallel_loop3A_808 = arith.index_cast %squeeze3A_200 : i32 to index
          %parallel_loop3A_809 = arith.index_cast %parallel_loop3A_213 : i32 to index
          %parallel_loop3A_810 = tpu.vector_load %arg7[%parallel_loop3A_808, %parallel_loop3A_809] {strides = array<i32>} : memref<192x192xi32, #tpu.memory_space<vmem>>, vector<16xi32>,
          %parallel_loop3A_811 = vector.bitcast %parallel_loop3A_810 : vector<16xi32> to vector<32xbf16>
          %parallel_loop3A_812 = tpu.unpack_subelements %parallel_loop3A_811, 0 {pack_format = #tpu.pack_format<interleaved>} : vector<32xbf16> -> vector<16xf32>
          %parallel_loop3A_813 = tpu.unpack_subelements %parallel_loop3A_811, 1 {pack_format = #tpu.pack_format<interleaved>} : vector<32xbf16> -> vector<16xf32>
          %parallel_loop3A_814 = arith.index_cast %squeeze3A_202 : i32 to index
          %parallel_loop3A_815 = arith.index_cast %parallel_loop3A_213 : i32 to index
          %parallel_loop3A_816 = tpu.vector_load %arg7[%parallel_loop3A_814, %parallel_loop3A_815] {strides = array<i32>} : memref<192x192xi32, #tpu.memory_space<vmem>>, vector<16xi32>,
          %parallel_loop3A_817 = vector.bitcast %parallel_loop3A_816 : vector<16xi32> to vector<32xbf16>
          %parallel_loop3A_818 = tpu.unpack_subelements %parallel_loop3A_817, 0 {pack_format = #tpu.pack_format<interleaved>} : vector<32xbf16> -> vector<16xf32>
          %parallel_loop3A_819 = tpu.unpack_subelements %parallel_loop3A_817, 1 {pack_format = #tpu.pack_format<interleaved>} : vector<32xbf16> -> vector<16xf32>
          %parallel_loop3A_820 = arith.addf %parallel_loop3A_806, %parallel_loop3A_812 : vector<16xf32>
          %parallel_loop3A_821 = arith.addf %parallel_loop3A_820, %parallel_loop3A_818 : vector<16xf32>
          %parallel_loop3A_822 = arith.constant 14 : i32
          %parallel_loop3A_823 = arith.addi %mul3A_114, %parallel_loop3A_822 : i32
          %parallel_loop3A_824 = arith.constant 2 : i32
          %parallel_loop3A_825 = arith.muli %parallel_loop3A_211, %parallel_loop3A_824 : i32
          %parallel_loop3A_826 = arith.constant 16 : i32
          %parallel_loop3A_827 = arith.muli %parallel_loop3A_825, %parallel_loop3A_826 : i32
          %parallel_loop3A_828 = arith.index_cast %parallel_loop3A_823 : i32 to index
          %parallel_loop3A_829 = arith.index_cast %parallel_loop3A_827 : i32 to index
          %parallel_loop3A_830 = tpu.vector_load %arg12[%parallel_loop3A_828, %parallel_loop3A_829] {strides = array<i32>} : memref<64x384xf32, #tpu.memory_space<vmem>>, vector<16xf32>,
          tpu.vector_store %arg12[%parallel_loop3A_828, %parallel_loop3A_829], %parallel_loop3A_821 {strides = array<i32>} : memref<64x384xf32, #tpu.memory_space<vmem>>, vector<16xf32>,
          %parallel_loop3A_831 = arith.addf %parallel_loop3A_807, %parallel_loop3A_813 : vector<16xf32>
          %parallel_loop3A_832 = arith.addf %parallel_loop3A_831, %parallel_loop3A_819 : vector<16xf32>
          %parallel_loop3A_833 = arith.constant 14 : i32
          %parallel_loop3A_834 = arith.addi %mul3A_114, %parallel_loop3A_833 : i32
          %parallel_loop3A_835 = arith.constant 2 : i32
          %parallel_loop3A_836 = arith.muli %parallel_loop3A_211, %parallel_loop3A_835 : i32
          %parallel_loop3A_837 = arith.constant 16 : i32
          %parallel_loop3A_838 = arith.muli %parallel_loop3A_836, %parallel_loop3A_837 : i32
          %parallel_loop3A_839 = arith.constant 16 : i32
          %parallel_loop3A_840 = arith.addi %parallel_loop3A_838, %parallel_loop3A_839 : i32
          %parallel_loop3A_841 = arith.index_cast %parallel_loop3A_834 : i32 to index
          %parallel_loop3A_842 = arith.index_cast %parallel_loop3A_840 : i32 to index
          %parallel_loop3A_843 = tpu.vector_load %arg12[%parallel_loop3A_841, %parallel_loop3A_842] {strides = array<i32>} : memref<64x384xf32, #tpu.memory_space<vmem>>, vector<16xf32>,
          tpu.vector_store %arg12[%parallel_loop3A_841, %parallel_loop3A_842], %parallel_loop3A_832 {strides = array<i32>} : memref<64x384xf32, #tpu.memory_space<vmem>>, vector<16xf32>,
          %parallel_loop3A_844 = arith.index_cast %squeeze3A_204 : i32 to index
          %parallel_loop3A_845 = arith.index_cast %parallel_loop3A_213 : i32 to index
          %parallel_loop3A_846 = tpu.vector_load %arg7[%parallel_loop3A_844, %parallel_loop3A_845] {strides = array<i32>} : memref<192x192xi32, #tpu.memory_space<vmem>>, vector<16xi32>,
          %parallel_loop3A_847 = vector.bitcast %parallel_loop3A_846 : vector<16xi32> to vector<32xbf16>
          %parallel_loop3A_848 = tpu.unpack_subelements %parallel_loop3A_847, 0 {pack_format = #tpu.pack_format<interleaved>} : vector<32xbf16> -> vector<16xf32>
          %parallel_loop3A_849 = tpu.unpack_subelements %parallel_loop3A_847, 1 {pack_format = #tpu.pack_format<interleaved>} : vector<32xbf16> -> vector<16xf32>
          %parallel_loop3A_850 = arith.index_cast %squeeze3A_206 : i32 to index
          %parallel_loop3A_851 = arith.index_cast %parallel_loop3A_213 : i32 to index
          %parallel_loop3A_852 = tpu.vector_load %arg7[%parallel_loop3A_850, %parallel_loop3A_851] {strides = array<i32>} : memref<192x192xi32, #tpu.memory_space<vmem>>, vector<16xi32>,
          %parallel_loop3A_853 = vector.bitcast %parallel_loop3A_852 : vector<16xi32> to vector<32xbf16>
          %parallel_loop3A_854 = tpu.unpack_subelements %parallel_loop3A_853, 0 {pack_format = #tpu.pack_format<interleaved>} : vector<32xbf16> -> vector<16xf32>
          %parallel_loop3A_855 = tpu.unpack_subelements %parallel_loop3A_853, 1 {pack_format = #tpu.pack_format<interleaved>} : vector<32xbf16> -> vector<16xf32>
          %parallel_loop3A_856 = arith.index_cast %squeeze3A_208 : i32 to index
          %parallel_loop3A_857 = arith.index_cast %parallel_loop3A_213 : i32 to index
          %parallel_loop3A_858 = tpu.vector_load %arg7[%parallel_loop3A_856, %parallel_loop3A_857] {strides = array<i32>} : memref<192x192xi32, #tpu.memory_space<vmem>>, vector<16xi32>,
          %parallel_loop3A_859 = vector.bitcast %parallel_loop3A_858 : vector<16xi32> to vector<32xbf16>
          %parallel_loop3A_860 = tpu.unpack_subelements %parallel_loop3A_859, 0 {pack_format = #tpu.pack_format<interleaved>} : vector<32xbf16> -> vector<16xf32>
          %parallel_loop3A_861 = tpu.unpack_subelements %parallel_loop3A_859, 1 {pack_format = #tpu.pack_format<interleaved>} : vector<32xbf16> -> vector<16xf32>
          %parallel_loop3A_862 = arith.addf %parallel_loop3A_848, %parallel_loop3A_854 : vector<16xf32>
          %parallel_loop3A_863 = arith.addf %parallel_loop3A_862, %parallel_loop3A_860 : vector<16xf32>
          %parallel_loop3A_864 = arith.constant 15 : i32
          %parallel_loop3A_865 = arith.addi %mul3A_114, %parallel_loop3A_864 : i32
          %parallel_loop3A_866 = arith.constant 2 : i32
          %parallel_loop3A_867 = arith.muli %parallel_loop3A_211, %parallel_loop3A_866 : i32
          %parallel_loop3A_868 = arith.constant 16 : i32
          %parallel_loop3A_869 = arith.muli %parallel_loop3A_867, %parallel_loop3A_868 : i32
          %parallel_loop3A_870 = arith.index_cast %parallel_loop3A_865 : i32 to index
          %parallel_loop3A_871 = arith.index_cast %parallel_loop3A_869 : i32 to index
          %parallel_loop3A_872 = tpu.vector_load %arg12[%parallel_loop3A_870, %parallel_loop3A_871] {strides = array<i32>} : memref<64x384xf32, #tpu.memory_space<vmem>>, vector<16xf32>,
          tpu.vector_store %arg12[%parallel_loop3A_870, %parallel_loop3A_871], %parallel_loop3A_863 {strides = array<i32>} : memref<64x384xf32, #tpu.memory_space<vmem>>, vector<16xf32>,
          %parallel_loop3A_873 = arith.addf %parallel_loop3A_849, %parallel_loop3A_855 : vector<16xf32>
          %parallel_loop3A_874 = arith.addf %parallel_loop3A_873, %parallel_loop3A_861 : vector<16xf32>
          %parallel_loop3A_875 = arith.constant 15 : i32
          %parallel_loop3A_876 = arith.addi %mul3A_114, %parallel_loop3A_875 : i32
          %parallel_loop3A_877 = arith.constant 2 : i32
          %parallel_loop3A_878 = arith.muli %parallel_loop3A_211, %parallel_loop3A_877 : i32
          %parallel_loop3A_879 = arith.constant 16 : i32
          %parallel_loop3A_880 = arith.muli %parallel_loop3A_878, %parallel_loop3A_879 : i32
          %parallel_loop3A_881 = arith.constant 16 : i32
          %parallel_loop3A_882 = arith.addi %parallel_loop3A_880, %parallel_loop3A_881 : i32
          %parallel_loop3A_883 = arith.index_cast %parallel_loop3A_876 : i32 to index
          %parallel_loop3A_884 = arith.index_cast %parallel_loop3A_882 : i32 to index
          %parallel_loop3A_885 = tpu.vector_load %arg12[%parallel_loop3A_883, %parallel_loop3A_884] {strides = array<i32>} : memref<64x384xf32, #tpu.memory_space<vmem>>, vector<16xf32>,
          tpu.vector_store %arg12[%parallel_loop3A_883, %parallel_loop3A_884], %parallel_loop3A_874 {strides = array<i32>} : memref<64x384xf32, #tpu.memory_space<vmem>>, vector<16xf32>,
        } {sc.loop_unroll_factor = 4 : i64, sc.parallel_access}
      }
      %scan3A_92 = arith.constant 4 : i32
      %mul3A_93 = arith.constant 64 : i32
      %mul3A_94 = arith.muli %add3A_81, %mul3A_93 : i32
      %add3A_95 = arith.addi %mul3A_34, %mul3A_94 : i32
      %dma_start3A_96 = arith.constant 0 : i32
      %dma_start3A_97 = tpu.memref_slice %arg6[%select_n3A, %add3A_95, %dma_start3A_96] : memref<4x16384x384xf32, #tpu.memory_space<hbm>> -> memref<1x64x384xf32, #tpu.memory_space<hbm>>
      %dma_start3A_98 = tpu.memref_squeeze %dma_start3A_97 : memref<1x64x384xf32, #tpu.memory_space<hbm>> -> memref<64x384xf32, #tpu.memory_space<hbm>>
      %dma_start3A_99 = arith.constant 0 : i32
      %dma_start3A_100 = tpu.memref_slice %arg6[%select_n3A, %add3A_95, %dma_start3A_99] : memref<4x16384x384xf32, #tpu.memory_space<hbm>> -> memref<1x64x384xf32, #tpu.memory_space<hbm>>
      %dma_start3A_101 = tpu.memref_squeeze %dma_start3A_100 : memref<1x64x384xf32, #tpu.memory_space<hbm>> -> memref<64x384xf32, #tpu.memory_space<hbm>>
      tpu.enqueue_dma source(%arg12 : memref<64x384xf32, #tpu.memory_space<vmem>>) target(%dma_start3A_101 : memref<64x384xf32, #tpu.memory_space<hbm>>) target_semaphore(%arg14 : memref<!tpu.dma_semaphore, #tpu.memory_space<semaphore_mem>>)
    }
    %scan3A_39 = arith.constant 16 : i32
    %dma_wait3A = arith.constant 0 : i32
    %dma_wait3A_40 = arith.constant 0 : i32
    %dma_wait3A_41 = arith.constant 0 : i32
    %dma_wait3A_42 = tpu.memref_slice %arg6[%dma_wait3A, %dma_wait3A_40, %dma_wait3A_41] : memref<4x16384x384xf32, #tpu.memory_space<hbm>> -> memref<1x64x384xf32, #tpu.memory_space<hbm>>
    %dma_wait3A_43 = tpu.memref_squeeze %dma_wait3A_42 : memref<1x64x384xf32, #tpu.memory_space<hbm>> -> memref<64x384xf32, #tpu.memory_space<hbm>>
    %dma_wait3A_44 = arith.constant 0 : i32
    %dma_wait3A_45 = arith.constant 0 : i32
    %dma_wait3A_46 = tpu.memref_slice %arg6[%dma_wait3A, %dma_wait3A_44, %dma_wait3A_45] : memref<4x16384x384xf32, #tpu.memory_space<hbm>> -> memref<1x64x384xf32, #tpu.memory_space<hbm>>
    %dma_wait3A_47 = tpu.memref_squeeze %dma_wait3A_46 : memref<1x64x384xf32, #tpu.memory_space<hbm>> -> memref<64x384xf32, #tpu.memory_space<hbm>>
    tpu.wait_dma2 semaphore(%arg13 : memref<!tpu.dma_semaphore, #tpu.memory_space<semaphore_mem>>) src(%arg11 : memref<64x384xf32, #tpu.memory_space<vmem>>) dst(%dma_wait3A_47 : memref<64x384xf32, #tpu.memory_space<hbm>>)
    %dma_wait3A_48 = arith.constant 0 : i32
    %dma_wait3A_49 = arith.constant 0 : i32
    %dma_wait3A_50 = arith.constant 0 : i32
    %dma_wait3A_51 = tpu.memref_slice %arg6[%dma_wait3A_48, %dma_wait3A_49, %dma_wait3A_50] : memref<4x16384x384xf32, #tpu.memory_space<hbm>> -> memref<1x64x384xf32, #tpu.memory_space<hbm>>
    %dma_wait3A_52 = tpu.memref_squeeze %dma_wait3A_51 : memref<1x64x384xf32, #tpu.memory_space<hbm>> -> memref<64x384xf32, #tpu.memory_space<hbm>>
    %dma_wait3A_53 = arith.constant 0 : i32
    %dma_wait3A_54 = arith.constant 0 : i32
    %dma_wait3A_55 = tpu.memref_slice %arg6[%dma_wait3A_48, %dma_wait3A_53, %dma_wait3A_54] : memref<4x16384x384xf32, #tpu.memory_space<hbm>> -> memref<1x64x384xf32, #tpu.memory_space<hbm>>
    %dma_wait3A_56 = tpu.memref_squeeze %dma_wait3A_55 : memref<1x64x384xf32, #tpu.memory_space<hbm>> -> memref<64x384xf32, #tpu.memory_space<hbm>>
    tpu.wait_dma2 semaphore(%arg14 : memref<!tpu.dma_semaphore, #tpu.memory_space<semaphore_mem>>) src(%arg12 : memref<64x384xf32, #tpu.memory_space<vmem>>) dst(%dma_wait3A_56 : memref<64x384xf32, #tpu.memory_space<hbm>>)
    return
  }
}

module attributes {stable_mosaic.version = 14 : i64} {
  func.func @_fold_body(%arg0: memref<64x128xf32, #tpu.memory_space<vmem>>, %arg1: memref<64x128xf32, #tpu.memory_space<vmem>>, %arg2: memref<64x128xf32, #tpu.memory_space<vmem>>, %arg3: memref<384x384xf32, #tpu.memory_space<vmem>>, %arg4: memref<1x384xf32, #tpu.memory_space<vmem>>, %arg5: memref<192x384xf32, #tpu.memory_space<vmem>>) attributes {dimension_semantics = [], scalar_prefetch = 0 : i64, scratch_operands = 0 : i64, tpu.core_type = #tpu.core_type<tc>} {
    %get3A = arith.constant 0 : index
    %get3A_0 = arith.constant 0 : index
    %get3A_1 = vector.load %arg4[%get3A, %get3A_0] : memref<1x384xf32, #tpu.memory_space<vmem>>, vector<1x384xf32>
    %get3A_2 = vector.shape_cast %get3A_1 : vector<1x384xf32> to vector<384xf32>
    %get3A_3 = arith.constant 0 : index
    %get3A_4 = arith.constant 0 : index
    %get3A_5 = vector.load %arg0[%get3A_3, %get3A_4] : memref<64x128xf32, #tpu.memory_space<vmem>>, vector<64x128xf32>
    %get3A_6 = arith.constant 0 : index
    %get3A_7 = arith.constant 0 : index
    %get3A_8 = vector.load %arg3[%get3A_6, %get3A_7] : memref<384x384xf32, #tpu.memory_space<vmem>>, vector<128x384xf32>
    %dot_general3A = arith.constant dense<0.000000e+00> : vector<64x384xf32>
    %dot_general3A_9 = tpu.matmul %get3A_5, %get3A_8, %dot_general3A {dimension_numbers = #tpu.dot_dimension_numbers<[1], [0], [0], [1], [0, 0, 1, 1], [], []>, precision = #tpu.contract_precision<fp32>, transpose_lhs_hint = false} : vector<64x128xf32>, vector<128x384xf32>, vector<64x384xf32> -> vector<64x384xf32>
    %broadcast_in_dim3A = vector.shape_cast %get3A_2 : vector<384xf32> to vector<1x384xf32>
    %add3A = vector.broadcast %broadcast_in_dim3A : vector<1x384xf32> to vector<64x384xf32>
    %add3A_10 = arith.addf %dot_general3A_9, %add3A : vector<64x384xf32>
    %swap3A = arith.constant 0 : index
    %swap3A_11 = arith.constant 0 : index
    %swap3A_12 = vector.load %arg5[%swap3A, %swap3A_11] : memref<192x384xf32, #tpu.memory_space<vmem>>, vector<64x384xf32>
    tpu.vector_store %arg5[%swap3A, %swap3A_11], %add3A_10 {strides = array<i32>} : memref<192x384xf32, #tpu.memory_space<vmem>>, vector<64x384xf32>,
    %get3A_13 = arith.constant 0 : index
    %get3A_14 = arith.constant 0 : index
    %get3A_15 = vector.load %arg1[%get3A_13, %get3A_14] : memref<64x128xf32, #tpu.memory_space<vmem>>, vector<64x128xf32>
    %get3A_16 = arith.constant 128 : index
    %get3A_17 = arith.constant 0 : index
    %get3A_18 = vector.load %arg3[%get3A_16, %get3A_17] : memref<384x384xf32, #tpu.memory_space<vmem>>, vector<128x384xf32>
    %dot_general3A_19 = arith.constant dense<0.000000e+00> : vector<64x384xf32>
    %dot_general3A_20 = tpu.matmul %get3A_15, %get3A_18, %dot_general3A_19 {dimension_numbers = #tpu.dot_dimension_numbers<[1], [0], [0], [1], [0, 0, 1, 1], [], []>, precision = #tpu.contract_precision<fp32>, transpose_lhs_hint = false} : vector<64x128xf32>, vector<128x384xf32>, vector<64x384xf32> -> vector<64x384xf32>
    %swap3A_21 = arith.constant 64 : index
    %swap3A_22 = arith.constant 0 : index
    %swap3A_23 = vector.load %arg5[%swap3A_21, %swap3A_22] : memref<192x384xf32, #tpu.memory_space<vmem>>, vector<64x384xf32>
    tpu.vector_store %arg5[%swap3A_21, %swap3A_22], %dot_general3A_20 {strides = array<i32>} : memref<192x384xf32, #tpu.memory_space<vmem>>, vector<64x384xf32>,
    %get3A_24 = arith.constant 0 : index
    %get3A_25 = arith.constant 0 : index
    %get3A_26 = vector.load %arg2[%get3A_24, %get3A_25] : memref<64x128xf32, #tpu.memory_space<vmem>>, vector<64x128xf32>
    %get3A_27 = arith.constant 256 : index
    %get3A_28 = arith.constant 0 : index
    %get3A_29 = vector.load %arg3[%get3A_27, %get3A_28] : memref<384x384xf32, #tpu.memory_space<vmem>>, vector<128x384xf32>
    %dot_general3A_30 = arith.constant dense<0.000000e+00> : vector<64x384xf32>
    %dot_general3A_31 = tpu.matmul %get3A_26, %get3A_29, %dot_general3A_30 {dimension_numbers = #tpu.dot_dimension_numbers<[1], [0], [0], [1], [0, 0, 1, 1], [], []>, precision = #tpu.contract_precision<fp32>, transpose_lhs_hint = false} : vector<64x128xf32>, vector<128x384xf32>, vector<64x384xf32> -> vector<64x384xf32>
    %swap3A_32 = arith.constant 128 : index
    %swap3A_33 = arith.constant 0 : index
    %swap3A_34 = vector.load %arg5[%swap3A_32, %swap3A_33] : memref<192x384xf32, #tpu.memory_space<vmem>>, vector<64x384xf32>
    tpu.vector_store %arg5[%swap3A_32, %swap3A_33], %dot_general3A_31 {strides = array<i32>} : memref<192x384xf32, #tpu.memory_space<vmem>>, vector<64x384xf32>,
    return
  }
}

</mosaic_0001>

<sc_bundles>
// kernel: kernel.4.cloned.1.call-start
scs
__scs_entry_jumppad:
0x0: {  	(pc) =	sbr.rel $0x88, $3  }
0x1: {  	(tag) =	ssettag $0x0;
	lr =	simm.s32 $0x1  }
0x2: {  	[smem:$0x3F9B] =	sst lr;
	_ =	strace $0xD0000000  }
0x3: {  	_ = 	snop  }
0x4: {  	_ = 	snop  }
0x5: {  	_ = 	snop  }
0x6: {  	_ = 	snop  }
0x7: {  	_ = 	snop  }
__scs_overlays_trampoline_lowered:
0x8: {  	[smem:$0x3FAA] =	sst s0  }
0x9: {  	[smem:$0x3FAB] =	sst s1  }
0xa: {  	[smem:$0x3FAC] =	sst s2  }
0xb: {  	[smem:$0x3FAD] =	sst s3  }
0xc: {  	[smem:$0x3FAE] =	sst s4  }
0xd: {  	[smem:$0x3FAF] =	sst s5  }
0xe: {  	[smem:$0x3FB0] =	sst s6  }
0xf: {  	[smem:$0x3FB1] =	sst s7  }
0x10: {  	[smem:$0x3FB2] =	sst s8  }
0x11: {  	[smem:$0x3FB3] =	sst s9;
	s0 =	simm.s32 @!p0 $0x0  }
0x12: {  	s1 =	sld [smem:$0x3F99];
	s0 =	simm.s32 @p0 $0x1  }
0x13: {  	[smem:$0x3FB4] =	sst s0;
	s0 =	simm.s32 @!p1 $0x0  }
0x14: {  	s2 =	sld [smem:$0x3F98];
	s0 =	simm.s32 @p1 $0x1  }
0x15: {  	[smem:$0x3FB5] =	sst s0;
	s0 =	simm.s32 @!p2 $0x0  }
0x16: {  	s3 =	sld [smem:$0x3FDB];
	s0 =	simm.s32 @p2 $0x1  }
0x17: {  	s4 =	simm.s32 $0x1BF5;
	[smem:$0x3FB7] =	sst s0  }
0x18: {  	s0 =	sld [smem:$0x3F9A];
	_ =	swait.ge [sflag:s4], $0x0  }
0x19: {  	s7 =	sld [smem:$0x3F9B]  }
0x1a: {  	s8 =	sadd.s32 $0xFFFFE003, lr  }
0x1b: {  	s9 =	sadd.s32 $0xFFFFFEF7, lr;
	s5 =	simm.s32 $0xFFFFFFFF;
	p2 =	slt.u32 s8, $0xFFFFF086  }
0x1c: {  	p1 =	slt.u32 s9, $0xF7A;
	s5 =	simm.s32 @!p2 $0x0  }
0x1d: {  	s5 =	simm.s32 @p1 $0x1;
	p0 =	seq.s32 s7, s2  }
0x1e: {  	s7 =	smul.u32 @!p0 $0xF7A, s2;
	p2 =	seq.s32 @!p0 s5, $0x0  }
0x1f: {  	s9 =	smul.u32 $0xF7A, s1;
	s8 =	simm.s32 @!p0 $0x1BF5;
	p2 =	por !p2, p0  }
0x20: {  	[sflag:s8] =	ssyncset.s32 @!p0 $0xFFFFF086;
	s6 =	sadd.s32 @!p0 s3, s7;
	s7 =	simm.s32 @!p0 $0x108  }
0x21: {  	s3 =	sadd.s32 s3, s9;
	s6 =	sadd.s32 @!p0 $0x88, s6;
	s7 =	simm.s32 @p2 $0x1082  }
0x22: {  	[simem:s7], [sflag:s8] =	dma.local @!p0 [hbm:s6], $0xF7A  }
0x23: {  	s9 =	sor.u32 $0xD0000000, s2;
	s6 =	simm.s32 $0x108;
	_ =	swait.ge @!p0 [sflag:s8], $0x0  }
0x24: {  	s3 =	sadd.s32 $0x88, s3;
	s6 =	simm.s32 @!p1 $0x1082;
	[sflag:s4] =	ssyncset.s32 $0xFFFFF086  }
0x25: {  	[simem:s6], [sflag:s4] =	dma.local [hbm:s3], $0xF7A  }
0x26: {  	[smem:$0x3F9B] =	sst s1;
	(tag) =	ssettag s2;
	_ =	strace s9  }
0x27: {  	s1 =	sld [smem:$0x3FAB]  }
0x28: {  	s2 =	sld [smem:$0x3FAC]  }
0x29: {  	s4 =	sld [smem:$0x3FAE]  }
0x2a: {  	p0 =	seq.s32 s5, $0x0;
	s5 =	sld [smem:$0x3FAF]  }
0x2b: {  	s6 =	sld [smem:$0x3FB0]  }
0x2c: {  	s7 =	sld [smem:$0x3FB1]  }
0x2d: {  	s3 =	simm.s32 $0x108;
	s8 =	sld [smem:$0x3FB2]  }
0x2e: {  	s3 =	simm.s32 @!p0 $0x1082;
	s9 =	sld [smem:$0x3FB3]  }
0x2f: {  	lr =	sadd.s32 s0, s3;
	s0 =	sld [smem:$0x3FAA]  }
0x30: {  	s3 =	sld [smem:$0x3FAD]  }
0x31: {  	[smem:$0x3FB6] =	sst s10  }
0x32: {  	s10 =	sld [smem:$0x3FB4];
	_ =	sdelay $0x3  }
0x33: {  	p0 =	seq.s32 s10, $0x1;
	s10 =	sld [smem:$0x3FB6];
	_ =	sdelay $0x3  }
0x34: {  	[smem:$0x3FB6] =	sst s10  }
0x35: {  	s10 =	sld [smem:$0x3FB5];
	_ =	sdelay $0x3  }
0x36: {  	p1 =	seq.s32 s10, $0x1;
	s10 =	sld [smem:$0x3FB6];
	_ =	sdelay $0x3  }
0x37: {  	[smem:$0x3FB6] =	sst s10  }
0x38: {  	s10 =	sld [smem:$0x3FB7]  }
0x39: {  	_ = 	snop;
	(pc) =	sbr.ind lr, $3  }
0x3a: {  	_ = 	snop  }
0x3b: {  	_ = 	snop  }
0x3c: {  	p2 =	seq.s32 s10, $0x1;
	s10 =	sld [smem:$0x3FB6]  }
0x3d: {  	_ =	shalt  }
0x3e: {  	_ =	shalt  }
0x3f: {  	_ =	shalt  }
0x40: {  	_ =	shalt  }
0x41: {  	_ =	shalt  }
0x42: {  	_ =	shalt  }
0x43: {  	_ =	shalt  }
0x44: {  	_ =	shalt  }
0x45: {  	_ =	shalt  }
0x46: {  	_ =	shalt  }
0x47: {  	_ =	shalt  }
0x48: {  	_ =	shalt  }
0x49: {  	_ =	shalt  }
0x4a: {  	_ =	shalt  }
0x4b: {  	_ =	shalt  }
0x4c: {  	_ =	shalt  }
0x4d: {  	_ =	shalt  }
0x4e: {  	_ =	shalt  }
0x4f: {  	_ =	shalt  }
0x50: {  	_ =	shalt  }
0x51: {  	_ =	shalt  }
0x52: {  	_ =	shalt  }
0x53: {  	_ =	shalt  }
0x54: {  	_ =	shalt  }
0x55: {  	_ =	shalt  }
0x56: {  	_ =	shalt  }
0x57: {  	_ =	shalt  }
0x58: {  	_ =	shalt  }
0x59: {  	_ =	shalt  }
0x5a: {  	_ =	shalt  }
0x5b: {  	_ =	shalt  }
0x5c: {  	_ =	shalt  }
0x5d: {  	_ =	shalt  }
0x5e: {  	_ =	shalt  }
0x5f: {  	_ =	shalt  }
0x60: {  	_ =	shalt  }
0x61: {  	_ =	shalt  }
0x62: {  	_ =	shalt  }
0x63: {  	_ =	shalt  }
0x64: {  	_ =	shalt  }
0x65: {  	_ =	shalt  }
0x66: {  	_ =	shalt  }
0x67: {  	_ =	shalt  }
0x68: {  	_ =	shalt  }
0x69: {  	_ =	shalt  }
0x6a: {  	_ =	shalt  }
0x6b: {  	_ =	shalt  }
0x6c: {  	_ =	shalt  }
0x6d: {  	_ =	shalt  }
0x6e: {  	_ =	shalt  }
0x6f: {  	_ =	shalt  }
0x70: {  	_ =	shalt  }
0x71: {  	_ =	shalt  }
0x72: {  	_ =	shalt  }
0x73: {  	_ =	shalt  }
0x74: {  	_ =	shalt  }
0x75: {  	_ =	shalt  }
0x76: {  	_ =	shalt  }
0x77: {  	_ =	shalt  }
0x78: {  	_ =	shalt  }
0x79: {  	_ =	shalt  }
0x7a: {  	_ =	shalt  }
0x7b: {  	_ =	shalt  }
0x7c: {  	_ =	shalt  }
0x7d: {  	_ =	shalt  }
0x7e: {  	_ =	shalt  }
0x7f: {  	_ =	shalt  }
0x80: {  	_ =	shalt  }
0x81: {  	_ =	shalt  }
0x82: {  	_ =	shalt  }
0x83: {  	_ =	shalt  }
0x84: {  	_ =	shalt  }
0x85: {  	_ =	shalt  }
0x86: {  	_ =	shalt  }
0x87: {  	_ =	shalt  }
.Lfunc_end0:
.L_simem_size_0:
called_computation_lowered:
.L_overlay_start_0:
0x88: {  	s2 =	sld [smem:$0x3FD9]  }
0x89: {  	s3 =	sld [smem:$0x3FFE];
	_ =	sdelay $0x1  }
0x8a: {  	s1 =	srdreg.scid  }
0x8b: {  	s0 =	sand.u32 $0x1, s1  }
0x8c: {  	s17 =	sshll.u32 s0, $0xA;
	s2 =	sadd.s32 s3, s2  }
0x8d: {  	s2 =	sadd.s32 s2, s17  }
0x8e: {  	[smem:$0x3FC2] =	sst s2  }
0x8f: {  	_ = 	snop  }
0x90: {  	s2 =	sld [smem:$0x3FD0];
	(tm) =	ssettm $0x1  }
0x91: {  	s18 =	sld [smem:$0x3FFB];
	_ =	sdelay $0x3  }
0x92: {  	_ =	strace s18  }
0x93: {  	s3 =	sld [smem:$0x3FFC];
	_ =	sdelay $0x3  }
0x94: {  	_ =	strace s3  }
0x95: {  	s3 =	sld [smem:$0x3FFD];
	_ =	sdelay $0x3  }
0x96: {  	_ =	strace s3  }
0x97: {  	_ =	strace $0x8FFFFFFF  }
0x98: {  	s19 =	sld [smem:$0x3FDB];
	_ =	sdelay $0x1  }
0x99: {  	s4 =	simm.s32 $_scs_section_size  }
0x9a: {  	s5 =	simm.s32 $_size__tile_overlayer_lowered;
	s6 =	simm.s32 $_tile_overlayer_lowered  }
0x9b: {  	s22 =	simm.s32 $0x1BFF;
	s21 =	sshll.u32 s6, $0x1;
	s3 =	sadd.s32 s4, s19  }
0x9c: {  	s7 =	simm.s32 $0x0;
	s20 =	sshll.u32 s5, $0x1;
	s5 =	sadd.s32 s21, s3  }
0x9d: {  	[timem:s7], [sflag:s22] =	dma.local [hbm:s5], s20  }
0x9e: {  	_ =	swait.ge [sflag:s22], s20  }
0x9f: {  	s4 =	ssub.s32 $0x0, s20;
	[sflag:s22] =	ssyncset.done $0x0  }
0xa0: {  	[sflag:s22] =	ssyncadd.s32 s4;
	_ =	sdelay $0x1  }
0xa1: {  	s23 =	simm.s32 $0x1B8B  }
0xa2: {  	_ =	swait.ge [sflag:s23], $0x1  }
0xa3: {  	[sflag:s23] =	ssyncset.done $0x0  }
0xa4: {  	s25 =	simm.s32 $0x1B8E;
	s24 =	sld [smem:$0x3FFE];
	[sflag:s23] =	ssyncadd.s32 $0xFFFFFFFF  }
0xa5: {  	s26 =	simm.s32 $execute0_lowered;
	[smem:$0x3FD2] =	sst s25  }
0xa6: {  	s5 =	sshll.u32 s26, $0x1;
	_ =	strace $0x80000046;
	[dreg:$0x1] =	wrdreg $0xFFFFFFFF  }
0xa7: {  	s28 =	simm.s32 $_size_execute0_lowered;
	s3 =	sadd.s32 s3, s5;
	[dreg:$0x0] =	wrdreg $0x0  }
0xa8: {  	s5 =	sshll.u32 s28, $0x1;
	[dreg:$0x2] =	wrdreg s3  }
0xa9: {  	[dreg:$0x3] =	wrdreg s5  }
0xaa: {  	[dreg:$0x4] =	wrdreg $0xC0  }
0xab: {  	_ =	task [dreg:s7], $0x5FFFF  }
0xac: {  	[dreg:$0x1] =	wrdreg $0xFFFFFFFF  }
0xad: {  	[dreg:$0x0] =	wrdreg $0x60  }
0xae: {  	[dreg:$0x2] =	wrdreg s24  }
0xaf: {  	[dreg:$0x3] =	wrdreg s2  }
0xb0: {  	[dreg:$0x4] =	wrdreg $0x9  }
0xb1: {  	_ =	task.clear_ibuf [dreg:s7], $0x5FFFF;
	_ =	strace $0x90000046  }
0xb2: {  	s29 =	simm.s32 $0x9;
	_ =	strace $0x80000048  }
0xb3: {  	_ =	swait.ge [sflag:s29], $0x1  }
0xb4: {  	[sflag:s29] =	ssyncadd.s32 $0xFFFFFFFF  }
0xb5: {  	_ =	strace $0x90000048  }
0xb6: {  	_ =	sfence  }
0xb7: {  	s30 =	sld [smem:$0x0];
	_ =	sdelay $0x2  }
0xb8: {  	s31 =	sshll.u32 s1, $0xD;
	s1 =	sshrl.u32 s1, $0x2  }
0xb9: {  	s3 =	sand.u32 $0x4000, s31;
	s1 =	sadd.s32 s1, s30  }
0xba: {  	s0 =	sor.u32 s3, s0;
	s1 =	sshll.u32 s1, $0x11  }
0xbb: {  	s0 =	sor.u32 s1, s0  }
0xbc: {  	s0 =	sadd.s32 $0x8F2B, s0  }
0xbd: {  	[sflag:s0] =	ssyncadd.remote.s32 $0x1  }
0xbe: {  	_ =	sfence.sel $0xFFFF  }
0xbf: {  	[dreg:$0x0] =	wrdreg $0xFFFFFFFF;
	(pc) =	sbr.abs _section_cstart, $3  }
0xc0: {  	[dreg:$0x1] =	wrdreg $0xFFFFFFFF  }
0xc1: {  	_ =	task.clear_ibuf [dreg:s7], $0x2FFFF;
	_ =	strace $0x9FFFFFFF  }
0xc2: {  	(tm) =	ssettm $0x7FFFFFFF  }
0xc3: {  	_ =	shalt  }
tec
execute0_lowered:
.L_overlay_start_1:
0x0: {  	(tag) =	ssettag $0x1  }
0x1: {  	s0 =	rddreg [dreg:$0x0]  }
0x2: {  	s1 =	srdreg.scid;
	s4 =	stileid.u32  }
0x3: {  	s3 =	simm.s32 $0x0;
	s1 =	sand.u32 $0x1, s1;
	s2 =	sshll.u32 s4, $0x1  }
0x4: {  	[smem:$0x7FF] =	sst s3;
	s5 =	sadd.s32 $0x800, s0;
	s26 =	sshrl.u32 s4, $0x2  }
0x5: {  	s2 =	sor.u32 s1, s2;
	_ =	strace $0x80000047;
	s30 =	smul.u32 $0x600000, s26  }
0x6: {  	[smem:$0x7F7] =	sst s5;
	s24 =	sshll.u32 s2, $0x8;
	s2 =	sshll.u32 s2, $0xB  }
0x7: {  	s0 =	sadd.s32 s24, s0;
	s2 =	sand.u32 $0x3800, s2;
	[smem:$0x7FC] =	sst s30  }
0x8: {  	s1 =	ssub.s32 $0x2, s1;
	[smem:$0x7F8] =	sst s2;
	s28 =	sadd.s32 $0x6000, s0  }
0x9: {  	s25 =	sshrl.u32 s1, $0x1;
	s29 =	sadd.s32 $0x4000, s0;
	[smem:$0x7F9] =	sst s28  }
0xa: {  	s1 =	ssub.s32 s1, s25;
	s0 =	sadd.s32 $0x2000, s0;
	[smem:$0x7FA] =	sst s29  }
0xb: {  	s31 =	smax.u32 s1, $0x1;
	[smem:$0x7FB] =	sst s0  }
0xc: {  	s2 =	simm.s32 $0x0;
	[smem:$0x7FD] =	sst s31  }
.LBB2_1:
0xd: {  	s1 =	sld [smem:$0x7F7];
	_ =	sdelay $0x1  }
0xe: {  	[smem:$0x7F6] =	sst s2;
	s0 =	simm.s32 $0x0;
	s25 =	simm.s32 $0x3  }
0xf: {  	[tilespmem:s0], [sflag:$0x3] =	stream.linear.gather [hbm4b:s1+s0], $0xC000, $0x38;
	[tilespmem:$0x19800] =	vst v63  }
0x10: {  	_ =	swait.ge [sflag:s25], $0xC000  }
0x11: {  	s26 =	sld [smem:$0x7F9]  }
0x12: {  	[sflag:s25] =	ssyncset.done $0x0  }
0x13: {  	s3 =	simm.s32 $0xC000;
	[sflag:s25] =	ssyncadd.s32 $0xFFFF4000  }
0x14: {  	[tilespmem:s3], [sflag:$0x3] =	stream.linear.gather [hbm4b:s26+s0], $0x800, $0x38;
	[tilespmem:$0x19800] =	vst v63  }
0x15: {  	_ =	swait.ge [sflag:s25], $0x800  }
0x16: {  	s28 =	sld [smem:$0x7FA]  }
0x17: {  	[sflag:s25] =	ssyncset.done $0x0  }
0x18: {  	s29 =	simm.s32 $0xC800;
	[sflag:s25] =	ssyncadd.s32 $0xFFFFF800  }
0x19: {  	[tilespmem:s29], [sflag:$0x3] =	stream.linear.gather [hbm4b:s28+s0], $0x800, $0x38;
	[tilespmem:$0x19800] =	vst v63  }
0x1a: {  	_ =	swait.ge [sflag:s25], $0x800  }
0x1b: {  	s30 =	sld [smem:$0x7FB]  }
0x1c: {  	[sflag:s25] =	ssyncset.done $0x0  }
0x1d: {  	s31 =	simm.s32 $0xD000;
	[sflag:s25] =	ssyncadd.s32 $0xFFFFF800  }
0x1e: {  	[tilespmem:s31], [sflag:$0x3] =	stream.linear.gather [hbm4b:s30+s0], $0x800, $0x38;
	[tilespmem:$0x19800] =	vst v63  }
0x1f: {  	_ =	swait.ge [sflag:s25], $0x800  }
0x20: {  	[sflag:s25] =	ssyncset.done $0x0  }
0x21: {  	s1 =	simm.s32 $0x0;
	[sflag:s25] =	ssyncadd.s32 $0xFFFFF800  }
.LBB2_2:
0x22: {  	p0 =	seq.s32 s1, $0x0  }
0x23: {  	s0 =	simm.s32 @!p0 $0x1  }
0x24: {  	s31 =	sshll.u32 s1, $0x7;
	_ =	swait.ge @!p0 [sflag:s0], $0x6000  }
0x25: {  	s25 =	simm.s32 $0xE7F0;
	[sflag:s0] =	ssyncset.done @!p0 $0x0;
	[smem:$0x7F4] =	sst s1  }
0x26: {  	v0 =	vmov s31;
	[smem:$0x7F5] =	sst s31;
	[sflag:s0] =	ssyncadd.s32 @!p0 $0xFFFFA000;
	s0 =	simm.s32 $0x0  }
.LBB2_3:
0x27: {  	_ =	sdelay $0x2  }
0x28: {  	s22 =	sshll.u32 s0, $0x4  }
0x29: {  	v3 =	vld.idx.msk [tilespmem:v0+s22+$0xC000 ss:$0x1], $0xffff;
	_ =	sdelay $0x1  }
0x2a: {  	v2 =	vld.idx.msk [tilespmem:v0+s22+$0xC800 ss:$0x1], $0xffff;
	_ =	sdelay $0x1  }
0x2b: {  	v1 =	vld.idx.msk [tilespmem:v0+s22+$0xD000 ss:$0x1], $0xffff  }
0x2c: {  	(v2sf) =	vpush v3, $0x0;
	_ =	sdelay $0x1  }
0x2d: {  	(v2sf) =	vpush v2, $0x0;
	_ =	sdelay $0x1  }
0x2e: {  	(v2sf) =	vpush v1, $0x0  }
0x2f: {  	(v2sf) =	vpush v3, $0x1;
	_ =	sdelay $0x1  }
0x30: {  	(v2sf) =	vpush v2, $0x1;
	_ =	sdelay $0x2  }
0x31: {  	(v2sf) =	vpush v1, $0x1  }
0x32: {  	(v2sf) =	vpush v3, $0x2;
	_ =	sdelay $0x1  }
0x33: {  	(v2sf) =	vpush v2, $0x2;
	_ =	sdelay $0x1  }
0x34: {  	[smem:$0x7DF] =	sst s0;
	s23 =	spop (v2sf)  }
0x35: {  	[smem:$0x7F3] =	sst s25;
	s1 =	sshll.u32 s23, $0x8  }
0x36: {  	s0 =	sshll.u32 s23, $0x7;
	s2 =	spop (v2sf);
	s1 =	sand.u32 $0xFFFFF800, s1  }
0x37: {  	s0 =	sand.u32 $0x380, s0;
	s24 =	sshll.u32 s2, $0x8;
	s2 =	sshll.u32 s2, $0x7  }
0x38: {  	s3 =	spop (v2sf);
	s0 =	sor.u32 s0, s1;
	s1 =	sand.u32 $0xFFFFF800, s24  }
0x39: {  	(v2sf) =	vpush v1, $0x2;
	s2 =	sand.u32 $0x380, s2;
	s26 =	spop (v2sf);
	s28 =	sshll.u32 s3, $0x8  }
0x3a: {  	(v2sf) =	vpush v3, $0x3;
	s29 =	sshll.u32 s3, $0x7;
	[dreg:$0x3] =	wrdreg s0;
	s1 =	sor.u32 s2, s1  }
0x3b: {  	(v2sf) =	vpush v2, $0x3;
	s30 =	spop (v2sf);
	s2 =	sand.u32 $0x380, s29;
	s31 =	sshll.u32 s26, $0x8  }
0x3c: {  	s0 =	sshll.u32 s26, $0x7;
	[dreg:$0x4] =	wrdreg s1;
	s1 =	sand.u32 $0xFFFFF800, s28  }
0x3d: {  	s0 =	sand.u32 $0x380, s0;
	s4 =	sshll.u32 s30, $0x8;
	s5 =	sshll.u32 s30, $0x7  }
0x3e: {  	(v2sf) =	vpush v1, $0x3;
	s6 =	spop (v2sf);
	s1 =	sor.u32 s2, s1;
	s2 =	sand.u32 $0xFFFFF800, s31  }
0x3f: {  	s7 =	spop (v2sf);
	s8 =	sshll.u32 s6, $0x8;
	s9 =	sshll.u32 s6, $0x7  }
0x40: {  	(v2sf) =	vpush v3, $0x4;
	[dreg:$0x5] =	wrdreg s1;
	s0 =	sor.u32 s0, s2;
	s1 =	sand.u32 $0xFFFFF800, s4  }
0x41: {  	(v2sf) =	vpush v2, $0x4;
	s2 =	sand.u32 $0x380, s5;
	s10 =	spop (v2sf);
	s11 =	sshll.u32 s7, $0x8  }
0x42: {  	[dreg:$0x6] =	wrdreg s0;
	s1 =	sor.u32 s2, s1;
	s2 =	sand.u32 $0x380, s9  }
0x43: {  	s0 =	sshll.u32 s7, $0x7;
	s12 =	sand.u32 $0xFFFFF800, s11;
	s13 =	sshll.u32 s10, $0x8  }
0x44: {  	[dreg:$0x7] =	wrdreg s1;
	s1 =	sand.u32 $0xFFFFF800, s8;
	s0 =	sand.u32 $0x380, s0  }
0x45: {  	(v2sf) =	vpush v1, $0x4;
	s14 =	sshll.u32 s10, $0x7;
	s1 =	sor.u32 s2, s1;
	s0 =	sor.u32 s0, s12  }
0x46: {  	s2 =	sand.u32 $0x380, s14;
	[dreg:$0x8] =	wrdreg s1;
	s1 =	sand.u32 $0xFFFFF800, s13  }
0x47: {  	[dreg:$0x9] =	wrdreg s0;
	s1 =	sor.u32 s2, s1  }
0x48: {  	[dreg:$0xa] =	wrdreg s1;
	s15 =	spop (v2sf)  }
0x49: {  	s16 =	spop (v2sf);
	s17 =	sshll.u32 s15, $0x8;
	s18 =	sshll.u32 s15, $0x7  }
0x4a: {  	(v2sf) =	vpush v3, $0x5;
	s19 =	spop (v2sf);
	s1 =	sand.u32 $0xFFFFF800, s17;
	s2 =	sand.u32 $0x380, s18  }
0x4b: {  	(v2sf) =	vpush v2, $0x5;
	s20 =	sshll.u32 s16, $0x8;
	s0 =	sshll.u32 s16, $0x7;
	s1 =	sor.u32 s2, s1  }
0x4c: {  	s21 =	sand.u32 $0xFFFFF800, s20;
	s0 =	sand.u32 $0x380, s0;
	s22 =	sshll.u32 s19, $0x8  }
0x4d: {  	(v2sf) =	vpush v1, $0x5;
	s23 =	sshll.u32 s19, $0x7;
	s24 =	spop (v2sf);
	[dreg:$0xb] =	wrdreg s1  }
0x4e: {  	(v2sf) =	vpush v3, $0x6;
	s0 =	sor.u32 s0, s21;
	s1 =	sand.u32 $0xFFFFF800, s22;
	s2 =	sand.u32 $0x380, s23  }
0x4f: {  	s26 =	spop (v2sf);
	s28 =	sshll.u32 s24, $0x8;
	s29 =	sshll.u32 s24, $0x7  }
0x50: {  	(v2sf) =	vpush v2, $0x6;
	[dreg:$0xc] =	wrdreg s0;
	s1 =	sor.u32 s2, s1;
	s30 =	spop (v2sf)  }
0x51: {  	s2 =	sand.u32 $0x380, s29;
	s31 =	sshll.u32 s26, $0x8;
	s0 =	sshll.u32 s26, $0x7  }
0x52: {  	[dreg:$0xd] =	wrdreg s1;
	s1 =	sand.u32 $0xFFFFF800, s28;
	s0 =	sand.u32 $0x380, s0  }
0x53: {  	(v2sf) =	vpush v1, $0x6;
	s4 =	sshll.u32 s30, $0x8;
	s5 =	sshll.u32 s30, $0x7;
	s1 =	sor.u32 s2, s1  }
0x54: {  	s6 =	spop (v2sf);
	s2 =	sand.u32 $0xFFFFF800, s31;
	[dreg:$0xe] =	wrdreg s1  }
0x55: {  	(v2sf) =	vpush v3, $0x7;
	s0 =	sor.u32 s0, s2;
	s1 =	sand.u32 $0xFFFFF800, s4;
	s2 =	sand.u32 $0x380, s5  }
0x56: {  	s8 =	sshll.u32 s6, $0x8;
	s9 =	sshll.u32 s6, $0x7;
	s1 =	sor.u32 s2, s1  }
0x57: {  	s2 =	sand.u32 $0x380, s9;
	[dreg:$0x10] =	wrdreg s1;
	s1 =	sand.u32 $0xFFFFF800, s8  }
0x58: {  	[dreg:$0xf] =	wrdreg s0;
	s1 =	sor.u32 s2, s1  }
0x59: {  	[dreg:$0x11] =	wrdreg s1;
	s7 =	spop (v2sf)  }
0x5a: {  	s10 =	spop (v2sf);
	s11 =	sshll.u32 s7, $0x8;
	s0 =	sshll.u32 s7, $0x7  }
0x5b: {  	(v2sf) =	vpush v2, $0x7;
	s12 =	sand.u32 $0xFFFFF800, s11;
	s0 =	sand.u32 $0x380, s0;
	s13 =	sshll.u32 s10, $0x8  }
0x5c: {  	(v2sf) =	vpush v1, $0x7;
	s14 =	sshll.u32 s10, $0x7;
	s15 =	spop (v2sf);
	s0 =	sor.u32 s0, s12  }
0x5d: {  	(v2sf) =	vpush v3, $0x8;
	s1 =	sand.u32 $0xFFFFF800, s13;
	s2 =	sand.u32 $0x380, s14;
	s16 =	spop (v2sf)  }
0x5e: {  	s17 =	sshll.u32 s15, $0x8;
	s18 =	sshll.u32 s15, $0x7;
	[dreg:$0x12] =	wrdreg s0  }
0x5f: {  	(v2sf) =	vpush v2, $0x8;
	s1 =	sor.u32 s2, s1;
	s19 =	spop (v2sf);
	s2 =	sand.u32 $0x380, s18  }
0x60: {  	s20 =	sshll.u32 s16, $0x8;
	s0 =	sshll.u32 s16, $0x7;
	[dreg:$0x13] =	wrdreg s1  }
0x61: {  	s1 =	sand.u32 $0xFFFFF800, s17;
	s21 =	sand.u32 $0xFFFFF800, s20;
	s0 =	sand.u32 $0x380, s0  }
0x62: {  	(v2sf) =	vpush v1, $0x8;
	s22 =	sshll.u32 s19, $0x8;
	s23 =	sshll.u32 s19, $0x7;
	s24 =	spop (v2sf)  }
0x63: {  	(v2sf) =	vpush v3, $0x9;
	s1 =	sor.u32 s2, s1;
	s0 =	sor.u32 s0, s21;
	s2 =	sand.u32 $0x380, s23  }
0x64: {  	s26 =	spop (v2sf);
	s28 =	sshll.u32 s24, $0x8;
	[dreg:$0x14] =	wrdreg s1  }
0x65: {  	(v2sf) =	vpush v2, $0x9;
	s29 =	sshll.u32 s24, $0x7;
	s1 =	sand.u32 $0xFFFFF800, s22;
	[dreg:$0x15] =	wrdreg s0  }
0x66: {  	s31 =	sshll.u32 s26, $0x8;
	s0 =	sshll.u32 s26, $0x7;
	s1 =	sor.u32 s2, s1  }
0x67: {  	s2 =	sand.u32 $0x380, s29;
	[dreg:$0x16] =	wrdreg s1;
	s1 =	sand.u32 $0xFFFFF800, s28  }
0x68: {  	s0 =	sand.u32 $0x380, s0;
	s1 =	sor.u32 s2, s1;
	s2 =	sand.u32 $0xFFFFF800, s31  }
0x69: {  	[dreg:$0x17] =	wrdreg s1;
	s0 =	sor.u32 s0, s2  }
0x6a: {  	[dreg:$0x18] =	wrdreg s0;
	s30 =	spop (v2sf)  }
0x6b: {  	s4 =	sshll.u32 s30, $0x8;
	s5 =	sshll.u32 s30, $0x7;
	s6 =	spop (v2sf)  }
0x6c: {  	(v2sf) =	vpush v1, $0x9;
	s1 =	sand.u32 $0xFFFFF800, s4;
	s2 =	sand.u32 $0x380, s5;
	s7 =	spop (v2sf)  }
0x6d: {  	(v2sf) =	vpush v3, $0xA;
	s8 =	sshll.u32 s6, $0x8;
	s9 =	sshll.u32 s6, $0x7;
	s1 =	sor.u32 s2, s1  }
0x6e: {  	(v2sf) =	vpush v2, $0xA;
	s10 =	spop (v2sf);
	s2 =	sand.u32 $0x380, s9;
	s11 =	sshll.u32 s7, $0x8  }
0x6f: {  	s0 =	sshll.u32 s7, $0x7;
	[dreg:$0x19] =	wrdreg s1;
	s1 =	sand.u32 $0xFFFFF800, s8  }
0x70: {  	s12 =	sand.u32 $0xFFFFF800, s11;
	s0 =	sand.u32 $0x380, s0;
	s13 =	sshll.u32 s10, $0x8  }
0x71: {  	(v2sf) =	vpush v1, $0xA;
	s14 =	sshll.u32 s10, $0x7;
	s15 =	spop (v2sf);
	s1 =	sor.u32 s2, s1  }
0x72: {  	s0 =	sor.u32 s0, s12;
	s2 =	sand.u32 $0x380, s14;
	s16 =	spop (v2sf)  }
0x73: {  	(v2sf) =	vpush v3, $0xB;
	s17 =	sshll.u32 s15, $0x8;
	s18 =	sshll.u32 s15, $0x7;
	[dreg:$0x1a] =	wrdreg s1  }
0x74: {  	(v2sf) =	vpush v2, $0xB;
	s1 =	sand.u32 $0xFFFFF800, s13;
	[dreg:$0x1b] =	wrdreg s0;
	s19 =	spop (v2sf)  }
0x75: {  	s20 =	sshll.u32 s16, $0x8;
	s0 =	sshll.u32 s16, $0x7;
	s1 =	sor.u32 s2, s1  }
0x76: {  	s2 =	sand.u32 $0x380, s18;
	s21 =	sand.u32 $0xFFFFF800, s20;
	s0 =	sand.u32 $0x380, s0  }
0x77: {  	s22 =	sshll.u32 s19, $0x8;
	[dreg:$0x1c] =	wrdreg s1;
	s1 =	sand.u32 $0xFFFFF800, s17  }
0x78: {  	(v2sf) =	vpush v1, $0xB;
	s23 =	sshll.u32 s19, $0x7;
	s0 =	sor.u32 s0, s21;
	s1 =	sor.u32 s2, s1  }
0x79: {  	s2 =	sand.u32 $0x380, s23;
	[dreg:$0x1d] =	wrdreg s1;
	s1 =	sand.u32 $0xFFFFF800, s22  }
0x7a: {  	[dreg:$0x1e] =	wrdreg s0;
	s1 =	sor.u32 s2, s1  }
0x7b: {  	[dreg:$0x1f] =	wrdreg s1;
	s24 =	spop (v2sf)  }
0x7c: {  	s26 =	spop (v2sf);
	s28 =	sshll.u32 s24, $0x8;
	s29 =	sshll.u32 s24, $0x7  }
0x7d: {  	(v2sf) =	vpush v3, $0xC;
	s30 =	spop (v2sf);
	s1 =	sand.u32 $0xFFFFF800, s28;
	s2 =	sand.u32 $0x380, s29  }
0x7e: {  	(v2sf) =	vpush v2, $0xC;
	s31 =	sshll.u32 s26, $0x8;
	s0 =	sshll.u32 s26, $0x7;
	s1 =	sor.u32 s2, s1  }
0x7f: {  	s2 =	sand.u32 $0xFFFFF800, s31;
	s0 =	sand.u32 $0x380, s0;
	s4 =	sshll.u32 s30, $0x8  }
0x80: {  	(v2sf) =	vpush v1, $0xC;
	s5 =	sshll.u32 s30, $0x7;
	s6 =	spop (v2sf);
	[smem:$0x7E0] =	sst s1  }
0x81: {  	(v2sf) =	vpush v3, $0xD;
	s0 =	sor.u32 s0, s2;
	s1 =	sand.u32 $0xFFFFF800, s4;
	s2 =	sand.u32 $0x380, s5  }
0x82: {  	s7 =	spop (v2sf);
	s8 =	sshll.u32 s6, $0x8;
	s9 =	sshll.u32 s6, $0x7  }
0x83: {  	(v2sf) =	vpush v2, $0xD;
	[smem:$0x7E1] =	sst s0;
	s1 =	sor.u32 s2, s1;
	s10 =	spop (v2sf)  }
0x84: {  	s2 =	sand.u32 $0x380, s9;
	s11 =	sshll.u32 s7, $0x8;
	s0 =	sshll.u32 s7, $0x7  }
0x85: {  	[smem:$0x7E2] =	sst s1;
	s1 =	sand.u32 $0xFFFFF800, s8;
	s12 =	sand.u32 $0xFFFFF800, s11  }
0x86: {  	(v2sf) =	vpush v1, $0xD;
	s0 =	sand.u32 $0x380, s0;
	s13 =	sshll.u32 s10, $0x8;
	s14 =	sshll.u32 s10, $0x7  }
0x87: {  	s15 =	spop (v2sf);
	s1 =	sor.u32 s2, s1;
	s0 =	sor.u32 s0, s12  }
0x88: {  	(v2sf) =	vpush v3, $0xE;
	s2 =	sand.u32 $0x380, s14;
	[smem:$0x7E3] =	sst s1;
	s1 =	sand.u32 $0xFFFFF800, s13  }
0x89: {  	s17 =	sshll.u32 s15, $0x8;
	s18 =	sshll.u32 s15, $0x7;
	s1 =	sor.u32 s2, s1  }
0x8a: {  	s2 =	sand.u32 $0x380, s18;
	[smem:$0x7E5] =	sst s1;
	s1 =	sand.u32 $0xFFFFF800, s17  }
0x8b: {  	[smem:$0x7E4] =	sst s0;
	s1 =	sor.u32 s2, s1  }
0x8c: {  	[smem:$0x7E6] =	sst s1;
	s16 =	spop (v2sf)  }
0x8d: {  	(v2sf) =	vpush v2, $0xE;
	s19 =	spop (v2sf);
	s20 =	sshll.u32 s16, $0x8;
	s0 =	sshll.u32 s16, $0x7  }
0x8e: {  	s21 =	sand.u32 $0xFFFFF800, s20;
	s0 =	sand.u32 $0x380, s0;
	s22 =	sshll.u32 s19, $0x8  }
0x8f: {  	(v2sf) =	vpush v1, $0xE;
	s23 =	sshll.u32 s19, $0x7;
	s24 =	spop (v2sf);
	s0 =	sor.u32 s0, s21  }
0x90: {  	(v2sf) =	vpush v3, $0xF;
	s1 =	sand.u32 $0xFFFFF800, s22;
	s2 =	sand.u32 $0x380, s23;
	s26 =	spop (v2sf)  }
0x91: {  	(v2sf) =	vpush v2, $0xF;
	s28 =	sshll.u32 s24, $0x8;
	s29 =	sshll.u32 s24, $0x7;
	[smem:$0x7E7] =	sst s0  }
0x92: {  	s1 =	sor.u32 s2, s1;
	s30 =	spop (v2sf);
	s2 =	sand.u32 $0x380, s29  }
0x93: {  	s31 =	sshll.u32 s26, $0x8;
	s0 =	sshll.u32 s26, $0x7;
	[smem:$0x7E8] =	sst s1  }
0x94: {  	(v2sf) =	vpush v1, $0xF;
	s1 =	sand.u32 $0xFFFFF800, s28;
	s4 =	sand.u32 $0xFFFFF800, s31;
	s0 =	sand.u32 $0x380, s0  }
0x95: {  	s5 =	sshll.u32 s30, $0x8;
	s6 =	sshll.u32 s30, $0x7;
	s7 =	spop (v2sf)  }
0x96: {  	s1 =	sor.u32 s2, s1;
	s0 =	sor.u32 s0, s4;
	s2 =	sand.u32 $0x380, s6  }
0x97: {  	s8 =	spop (v2sf);
	s9 =	sshll.u32 s7, $0x8;
	[smem:$0x7E9] =	sst s1  }
0x98: {  	s10 =	sshll.u32 s7, $0x7;
	s1 =	sand.u32 $0xFFFFF800, s5;
	[smem:$0x7EA] =	sst s0  }
0x99: {  	s12 =	sshll.u32 s8, $0x8;
	s0 =	sshll.u32 s8, $0x7;
	s1 =	sor.u32 s2, s1  }
0x9a: {  	s2 =	sand.u32 $0x380, s10;
	s13 =	sand.u32 $0xFFFFF800, s12;
	s0 =	sand.u32 $0x380, s0  }
0x9b: {  	[smem:$0x7EB] =	sst s1;
	s1 =	sand.u32 $0xFFFFF800, s9;
	s0 =	sor.u32 s0, s13  }
0x9c: {  	s1 =	sor.u32 s2, s1;
	[smem:$0x7ED] =	sst s0;
	s11 =	spop (v2sf)  }
0x9d: {  	[smem:$0x7EC] =	sst s1;
	s14 =	sshll.u32 s11, $0x8  }
0x9e: {  	s15 =	sshll.u32 s11, $0x7;
	s16 =	spop (v2sf);
	s1 =	sand.u32 $0xFFFFF800, s14  }
0x9f: {  	s2 =	sand.u32 $0x380, s15;
	s17 =	spop (v2sf);
	s18 =	sshll.u32 s16, $0x8  }
0xa0: {  	s19 =	sshll.u32 s16, $0x7;
	s1 =	sor.u32 s2, s1;
	s20 =	spop (v2sf)  }
0xa1: {  	s2 =	sand.u32 $0x380, s19;
	s21 =	sshll.u32 s17, $0x8;
	s0 =	sshll.u32 s17, $0x7  }
0xa2: {  	[smem:$0x7EE] =	sst s1;
	s1 =	sand.u32 $0xFFFFF800, s18;
	s22 =	sand.u32 $0xFFFFF800, s21  }
0xa3: {  	s0 =	sand.u32 $0x380, s0;
	s23 =	spop (v2sf);
	s24 =	sshll.u32 s20, $0x8  }
0xa4: {  	s28 =	sshll.u32 s20, $0x7;
	s1 =	sor.u32 s2, s1;
	s0 =	sor.u32 s0, s22  }
0xa5: {  	s26 =	sand.u32 $0xFFFFF800, s24;
	s29 =	sshll.u32 s23, $0x8;
	[smem:$0x7EF] =	sst s1  }
0xa6: {  	s2 =	sshll.u32 s23, $0x7;
	[smem:$0x7F0] =	sst s0;
	s1 =	sand.u32 $0x380, s28  }
0xa7: {  	s30 =	sand.u32 $0xFFFFF800, s29;
	s2 =	sand.u32 $0x380, s2;
	s0 =	sor.u32 s1, s26  }
0xa8: {  	s3 =	simm.s32 $0x0;
	s31 =	sor.u32 s2, s30;
	[smem:$0x7F1] =	sst s0  }
0xa9: {  	s2 =	simm.s32 $0x0;
	[smem:$0x7F2] =	sst s31;
	s0 =	simm.s32 $0xFFFFFFFC  }
.LBB2_4:
0xaa: {  	s20 =	rddreg [dreg:$0x3];
	s30 =	sand.u32 $0x400, s2  }
0xab: {  	s1 =	rddreg [dreg:$0x4];
	s29 =	sand.u32 $0x40, s3;
	s12 =	sadd.s32 s30, s20  }
0xac: {  	s6 =	sadd.s32 s30, s1;
	s22 =	sadd.s32 s29, s12  }
0xad: {  	s21 =	rddreg [dreg:$0x5];
	s1 =	sadd.s32 s29, s6;
	v1 =	vld [tilespmem:s22+$0x0]  }
0xae: {  	s4 =	sadd.s32 s30, s21;
	v2 =	vld [tilespmem:s1+$0x0]  }
0xaf: {  	[smem:$0x7DE] =	sst s0;
	s0 =	sadd.s32 s29, s4  }
0xb0: {  	v3 =	vld [tilespmem:s0+$0x0];
	_ =	sdelay $0x2  }
0xb1: {  	v4 =	vunpack.i.l.bf16.f32 v1;
	v5 =	vunpack.i.l.bf16.f32 v2  }
0xb2: {  	v1 =	vunpack.i.u.bf16.f32 v1;
	v2 =	vunpack.i.u.bf16.f32 v2;
	v4 =	vadd.f32 v5, v4  }
0xb3: {  	v62 =	vunpack.i.l.bf16.f32 v3;
	v1 =	vadd.f32 v2, v1  }
0xb4: {  	v2 =	vunpack.i.u.bf16.f32 v3;
	v3 =	vadd.f32 v62, v4  }
0xb5: {  	s23 =	rddreg [dreg:$0x6];
	v1 =	vadd.f32 v2, v1  }
0xb6: {  	s24 =	rddreg [dreg:$0x7];
	s26 =	sadd.s32 s30, s23;
	[tilespmem:s25+$0xFFFFF010] =	vst v3  }
0xb7: {  	s24 =	sadd.s32 s30, s24;
	s31 =	sadd.s32 s29, s26;
	[tilespmem:s25+$0xFFFFF020] =	vst v1  }
0xb8: {  	s28 =	rddreg [dreg:$0x8];
	s1 =	sadd.s32 s29, s24;
	v1 =	vld [tilespmem:s31+$0x0]  }
0xb9: {  	s22 =	sadd.s32 s30, s28;
	v2 =	vld [tilespmem:s1+$0x0]  }
0xba: {  	s0 =	sadd.s32 s29, s22  }
0xbb: {  	v3 =	vld [tilespmem:s0+$0x0];
	_ =	sdelay $0x2  }
0xbc: {  	v63 =	vunpack.i.l.bf16.f32 v1;
	v8 =	vunpack.i.l.bf16.f32 v2  }
0xbd: {  	v1 =	vunpack.i.u.bf16.f32 v1;
	v2 =	vunpack.i.u.bf16.f32 v2;
	v4 =	vadd.f32 v8, v63  }
0xbe: {  	[smem:$0x7DD] =	sst s3;
	v9 =	vunpack.i.l.bf16.f32 v3;
	v1 =	vadd.f32 v2, v1  }
0xbf: {  	[smem:$0x7DC] =	sst s2;
	v2 =	vunpack.i.u.bf16.f32 v3;
	v3 =	vadd.f32 v9, v4  }
0xc0: {  	s2 =	rddreg [dreg:$0x9];
	v1 =	vadd.f32 v2, v1  }
0xc1: {  	s3 =	rddreg [dreg:$0xa];
	s18 =	sadd.s32 s30, s2;
	[tilespmem:s25+$0xFFFFF090] =	vst v3  }
0xc2: {  	s19 =	sadd.s32 s30, s3;
	s7 =	sadd.s32 s29, s18;
	[tilespmem:s25+$0xFFFFF0A0] =	vst v1  }
0xc3: {  	s5 =	rddreg [dreg:$0xb];
	s1 =	sadd.s32 s29, s19;
	v1 =	vld [tilespmem:s7+$0x0]  }
0xc4: {  	s11 =	sadd.s32 s30, s5;
	v2 =	vld [tilespmem:s1+$0x0]  }
0xc5: {  	s0 =	sadd.s32 s29, s11  }
0xc6: {  	v3 =	vld [tilespmem:s0+$0x0];
	_ =	sdelay $0x2  }
0xc7: {  	v10 =	vunpack.i.l.bf16.f32 v1;
	v11 =	vunpack.i.l.bf16.f32 v2  }
0xc8: {  	v1 =	vunpack.i.u.bf16.f32 v1;
	v2 =	vunpack.i.u.bf16.f32 v2;
	v4 =	vadd.f32 v11, v10  }
0xc9: {  	v12 =	vunpack.i.l.bf16.f32 v3;
	v1 =	vadd.f32 v2, v1  }
0xca: {  	v2 =	vunpack.i.u.bf16.f32 v3;
	v3 =	vadd.f32 v12, v4  }
0xcb: {  	s8 =	rddreg [dreg:$0xc];
	v1 =	vadd.f32 v2, v1  }
0xcc: {  	s9 =	rddreg [dreg:$0xd];
	s23 =	sadd.s32 s30, s8;
	[tilespmem:s25+$0xFFFFF110] =	vst v3  }
0xcd: {  	s20 =	sadd.s32 s30, s9;
	s13 =	sadd.s32 s29, s23;
	[tilespmem:s25+$0xFFFFF120] =	vst v1  }
0xce: {  	s10 =	rddreg [dreg:$0xe];
	s1 =	sadd.s32 s29, s20;
	v1 =	vld [tilespmem:s13+$0x0]  }
0xcf: {  	s21 =	sadd.s32 s30, s10;
	v2 =	vld [tilespmem:s1+$0x0]  }
0xd0: {  	s0 =	sadd.s32 s29, s21  }
0xd1: {  	v3 =	vld [tilespmem:s0+$0x0];
	_ =	sdelay $0x2  }
0xd2: {  	v13 =	vunpack.i.l.bf16.f32 v1;
	v14 =	vunpack.i.l.bf16.f32 v2  }
0xd3: {  	v1 =	vunpack.i.u.bf16.f32 v1;
	v2 =	vunpack.i.u.bf16.f32 v2;
	v4 =	vadd.f32 v14, v13  }
0xd4: {  	v15 =	vunpack.i.l.bf16.f32 v3;
	v1 =	vadd.f32 v2, v1  }
0xd5: {  	v2 =	vunpack.i.u.bf16.f32 v3;
	v3 =	vadd.f32 v15, v4  }
0xd6: {  	s14 =	rddreg [dreg:$0xf];
	v1 =	vadd.f32 v2, v1  }
0xd7: {  	s15 =	rddreg [dreg:$0x10];
	s3 =	sadd.s32 s30, s14;
	[tilespmem:s25+$0xFFFFF190] =	vst v3  }
0xd8: {  	s9 =	sadd.s32 s30, s15;
	s17 =	sadd.s32 s29, s3;
	[tilespmem:s25+$0xFFFFF1A0] =	vst v1  }
0xd9: {  	s16 =	rddreg [dreg:$0x11];
	s1 =	sadd.s32 s29, s9;
	v1 =	vld [tilespmem:s17+$0x0]  }
0xda: {  	s5 =	sadd.s32 s30, s16;
	v2 =	vld [tilespmem:s1+$0x0]  }
0xdb: {  	s0 =	sadd.s32 s29, s5  }
0xdc: {  	v3 =	vld [tilespmem:s0+$0x0];
	_ =	sdelay $0x2  }
0xdd: {  	v16 =	vunpack.i.l.bf16.f32 v1;
	v17 =	vunpack.i.l.bf16.f32 v2  }
0xde: {  	v1 =	vunpack.i.u.bf16.f32 v1;
	v2 =	vunpack.i.u.bf16.f32 v2;
	v4 =	vadd.f32 v17, v16  }
0xdf: {  	v18 =	vunpack.i.l.bf16.f32 v3;
	v1 =	vadd.f32 v2, v1  }
0xe0: {  	v2 =	vunpack.i.u.bf16.f32 v3;
	v3 =	vadd.f32 v18, v4  }
0xe1: {  	s28 =	rddreg [dreg:$0x12];
	v1 =	vadd.f32 v2, v1  }
0xe2: {  	s8 =	sadd.s32 s30, s28;
	s31 =	rddreg [dreg:$0x13];
	[tilespmem:s25+$0xFFFFF210] =	vst v3  }
0xe3: {  	s16 =	sadd.s32 s30, s31;
	s7 =	sadd.s32 s29, s8;
	[tilespmem:s25+$0xFFFFF220] =	vst v1  }
0xe4: {  	s2 =	rddreg [dreg:$0x14];
	s1 =	sadd.s32 s29, s16;
	v1 =	vld [tilespmem:s7+$0x0]  }
0xe5: {  	s15 =	sadd.s32 s30, s2;
	v2 =	vld [tilespmem:s1+$0x0]  }
0xe6: {  	s0 =	sadd.s32 s29, s15  }
0xe7: {  	v3 =	vld [tilespmem:s0+$0x0];
	_ =	sdelay $0x2  }
0xe8: {  	v19 =	vunpack.i.l.bf16.f32 v1;
	v20 =	vunpack.i.l.bf16.f32 v2  }
0xe9: {  	v1 =	vunpack.i.u.bf16.f32 v1;
	v2 =	vunpack.i.u.bf16.f32 v2;
	v4 =	vadd.f32 v20, v19  }
0xea: {  	v21 =	vunpack.i.l.bf16.f32 v3;
	v1 =	vadd.f32 v2, v1  }
0xeb: {  	v2 =	vunpack.i.u.bf16.f32 v3;
	v3 =	vadd.f32 v21, v4  }
0xec: {  	s7 =	rddreg [dreg:$0x15];
	v1 =	vadd.f32 v2, v1  }
0xed: {  	s10 =	rddreg [dreg:$0x16];
	s17 =	sadd.s32 s30, s7;
	[tilespmem:s25+$0xFFFFF290] =	vst v3  }
0xee: {  	s10 =	sadd.s32 s30, s10;
	s14 =	sadd.s32 s29, s17;
	[tilespmem:s25+$0xFFFFF2A0] =	vst v1  }
0xef: {  	s13 =	rddreg [dreg:$0x17];
	s1 =	sadd.s32 s29, s10;
	v1 =	vld [tilespmem:s14+$0x0]  }
0xf0: {  	s7 =	sadd.s32 s30, s13;
	v2 =	vld [tilespmem:s1+$0x0]  }
0xf1: {  	s0 =	sadd.s32 s29, s7  }
0xf2: {  	v3 =	vld [tilespmem:s0+$0x0];
	_ =	sdelay $0x2  }
0xf3: {  	v22 =	vunpack.i.l.bf16.f32 v1;
	v23 =	vunpack.i.l.bf16.f32 v2  }
0xf4: {  	v1 =	vunpack.i.u.bf16.f32 v1;
	v2 =	vunpack.i.u.bf16.f32 v2;
	v4 =	vadd.f32 v23, v22  }
0xf5: {  	s2 =	rddreg [dreg:$0x1a];
	v24 =	vunpack.i.l.bf16.f32 v3;
	v1 =	vadd.f32 v2, v1  }
0xf6: {  	s28 =	rddreg [dreg:$0x18];
	v2 =	vunpack.i.u.bf16.f32 v3;
	v3 =	vadd.f32 v24, v4  }
0xf7: {  	s31 =	rddreg [dreg:$0x19];
	s1 =	sor.u32 $0x10, s29;
	v1 =	vadd.f32 v2, v1  }
0xf8: {  	s13 =	sadd.s32 s30, s28;
	s0 =	sadd.s32 s30, s2;
	s2 =	sadd.s32 s1, s12;
	[tilespmem:s25+$0xFFFFF310] =	vst v3  }
0xf9: {  	s28 =	sadd.s32 s29, s13;
	s14 =	sadd.s32 s30, s31;
	v25 =	vld [tilespmem:s2+$0x0];
	[tilespmem:s25+$0xFFFFF320] =	vst v1  }
0xfa: {  	s31 =	sadd.s32 s29, s14;
	v1 =	vld [tilespmem:s28+$0x0]  }
0xfb: {  	[smem:$0x7DB] =	sst s0;
	s0 =	sadd.s32 s29, s0;
	v2 =	vld [tilespmem:s31+$0x0]  }
0xfc: {  	v3 =	vld [tilespmem:s0+$0x0]  }
0xfd: {  	s28 =	sadd.s32 s1, s6  }
0xfe: {  	v26 =	vld [tilespmem:s28+$0x0]  }
0xff: {  	s31 =	sadd.s32 s1, s4  }
0x100: {  	s2 =	sor.u32 $0x20, s29;
	v4 =	vunpack.i.u.bf16.f32 v25;
	v8 =	vld [tilespmem:s31+$0x0];
	v6 =	vunpack.i.l.bf16.f32 v1  }
0x101: {  	s0 =	sadd.s32 s2, s6;
	v7 =	vunpack.i.l.bf16.f32 v2;
	v1 =	vunpack.i.u.bf16.f32 v1;
	v27 =	vunpack.i.l.bf16.f32 v3  }
0x102: {  	s31 =	sadd.s32 s2, s12;
	v28 =	vld [tilespmem:s0+$0x0];
	v2 =	vunpack.i.u.bf16.f32 v2;
	v3 =	vunpack.i.u.bf16.f32 v3;
	v6 =	vadd.f32 v7, v6  }
0x103: {  	v9 =	vld [tilespmem:s31+$0x0];
	v1 =	vadd.f32 v2, v1;
	v2 =	vunpack.i.l.bf16.f32 v25;
	v10 =	vunpack.i.l.bf16.f32 v26  }
0x104: {  	s0 =	sadd.s32 s2, s4;
	s31 =	sor.u32 $0x30, s29;
	v5 =	vunpack.i.u.bf16.f32 v26;
	v2 =	vadd.f32 v10, v2;
	v6 =	vadd.f32 v27, v6  }
0x105: {  	v29 =	vld [tilespmem:s0+$0x0];
	s12 =	sadd.s32 s31, s12;
	v4 =	vadd.f32 v5, v4;
	v1 =	vadd.f32 v3, v1;
	v3 =	vunpack.i.l.bf16.f32 v8  }
0x106: {  	s28 =	rddreg [dreg:$0x1b];
	s6 =	sadd.s32 s31, s6;
	v30 =	vld [tilespmem:s12+$0x0];
	v31 =	vunpack.i.u.bf16.f32 v8;
	v2 =	vadd.f32 v3, v2;
	[tilespmem:s25+$0xFFFFF390] =	vst v6  }
0x107: {  	s4 =	sadd.s32 s31, s4;
	s12 =	sadd.s32 s30, s28;
	v3 =	vld [tilespmem:s6+$0x0];
	[tilespmem:s25+$0xFFFFF3A0] =	vst v1;
	v1 =	vadd.f32 v31, v4  }
0x108: {  	v34 =	vld [tilespmem:s4+$0x0];
	s28 =	sadd.s32 s29, s12;
	v33 =	vunpack.i.l.bf16.f32 v28;
	[tilespmem:s25+$0xFFFFF030] =	vst v2;
	v2 =	vunpack.i.l.bf16.f32 v9  }
0x109: {  	v7 =	vunpack.i.u.bf16.f32 v28;
	s6 =	rddreg [dreg:$0x1c];
	v32 =	vld [tilespmem:s28+$0x0];
	s28 =	sadd.s32 s1, s26;
	[tilespmem:s25+$0xFFFFF040] =	vst v1;
	v1 =	vunpack.i.u.bf16.f32 v9;
	v2 =	vadd.f32 v33, v2  }
0x10a: {  	v36 =	vunpack.i.l.bf16.f32 v29;
	s6 =	sadd.s32 s30, s6;
	v35 =	vld [tilespmem:s28+$0x0];
	v1 =	vadd.f32 v7, v1;
	s28 =	sadd.s32 s1, s24  }
0x10b: {  	s0 =	rddreg [dreg:$0x1d];
	v10 =	vunpack.i.u.bf16.f32 v29;
	v37 =	vld [tilespmem:s28+$0x0];
	v2 =	vadd.f32 v36, v2;
	s28 =	sadd.s32 s29, s6  }
0x10c: {  	s4 =	sadd.s32 s30, s0;
	v39 =	vunpack.i.l.bf16.f32 v30;
	v11 =	vunpack.i.l.bf16.f32 v3;
	v38 =	vld [tilespmem:s28+$0x0];
	v1 =	vadd.f32 v10, v1;
	s28 =	sadd.s32 s1, s22  }
0x10d: {  	v3 =	vunpack.i.u.bf16.f32 v3;
	v40 =	vadd.f32 v11, v39;
	v12 =	vld [tilespmem:s28+$0x0];
	[tilespmem:s25+$0xFFFFF050] =	vst v2;
	v2 =	vunpack.i.u.bf16.f32 v30;
	s28 =	sadd.s32 s29, s4  }
0x10e: {  	v41 =	vld [tilespmem:s28+$0x0];
	[tilespmem:s25+$0xFFFFF060] =	vst v1;
	v1 =	vunpack.i.l.bf16.f32 v34;
	v2 =	vadd.f32 v3, v2;
	s28 =	sadd.s32 s2, s26  }
0x10f: {  	v8 =	vunpack.i.u.bf16.f32 v34;
	v3 =	vld [tilespmem:s28+$0x0];
	v1 =	vadd.f32 v1, v40;
	s28 =	sadd.s32 s2, s24  }
0x110: {  	v43 =	vunpack.i.l.bf16.f32 v35;
	v42 =	vld [tilespmem:s28+$0x0];
	v13 =	vunpack.i.l.bf16.f32 v37;
	v2 =	vadd.f32 v8, v2  }
0x111: {  	v6 =	vunpack.i.u.bf16.f32 v35;
	v7 =	vunpack.i.u.bf16.f32 v37;
	s28 =	sadd.s32 s2, s22;
	v44 =	vadd.f32 v13, v43;
	[tilespmem:s25+$0xFFFFF070] =	vst v1  }
0x112: {  	v45 =	vunpack.i.u.bf16.f32 v32;
	s26 =	sadd.s32 s31, s26;
	v1 =	vld [tilespmem:s28+$0x0];
	v6 =	vadd.f32 v7, v6;
	v46 =	vunpack.i.l.bf16.f32 v12;
	[tilespmem:s25+$0xFFFFF080] =	vst v2  }
0x113: {  	v4 =	vunpack.i.l.bf16.f32 v32;
	s28 =	sadd.s32 s31, s24;
	v47 =	vunpack.i.u.bf16.f32 v12;
	v2 =	vld [tilespmem:s26+$0x0];
	v8 =	vadd.f32 v46, v44  }
0x114: {  	v49 =	vunpack.i.u.bf16.f32 v38;
	v9 =	vunpack.i.l.bf16.f32 v38;
	v48 =	vld [tilespmem:s28+$0x0];
	v6 =	vadd.f32 v47, v6  }
0x115: {  	s22 =	sadd.s32 s31, s22;
	v4 =	vadd.f32 v9, v4;
	v51 =	vunpack.i.l.bf16.f32 v3;
	[tilespmem:s25+$0xFFFFF0B0] =	vst v8;
	v14 =	vunpack.i.l.bf16.f32 v42  }
0x116: {  	s24 =	sadd.s32 s1, s18;
	v15 =	vld [tilespmem:s22+$0x0];
	v3 =	vunpack.i.u.bf16.f32 v3;
	[tilespmem:s25+$0xFFFFF0C0] =	vst v6;
	v5 =	vunpack.i.u.bf16.f32 v42;
	v52 =	vadd.f32 v14, v51  }
0x117: {  	v60 =	vadd.f32 v49, v45;
	s26 =	sadd.s32 s1, s19;
	v53 =	vld [tilespmem:s24+$0x0];
	v54 =	vunpack.i.l.bf16.f32 v1;
	v3 =	vadd.f32 v5, v3  }
0x118: {  	v50 =	vunpack.i.u.bf16.f32 v41;
	v55 =	vld [tilespmem:s26+$0x0];
	v1 =	vunpack.i.u.bf16.f32 v1;
	v6 =	vadd.f32 v54, v52  }
0x119: {  	s28 =	sadd.s32 s1, s11;
	v1 =	vadd.f32 v1, v3;
	v3 =	vunpack.i.l.bf16.f32 v2;
	v56 =	vunpack.i.l.bf16.f32 v48  }
0x11a: {  	v57 =	vld [tilespmem:s28+$0x0];
	v2 =	vunpack.i.u.bf16.f32 v2;
	v58 =	vunpack.i.u.bf16.f32 v48;
	v3 =	vadd.f32 v56, v3;
	[tilespmem:s25+$0xFFFFF0D0] =	vst v6  }
0x11b: {  	v10 =	vunpack.i.l.bf16.f32 v41;
	s22 =	sadd.s32 s2, s18;
	v2 =	vadd.f32 v58, v2;
	[tilespmem:s25+$0xFFFFF0E0] =	vst v1;
	v1 =	vunpack.i.l.bf16.f32 v15  }
0x11c: {  	v4 =	vadd.f32 v10, v4;
	s24 =	sadd.s32 s2, s19;
	v61 =	vunpack.i.u.bf16.f32 v15;
	v59 =	vld [tilespmem:s22+$0x0];
	v1 =	vadd.f32 v1, v3  }
0x11d: {  	v3 =	vld [tilespmem:s24+$0x0];
	v62 =	vunpack.i.l.bf16.f32 v53;
	v63 =	vunpack.i.l.bf16.f32 v55;
	v2 =	vadd.f32 v61, v2  }
0x11e: {  	s28 =	sadd.s32 s2, s11;
	v8 =	vunpack.i.u.bf16.f32 v53;
	v5 =	vunpack.i.u.bf16.f32 v55;
	v12 =	vadd.f32 v63, v62;
	[tilespmem:s25+$0xFFFFF0F0] =	vst v1  }
0x11f: {  	s18 =	sadd.s32 s31, s18;
	v7 =	vadd.f32 v50, v60;
	v13 =	vunpack.i.l.bf16.f32 v57;
	v5 =	vadd.f32 v5, v8;
	v1 =	vld [tilespmem:s28+$0x0];
	[tilespmem:s25+$0xFFFFF100] =	vst v2  }
0x120: {  	s26 =	rddreg [dreg:$0x1e];
	[tilespmem:s25+$0xFFFFFC10] =	vst v4;
	v15 =	vunpack.i.u.bf16.f32 v57;
	s24 =	sadd.s32 s31, s19;
	v2 =	vld [tilespmem:s18+$0x0];
	v16 =	vadd.f32 v13, v12  }
0x121: {  	[tilespmem:s25+$0xFFFFFC20] =	vst v7;
	s11 =	sadd.s32 s31, s11;
	s18 =	sadd.s32 s30, s26;
	v17 =	vld [tilespmem:s24+$0x0];
	v4 =	vadd.f32 v15, v5  }
0x122: {  	v21 =	vld [tilespmem:s11+$0x0];
	s26 =	sadd.s32 s29, s18;
	[tilespmem:s25+$0xFFFFF130] =	vst v16;
	v19 =	vunpack.i.l.bf16.f32 v59;
	v20 =	vunpack.i.l.bf16.f32 v3  }
0x123: {  	s22 =	sld [smem:$0x7E0];
	s24 =	sadd.s32 s1, s23;
	v18 =	vld [tilespmem:s26+$0x0];
	[tilespmem:s25+$0xFFFFF140] =	vst v4;
	v22 =	vunpack.i.u.bf16.f32 v59;
	v3 =	vunpack.i.u.bf16.f32 v3;
	v23 =	vadd.f32 v20, v19  }
0x124: {  	s26 =	sadd.s32 s1, s20;
	v24 =	vld [tilespmem:s24+$0x0];
	v3 =	vadd.f32 v3, v22;
	v25 =	vunpack.i.l.bf16.f32 v1  }
0x125: {  	s28 =	rddreg [dreg:$0x1f];
	v26 =	vld [tilespmem:s26+$0x0];
	v1 =	vunpack.i.u.bf16.f32 v1;
	v6 =	vadd.f32 v25, v23  }
0x126: {  	s11 =	sadd.s32 s30, s28;
	s19 =	sadd.s32 s30, s22;
	s22 =	sadd.s32 s1, s21;
	v1 =	vadd.f32 v1, v3;
	v3 =	vunpack.i.l.bf16.f32 v2;
	v28 =	vunpack.i.l.bf16.f32 v17  }
0x127: {  	s28 =	sadd.s32 s29, s11;
	v29 =	vld [tilespmem:s22+$0x0];
	v2 =	vunpack.i.u.bf16.f32 v2;
	v30 =	vunpack.i.u.bf16.f32 v17;
	v3 =	vadd.f32 v28, v3;
	[tilespmem:s25+$0xFFFFF150] =	vst v6  }
0x128: {  	v27 =	vld [tilespmem:s28+$0x0];
	s26 =	sadd.s32 s2, s23;
	v2 =	vadd.f32 v30, v2;
	[tilespmem:s25+$0xFFFFF160] =	vst v1;
	v1 =	vunpack.i.l.bf16.f32 v21  }
0x129: {  	s28 =	sadd.s32 s2, s20;
	v10 =	vunpack.i.u.bf16.f32 v21;
	v32 =	vld [tilespmem:s26+$0x0];
	v1 =	vadd.f32 v1, v3  }
0x12a: {  	s24 =	sadd.s32 s29, s19;
	v3 =	vld [tilespmem:s28+$0x0];
	v33 =	vunpack.i.l.bf16.f32 v24;
	v34 =	vunpack.i.l.bf16.f32 v26;
	v2 =	vadd.f32 v10, v2  }
0x12b: {  	s22 =	sadd.s32 s2, s21;
	v31 =	vld [tilespmem:s24+$0x0];
	v8 =	vunpack.i.u.bf16.f32 v24;
	v4 =	vunpack.i.u.bf16.f32 v26;
	v35 =	vadd.f32 v34, v33;
	[tilespmem:s25+$0xFFFFF170] =	vst v1  }
0x12c: {  	s23 =	sadd.s32 s31, s23;
	v37 =	vunpack.i.l.bf16.f32 v29;
	v4 =	vadd.f32 v4, v8;
	v1 =	vld [tilespmem:s22+$0x0];
	[tilespmem:s25+$0xFFFFF180] =	vst v2  }
0x12d: {  	s24 =	sadd.s32 s31, s20;
	v38 =	vunpack.i.u.bf16.f32 v29;
	v2 =	vld [tilespmem:s23+$0x0];
	v10 =	vadd.f32 v37, v35  }
0x12e: {  	v4 =	vadd.f32 v38, v4;
	v40 =	vld [tilespmem:s24+$0x0]  }
0x12f: {  	s26 =	sadd.s32 s31, s21;
	[tilespmem:s25+$0xFFFFF1B0] =	vst v10;
	v42 =	vunpack.i.l.bf16.f32 v32;
	v43 =	vunpack.i.l.bf16.f32 v3  }
0x130: {  	s28 =	sadd.s32 s1, s3;
	v46 =	vld [tilespmem:s26+$0x0];
	[tilespmem:s25+$0xFFFFF1C0] =	vst v4;
	v44 =	vunpack.i.u.bf16.f32 v32;
	v3 =	vunpack.i.u.bf16.f32 v3;
	v45 =	vadd.f32 v43, v42  }
0x131: {  	s20 =	sadd.s32 s1, s9;
	v47 =	vld [tilespmem:s28+$0x0];
	v3 =	vadd.f32 v3, v44;
	v48 =	vunpack.i.l.bf16.f32 v1  }
0x132: {  	v5 =	vunpack.i.l.bf16.f32 v18;
	v49 =	vld [tilespmem:s20+$0x0];
	v1 =	vunpack.i.u.bf16.f32 v1;
	v4 =	vadd.f32 v48, v45  }
0x133: {  	s21 =	sadd.s32 s1, s5;
	v1 =	vadd.f32 v1, v3;
	v3 =	vunpack.i.l.bf16.f32 v2;
	v50 =	vunpack.i.l.bf16.f32 v40  }
0x134: {  	v51 =	vld [tilespmem:s21+$0x0];
	v2 =	vunpack.i.u.bf16.f32 v2;
	v8 =	vunpack.i.u.bf16.f32 v40;
	v3 =	vadd.f32 v50, v3;
	[tilespmem:s25+$0xFFFFF1D0] =	vst v4  }
0x135: {  	v9 =	vunpack.i.l.bf16.f32 v27;
	s22 =	sadd.s32 s2, s3;
	v2 =	vadd.f32 v8, v2;
	[tilespmem:s25+$0xFFFFF1E0] =	vst v1;
	v1 =	vunpack.i.l.bf16.f32 v46  }
0x136: {  	v5 =	vadd.f32 v9, v5;
	s23 =	sadd.s32 s2, s9;
	v54 =	vunpack.i.u.bf16.f32 v46;
	v53 =	vld [tilespmem:s22+$0x0];
	v1 =	vadd.f32 v1, v3  }
0x137: {  	v3 =	vunpack.i.l.bf16.f32 v47;
	v55 =	vunpack.i.l.bf16.f32 v49;
	v56 =	vld [tilespmem:s23+$0x0];
	v2 =	vadd.f32 v54, v2  }
0x138: {  	s26 =	sadd.s32 s2, s5;
	v57 =	vunpack.i.u.bf16.f32 v47;
	v9 =	vunpack.i.u.bf16.f32 v49;
	v3 =	vadd.f32 v55, v3;
	[tilespmem:s25+$0xFFFFF1F0] =	vst v1  }
0x139: {  	s28 =	sadd.s32 s31, s3;
	v58 =	vunpack.i.l.bf16.f32 v51;
	v8 =	vadd.f32 v9, v57;
	v1 =	vld [tilespmem:s26+$0x0];
	[tilespmem:s25+$0xFFFFF200] =	vst v2  }
0x13a: {  	v36 =	vunpack.i.u.bf16.f32 v18;
	s21 =	sadd.s32 s31, s9;
	v2 =	vunpack.i.u.bf16.f32 v51;
	v3 =	vadd.f32 v58, v3;
	v59 =	vld [tilespmem:s28+$0x0]  }
0x13b: {  	v39 =	vunpack.i.u.bf16.f32 v27;
	v7 =	vunpack.i.l.bf16.f32 v31;
	v60 =	vld [tilespmem:s21+$0x0];
	v2 =	vadd.f32 v2, v8  }
0x13c: {  	v5 =	vadd.f32 v7, v5;
	s5 =	sadd.s32 s31, s5;
	[tilespmem:s25+$0xFFFFF230] =	vst v3;
	v3 =	vunpack.i.l.bf16.f32 v53;
	v61 =	vunpack.i.l.bf16.f32 v56  }
0x13d: {  	s24 =	sld [smem:$0x7E1];
	s26 =	sadd.s32 s1, s8;
	[tilespmem:s25+$0xFFFFF240] =	vst v2;
	v2 =	vld [tilespmem:s5+$0x0];
	v7 =	vunpack.i.u.bf16.f32 v53;
	v62 =	vunpack.i.u.bf16.f32 v56;
	v3 =	vadd.f32 v61, v3  }
0x13e: {  	v52 =	vadd.f32 v39, v36;
	s28 =	sadd.s32 s1, s16;
	v63 =	vld [tilespmem:s26+$0x0];
	v7 =	vadd.f32 v62, v7;
	v16 =	vunpack.i.l.bf16.f32 v1  }
0x13f: {  	v41 =	vunpack.i.u.bf16.f32 v31;
	s23 =	sld [smem:$0x7E2];
	v17 =	vld [tilespmem:s28+$0x0];
	v1 =	vunpack.i.u.bf16.f32 v1;
	v3 =	vadd.f32 v16, v3  }
0x140: {  	s3 =	sadd.s32 s30, s24;
	s24 =	sld [smem:$0x7E3];
	s21 =	sadd.s32 s1, s15;
	v1 =	vadd.f32 v1, v7;
	v19 =	vunpack.i.l.bf16.f32 v59;
	v20 =	vunpack.i.l.bf16.f32 v60  }
0x141: {  	v21 =	vld [tilespmem:s21+$0x0];
	v22 =	vunpack.i.u.bf16.f32 v60;
	v23 =	vadd.f32 v20, v19;
	[tilespmem:s25+$0xFFFFF250] =	vst v3;
	v3 =	vunpack.i.u.bf16.f32 v59  }
0x142: {  	v6 =	vadd.f32 v41, v52;
	s5 =	sadd.s32 s30, s23;
	s23 =	sadd.s32 s2, s8;
	[tilespmem:s25+$0xFFFFF260] =	vst v1;
	v1 =	vunpack.i.l.bf16.f32 v2;
	v3 =	vadd.f32 v22, v3  }
0x143: {  	[tilespmem:s25+$0xFFFFFC90] =	vst v5;
	s9 =	sadd.s32 s30, s24;
	s24 =	sadd.s32 s2, s16;
	v2 =	vunpack.i.u.bf16.f32 v2;
	v25 =	vld [tilespmem:s23+$0x0];
	v1 =	vadd.f32 v1, v23  }
0x144: {  	[tilespmem:s25+$0xFFFFFCA0] =	vst v6;
	s22 =	sadd.s32 s29, s3;
	v26 =	vunpack.i.l.bf16.f32 v63;
	v27 =	vunpack.i.l.bf16.f32 v17;
	v28 =	vld [tilespmem:s24+$0x0];
	v2 =	vadd.f32 v2, v3  }
0x145: {  	v6 =	vld [tilespmem:s22+$0x0];
	s26 =	sadd.s32 s2, s15;
	v29 =	vunpack.i.u.bf16.f32 v17;
	v5 =	vadd.f32 v27, v26;
	v3 =	vunpack.i.u.bf16.f32 v63;
	[tilespmem:s25+$0xFFFFF270] =	vst v1  }
0x146: {  	s28 =	sadd.s32 s31, s8;
	v31 =	vunpack.i.l.bf16.f32 v21;
	v1 =	vld [tilespmem:s26+$0x0];
	v3 =	vadd.f32 v29, v3;
	[tilespmem:s25+$0xFFFFF280] =	vst v2  }
0x147: {  	s8 =	sadd.s32 s31, s16;
	v32 =	vunpack.i.u.bf16.f32 v21;
	v5 =	vadd.f32 v31, v5;
	v2 =	vld [tilespmem:s28+$0x0]  }
0x148: {  	s20 =	sadd.s32 s29, s5;
	v3 =	vadd.f32 v32, v3;
	v34 =	vld [tilespmem:s8+$0x0]  }
0x149: {  	s15 =	sadd.s32 s31, s15;
	v18 =	vld [tilespmem:s20+$0x0];
	[tilespmem:s25+$0xFFFFF2B0] =	vst v5;
	v36 =	vunpack.i.l.bf16.f32 v25;
	v37 =	vunpack.i.l.bf16.f32 v28  }
0x14a: {  	s16 =	sadd.s32 s1, s17;
	v38 =	vunpack.i.u.bf16.f32 v28;
	v39 =	vld [tilespmem:s15+$0x0];
	v5 =	vadd.f32 v37, v36;
	[tilespmem:s25+$0xFFFFF2C0] =	vst v3;
	v3 =	vunpack.i.u.bf16.f32 v25  }
0x14b: {  	v30 =	vunpack.i.u.bf16.f32 v6;
	s20 =	sadd.s32 s1, s10;
	v41 =	vunpack.i.l.bf16.f32 v1;
	v40 =	vld [tilespmem:s16+$0x0];
	v3 =	vadd.f32 v38, v3  }
0x14c: {  	s22 =	sadd.s32 s29, s9;
	v6 =	vunpack.i.l.bf16.f32 v6;
	v1 =	vunpack.i.u.bf16.f32 v1;
	v42 =	vld [tilespmem:s20+$0x0];
	v4 =	vadd.f32 v41, v5  }
0x14d: {  	v24 =	vld [tilespmem:s22+$0x0];
	s21 =	sadd.s32 s1, s7;
	v1 =	vadd.f32 v1, v3;
	v3 =	vunpack.i.l.bf16.f32 v2;
	v43 =	vunpack.i.l.bf16.f32 v34  }
0x14e: {  	v44 =	vld [tilespmem:s21+$0x0];
	[tilespmem:s25+$0xFFFFF2D0] =	vst v4;
	v2 =	vunpack.i.u.bf16.f32 v2;
	v8 =	vunpack.i.u.bf16.f32 v34;
	v3 =	vadd.f32 v43, v3  }
0x14f: {  	s22 =	sadd.s32 s2, s17;
	v10 =	vunpack.i.l.bf16.f32 v18;
	v2 =	vadd.f32 v8, v2;
	[tilespmem:s25+$0xFFFFF2E0] =	vst v1;
	v1 =	vunpack.i.l.bf16.f32 v39  }
0x150: {  	s23 =	sadd.s32 s2, s10;
	v6 =	vadd.f32 v10, v6;
	v48 =	vunpack.i.u.bf16.f32 v39;
	v47 =	vld [tilespmem:s22+$0x0];
	v1 =	vadd.f32 v1, v3  }
0x151: {  	v3 =	vunpack.i.l.bf16.f32 v40;
	v49 =	vunpack.i.l.bf16.f32 v42;
	v50 =	vld [tilespmem:s23+$0x0];
	v2 =	vadd.f32 v48, v2  }
0x152: {  	s26 =	sadd.s32 s2, s7;
	v51 =	vunpack.i.u.bf16.f32 v40;
	v10 =	vunpack.i.u.bf16.f32 v42;
	v3 =	vadd.f32 v49, v3;
	[tilespmem:s25+$0xFFFFF2F0] =	vst v1  }
0x153: {  	v35 =	vunpack.i.u.bf16.f32 v24;
	s28 =	sadd.s32 s31, s17;
	v52 =	vunpack.i.l.bf16.f32 v44;
	v8 =	vadd.f32 v10, v51;
	v1 =	vld [tilespmem:s26+$0x0];
	[tilespmem:s25+$0xFFFFF300] =	vst v2  }
0x154: {  	v33 =	vunpack.i.u.bf16.f32 v18;
	s16 =	sadd.s32 s31, s10;
	v2 =	vunpack.i.u.bf16.f32 v44;
	v3 =	vadd.f32 v52, v3;
	v53 =	vld [tilespmem:s28+$0x0]  }
0x155: {  	v7 =	vunpack.i.l.bf16.f32 v24;
	v46 =	vadd.f32 v33, v30;
	v54 =	vld [tilespmem:s16+$0x0];
	v2 =	vadd.f32 v2, v8  }
0x156: {  	s24 =	sld [smem:$0x7E4];
	s7 =	sadd.s32 s31, s7;
	v45 =	vadd.f32 v7, v6;
	[tilespmem:s25+$0xFFFFF330] =	vst v3;
	v3 =	vunpack.i.l.bf16.f32 v47;
	v55 =	vunpack.i.l.bf16.f32 v50  }
0x157: {  	s22 =	sadd.s32 s1, s13;
	s26 =	sld [smem:$0x7DB];
	[tilespmem:s25+$0xFFFFF340] =	vst v2;
	v2 =	vld [tilespmem:s7+$0x0];
	v7 =	vunpack.i.u.bf16.f32 v47;
	v56 =	vunpack.i.u.bf16.f32 v50;
	v3 =	vadd.f32 v55, v3  }
0x158: {  	v6 =	vadd.f32 v35, v46;
	s23 =	sadd.s32 s1, s14;
	v57 =	vld [tilespmem:s22+$0x0];
	v7 =	vadd.f32 v56, v7;
	v58 =	vunpack.i.l.bf16.f32 v1  }
0x159: {  	[tilespmem:s25+$0xFFFFFD10] =	vst v45;
	v59 =	vld [tilespmem:s23+$0x0];
	v1 =	vunpack.i.u.bf16.f32 v1;
	v3 =	vadd.f32 v58, v3  }
0x15a: {  	s0 =	sadd.s32 s30, s24;
	[tilespmem:s25+$0xFFFFFD20] =	vst v6;
	s20 =	sld [smem:$0x7E5];
	s28 =	sadd.s32 s1, s26;
	v1 =	vadd.f32 v1, v7;
	v61 =	vunpack.i.l.bf16.f32 v53;
	v62 =	vunpack.i.l.bf16.f32 v54  }
0x15b: {  	s17 =	sadd.s32 s29, s0;
	v63 =	vld [tilespmem:s28+$0x0];
	v16 =	vunpack.i.u.bf16.f32 v54;
	v17 =	vadd.f32 v62, v61;
	[tilespmem:s25+$0xFFFFF350] =	vst v3;
	v3 =	vunpack.i.u.bf16.f32 v53  }
0x15c: {  	v6 =	vld [tilespmem:s17+$0x0];
	s17 =	sadd.s32 s2, s13;
	s21 =	sld [smem:$0x7E6];
	[tilespmem:s25+$0xFFFFF360] =	vst v1;
	v1 =	vunpack.i.l.bf16.f32 v2;
	v3 =	vadd.f32 v16, v3  }
0x15d: {  	s8 =	sadd.s32 s30, s20;
	s20 =	sadd.s32 s2, s14;
	v2 =	vunpack.i.u.bf16.f32 v2;
	v19 =	vld [tilespmem:s17+$0x0];
	v1 =	vadd.f32 v1, v17  }
0x15e: {  	v20 =	vunpack.i.l.bf16.f32 v57;
	v21 =	vunpack.i.l.bf16.f32 v59;
	v22 =	vld [tilespmem:s20+$0x0];
	v2 =	vadd.f32 v2, v3  }
0x15f: {  	s10 =	sadd.s32 s30, s21;
	s21 =	sadd.s32 s2, s26;
	v23 =	vunpack.i.u.bf16.f32 v59;
	v5 =	vadd.f32 v21, v20;
	v3 =	vunpack.i.u.bf16.f32 v57;
	[tilespmem:s25+$0xFFFFF370] =	vst v1  }
0x160: {  	s22 =	sadd.s32 s31, s13;
	v25 =	vunpack.i.l.bf16.f32 v63;
	v1 =	vld [tilespmem:s21+$0x0];
	v3 =	vadd.f32 v23, v3;
	[tilespmem:s25+$0xFFFFF380] =	vst v2  }
0x161: {  	s23 =	sadd.s32 s31, s14;
	v26 =	vunpack.i.u.bf16.f32 v63;
	v5 =	vadd.f32 v25, v5;
	v2 =	vld [tilespmem:s22+$0x0]  }
0x162: {  	s24 =	sadd.s32 s29, s8;
	v3 =	vadd.f32 v26, v3;
	v28 =	vld [tilespmem:s23+$0x0]  }
0x163: {  	v60 =	vld [tilespmem:s24+$0x0];
	s24 =	sadd.s32 s31, s26;
	[tilespmem:s25+$0xFFFFF3B0] =	vst v5;
	v30 =	vunpack.i.l.bf16.f32 v19;
	v31 =	vunpack.i.l.bf16.f32 v22  }
0x164: {  	s26 =	sadd.s32 s1, s12;
	v32 =	vunpack.i.u.bf16.f32 v22;
	v33 =	vld [tilespmem:s24+$0x0];
	v5 =	vadd.f32 v31, v30;
	[tilespmem:s25+$0xFFFFF3C0] =	vst v3;
	v3 =	vunpack.i.u.bf16.f32 v19  }
0x165: {  	v24 =	vunpack.i.u.bf16.f32 v6;
	s28 =	sadd.s32 s1, s6;
	v35 =	vunpack.i.l.bf16.f32 v1;
	v34 =	vld [tilespmem:s26+$0x0];
	v3 =	vadd.f32 v32, v3  }
0x166: {  	v6 =	vunpack.i.l.bf16.f32 v6;
	v1 =	vunpack.i.u.bf16.f32 v1;
	v36 =	vld [tilespmem:s28+$0x0];
	v4 =	vadd.f32 v35, v5  }
0x167: {  	s13 =	sadd.s32 s1, s4;
	v1 =	vadd.f32 v1, v3;
	v3 =	vunpack.i.l.bf16.f32 v2;
	v37 =	vunpack.i.l.bf16.f32 v28  }
0x168: {  	s16 =	sadd.s32 s29, s10;
	v38 =	vld [tilespmem:s13+$0x0];
	[tilespmem:s25+$0xFFFFF3D0] =	vst v4;
	v2 =	vunpack.i.u.bf16.f32 v2;
	v8 =	vunpack.i.u.bf16.f32 v28;
	v3 =	vadd.f32 v37, v3  }
0x169: {  	v18 =	vld [tilespmem:s16+$0x0];
	v10 =	vunpack.i.l.bf16.f32 v60;
	s14 =	sadd.s32 s2, s12;
	v2 =	vadd.f32 v8, v2;
	[tilespmem:s25+$0xFFFFF3E0] =	vst v1;
	v1 =	vunpack.i.l.bf16.f32 v33  }
0x16a: {  	s15 =	sadd.s32 s2, s6;
	v6 =	vadd.f32 v10, v6;
	v42 =	vunpack.i.u.bf16.f32 v33;
	v41 =	vld [tilespmem:s14+$0x0];
	v1 =	vadd.f32 v1, v3  }
0x16b: {  	v3 =	vunpack.i.l.bf16.f32 v34;
	v43 =	vunpack.i.l.bf16.f32 v36;
	v44 =	vld [tilespmem:s15+$0x0];
	v2 =	vadd.f32 v42, v2  }
0x16c: {  	s17 =	sadd.s32 s2, s4;
	v45 =	vunpack.i.u.bf16.f32 v34;
	v10 =	vunpack.i.u.bf16.f32 v36;
	v3 =	vadd.f32 v43, v3;
	[tilespmem:s25+$0xFFFFF3F0] =	vst v1  }
0x16d: {  	v27 =	vunpack.i.u.bf16.f32 v60;
	s12 =	sadd.s32 s31, s12;
	v46 =	vunpack.i.l.bf16.f32 v38;
	v8 =	vadd.f32 v10, v45;
	v1 =	vld [tilespmem:s17+$0x0];
	[tilespmem:s25+$0xFFFFF400] =	vst v2  }
0x16e: {  	v40 =	vadd.f32 v27, v24;
	s6 =	sadd.s32 s31, s6;
	v2 =	vunpack.i.u.bf16.f32 v38;
	v3 =	vadd.f32 v46, v3;
	v47 =	vld [tilespmem:s12+$0x0]  }
0x16f: {  	v29 =	vunpack.i.u.bf16.f32 v18;
	v7 =	vunpack.i.l.bf16.f32 v18;
	v48 =	vld [tilespmem:s6+$0x0];
	v2 =	vadd.f32 v2, v8  }
0x170: {  	v39 =	vadd.f32 v7, v6;
	s4 =	sadd.s32 s31, s4;
	[tilespmem:s25+$0xFFFFFC30] =	vst v3;
	v3 =	vunpack.i.l.bf16.f32 v41;
	v49 =	vunpack.i.l.bf16.f32 v44  }
0x171: {  	s16 =	sld [smem:$0x7E7];
	s23 =	sadd.s32 s1, s18;
	[tilespmem:s25+$0xFFFFFC40] =	vst v2;
	v2 =	vld [tilespmem:s4+$0x0];
	v7 =	vunpack.i.u.bf16.f32 v41;
	v50 =	vunpack.i.u.bf16.f32 v44;
	v3 =	vadd.f32 v49, v3  }
0x172: {  	v6 =	vadd.f32 v29, v40;
	s24 =	sadd.s32 s1, s11;
	v51 =	vld [tilespmem:s23+$0x0];
	v7 =	vadd.f32 v50, v7;
	v52 =	vunpack.i.l.bf16.f32 v1  }
0x173: {  	[tilespmem:s25+$0xFFFFFD90] =	vst v39;
	v53 =	vld [tilespmem:s24+$0x0];
	v1 =	vunpack.i.u.bf16.f32 v1;
	v3 =	vadd.f32 v52, v3  }
0x174: {  	s7 =	sadd.s32 s30, s16;
	[tilespmem:s25+$0xFFFFFDA0] =	vst v6;
	s21 =	sld [smem:$0x7E8];
	s28 =	sadd.s32 s1, s19;
	v1 =	vadd.f32 v1, v7;
	v55 =	vunpack.i.l.bf16.f32 v47;
	v56 =	vunpack.i.l.bf16.f32 v48  }
0x175: {  	s20 =	sadd.s32 s29, s7;
	v57 =	vld [tilespmem:s28+$0x0];
	v58 =	vunpack.i.u.bf16.f32 v48;
	v59 =	vadd.f32 v56, v55;
	[tilespmem:s25+$0xFFFFFC50] =	vst v3;
	v3 =	vunpack.i.u.bf16.f32 v47  }
0x176: {  	v6 =	vld [tilespmem:s20+$0x0];
	s14 =	sadd.s32 s2, s18;
	[tilespmem:s25+$0xFFFFFC60] =	vst v1;
	v1 =	vunpack.i.l.bf16.f32 v2;
	v3 =	vadd.f32 v58, v3  }
0x177: {  	s15 =	sadd.s32 s2, s11;
	s6 =	sadd.s32 s30, s21;
	v2 =	vunpack.i.u.bf16.f32 v2;
	v61 =	vld [tilespmem:s14+$0x0];
	v1 =	vadd.f32 v1, v59  }
0x178: {  	s26 =	sadd.s32 s29, s6;
	v62 =	vunpack.i.l.bf16.f32 v51;
	v63 =	vunpack.i.l.bf16.f32 v53;
	v16 =	vld [tilespmem:s15+$0x0];
	v2 =	vadd.f32 v2, v3  }
0x179: {  	s16 =	sadd.s32 s2, s19;
	v54 =	vld [tilespmem:s26+$0x0];
	v17 =	vunpack.i.u.bf16.f32 v53;
	v5 =	vadd.f32 v63, v62;
	v3 =	vunpack.i.u.bf16.f32 v51;
	[tilespmem:s25+$0xFFFFFC70] =	vst v1  }
0x17a: {  	s17 =	sadd.s32 s31, s18;
	v19 =	vunpack.i.l.bf16.f32 v57;
	v1 =	vld [tilespmem:s16+$0x0];
	v3 =	vadd.f32 v17, v3;
	[tilespmem:s25+$0xFFFFFC80] =	vst v2  }
0x17b: {  	s11 =	sadd.s32 s31, s11;
	v20 =	vunpack.i.u.bf16.f32 v57;
	v5 =	vadd.f32 v19, v5;
	v2 =	vld [tilespmem:s17+$0x0]  }
0x17c: {  	v3 =	vadd.f32 v20, v3;
	v22 =	vld [tilespmem:s11+$0x0]  }
0x17d: {  	v18 =	vunpack.i.u.bf16.f32 v6;
	s18 =	sadd.s32 s31, s19;
	[tilespmem:s25+$0xFFFFFCB0] =	vst v5;
	v24 =	vunpack.i.l.bf16.f32 v61;
	v25 =	vunpack.i.l.bf16.f32 v16  }
0x17e: {  	s22 =	sld [smem:$0x7E9];
	s19 =	sadd.s32 s1, s3;
	v26 =	vunpack.i.u.bf16.f32 v16;
	v27 =	vld [tilespmem:s18+$0x0];
	v5 =	vadd.f32 v25, v24;
	[tilespmem:s25+$0xFFFFFCC0] =	vst v3;
	v3 =	vunpack.i.u.bf16.f32 v61  }
0x17f: {  	s20 =	sadd.s32 s1, s5;
	v6 =	vunpack.i.l.bf16.f32 v6;
	v29 =	vunpack.i.l.bf16.f32 v1;
	v28 =	vld [tilespmem:s19+$0x0];
	v3 =	vadd.f32 v26, v3  }
0x180: {  	v21 =	vunpack.i.u.bf16.f32 v54;
	v1 =	vunpack.i.u.bf16.f32 v1;
	v30 =	vld [tilespmem:s20+$0x0];
	v4 =	vadd.f32 v29, v5  }
0x181: {  	s21 =	sadd.s32 s1, s9;
	s4 =	sadd.s32 s30, s22;
	v1 =	vadd.f32 v1, v3;
	v3 =	vunpack.i.l.bf16.f32 v2;
	v31 =	vunpack.i.l.bf16.f32 v22  }
0x182: {  	s13 =	sadd.s32 s29, s4;
	v32 =	vld [tilespmem:s21+$0x0];
	[tilespmem:s25+$0xFFFFFCD0] =	vst v4;
	v2 =	vunpack.i.u.bf16.f32 v2;
	v8 =	vunpack.i.u.bf16.f32 v22;
	v3 =	vadd.f32 v31, v3  }
0x183: {  	s22 =	sadd.s32 s2, s3;
	v60 =	vld [tilespmem:s13+$0x0];
	v10 =	vunpack.i.l.bf16.f32 v54;
	v2 =	vadd.f32 v8, v2;
	[tilespmem:s25+$0xFFFFFCE0] =	vst v1;
	v1 =	vunpack.i.l.bf16.f32 v27  }
0x184: {  	s23 =	sadd.s32 s2, s5;
	v6 =	vadd.f32 v10, v6;
	v36 =	vunpack.i.u.bf16.f32 v27;
	v35 =	vld [tilespmem:s22+$0x0];
	v1 =	vadd.f32 v1, v3  }
0x185: {  	v3 =	vunpack.i.l.bf16.f32 v28;
	v37 =	vunpack.i.l.bf16.f32 v30;
	v38 =	vld [tilespmem:s23+$0x0];
	v2 =	vadd.f32 v36, v2  }
0x186: {  	s26 =	sadd.s32 s2, s9;
	v39 =	vunpack.i.u.bf16.f32 v28;
	v10 =	vunpack.i.u.bf16.f32 v30;
	v3 =	vadd.f32 v37, v3;
	[tilespmem:s25+$0xFFFFFCF0] =	vst v1  }
0x187: {  	s28 =	sadd.s32 s31, s3;
	v34 =	vadd.f32 v21, v18;
	v40 =	vunpack.i.l.bf16.f32 v32;
	v8 =	vadd.f32 v10, v39;
	v1 =	vld [tilespmem:s26+$0x0];
	[tilespmem:s25+$0xFFFFFD00] =	vst v2  }
0x188: {  	s5 =	sadd.s32 s31, s5;
	v7 =	vunpack.i.l.bf16.f32 v60;
	v2 =	vunpack.i.u.bf16.f32 v32;
	v3 =	vadd.f32 v40, v3;
	v41 =	vld [tilespmem:s28+$0x0]  }
0x189: {  	s24 =	sld [smem:$0x7EA];
	v23 =	vunpack.i.u.bf16.f32 v60;
	v33 =	vadd.f32 v7, v6;
	v42 =	vld [tilespmem:s5+$0x0];
	v2 =	vadd.f32 v2, v8  }
0x18a: {  	s9 =	sadd.s32 s31, s9;
	v6 =	vadd.f32 v23, v34;
	[tilespmem:s25+$0xFFFFFD30] =	vst v3;
	v3 =	vunpack.i.l.bf16.f32 v35;
	v43 =	vunpack.i.l.bf16.f32 v38  }
0x18b: {  	s13 =	sld [smem:$0x7EB];
	s15 =	sadd.s32 s1, s0;
	[tilespmem:s25+$0xFFFFFD40] =	vst v2;
	v2 =	vld [tilespmem:s9+$0x0];
	v7 =	vunpack.i.u.bf16.f32 v35;
	v44 =	vunpack.i.u.bf16.f32 v38;
	v3 =	vadd.f32 v43, v3  }
0x18c: {  	s3 =	sadd.s32 s30, s24;
	s16 =	sadd.s32 s1, s8;
	[tilespmem:s25+$0xFFFFFE10] =	vst v33;
	v45 =	vld [tilespmem:s15+$0x0];
	v7 =	vadd.f32 v44, v7;
	v46 =	vunpack.i.l.bf16.f32 v1  }
0x18d: {  	s12 =	sadd.s32 s29, s3;
	[tilespmem:s25+$0xFFFFFE20] =	vst v6;
	v47 =	vld [tilespmem:s16+$0x0];
	v1 =	vunpack.i.u.bf16.f32 v1;
	v3 =	vadd.f32 v46, v3  }
0x18e: {  	s14 =	sld [smem:$0x7EC];
	v6 =	vld [tilespmem:s12+$0x0];
	s18 =	sadd.s32 s1, s10;
	s5 =	sadd.s32 s30, s13;
	v1 =	vadd.f32 v1, v7;
	v49 =	vunpack.i.l.bf16.f32 v41;
	v50 =	vunpack.i.l.bf16.f32 v42  }
0x18f: {  	s17 =	sadd.s32 s29, s5;
	v51 =	vld [tilespmem:s18+$0x0];
	v52 =	vunpack.i.u.bf16.f32 v42;
	v53 =	vadd.f32 v50, v49;
	[tilespmem:s25+$0xFFFFFD50] =	vst v3;
	v3 =	vunpack.i.u.bf16.f32 v41  }
0x190: {  	s20 =	sadd.s32 s2, s0;
	v48 =	vld [tilespmem:s17+$0x0];
	[tilespmem:s25+$0xFFFFFD60] =	vst v1;
	v1 =	vunpack.i.l.bf16.f32 v2;
	v3 =	vadd.f32 v52, v3  }
0x191: {  	s21 =	sadd.s32 s2, s8;
	s9 =	sadd.s32 s30, s14;
	v2 =	vunpack.i.u.bf16.f32 v2;
	v55 =	vld [tilespmem:s20+$0x0];
	v1 =	vadd.f32 v1, v53  }
0x192: {  	s19 =	sadd.s32 s29, s9;
	v56 =	vunpack.i.l.bf16.f32 v45;
	v57 =	vunpack.i.l.bf16.f32 v47;
	v58 =	vld [tilespmem:s21+$0x0];
	v2 =	vadd.f32 v2, v3  }
0x193: {  	s22 =	sadd.s32 s2, s10;
	v54 =	vld [tilespmem:s19+$0x0];
	v59 =	vunpack.i.u.bf16.f32 v47;
	v5 =	vadd.f32 v57, v56;
	v3 =	vunpack.i.u.bf16.f32 v45;
	[tilespmem:s25+$0xFFFFFD70] =	vst v1  }
0x194: {  	s0 =	sadd.s32 s31, s0;
	v60 =	vunpack.i.u.bf16.f32 v6;
	v61 =	vunpack.i.l.bf16.f32 v51;
	v1 =	vld [tilespmem:s22+$0x0];
	v3 =	vadd.f32 v59, v3;
	[tilespmem:s25+$0xFFFFFD80] =	vst v2  }
0x195: {  	v6 =	vunpack.i.l.bf16.f32 v6;
	s23 =	sadd.s32 s31, s8;
	v62 =	vunpack.i.u.bf16.f32 v51;
	v5 =	vadd.f32 v61, v5;
	v2 =	vld [tilespmem:s0+$0x0]  }
0x196: {  	v63 =	vunpack.i.u.bf16.f32 v48;
	v10 =	vunpack.i.l.bf16.f32 v48;
	v3 =	vadd.f32 v62, v3;
	v16 =	vld [tilespmem:s23+$0x0]  }
0x197: {  	s24 =	sadd.s32 s31, s10;
	v6 =	vadd.f32 v10, v6;
	[tilespmem:s25+$0xFFFFFDB0] =	vst v5;
	v18 =	vunpack.i.l.bf16.f32 v55;
	v19 =	vunpack.i.l.bf16.f32 v58  }
0x198: {  	s26 =	sadd.s32 s1, s7;
	v20 =	vunpack.i.u.bf16.f32 v58;
	v21 =	vld [tilespmem:s24+$0x0];
	v5 =	vadd.f32 v19, v18;
	[tilespmem:s25+$0xFFFFFDC0] =	vst v3;
	v3 =	vunpack.i.u.bf16.f32 v55  }
0x199: {  	s28 =	sadd.s32 s1, s6;
	v28 =	vadd.f32 v63, v60;
	v23 =	vunpack.i.l.bf16.f32 v1;
	v22 =	vld [tilespmem:s26+$0x0];
	v3 =	vadd.f32 v20, v3  }
0x19a: {  	v17 =	vunpack.i.u.bf16.f32 v54;
	v1 =	vunpack.i.u.bf16.f32 v1;
	v24 =	vld [tilespmem:s28+$0x0];
	v4 =	vadd.f32 v23, v5  }
0x19b: {  	s8 =	sadd.s32 s1, s4;
	v1 =	vadd.f32 v1, v3;
	v3 =	vunpack.i.l.bf16.f32 v2;
	v25 =	vunpack.i.l.bf16.f32 v16  }
0x19c: {  	v26 =	vld [tilespmem:s8+$0x0];
	[tilespmem:s25+$0xFFFFFDD0] =	vst v4;
	v2 =	vunpack.i.u.bf16.f32 v2;
	v8 =	vunpack.i.u.bf16.f32 v16;
	v3 =	vadd.f32 v25, v3  }
0x19d: {  	s10 =	sadd.s32 s2, s7;
	v7 =	vunpack.i.l.bf16.f32 v54;
	v2 =	vadd.f32 v8, v2;
	[tilespmem:s25+$0xFFFFFDE0] =	vst v1;
	v1 =	vunpack.i.l.bf16.f32 v21  }
0x19e: {  	s11 =	sadd.s32 s2, s6;
	v27 =	vadd.f32 v7, v6;
	v30 =	vunpack.i.u.bf16.f32 v21;
	v29 =	vld [tilespmem:s10+$0x0];
	v1 =	vadd.f32 v1, v3  }
0x19f: {  	s12 =	sld [smem:$0x7ED];
	v3 =	vunpack.i.l.bf16.f32 v22;
	v31 =	vunpack.i.l.bf16.f32 v24;
	v32 =	vld [tilespmem:s11+$0x0];
	v2 =	vadd.f32 v30, v2  }
0x1a0: {  	s13 =	sadd.s32 s2, s4;
	v33 =	vunpack.i.u.bf16.f32 v22;
	v10 =	vunpack.i.u.bf16.f32 v24;
	v3 =	vadd.f32 v31, v3;
	[tilespmem:s25+$0xFFFFFDF0] =	vst v1  }
0x1a1: {  	s7 =	sadd.s32 s31, s7;
	s16 =	sld [smem:$0x7EF];
	v6 =	vadd.f32 v17, v28;
	v34 =	vunpack.i.l.bf16.f32 v26;
	v8 =	vadd.f32 v10, v33;
	v1 =	vld [tilespmem:s13+$0x0];
	[tilespmem:s25+$0xFFFFFE00] =	vst v2  }
0x1a2: {  	s6 =	sadd.s32 s31, s6;
	[tilespmem:s25+$0xFFFFFE90] =	vst v27;
	s0 =	sadd.s32 s30, s12;
	v2 =	vunpack.i.u.bf16.f32 v26;
	v3 =	vadd.f32 v34, v3;
	v35 =	vld [tilespmem:s7+$0x0]  }
0x1a3: {  	[tilespmem:s25+$0xFFFFFEA0] =	vst v6;
	s14 =	sadd.s32 s29, s0;
	v36 =	vld [tilespmem:s6+$0x0];
	v2 =	vadd.f32 v2, v8  }
0x1a4: {  	s4 =	sadd.s32 s31, s4;
	s15 =	sld [smem:$0x7EE];
	s20 =	sadd.s32 s30, s16;
	v6 =	vld [tilespmem:s14+$0x0];
	[tilespmem:s25+$0xFFFFFE30] =	vst v3;
	v3 =	vunpack.i.l.bf16.f32 v29;
	v37 =	vunpack.i.l.bf16.f32 v32  }
0x1a5: {  	s7 =	sadd.s32 s29, s20;
	[tilespmem:s25+$0xFFFFFE40] =	vst v2;
	v2 =	vld [tilespmem:s4+$0x0];
	v7 =	vunpack.i.u.bf16.f32 v29;
	v38 =	vunpack.i.u.bf16.f32 v32;
	v3 =	vadd.f32 v37, v3  }
0x1a6: {  	s17 =	sadd.s32 s1, s3;
	v45 =	vld [tilespmem:s7+$0x0];
	v7 =	vadd.f32 v38, v7;
	v40 =	vunpack.i.l.bf16.f32 v1  }
0x1a7: {  	s18 =	sadd.s32 s1, s5;
	s6 =	sadd.s32 s30, s15;
	v39 =	vld [tilespmem:s17+$0x0];
	v1 =	vunpack.i.u.bf16.f32 v1;
	v3 =	vadd.f32 v40, v3  }
0x1a8: {  	s19 =	sadd.s32 s29, s6;
	v41 =	vld [tilespmem:s18+$0x0];
	v1 =	vadd.f32 v1, v7;
	v43 =	vunpack.i.l.bf16.f32 v35;
	v44 =	vunpack.i.l.bf16.f32 v36  }
0x1a9: {  	s21 =	sadd.s32 s1, s9;
	v42 =	vld [tilespmem:s19+$0x0];
	v46 =	vunpack.i.u.bf16.f32 v36;
	v47 =	vadd.f32 v44, v43;
	[tilespmem:s25+$0xFFFFFE50] =	vst v3;
	v3 =	vunpack.i.u.bf16.f32 v35  }
0x1aa: {  	s22 =	sadd.s32 s2, s3;
	v49 =	vld [tilespmem:s21+$0x0];
	[tilespmem:s25+$0xFFFFFE60] =	vst v1;
	v1 =	vunpack.i.l.bf16.f32 v2;
	v3 =	vadd.f32 v46, v3  }
0x1ab: {  	s23 =	sadd.s32 s2, s5;
	v2 =	vunpack.i.u.bf16.f32 v2;
	v51 =	vld [tilespmem:s22+$0x0];
	v1 =	vadd.f32 v1, v47  }
0x1ac: {  	v48 =	vunpack.i.u.bf16.f32 v6;
	v50 =	vunpack.i.l.bf16.f32 v6;
	v54 =	vld [tilespmem:s23+$0x0];
	v2 =	vadd.f32 v2, v3  }
0x1ad: {  	s24 =	sadd.s32 s2, s9;
	v55 =	vunpack.i.u.bf16.f32 v45;
	v52 =	vunpack.i.l.bf16.f32 v39;
	v53 =	vunpack.i.l.bf16.f32 v41;
	[tilespmem:s25+$0xFFFFFE70] =	vst v1  }
0x1ae: {  	s3 =	sadd.s32 s31, s3;
	v8 =	vunpack.i.u.bf16.f32 v39;
	v9 =	vunpack.i.u.bf16.f32 v41;
	v5 =	vadd.f32 v53, v52;
	v1 =	vld [tilespmem:s24+$0x0];
	[tilespmem:s25+$0xFFFFFE80] =	vst v2  }
0x1af: {  	s26 =	sadd.s32 s31, s5;
	v10 =	vunpack.i.l.bf16.f32 v42;
	v56 =	vunpack.i.l.bf16.f32 v49;
	v8 =	vadd.f32 v9, v8;
	v2 =	vld [tilespmem:s3+$0x0]  }
0x1b0: {  	v4 =	vadd.f32 v10, v50;
	v57 =	vunpack.i.u.bf16.f32 v49;
	v5 =	vadd.f32 v56, v5;
	v58 =	vld [tilespmem:s26+$0x0]  }
0x1b1: {  	s28 =	sadd.s32 s31, s9;
	v8 =	vadd.f32 v57, v8;
	v59 =	vunpack.i.l.bf16.f32 v51;
	v60 =	vunpack.i.l.bf16.f32 v54  }
0x1b2: {  	[tilespmem:s25+$0xFFFFFEB0] =	vst v5;
	v61 =	vunpack.i.u.bf16.f32 v51;
	v62 =	vunpack.i.u.bf16.f32 v54;
	v63 =	vld [tilespmem:s28+$0x0];
	v10 =	vadd.f32 v60, v59  }
0x1b3: {  	s5 =	sadd.s32 s1, s0;
	v3 =	vunpack.i.u.bf16.f32 v42;
	[tilespmem:s25+$0xFFFFFEC0] =	vst v8;
	v5 =	vadd.f32 v62, v61;
	v14 =	vunpack.i.l.bf16.f32 v1  }
0x1b4: {  	s7 =	sadd.s32 s1, s6;
	v3 =	vadd.f32 v3, v48;
	v15 =	vld [tilespmem:s5+$0x0];
	v1 =	vunpack.i.u.bf16.f32 v1;
	v16 =	vadd.f32 v14, v10  }
0x1b5: {  	v17 =	vld [tilespmem:s7+$0x0];
	v1 =	vadd.f32 v1, v5;
	v18 =	vunpack.i.l.bf16.f32 v2;
	v19 =	vunpack.i.l.bf16.f32 v58  }
0x1b6: {  	s9 =	sadd.s32 s1, s20;
	[tilespmem:s25+$0xFFFFFED0] =	vst v16;
	v2 =	vunpack.i.u.bf16.f32 v2;
	v20 =	vunpack.i.u.bf16.f32 v58;
	v5 =	vadd.f32 v19, v18  }
0x1b7: {  	s10 =	sadd.s32 s2, s0;
	v3 =	vadd.f32 v55, v3;
	v21 =	vld [tilespmem:s9+$0x0];
	[tilespmem:s25+$0xFFFFFEE0] =	vst v1;
	v1 =	vunpack.i.l.bf16.f32 v63;
	v2 =	vadd.f32 v20, v2  }
0x1b8: {  	s12 =	sadd.s32 s2, s6;
	v23 =	vunpack.i.u.bf16.f32 v63;
	v22 =	vld [tilespmem:s10+$0x0];
	v1 =	vadd.f32 v1, v5  }
0x1b9: {  	s8 =	sld [smem:$0x7F0];
	v12 =	vunpack.i.l.bf16.f32 v45;
	[tilespmem:s25+$0xFFFFFF20] =	vst v3;
	v3 =	vld [tilespmem:s12+$0x0];
	v2 =	vadd.f32 v23, v2  }
0x1ba: {  	s14 =	sadd.s32 s2, s20;
	v4 =	vadd.f32 v12, v4;
	v25 =	vunpack.i.l.bf16.f32 v15;
	v26 =	vunpack.i.l.bf16.f32 v17;
	[tilespmem:s25+$0xFFFFFEF0] =	vst v1  }
0x1bb: {  	s0 =	sadd.s32 s31, s0;
	v6 =	vunpack.i.u.bf16.f32 v15;
	v8 =	vunpack.i.u.bf16.f32 v17;
	v7 =	vadd.f32 v26, v25;
	v1 =	vld [tilespmem:s14+$0x0];
	[tilespmem:s25+$0xFFFFFF00] =	vst v2  }
0x1bc: {  	s11 =	sadd.s32 s30, s8;
	s15 =	sld [smem:$0x7F1];
	s16 =	sadd.s32 s31, s6;
	v27 =	vunpack.i.l.bf16.f32 v21;
	v6 =	vadd.f32 v8, v6;
	v2 =	vld [tilespmem:s0+$0x0]  }
0x1bd: {  	s13 =	sadd.s32 s29, s11;
	[tilespmem:s25+$0xFFFFFF10] =	vst v4;
	v9 =	vunpack.i.u.bf16.f32 v21;
	v7 =	vadd.f32 v27, v7;
	v28 =	vld [tilespmem:s16+$0x0]  }
0x1be: {  	s4 =	sadd.s32 s31, s20;
	v24 =	vld [tilespmem:s13+$0x0];
	v6 =	vadd.f32 v9, v6;
	v29 =	vunpack.i.l.bf16.f32 v22;
	v30 =	vunpack.i.l.bf16.f32 v3  }
0x1bf: {  	s17 =	sld [smem:$0x7F2];
	s5 =	sadd.s32 s30, s15;
	v31 =	vld [tilespmem:s4+$0x0];
	v4 =	vunpack.i.u.bf16.f32 v22;
	v3 =	vunpack.i.u.bf16.f32 v3;
	v8 =	vadd.f32 v30, v29  }
0x1c0: {  	s18 =	sadd.s32 s29, s5;
	[tilespmem:s25+$0xFFFFFF30] =	vst v7;
	v3 =	vadd.f32 v3, v4;
	v33 =	vunpack.i.l.bf16.f32 v1  }
0x1c1: {  	s20 =	sadd.s32 s1, s11;
	v32 =	vld [tilespmem:s18+$0x0];
	[tilespmem:s25+$0xFFFFFF40] =	vst v6;
	v1 =	vunpack.i.u.bf16.f32 v1;
	v35 =	vadd.f32 v33, v8  }
0x1c2: {  	s21 =	sadd.s32 s1, s5;
	s0 =	sadd.s32 s30, s17;
	v38 =	vld [tilespmem:s20+$0x0];
	v1 =	vadd.f32 v1, v3;
	v3 =	vunpack.i.l.bf16.f32 v2;
	v37 =	vunpack.i.l.bf16.f32 v28  }
0x1c3: {  	s19 =	sadd.s32 s29, s0;
	v39 =	vld [tilespmem:s21+$0x0];
	v2 =	vunpack.i.u.bf16.f32 v2;
	v11 =	vunpack.i.u.bf16.f32 v28;
	v3 =	vadd.f32 v37, v3  }
0x1c4: {  	v34 =	vunpack.i.u.bf16.f32 v24;
	s1 =	sadd.s32 s1, s0;
	v36 =	vld [tilespmem:s19+$0x0];
	v40 =	vunpack.i.l.bf16.f32 v31;
	v2 =	vadd.f32 v11, v2;
	[tilespmem:s25+$0xFFFFFF50] =	vst v35  }
0x1c5: {  	s22 =	sadd.s32 s2, s11;
	v5 =	vunpack.i.l.bf16.f32 v24;
	v42 =	vld [tilespmem:s1+$0x0];
	[tilespmem:s25+$0xFFFFFF60] =	vst v1;
	v1 =	vunpack.i.u.bf16.f32 v31;
	v3 =	vadd.f32 v40, v3  }
0x1c6: {  	s23 =	sadd.s32 s2, s5;
	v41 =	vunpack.i.l.bf16.f32 v32;
	v43 =	vunpack.i.u.bf16.f32 v32;
	v44 =	vld [tilespmem:s22+$0x0];
	v1 =	vadd.f32 v1, v2  }
0x1c7: {  	v5 =	vadd.f32 v41, v5;
	v4 =	vadd.f32 v43, v34;
	s24 =	sadd.s32 s2, s0;
	v47 =	vunpack.i.l.bf16.f32 v38;
	v2 =	vld [tilespmem:s23+$0x0];
	[tilespmem:s25+$0xFFFFFF70] =	vst v3  }
0x1c8: {  	s28 =	sadd.s32 s31, s11;
	v48 =	vunpack.i.l.bf16.f32 v39;
	v9 =	vunpack.i.u.bf16.f32 v38;
	v6 =	vunpack.i.u.bf16.f32 v39;
	v3 =	vld [tilespmem:s24+$0x0];
	[tilespmem:s25+$0xFFFFFF80] =	vst v1  }
0x1c9: {  	s30 =	sadd.s32 s31, s5;
	v45 =	vunpack.i.l.bf16.f32 v36;
	v46 =	vunpack.i.u.bf16.f32 v36;
	v7 =	vadd.f32 v48, v47;
	v1 =	vld [tilespmem:s28+$0x0]  }
0x1ca: {  	v51 =	vunpack.i.l.bf16.f32 v42;
	v6 =	vadd.f32 v6, v9;
	v5 =	vadd.f32 v45, v5;
	v49 =	vld [tilespmem:s30+$0x0]  }
0x1cb: {  	s0 =	sadd.s32 s31, s0;
	v50 =	vunpack.i.u.bf16.f32 v42;
	v4 =	vadd.f32 v46, v4;
	v7 =	vadd.f32 v51, v7  }
0x1cc: {  	s31 =	sld [smem:$0x7DE];
	v6 =	vadd.f32 v50, v6;
	v54 =	vld [tilespmem:s0+$0x0];
	v52 =	vunpack.i.l.bf16.f32 v44;
	v53 =	vunpack.i.l.bf16.f32 v2  }
0x1cd: {  	v56 =	vunpack.i.u.bf16.f32 v44;
	v2 =	vunpack.i.u.bf16.f32 v2;
	v55 =	vadd.f32 v53, v52  }
0x1ce: {  	[tilespmem:s25+$0xFFFFFF90] =	vst v5;
	v2 =	vadd.f32 v2, v56;
	v57 =	vunpack.i.l.bf16.f32 v3;
	v3 =	vunpack.i.u.bf16.f32 v3  }
0x1cf: {  	[tilespmem:s25+$0xFFFFFFA0] =	vst v4;
	s0 =	sadd.s32 $0x4, s31;
	v58 =	vadd.f32 v57, v55;
	v59 =	vunpack.i.l.bf16.f32 v1;
	v60 =	vunpack.i.l.bf16.f32 v49  }
0x1d0: {  	[tilespmem:s25+$0xFFFFFFB0] =	vst v7;
	p1 =	slt.u32 s0, $0x8;
	v1 =	vunpack.i.u.bf16.f32 v1;
	v62 =	vunpack.i.u.bf16.f32 v49;
	v61 =	vadd.f32 v60, v59  }
.Ltmp0:
0x1d1: {  	s26 =	sld [smem:$0x7DC];
	[tilespmem:s25+$0xFFFFFFC0] =	vst v6;
	v2 =	vadd.f32 v3, v2;
	v3 =	vunpack.i.l.bf16.f32 v54;
	v1 =	vadd.f32 v62, v1;
	(pc) =	sbr.rel @p1 .LBB2_4-.Ltmp0, $4  }
0x1d2: {  	s29 =	sld [smem:$0x7DD];
	v63 =	vunpack.i.u.bf16.f32 v54;
	[tilespmem:s25+$0xFFFFFFD0] =	vst v58;
	v3 =	vadd.f32 v3, v61  }
0x1d3: {  	[tilespmem:s25+$0xFFFFFFE0] =	vst v2;
	v1 =	vadd.f32 v63, v1  }
0x1d4: {  	[tilespmem:s25+$0xFFFFFFF0] =	vst v3  }
0x1d5: {  	s2 =	sadd.s32 $0x200, s26;
	s3 =	sadd.s32 $0x40, s29;
	[tilespmem:s25+$0x0] =	vst v1;
	s25 =	sadd.s32 $0x400, s25  }
0x1d6: {  	s0 =	sld [smem:$0x7DF];
	_ =	sdelay $0x2  }
0x1d7: {  	s0 =	sadd.s32 $0x1, s0  }
0x1d8: {  	p1 =	sne.s32 s0, $0x4  }
.Ltmp1:
0x1d9: {  	_ = 	snop;
	(pc) =	sbr.rel @p1 .LBB2_3-.Ltmp1, $2  }
0x1da: {  	s25 =	sld [smem:$0x7F3];
	_ =	sdelay $0x2  }
0x1db: {  	s25 =	sadd.s32 $0x1800, s25  }
0x1dc: {  	s0 =	sld [smem:$0x7F8]  }
0x1dd: {  	s3 =	sld [smem:$0x7F5];
	_ =	sdelay $0x2  }
0x1de: {  	s0 =	sadd.s32 s0, s3  }
0x1df: {  	s1 =	sld [smem:$0x7FC];
	s0 =	sshrl.u32 s0, $0x3  }
0x1e0: {  	s0 =	smul.u32 $0xC00, s0;
	_ =	sdelay $0x1  }
0x1e1: {  	s0 =	sadd.s32 s1, s0  }
0x1e2: {  	s29 =	rddreg [dreg:$0x1];
	s0 =	sshrl.u32 s0, $0x3  }
0x1e3: {  	s30 =	simm.s32 $0x0;
	s2 =	simm.s32 $0xD800;
	s0 =	sadd.s32 s29, s0  }
0x1e4: {  	[hbm4b:s0+s30] =	stream.linear.scatter [tilespmem:s2], [sflag:$0x1], $0x6000, $0x38;
	[tilespmem:$0x19800] =	vst v63  }
0x1e5: {  	s0 =	simm.s32 @!p0 $0x2  }
0x1e6: {  	_ =	swait.ge @!p0 [sflag:s0], $0x6000  }
0x1e7: {  	s25 =	simm.s32 $0x147F0;
	s31 =	sor.u32 $0x40, s3;
	[sflag:s0] =	ssyncset.done @!p0 $0x0  }
0x1e8: {  	v0 =	vmov s31;
	[smem:$0x7DA] =	sst s31;
	[sflag:s0] =	ssyncadd.s32 @!p0 $0xFFFFA000;
	s0 =	simm.s32 $0x0  }
.LBB2_7:
0x1e9: {  	_ =	sdelay $0x2  }
0x1ea: {  	s22 =	sshll.u32 s0, $0x4  }
0x1eb: {  	v3 =	vld.idx.msk [tilespmem:v0+s22+$0xC000 ss:$0x1], $0xffff;
	_ =	sdelay $0x1  }
0x1ec: {  	v2 =	vld.idx.msk [tilespmem:v0+s22+$0xC800 ss:$0x1], $0xffff;
	_ =	sdelay $0x1  }
0x1ed: {  	v1 =	vld.idx.msk [tilespmem:v0+s22+$0xD000 ss:$0x1], $0xffff  }
0x1ee: {  	(v2sf) =	vpush v3, $0x0;
	_ =	sdelay $0x1  }
0x1ef: {  	(v2sf) =	vpush v2, $0x0;
	_ =	sdelay $0x1  }
0x1f0: {  	(v2sf) =	vpush v1, $0x0  }
0x1f1: {  	(v2sf) =	vpush v3, $0x1;
	_ =	sdelay $0x1  }
0x1f2: {  	(v2sf) =	vpush v2, $0x1;
	_ =	sdelay $0x2  }
0x1f3: {  	(v2sf) =	vpush v1, $0x1  }
0x1f4: {  	(v2sf) =	vpush v3, $0x2;
	_ =	sdelay $0x1  }
0x1f5: {  	(v2sf) =	vpush v2, $0x2;
	_ =	sdelay $0x1  }
0x1f6: {  	[smem:$0x7A8] =	sst s0;
	s23 =	spop (v2sf)  }
0x1f7: {  	[smem:$0x7D9] =	sst s25;
	s1 =	sshll.u32 s23, $0x8  }
0x1f8: {  	s0 =	sshll.u32 s23, $0x7;
	s2 =	spop (v2sf);
	s1 =	sand.u32 $0xFFFFF800, s1  }
0x1f9: {  	s0 =	sand.u32 $0x380, s0;
	s24 =	sshll.u32 s2, $0x8;
	s2 =	sshll.u32 s2, $0x7  }
0x1fa: {  	s3 =	spop (v2sf);
	s0 =	sor.u32 s0, s1;
	s1 =	sand.u32 $0xFFFFF800, s24  }
0x1fb: {  	(v2sf) =	vpush v1, $0x2;
	s2 =	sand.u32 $0x380, s2;
	s26 =	spop (v2sf);
	s28 =	sshll.u32 s3, $0x8  }
0x1fc: {  	(v2sf) =	vpush v3, $0x3;
	s29 =	sshll.u32 s3, $0x7;
	[smem:$0x7A9] =	sst s0;
	s1 =	sor.u32 s2, s1  }
0x1fd: {  	(v2sf) =	vpush v2, $0x3;
	s30 =	spop (v2sf);
	s2 =	sand.u32 $0x380, s29;
	s31 =	sshll.u32 s26, $0x8  }
0x1fe: {  	s0 =	sshll.u32 s26, $0x7;
	[smem:$0x7AA] =	sst s1;
	s1 =	sand.u32 $0xFFFFF800, s28  }
0x1ff: {  	s0 =	sand.u32 $0x380, s0;
	s4 =	sshll.u32 s30, $0x8;
	s5 =	sshll.u32 s30, $0x7  }
0x200: {  	(v2sf) =	vpush v1, $0x3;
	s6 =	spop (v2sf);
	s1 =	sor.u32 s2, s1;
	s2 =	sand.u32 $0xFFFFF800, s31  }
0x201: {  	s7 =	spop (v2sf);
	s8 =	sshll.u32 s6, $0x8;
	s9 =	sshll.u32 s6, $0x7  }
0x202: {  	(v2sf) =	vpush v3, $0x4;
	[smem:$0x7AB] =	sst s1;
	s0 =	sor.u32 s0, s2;
	s1 =	sand.u32 $0xFFFFF800, s4  }
0x203: {  	(v2sf) =	vpush v2, $0x4;
	s2 =	sand.u32 $0x380, s5;
	s10 =	spop (v2sf);
	s11 =	sshll.u32 s7, $0x8  }
0x204: {  	[smem:$0x7AC] =	sst s0;
	s1 =	sor.u32 s2, s1;
	s2 =	sand.u32 $0x380, s9  }
0x205: {  	s0 =	sshll.u32 s7, $0x7;
	s12 =	sand.u32 $0xFFFFF800, s11;
	s13 =	sshll.u32 s10, $0x8  }
0x206: {  	[smem:$0x7AD] =	sst s1;
	s1 =	sand.u32 $0xFFFFF800, s8;
	s0 =	sand.u32 $0x380, s0  }
0x207: {  	(v2sf) =	vpush v1, $0x4;
	s14 =	sshll.u32 s10, $0x7;
	s1 =	sor.u32 s2, s1;
	s0 =	sor.u32 s0, s12  }
0x208: {  	s2 =	sand.u32 $0x380, s14;
	[smem:$0x7AE] =	sst s1;
	s1 =	sand.u32 $0xFFFFF800, s13  }
0x209: {  	[smem:$0x7AF] =	sst s0;
	s1 =	sor.u32 s2, s1  }
0x20a: {  	[smem:$0x7B0] =	sst s1;
	s15 =	spop (v2sf)  }
0x20b: {  	s16 =	spop (v2sf);
	s17 =	sshll.u32 s15, $0x8;
	s18 =	sshll.u32 s15, $0x7  }
0x20c: {  	(v2sf) =	vpush v3, $0x5;
	s19 =	spop (v2sf);
	s1 =	sand.u32 $0xFFFFF800, s17;
	s2 =	sand.u32 $0x380, s18  }
0x20d: {  	(v2sf) =	vpush v2, $0x5;
	s20 =	sshll.u32 s16, $0x8;
	s0 =	sshll.u32 s16, $0x7;
	s1 =	sor.u32 s2, s1  }
0x20e: {  	s21 =	sand.u32 $0xFFFFF800, s20;
	s0 =	sand.u32 $0x380, s0;
	s22 =	sshll.u32 s19, $0x8  }
0x20f: {  	(v2sf) =	vpush v1, $0x5;
	s23 =	sshll.u32 s19, $0x7;
	s24 =	spop (v2sf);
	[smem:$0x7B1] =	sst s1  }
0x210: {  	(v2sf) =	vpush v3, $0x6;
	s0 =	sor.u32 s0, s21;
	s1 =	sand.u32 $0xFFFFF800, s22;
	s2 =	sand.u32 $0x380, s23  }
0x211: {  	s26 =	spop (v2sf);
	s28 =	sshll.u32 s24, $0x8;
	s29 =	sshll.u32 s24, $0x7  }
0x212: {  	(v2sf) =	vpush v2, $0x6;
	[smem:$0x7B2] =	sst s0;
	s1 =	sor.u32 s2, s1;
	s30 =	spop (v2sf)  }
0x213: {  	s2 =	sand.u32 $0x380, s29;
	s31 =	sshll.u32 s26, $0x8;
	s0 =	sshll.u32 s26, $0x7  }
0x214: {  	[smem:$0x7B3] =	sst s1;
	s1 =	sand.u32 $0xFFFFF800, s28;
	s0 =	sand.u32 $0x380, s0  }
0x215: {  	(v2sf) =	vpush v1, $0x6;
	s4 =	sshll.u32 s30, $0x8;
	s5 =	sshll.u32 s30, $0x7;
	s1 =	sor.u32 s2, s1  }
0x216: {  	s6 =	spop (v2sf);
	s2 =	sand.u32 $0xFFFFF800, s31;
	[smem:$0x7B4] =	sst s1  }
0x217: {  	(v2sf) =	vpush v3, $0x7;
	s0 =	sor.u32 s0, s2;
	s1 =	sand.u32 $0xFFFFF800, s4;
	s2 =	sand.u32 $0x380, s5  }
0x218: {  	s8 =	sshll.u32 s6, $0x8;
	s9 =	sshll.u32 s6, $0x7;
	s1 =	sor.u32 s2, s1  }
0x219: {  	s2 =	sand.u32 $0x380, s9;
	[smem:$0x7B6] =	sst s1;
	s1 =	sand.u32 $0xFFFFF800, s8  }
0x21a: {  	[smem:$0x7B5] =	sst s0;
	s1 =	sor.u32 s2, s1  }
0x21b: {  	[smem:$0x7B7] =	sst s1;
	s7 =	spop (v2sf)  }
0x21c: {  	s10 =	spop (v2sf);
	s11 =	sshll.u32 s7, $0x8;
	s0 =	sshll.u32 s7, $0x7  }
0x21d: {  	(v2sf) =	vpush v2, $0x7;
	s12 =	sand.u32 $0xFFFFF800, s11;
	s0 =	sand.u32 $0x380, s0;
	s13 =	sshll.u32 s10, $0x8  }
0x21e: {  	(v2sf) =	vpush v1, $0x7;
	s14 =	sshll.u32 s10, $0x7;
	s15 =	spop (v2sf);
	s0 =	sor.u32 s0, s12  }
0x21f: {  	(v2sf) =	vpush v3, $0x8;
	s1 =	sand.u32 $0xFFFFF800, s13;
	s2 =	sand.u32 $0x380, s14;
	s16 =	spop (v2sf)  }
0x220: {  	s17 =	sshll.u32 s15, $0x8;
	s18 =	sshll.u32 s15, $0x7;
	[smem:$0x7B8] =	sst s0  }
0x221: {  	(v2sf) =	vpush v2, $0x8;
	s1 =	sor.u32 s2, s1;
	s19 =	spop (v2sf);
	s2 =	sand.u32 $0x380, s18  }
0x222: {  	s20 =	sshll.u32 s16, $0x8;
	s0 =	sshll.u32 s16, $0x7;
	[smem:$0x7B9] =	sst s1  }
0x223: {  	s1 =	sand.u32 $0xFFFFF800, s17;
	s21 =	sand.u32 $0xFFFFF800, s20;
	s0 =	sand.u32 $0x380, s0  }
0x224: {  	(v2sf) =	vpush v1, $0x8;
	s22 =	sshll.u32 s19, $0x8;
	s23 =	sshll.u32 s19, $0x7;
	s24 =	spop (v2sf)  }
0x225: {  	(v2sf) =	vpush v3, $0x9;
	s1 =	sor.u32 s2, s1;
	s0 =	sor.u32 s0, s21;
	s2 =	sand.u32 $0x380, s23  }
0x226: {  	s26 =	spop (v2sf);
	s28 =	sshll.u32 s24, $0x8;
	[smem:$0x7BA] =	sst s1  }
0x227: {  	(v2sf) =	vpush v2, $0x9;
	s29 =	sshll.u32 s24, $0x7;
	s1 =	sand.u32 $0xFFFFF800, s22;
	[smem:$0x7BB] =	sst s0  }
0x228: {  	s31 =	sshll.u32 s26, $0x8;
	s0 =	sshll.u32 s26, $0x7;
	s1 =	sor.u32 s2, s1  }
0x229: {  	s2 =	sand.u32 $0x380, s29;
	[smem:$0x7BC] =	sst s1;
	s1 =	sand.u32 $0xFFFFF800, s28  }
0x22a: {  	s0 =	sand.u32 $0x380, s0;
	s1 =	sor.u32 s2, s1;
	s2 =	sand.u32 $0xFFFFF800, s31  }
0x22b: {  	[smem:$0x7BD] =	sst s1;
	s0 =	sor.u32 s0, s2  }
0x22c: {  	[smem:$0x7BE] =	sst s0;
	s30 =	spop (v2sf)  }
0x22d: {  	s4 =	sshll.u32 s30, $0x8;
	s5 =	sshll.u32 s30, $0x7;
	s6 =	spop (v2sf)  }
0x22e: {  	(v2sf) =	vpush v1, $0x9;
	s1 =	sand.u32 $0xFFFFF800, s4;
	s2 =	sand.u32 $0x380, s5;
	s7 =	spop (v2sf)  }
0x22f: {  	(v2sf) =	vpush v3, $0xA;
	s8 =	sshll.u32 s6, $0x8;
	s9 =	sshll.u32 s6, $0x7;
	s1 =	sor.u32 s2, s1  }
0x230: {  	(v2sf) =	vpush v2, $0xA;
	s10 =	spop (v2sf);
	s2 =	sand.u32 $0x380, s9;
	s11 =	sshll.u32 s7, $0x8  }
0x231: {  	s0 =	sshll.u32 s7, $0x7;
	[smem:$0x7BF] =	sst s1;
	s1 =	sand.u32 $0xFFFFF800, s8  }
0x232: {  	s12 =	sand.u32 $0xFFFFF800, s11;
	s0 =	sand.u32 $0x380, s0;
	s13 =	sshll.u32 s10, $0x8  }
0x233: {  	(v2sf) =	vpush v1, $0xA;
	s14 =	sshll.u32 s10, $0x7;
	s15 =	spop (v2sf);
	s1 =	sor.u32 s2, s1  }
0x234: {  	s0 =	sor.u32 s0, s12;
	s2 =	sand.u32 $0x380, s14;
	s16 =	spop (v2sf)  }
0x235: {  	(v2sf) =	vpush v3, $0xB;
	s17 =	sshll.u32 s15, $0x8;
	s18 =	sshll.u32 s15, $0x7;
	[smem:$0x7C0] =	sst s1  }
0x236: {  	(v2sf) =	vpush v2, $0xB;
	s1 =	sand.u32 $0xFFFFF800, s13;
	[smem:$0x7C1] =	sst s0;
	s19 =	spop (v2sf)  }
0x237: {  	s20 =	sshll.u32 s16, $0x8;
	s0 =	sshll.u32 s16, $0x7;
	s1 =	sor.u32 s2, s1  }
0x238: {  	s2 =	sand.u32 $0x380, s18;
	s21 =	sand.u32 $0xFFFFF800, s20;
	s0 =	sand.u32 $0x380, s0  }
0x239: {  	s22 =	sshll.u32 s19, $0x8;
	[smem:$0x7C2] =	sst s1;
	s1 =	sand.u32 $0xFFFFF800, s17  }
0x23a: {  	(v2sf) =	vpush v1, $0xB;
	s23 =	sshll.u32 s19, $0x7;
	s0 =	sor.u32 s0, s21;
	s1 =	sor.u32 s2, s1  }
0x23b: {  	s2 =	sand.u32 $0x380, s23;
	[smem:$0x7C3] =	sst s1;
	s1 =	sand.u32 $0xFFFFF800, s22  }
0x23c: {  	[smem:$0x7C4] =	sst s0;
	s1 =	sor.u32 s2, s1  }
0x23d: {  	[smem:$0x7C5] =	sst s1;
	s24 =	spop (v2sf)  }
0x23e: {  	s26 =	spop (v2sf);
	s28 =	sshll.u32 s24, $0x8;
	s29 =	sshll.u32 s24, $0x7  }
0x23f: {  	(v2sf) =	vpush v3, $0xC;
	s30 =	spop (v2sf);
	s1 =	sand.u32 $0xFFFFF800, s28;
	s2 =	sand.u32 $0x380, s29  }
0x240: {  	(v2sf) =	vpush v2, $0xC;
	s31 =	sshll.u32 s26, $0x8;
	s0 =	sshll.u32 s26, $0x7;
	s1 =	sor.u32 s2, s1  }
0x241: {  	s2 =	sand.u32 $0xFFFFF800, s31;
	s0 =	sand.u32 $0x380, s0;
	s4 =	sshll.u32 s30, $0x8  }
0x242: {  	(v2sf) =	vpush v1, $0xC;
	s5 =	sshll.u32 s30, $0x7;
	s6 =	spop (v2sf);
	[smem:$0x7C6] =	sst s1  }
0x243: {  	(v2sf) =	vpush v3, $0xD;
	s0 =	sor.u32 s0, s2;
	s1 =	sand.u32 $0xFFFFF800, s4;
	s2 =	sand.u32 $0x380, s5  }
0x244: {  	s7 =	spop (v2sf);
	s8 =	sshll.u32 s6, $0x8;
	s9 =	sshll.u32 s6, $0x7  }
0x245: {  	(v2sf) =	vpush v2, $0xD;
	[smem:$0x7C7] =	sst s0;
	s1 =	sor.u32 s2, s1;
	s10 =	spop (v2sf)  }
0x246: {  	s2 =	sand.u32 $0x380, s9;
	s11 =	sshll.u32 s7, $0x8;
	s0 =	sshll.u32 s7, $0x7  }
0x247: {  	[smem:$0x7C8] =	sst s1;
	s1 =	sand.u32 $0xFFFFF800, s8;
	s12 =	sand.u32 $0xFFFFF800, s11  }
0x248: {  	(v2sf) =	vpush v1, $0xD;
	s0 =	sand.u32 $0x380, s0;
	s13 =	sshll.u32 s10, $0x8;
	s14 =	sshll.u32 s10, $0x7  }
0x249: {  	s15 =	spop (v2sf);
	s1 =	sor.u32 s2, s1;
	s0 =	sor.u32 s0, s12  }
0x24a: {  	(v2sf) =	vpush v3, $0xE;
	s2 =	sand.u32 $0x380, s14;
	[smem:$0x7C9] =	sst s1;
	s1 =	sand.u32 $0xFFFFF800, s13  }
0x24b: {  	s17 =	sshll.u32 s15, $0x8;
	s18 =	sshll.u32 s15, $0x7;
	s1 =	sor.u32 s2, s1  }
0x24c: {  	s2 =	sand.u32 $0x380, s18;
	[smem:$0x7CB] =	sst s1;
	s1 =	sand.u32 $0xFFFFF800, s17  }
0x24d: {  	[smem:$0x7CA] =	sst s0;
	s1 =	sor.u32 s2, s1  }
0x24e: {  	[smem:$0x7CC] =	sst s1;
	s16 =	spop (v2sf)  }
0x24f: {  	(v2sf) =	vpush v2, $0xE;
	s19 =	spop (v2sf);
	s20 =	sshll.u32 s16, $0x8;
	s0 =	sshll.u32 s16, $0x7  }
0x250: {  	s21 =	sand.u32 $0xFFFFF800, s20;
	s0 =	sand.u32 $0x380, s0;
	s22 =	sshll.u32 s19, $0x8  }
0x251: {  	(v2sf) =	vpush v1, $0xE;
	s23 =	sshll.u32 s19, $0x7;
	s24 =	spop (v2sf);
	s0 =	sor.u32 s0, s21  }
0x252: {  	(v2sf) =	vpush v3, $0xF;
	s1 =	sand.u32 $0xFFFFF800, s22;
	s2 =	sand.u32 $0x380, s23;
	s26 =	spop (v2sf)  }
0x253: {  	(v2sf) =	vpush v2, $0xF;
	s28 =	sshll.u32 s24, $0x8;
	s29 =	sshll.u32 s24, $0x7;
	[smem:$0x7CD] =	sst s0  }
0x254: {  	s1 =	sor.u32 s2, s1;
	s30 =	spop (v2sf);
	s2 =	sand.u32 $0x380, s29  }
0x255: {  	s31 =	sshll.u32 s26, $0x8;
	s0 =	sshll.u32 s26, $0x7;
	[smem:$0x7CE] =	sst s1  }
0x256: {  	(v2sf) =	vpush v1, $0xF;
	s1 =	sand.u32 $0xFFFFF800, s28;
	s4 =	sand.u32 $0xFFFFF800, s31;
	s0 =	sand.u32 $0x380, s0  }
0x257: {  	s5 =	sshll.u32 s30, $0x8;
	s6 =	sshll.u32 s30, $0x7;
	s7 =	spop (v2sf)  }
0x258: {  	s1 =	sor.u32 s2, s1;
	s0 =	sor.u32 s0, s4;
	s2 =	sand.u32 $0x380, s6  }
0x259: {  	s8 =	spop (v2sf);
	s9 =	sshll.u32 s7, $0x8;
	[smem:$0x7CF] =	sst s1  }
0x25a: {  	s10 =	sshll.u32 s7, $0x7;
	s1 =	sand.u32 $0xFFFFF800, s5;
	[smem:$0x7D0] =	sst s0  }
0x25b: {  	s12 =	sshll.u32 s8, $0x8;
	s0 =	sshll.u32 s8, $0x7;
	s1 =	sor.u32 s2, s1  }
0x25c: {  	s2 =	sand.u32 $0x380, s10;
	s13 =	sand.u32 $0xFFFFF800, s12;
	s0 =	sand.u32 $0x380, s0  }
0x25d: {  	[smem:$0x7D1] =	sst s1;
	s1 =	sand.u32 $0xFFFFF800, s9;
	s0 =	sor.u32 s0, s13  }
0x25e: {  	s1 =	sor.u32 s2, s1;
	[smem:$0x7D3] =	sst s0;
	s11 =	spop (v2sf)  }
0x25f: {  	[smem:$0x7D2] =	sst s1;
	s14 =	sshll.u32 s11, $0x8  }
0x260: {  	s15 =	sshll.u32 s11, $0x7;
	s16 =	spop (v2sf);
	s1 =	sand.u32 $0xFFFFF800, s14  }
0x261: {  	s2 =	sand.u32 $0x380, s15;
	s17 =	spop (v2sf);
	s18 =	sshll.u32 s16, $0x8  }
0x262: {  	s19 =	sshll.u32 s16, $0x7;
	s1 =	sor.u32 s2, s1;
	s20 =	spop (v2sf)  }
0x263: {  	s2 =	sand.u32 $0x380, s19;
	s21 =	sshll.u32 s17, $0x8;
	s0 =	sshll.u32 s17, $0x7  }
0x264: {  	[smem:$0x7D4] =	sst s1;
	s1 =	sand.u32 $0xFFFFF800, s18;
	s22 =	sand.u32 $0xFFFFF800, s21  }
0x265: {  	s0 =	sand.u32 $0x380, s0;
	s23 =	spop (v2sf);
	s24 =	sshll.u32 s20, $0x8  }
0x266: {  	s28 =	sshll.u32 s20, $0x7;
	s1 =	sor.u32 s2, s1;
	s0 =	sor.u32 s0, s22  }
0x267: {  	s26 =	sand.u32 $0xFFFFF800, s24;
	s29 =	sshll.u32 s23, $0x8;
	[smem:$0x7D5] =	sst s1  }
0x268: {  	s2 =	sshll.u32 s23, $0x7;
	[smem:$0x7D6] =	sst s0;
	s1 =	sand.u32 $0x380, s28  }
0x269: {  	s30 =	sand.u32 $0xFFFFF800, s29;
	s2 =	sand.u32 $0x380, s2;
	s0 =	sor.u32 s1, s26  }
0x26a: {  	s3 =	simm.s32 $0x0;
	s31 =	sor.u32 s2, s30;
	[smem:$0x7D7] =	sst s0  }
0x26b: {  	s2 =	simm.s32 $0x0;
	[smem:$0x7D8] =	sst s31;
	s0 =	simm.s32 $0xFFFFFFFC  }
.LBB2_8:
0x26c: {  	s20 =	sld [smem:$0x7A9]  }
0x26d: {  	s1 =	sld [smem:$0x7AA]  }
0x26e: {  	s30 =	sand.u32 $0x400, s2  }
0x26f: {  	s29 =	sand.u32 $0x40, s3;
	s21 =	sld [smem:$0x7AB];
	s12 =	sadd.s32 s30, s20  }
0x270: {  	s14 =	sadd.s32 s30, s1;
	s22 =	sadd.s32 s29, s12  }
0x271: {  	s1 =	sadd.s32 s29, s14;
	v1 =	vld [tilespmem:s22+$0x0]  }
0x272: {  	s6 =	sadd.s32 s30, s21;
	v2 =	vld [tilespmem:s1+$0x0]  }
0x273: {  	[smem:$0x7A7] =	sst s0;
	s0 =	sadd.s32 s29, s6  }
0x274: {  	v3 =	vld [tilespmem:s0+$0x0];
	_ =	sdelay $0x2  }
0x275: {  	v4 =	vunpack.i.l.bf16.f32 v1;
	v5 =	vunpack.i.l.bf16.f32 v2  }
0x276: {  	v1 =	vunpack.i.u.bf16.f32 v1;
	v2 =	vunpack.i.u.bf16.f32 v2;
	v4 =	vadd.f32 v5, v4  }
0x277: {  	s23 =	sld [smem:$0x7AC];
	v62 =	vunpack.i.l.bf16.f32 v3;
	v1 =	vadd.f32 v2, v1  }
0x278: {  	s24 =	sld [smem:$0x7AD];
	v2 =	vunpack.i.u.bf16.f32 v3;
	v3 =	vadd.f32 v62, v4  }
0x279: {  	v1 =	vadd.f32 v2, v1  }
0x27a: {  	s28 =	sld [smem:$0x7AE];
	s26 =	sadd.s32 s30, s23;
	[tilespmem:s25+$0xFFFFF010] =	vst v3  }
0x27b: {  	s24 =	sadd.s32 s30, s24;
	s31 =	sadd.s32 s29, s26;
	[tilespmem:s25+$0xFFFFF020] =	vst v1  }
0x27c: {  	s1 =	sadd.s32 s29, s24;
	v1 =	vld [tilespmem:s31+$0x0]  }
0x27d: {  	s22 =	sadd.s32 s30, s28;
	v2 =	vld [tilespmem:s1+$0x0]  }
0x27e: {  	s0 =	sadd.s32 s29, s22  }
0x27f: {  	v3 =	vld [tilespmem:s0+$0x0];
	_ =	sdelay $0x2  }
0x280: {  	v63 =	vunpack.i.l.bf16.f32 v1;
	v8 =	vunpack.i.l.bf16.f32 v2  }
0x281: {  	[smem:$0x7A5] =	sst s2;
	v1 =	vunpack.i.u.bf16.f32 v1;
	v2 =	vunpack.i.u.bf16.f32 v2;
	v4 =	vadd.f32 v8, v63  }
0x282: {  	s1 =	sld [smem:$0x7AF];
	v9 =	vunpack.i.l.bf16.f32 v3;
	v1 =	vadd.f32 v2, v1  }
0x283: {  	s2 =	sld [smem:$0x7B0];
	v2 =	vunpack.i.u.bf16.f32 v3;
	v3 =	vadd.f32 v9, v4  }
0x284: {  	[smem:$0x7A6] =	sst s3;
	v1 =	vadd.f32 v2, v1  }
0x285: {  	s3 =	sld [smem:$0x7B1];
	s18 =	sadd.s32 s30, s1;
	[tilespmem:s25+$0xFFFFF090] =	vst v3  }
0x286: {  	s19 =	sadd.s32 s30, s2;
	s4 =	sadd.s32 s29, s18;
	[tilespmem:s25+$0xFFFFF0A0] =	vst v1  }
0x287: {  	s1 =	sadd.s32 s29, s19;
	v1 =	vld [tilespmem:s4+$0x0]  }
0x288: {  	s11 =	sadd.s32 s30, s3;
	v2 =	vld [tilespmem:s1+$0x0]  }
0x289: {  	s0 =	sadd.s32 s29, s11  }
0x28a: {  	v3 =	vld [tilespmem:s0+$0x0];
	_ =	sdelay $0x2  }
0x28b: {  	v10 =	vunpack.i.l.bf16.f32 v1;
	v11 =	vunpack.i.l.bf16.f32 v2  }
0x28c: {  	v1 =	vunpack.i.u.bf16.f32 v1;
	v2 =	vunpack.i.u.bf16.f32 v2;
	v4 =	vadd.f32 v11, v10  }
0x28d: {  	s5 =	sld [smem:$0x7B2];
	v12 =	vunpack.i.l.bf16.f32 v3;
	v1 =	vadd.f32 v2, v1  }
0x28e: {  	s7 =	sld [smem:$0x7B3];
	v2 =	vunpack.i.u.bf16.f32 v3;
	v3 =	vadd.f32 v12, v4  }
0x28f: {  	v1 =	vadd.f32 v2, v1  }
0x290: {  	s8 =	sld [smem:$0x7B4];
	s23 =	sadd.s32 s30, s5;
	[tilespmem:s25+$0xFFFFF110] =	vst v3  }
0x291: {  	s20 =	sadd.s32 s30, s7;
	s9 =	sadd.s32 s29, s23;
	[tilespmem:s25+$0xFFFFF120] =	vst v1  }
0x292: {  	s1 =	sadd.s32 s29, s20;
	v1 =	vld [tilespmem:s9+$0x0]  }
0x293: {  	s21 =	sadd.s32 s30, s8;
	v2 =	vld [tilespmem:s1+$0x0]  }
0x294: {  	s0 =	sadd.s32 s29, s21  }
0x295: {  	v3 =	vld [tilespmem:s0+$0x0];
	_ =	sdelay $0x2  }
0x296: {  	v13 =	vunpack.i.l.bf16.f32 v1;
	v14 =	vunpack.i.l.bf16.f32 v2  }
0x297: {  	v1 =	vunpack.i.u.bf16.f32 v1;
	v2 =	vunpack.i.u.bf16.f32 v2;
	v4 =	vadd.f32 v14, v13  }
0x298: {  	s10 =	sld [smem:$0x7B5];
	v15 =	vunpack.i.l.bf16.f32 v3;
	v1 =	vadd.f32 v2, v1  }
0x299: {  	s13 =	sld [smem:$0x7B6];
	v2 =	vunpack.i.u.bf16.f32 v3;
	v3 =	vadd.f32 v15, v4  }
0x29a: {  	v1 =	vadd.f32 v2, v1  }
0x29b: {  	s15 =	sld [smem:$0x7B7];
	s3 =	sadd.s32 s30, s10;
	[tilespmem:s25+$0xFFFFF190] =	vst v3  }
0x29c: {  	s16 =	sadd.s32 s29, s3;
	s9 =	sadd.s32 s30, s13;
	[tilespmem:s25+$0xFFFFF1A0] =	vst v1  }
0x29d: {  	s1 =	sadd.s32 s29, s9;
	v1 =	vld [tilespmem:s16+$0x0]  }
0x29e: {  	s5 =	sadd.s32 s30, s15;
	v2 =	vld [tilespmem:s1+$0x0]  }
0x29f: {  	s0 =	sadd.s32 s29, s5  }
0x2a0: {  	v3 =	vld [tilespmem:s0+$0x0];
	_ =	sdelay $0x2  }
0x2a1: {  	v16 =	vunpack.i.l.bf16.f32 v1;
	v17 =	vunpack.i.l.bf16.f32 v2  }
0x2a2: {  	v1 =	vunpack.i.u.bf16.f32 v1;
	v2 =	vunpack.i.u.bf16.f32 v2;
	v4 =	vadd.f32 v17, v16  }
0x2a3: {  	s17 =	sld [smem:$0x7B8];
	v18 =	vunpack.i.l.bf16.f32 v3;
	v1 =	vadd.f32 v2, v1  }
0x2a4: {  	s28 =	sld [smem:$0x7B9];
	v2 =	vunpack.i.u.bf16.f32 v3;
	v3 =	vadd.f32 v18, v4  }
0x2a5: {  	v1 =	vadd.f32 v2, v1  }
0x2a6: {  	s7 =	sadd.s32 s30, s17;
	s31 =	sld [smem:$0x7BA];
	[tilespmem:s25+$0xFFFFF210] =	vst v3  }
0x2a7: {  	s4 =	sadd.s32 s29, s7;
	s16 =	sadd.s32 s30, s28;
	[tilespmem:s25+$0xFFFFF220] =	vst v1  }
0x2a8: {  	s1 =	sadd.s32 s29, s16;
	v1 =	vld [tilespmem:s4+$0x0]  }
0x2a9: {  	s15 =	sadd.s32 s30, s31;
	v2 =	vld [tilespmem:s1+$0x0]  }
0x2aa: {  	s0 =	sadd.s32 s29, s15  }
0x2ab: {  	v3 =	vld [tilespmem:s0+$0x0];
	_ =	sdelay $0x2  }
0x2ac: {  	v19 =	vunpack.i.l.bf16.f32 v1;
	v20 =	vunpack.i.l.bf16.f32 v2  }
0x2ad: {  	v1 =	vunpack.i.u.bf16.f32 v1;
	v2 =	vunpack.i.u.bf16.f32 v2;
	v4 =	vadd.f32 v20, v19  }
0x2ae: {  	s2 =	sld [smem:$0x7BB];
	v21 =	vunpack.i.l.bf16.f32 v3;
	v1 =	vadd.f32 v2, v1  }
0x2af: {  	s4 =	sld [smem:$0x7BC];
	v2 =	vunpack.i.u.bf16.f32 v3;
	v3 =	vadd.f32 v21, v4  }
0x2b0: {  	v1 =	vadd.f32 v2, v1  }
0x2b1: {  	s8 =	sld [smem:$0x7BD];
	s17 =	sadd.s32 s30, s2;
	[tilespmem:s25+$0xFFFFF290] =	vst v3  }
0x2b2: {  	s13 =	sadd.s32 s29, s17;
	s10 =	sadd.s32 s30, s4;
	[tilespmem:s25+$0xFFFFF2A0] =	vst v1  }
0x2b3: {  	s1 =	sadd.s32 s29, s10;
	v1 =	vld [tilespmem:s13+$0x0]  }
0x2b4: {  	s8 =	sadd.s32 s30, s8;
	v2 =	vld [tilespmem:s1+$0x0]  }
0x2b5: {  	s0 =	sadd.s32 s29, s8  }
0x2b6: {  	v3 =	vld [tilespmem:s0+$0x0];
	_ =	sdelay $0x2  }
0x2b7: {  	v22 =	vunpack.i.l.bf16.f32 v1;
	v23 =	vunpack.i.l.bf16.f32 v2  }
0x2b8: {  	s2 =	sld [smem:$0x7C0];
	v1 =	vunpack.i.u.bf16.f32 v1;
	v2 =	vunpack.i.u.bf16.f32 v2;
	v4 =	vadd.f32 v23, v22  }
0x2b9: {  	s28 =	sld [smem:$0x7BE];
	v24 =	vunpack.i.l.bf16.f32 v3;
	v1 =	vadd.f32 v2, v1  }
0x2ba: {  	s31 =	sld [smem:$0x7BF];
	v2 =	vunpack.i.u.bf16.f32 v3;
	v3 =	vadd.f32 v24, v4  }
0x2bb: {  	s1 =	sor.u32 $0x10, s29;
	v1 =	vadd.f32 v2, v1  }
0x2bc: {  	s4 =	sadd.s32 s30, s28;
	s0 =	sadd.s32 s30, s2;
	s2 =	sadd.s32 s1, s12;
	[tilespmem:s25+$0xFFFFF310] =	vst v3  }
0x2bd: {  	s28 =	sadd.s32 s29, s4;
	s13 =	sadd.s32 s30, s31;
	v25 =	vld [tilespmem:s2+$0x0];
	[tilespmem:s25+$0xFFFFF320] =	vst v1  }
0x2be: {  	s31 =	sadd.s32 s29, s13;
	v1 =	vld [tilespmem:s28+$0x0]  }
0x2bf: {  	[smem:$0x7A4] =	sst s0;
	s0 =	sadd.s32 s29, s0;
	v2 =	vld [tilespmem:s31+$0x0]  }
0x2c0: {  	v3 =	vld [tilespmem:s0+$0x0]  }
0x2c1: {  	s28 =	sadd.s32 s1, s14  }
0x2c2: {  	v26 =	vld [tilespmem:s28+$0x0]  }
0x2c3: {  	s31 =	sadd.s32 s1, s6  }
0x2c4: {  	s2 =	sor.u32 $0x20, s29;
	v4 =	vunpack.i.u.bf16.f32 v25;
	v8 =	vld [tilespmem:s31+$0x0];
	v6 =	vunpack.i.l.bf16.f32 v1  }
0x2c5: {  	s0 =	sadd.s32 s2, s14;
	v7 =	vunpack.i.l.bf16.f32 v2;
	v1 =	vunpack.i.u.bf16.f32 v1;
	v27 =	vunpack.i.l.bf16.f32 v3  }
0x2c6: {  	s31 =	sadd.s32 s2, s12;
	v28 =	vld [tilespmem:s0+$0x0];
	v2 =	vunpack.i.u.bf16.f32 v2;
	v3 =	vunpack.i.u.bf16.f32 v3;
	v6 =	vadd.f32 v7, v6  }
0x2c7: {  	v9 =	vld [tilespmem:s31+$0x0];
	v1 =	vadd.f32 v2, v1;
	v2 =	vunpack.i.l.bf16.f32 v25;
	v10 =	vunpack.i.l.bf16.f32 v26  }
0x2c8: {  	s28 =	sld [smem:$0x7C1];
	s0 =	sadd.s32 s2, s6;
	s31 =	sor.u32 $0x30, s29;
	v5 =	vunpack.i.u.bf16.f32 v26;
	v2 =	vadd.f32 v10, v2;
	v6 =	vadd.f32 v27, v6  }
0x2c9: {  	v29 =	vld [tilespmem:s0+$0x0];
	s12 =	sadd.s32 s31, s12;
	v4 =	vadd.f32 v5, v4;
	v1 =	vadd.f32 v3, v1;
	v3 =	vunpack.i.l.bf16.f32 v8  }
0x2ca: {  	s14 =	sadd.s32 s31, s14;
	v30 =	vld [tilespmem:s12+$0x0];
	v31 =	vunpack.i.u.bf16.f32 v8;
	v2 =	vadd.f32 v3, v2;
	[tilespmem:s25+$0xFFFFF390] =	vst v6  }
0x2cb: {  	s6 =	sadd.s32 s31, s6;
	s12 =	sadd.s32 s30, s28;
	v3 =	vld [tilespmem:s14+$0x0];
	s14 =	sld [smem:$0x7C2];
	[tilespmem:s25+$0xFFFFF3A0] =	vst v1;
	v1 =	vadd.f32 v31, v4  }
0x2cc: {  	v34 =	vld [tilespmem:s6+$0x0];
	s28 =	sadd.s32 s29, s12;
	v33 =	vunpack.i.l.bf16.f32 v28;
	[tilespmem:s25+$0xFFFFF030] =	vst v2;
	v2 =	vunpack.i.l.bf16.f32 v9  }
0x2cd: {  	s0 =	sld [smem:$0x7C3];
	v7 =	vunpack.i.u.bf16.f32 v28;
	v32 =	vld [tilespmem:s28+$0x0];
	s28 =	sadd.s32 s1, s26;
	[tilespmem:s25+$0xFFFFF040] =	vst v1;
	v1 =	vunpack.i.u.bf16.f32 v9;
	v2 =	vadd.f32 v33, v2  }
0x2ce: {  	v36 =	vunpack.i.l.bf16.f32 v29;
	s6 =	sadd.s32 s30, s14;
	v35 =	vld [tilespmem:s28+$0x0];
	v1 =	vadd.f32 v7, v1;
	s28 =	sadd.s32 s1, s24  }
0x2cf: {  	v10 =	vunpack.i.u.bf16.f32 v29;
	v37 =	vld [tilespmem:s28+$0x0];
	v2 =	vadd.f32 v36, v2;
	s28 =	sadd.s32 s29, s6  }
0x2d0: {  	v39 =	vunpack.i.l.bf16.f32 v30;
	s14 =	sadd.s32 s30, s0;
	v11 =	vunpack.i.l.bf16.f32 v3;
	v38 =	vld [tilespmem:s28+$0x0];
	v1 =	vadd.f32 v10, v1;
	s28 =	sadd.s32 s1, s22  }
0x2d1: {  	v3 =	vunpack.i.u.bf16.f32 v3;
	v40 =	vadd.f32 v11, v39;
	v12 =	vld [tilespmem:s28+$0x0];
	[tilespmem:s25+$0xFFFFF050] =	vst v2;
	v2 =	vunpack.i.u.bf16.f32 v30;
	s28 =	sadd.s32 s29, s14  }
0x2d2: {  	v41 =	vld [tilespmem:s28+$0x0];
	[tilespmem:s25+$0xFFFFF060] =	vst v1;
	v1 =	vunpack.i.l.bf16.f32 v34;
	v2 =	vadd.f32 v3, v2;
	s28 =	sadd.s32 s2, s26  }
0x2d3: {  	v8 =	vunpack.i.u.bf16.f32 v34;
	v3 =	vld [tilespmem:s28+$0x0];
	v1 =	vadd.f32 v1, v40;
	s28 =	sadd.s32 s2, s24  }
0x2d4: {  	v43 =	vunpack.i.l.bf16.f32 v35;
	v42 =	vld [tilespmem:s28+$0x0];
	v13 =	vunpack.i.l.bf16.f32 v37;
	v2 =	vadd.f32 v8, v2  }
0x2d5: {  	v6 =	vunpack.i.u.bf16.f32 v35;
	v7 =	vunpack.i.u.bf16.f32 v37;
	s28 =	sadd.s32 s2, s22;
	v44 =	vadd.f32 v13, v43;
	[tilespmem:s25+$0xFFFFF070] =	vst v1  }
0x2d6: {  	v45 =	vunpack.i.u.bf16.f32 v32;
	s26 =	sadd.s32 s31, s26;
	v1 =	vld [tilespmem:s28+$0x0];
	v6 =	vadd.f32 v7, v6;
	v46 =	vunpack.i.l.bf16.f32 v12;
	[tilespmem:s25+$0xFFFFF080] =	vst v2  }
0x2d7: {  	v4 =	vunpack.i.l.bf16.f32 v32;
	s28 =	sadd.s32 s31, s24;
	v47 =	vunpack.i.u.bf16.f32 v12;
	v2 =	vld [tilespmem:s26+$0x0];
	v8 =	vadd.f32 v46, v44  }
0x2d8: {  	v49 =	vunpack.i.u.bf16.f32 v38;
	v9 =	vunpack.i.l.bf16.f32 v38;
	v48 =	vld [tilespmem:s28+$0x0];
	v6 =	vadd.f32 v47, v6  }
0x2d9: {  	s22 =	sadd.s32 s31, s22;
	v4 =	vadd.f32 v9, v4;
	v51 =	vunpack.i.l.bf16.f32 v3;
	[tilespmem:s25+$0xFFFFF0B0] =	vst v8;
	v14 =	vunpack.i.l.bf16.f32 v42  }
0x2da: {  	s24 =	sadd.s32 s1, s18;
	v15 =	vld [tilespmem:s22+$0x0];
	v3 =	vunpack.i.u.bf16.f32 v3;
	[tilespmem:s25+$0xFFFFF0C0] =	vst v6;
	v5 =	vunpack.i.u.bf16.f32 v42;
	v52 =	vadd.f32 v14, v51  }
0x2db: {  	v60 =	vadd.f32 v49, v45;
	s26 =	sadd.s32 s1, s19;
	v53 =	vld [tilespmem:s24+$0x0];
	v54 =	vunpack.i.l.bf16.f32 v1;
	v3 =	vadd.f32 v5, v3  }
0x2dc: {  	v50 =	vunpack.i.u.bf16.f32 v41;
	v55 =	vld [tilespmem:s26+$0x0];
	v1 =	vunpack.i.u.bf16.f32 v1;
	v6 =	vadd.f32 v54, v52  }
0x2dd: {  	s28 =	sadd.s32 s1, s11;
	v1 =	vadd.f32 v1, v3;
	v3 =	vunpack.i.l.bf16.f32 v2;
	v56 =	vunpack.i.l.bf16.f32 v48  }
0x2de: {  	v57 =	vld [tilespmem:s28+$0x0];
	v2 =	vunpack.i.u.bf16.f32 v2;
	v58 =	vunpack.i.u.bf16.f32 v48;
	v3 =	vadd.f32 v56, v3;
	[tilespmem:s25+$0xFFFFF0D0] =	vst v6  }
0x2df: {  	v10 =	vunpack.i.l.bf16.f32 v41;
	s22 =	sadd.s32 s2, s18;
	v2 =	vadd.f32 v58, v2;
	[tilespmem:s25+$0xFFFFF0E0] =	vst v1;
	v1 =	vunpack.i.l.bf16.f32 v15  }
0x2e0: {  	v4 =	vadd.f32 v10, v4;
	s24 =	sadd.s32 s2, s19;
	v61 =	vunpack.i.u.bf16.f32 v15;
	v59 =	vld [tilespmem:s22+$0x0];
	v1 =	vadd.f32 v1, v3  }
0x2e1: {  	v3 =	vld [tilespmem:s24+$0x0];
	v62 =	vunpack.i.l.bf16.f32 v53;
	v63 =	vunpack.i.l.bf16.f32 v55;
	v2 =	vadd.f32 v61, v2  }
0x2e2: {  	s26 =	sld [smem:$0x7C4];
	s28 =	sadd.s32 s2, s11;
	v8 =	vunpack.i.u.bf16.f32 v53;
	v5 =	vunpack.i.u.bf16.f32 v55;
	v12 =	vadd.f32 v63, v62;
	[tilespmem:s25+$0xFFFFF0F0] =	vst v1  }
0x2e3: {  	s18 =	sadd.s32 s31, s18;
	v7 =	vadd.f32 v50, v60;
	v13 =	vunpack.i.l.bf16.f32 v57;
	v5 =	vadd.f32 v5, v8;
	v1 =	vld [tilespmem:s28+$0x0];
	[tilespmem:s25+$0xFFFFF100] =	vst v2  }
0x2e4: {  	[tilespmem:s25+$0xFFFFFC10] =	vst v4;
	v15 =	vunpack.i.u.bf16.f32 v57;
	s24 =	sadd.s32 s31, s19;
	v2 =	vld [tilespmem:s18+$0x0];
	v16 =	vadd.f32 v13, v12  }
0x2e5: {  	[tilespmem:s25+$0xFFFFFC20] =	vst v7;
	s11 =	sadd.s32 s31, s11;
	s18 =	sadd.s32 s30, s26;
	v17 =	vld [tilespmem:s24+$0x0];
	v4 =	vadd.f32 v15, v5  }
0x2e6: {  	s22 =	sld [smem:$0x7C6];
	v21 =	vld [tilespmem:s11+$0x0];
	s26 =	sadd.s32 s29, s18;
	[tilespmem:s25+$0xFFFFF130] =	vst v16;
	v19 =	vunpack.i.l.bf16.f32 v59;
	v20 =	vunpack.i.l.bf16.f32 v3  }
0x2e7: {  	s28 =	sld [smem:$0x7C5];
	s24 =	sadd.s32 s1, s23;
	v18 =	vld [tilespmem:s26+$0x0];
	[tilespmem:s25+$0xFFFFF140] =	vst v4;
	v22 =	vunpack.i.u.bf16.f32 v59;
	v3 =	vunpack.i.u.bf16.f32 v3;
	v23 =	vadd.f32 v20, v19  }
0x2e8: {  	s26 =	sadd.s32 s1, s20;
	v24 =	vld [tilespmem:s24+$0x0];
	v3 =	vadd.f32 v3, v22;
	v25 =	vunpack.i.l.bf16.f32 v1  }
0x2e9: {  	v26 =	vld [tilespmem:s26+$0x0];
	v1 =	vunpack.i.u.bf16.f32 v1;
	v6 =	vadd.f32 v25, v23  }
0x2ea: {  	s19 =	sadd.s32 s30, s22;
	s22 =	sadd.s32 s1, s21;
	s11 =	sadd.s32 s30, s28;
	v1 =	vadd.f32 v1, v3;
	v3 =	vunpack.i.l.bf16.f32 v2;
	v28 =	vunpack.i.l.bf16.f32 v17  }
0x2eb: {  	s28 =	sadd.s32 s29, s11;
	v29 =	vld [tilespmem:s22+$0x0];
	v2 =	vunpack.i.u.bf16.f32 v2;
	v30 =	vunpack.i.u.bf16.f32 v17;
	v3 =	vadd.f32 v28, v3;
	[tilespmem:s25+$0xFFFFF150] =	vst v6  }
0x2ec: {  	s26 =	sadd.s32 s2, s23;
	v27 =	vld [tilespmem:s28+$0x0];
	v2 =	vadd.f32 v30, v2;
	[tilespmem:s25+$0xFFFFF160] =	vst v1;
	v1 =	vunpack.i.l.bf16.f32 v21  }
0x2ed: {  	s28 =	sadd.s32 s2, s20;
	v10 =	vunpack.i.u.bf16.f32 v21;
	v32 =	vld [tilespmem:s26+$0x0];
	v1 =	vadd.f32 v1, v3  }
0x2ee: {  	s24 =	sadd.s32 s29, s19;
	v3 =	vld [tilespmem:s28+$0x0];
	v33 =	vunpack.i.l.bf16.f32 v24;
	v34 =	vunpack.i.l.bf16.f32 v26;
	v2 =	vadd.f32 v10, v2  }
0x2ef: {  	s22 =	sadd.s32 s2, s21;
	v31 =	vld [tilespmem:s24+$0x0];
	v8 =	vunpack.i.u.bf16.f32 v24;
	v4 =	vunpack.i.u.bf16.f32 v26;
	v35 =	vadd.f32 v34, v33;
	[tilespmem:s25+$0xFFFFF170] =	vst v1  }
0x2f0: {  	s23 =	sadd.s32 s31, s23;
	v37 =	vunpack.i.l.bf16.f32 v29;
	v4 =	vadd.f32 v4, v8;
	v1 =	vld [tilespmem:s22+$0x0];
	[tilespmem:s25+$0xFFFFF180] =	vst v2  }
0x2f1: {  	s24 =	sadd.s32 s31, s20;
	v38 =	vunpack.i.u.bf16.f32 v29;
	v2 =	vld [tilespmem:s23+$0x0];
	v10 =	vadd.f32 v37, v35  }
0x2f2: {  	v4 =	vadd.f32 v38, v4;
	v40 =	vld [tilespmem:s24+$0x0]  }
0x2f3: {  	s26 =	sadd.s32 s31, s21;
	[tilespmem:s25+$0xFFFFF1B0] =	vst v10;
	v42 =	vunpack.i.l.bf16.f32 v32;
	v43 =	vunpack.i.l.bf16.f32 v3  }
0x2f4: {  	s28 =	sadd.s32 s1, s3;
	v46 =	vld [tilespmem:s26+$0x0];
	[tilespmem:s25+$0xFFFFF1C0] =	vst v4;
	v44 =	vunpack.i.u.bf16.f32 v32;
	v3 =	vunpack.i.u.bf16.f32 v3;
	v45 =	vadd.f32 v43, v42  }
0x2f5: {  	s20 =	sadd.s32 s1, s9;
	v47 =	vld [tilespmem:s28+$0x0];
	v3 =	vadd.f32 v3, v44;
	v48 =	vunpack.i.l.bf16.f32 v1  }
0x2f6: {  	v5 =	vunpack.i.l.bf16.f32 v18;
	v49 =	vld [tilespmem:s20+$0x0];
	v1 =	vunpack.i.u.bf16.f32 v1;
	v4 =	vadd.f32 v48, v45  }
0x2f7: {  	s21 =	sadd.s32 s1, s5;
	v1 =	vadd.f32 v1, v3;
	v3 =	vunpack.i.l.bf16.f32 v2;
	v50 =	vunpack.i.l.bf16.f32 v40  }
0x2f8: {  	v51 =	vld [tilespmem:s21+$0x0];
	v2 =	vunpack.i.u.bf16.f32 v2;
	v8 =	vunpack.i.u.bf16.f32 v40;
	v3 =	vadd.f32 v50, v3;
	[tilespmem:s25+$0xFFFFF1D0] =	vst v4  }
0x2f9: {  	v9 =	vunpack.i.l.bf16.f32 v27;
	s22 =	sadd.s32 s2, s3;
	v2 =	vadd.f32 v8, v2;
	[tilespmem:s25+$0xFFFFF1E0] =	vst v1;
	v1 =	vunpack.i.l.bf16.f32 v46  }
0x2fa: {  	v5 =	vadd.f32 v9, v5;
	s23 =	sadd.s32 s2, s9;
	v54 =	vunpack.i.u.bf16.f32 v46;
	v53 =	vld [tilespmem:s22+$0x0];
	v1 =	vadd.f32 v1, v3  }
0x2fb: {  	v3 =	vunpack.i.l.bf16.f32 v47;
	v55 =	vunpack.i.l.bf16.f32 v49;
	v56 =	vld [tilespmem:s23+$0x0];
	v2 =	vadd.f32 v54, v2  }
0x2fc: {  	s26 =	sadd.s32 s2, s5;
	v57 =	vunpack.i.u.bf16.f32 v47;
	v9 =	vunpack.i.u.bf16.f32 v49;
	v3 =	vadd.f32 v55, v3;
	[tilespmem:s25+$0xFFFFF1F0] =	vst v1  }
0x2fd: {  	s28 =	sadd.s32 s31, s3;
	v58 =	vunpack.i.l.bf16.f32 v51;
	v8 =	vadd.f32 v9, v57;
	v1 =	vld [tilespmem:s26+$0x0];
	[tilespmem:s25+$0xFFFFF200] =	vst v2  }
0x2fe: {  	v36 =	vunpack.i.u.bf16.f32 v18;
	s21 =	sadd.s32 s31, s9;
	v2 =	vunpack.i.u.bf16.f32 v51;
	v3 =	vadd.f32 v58, v3;
	v59 =	vld [tilespmem:s28+$0x0]  }
0x2ff: {  	v39 =	vunpack.i.u.bf16.f32 v27;
	v7 =	vunpack.i.l.bf16.f32 v31;
	v60 =	vld [tilespmem:s21+$0x0];
	v2 =	vadd.f32 v2, v8  }
0x300: {  	s5 =	sadd.s32 s31, s5;
	v5 =	vadd.f32 v7, v5;
	[tilespmem:s25+$0xFFFFF230] =	vst v3;
	v3 =	vunpack.i.l.bf16.f32 v53;
	v61 =	vunpack.i.l.bf16.f32 v56  }
0x301: {  	s24 =	sld [smem:$0x7C7];
	s26 =	sadd.s32 s1, s7;
	[tilespmem:s25+$0xFFFFF240] =	vst v2;
	v2 =	vld [tilespmem:s5+$0x0];
	v7 =	vunpack.i.u.bf16.f32 v53;
	v62 =	vunpack.i.u.bf16.f32 v56;
	v3 =	vadd.f32 v61, v3  }
0x302: {  	v41 =	vunpack.i.u.bf16.f32 v31;
	s28 =	sadd.s32 s1, s16;
	v63 =	vld [tilespmem:s26+$0x0];
	v7 =	vadd.f32 v62, v7;
	v16 =	vunpack.i.l.bf16.f32 v1  }
0x303: {  	v52 =	vadd.f32 v39, v36;
	s23 =	sld [smem:$0x7C8];
	v17 =	vld [tilespmem:s28+$0x0];
	v1 =	vunpack.i.u.bf16.f32 v1;
	v3 =	vadd.f32 v16, v3  }
0x304: {  	s3 =	sadd.s32 s30, s24;
	s24 =	sld [smem:$0x7C9];
	s21 =	sadd.s32 s1, s15;
	v1 =	vadd.f32 v1, v7;
	v19 =	vunpack.i.l.bf16.f32 v59;
	v20 =	vunpack.i.l.bf16.f32 v60  }
0x305: {  	v21 =	vld [tilespmem:s21+$0x0];
	v22 =	vunpack.i.u.bf16.f32 v60;
	v23 =	vadd.f32 v20, v19;
	[tilespmem:s25+$0xFFFFF250] =	vst v3;
	v3 =	vunpack.i.u.bf16.f32 v59  }
0x306: {  	v6 =	vadd.f32 v41, v52;
	s5 =	sadd.s32 s30, s23;
	s23 =	sadd.s32 s2, s7;
	[tilespmem:s25+$0xFFFFF260] =	vst v1;
	v1 =	vunpack.i.l.bf16.f32 v2;
	v3 =	vadd.f32 v22, v3  }
0x307: {  	[tilespmem:s25+$0xFFFFFC90] =	vst v5;
	s9 =	sadd.s32 s30, s24;
	s24 =	sadd.s32 s2, s16;
	v2 =	vunpack.i.u.bf16.f32 v2;
	v25 =	vld [tilespmem:s23+$0x0];
	v1 =	vadd.f32 v1, v23  }
0x308: {  	[tilespmem:s25+$0xFFFFFCA0] =	vst v6;
	s22 =	sadd.s32 s29, s3;
	v26 =	vunpack.i.l.bf16.f32 v63;
	v27 =	vunpack.i.l.bf16.f32 v17;
	v28 =	vld [tilespmem:s24+$0x0];
	v2 =	vadd.f32 v2, v3  }
0x309: {  	v6 =	vld [tilespmem:s22+$0x0];
	s26 =	sadd.s32 s2, s15;
	v29 =	vunpack.i.u.bf16.f32 v17;
	v5 =	vadd.f32 v27, v26;
	v3 =	vunpack.i.u.bf16.f32 v63;
	[tilespmem:s25+$0xFFFFF270] =	vst v1  }
0x30a: {  	s28 =	sadd.s32 s31, s7;
	v31 =	vunpack.i.l.bf16.f32 v21;
	v1 =	vld [tilespmem:s26+$0x0];
	v3 =	vadd.f32 v29, v3;
	[tilespmem:s25+$0xFFFFF280] =	vst v2  }
0x30b: {  	s7 =	sadd.s32 s31, s16;
	v32 =	vunpack.i.u.bf16.f32 v21;
	v5 =	vadd.f32 v31, v5;
	v2 =	vld [tilespmem:s28+$0x0]  }
0x30c: {  	s20 =	sadd.s32 s29, s5;
	v3 =	vadd.f32 v32, v3;
	v34 =	vld [tilespmem:s7+$0x0]  }
0x30d: {  	s15 =	sadd.s32 s31, s15;
	v18 =	vld [tilespmem:s20+$0x0];
	[tilespmem:s25+$0xFFFFF2B0] =	vst v5;
	v36 =	vunpack.i.l.bf16.f32 v25;
	v37 =	vunpack.i.l.bf16.f32 v28  }
0x30e: {  	s16 =	sadd.s32 s1, s17;
	v38 =	vunpack.i.u.bf16.f32 v28;
	v39 =	vld [tilespmem:s15+$0x0];
	v5 =	vadd.f32 v37, v36;
	[tilespmem:s25+$0xFFFFF2C0] =	vst v3;
	v3 =	vunpack.i.u.bf16.f32 v25  }
0x30f: {  	v30 =	vunpack.i.u.bf16.f32 v6;
	s20 =	sadd.s32 s1, s10;
	v41 =	vunpack.i.l.bf16.f32 v1;
	v40 =	vld [tilespmem:s16+$0x0];
	v3 =	vadd.f32 v38, v3  }
0x310: {  	s22 =	sadd.s32 s29, s9;
	v6 =	vunpack.i.l.bf16.f32 v6;
	v1 =	vunpack.i.u.bf16.f32 v1;
	v42 =	vld [tilespmem:s20+$0x0];
	v4 =	vadd.f32 v41, v5  }
0x311: {  	v24 =	vld [tilespmem:s22+$0x0];
	s21 =	sadd.s32 s1, s8;
	v1 =	vadd.f32 v1, v3;
	v3 =	vunpack.i.l.bf16.f32 v2;
	v43 =	vunpack.i.l.bf16.f32 v34  }
0x312: {  	v44 =	vld [tilespmem:s21+$0x0];
	[tilespmem:s25+$0xFFFFF2D0] =	vst v4;
	v2 =	vunpack.i.u.bf16.f32 v2;
	v8 =	vunpack.i.u.bf16.f32 v34;
	v3 =	vadd.f32 v43, v3  }
0x313: {  	s22 =	sadd.s32 s2, s17;
	v10 =	vunpack.i.l.bf16.f32 v18;
	v2 =	vadd.f32 v8, v2;
	[tilespmem:s25+$0xFFFFF2E0] =	vst v1;
	v1 =	vunpack.i.l.bf16.f32 v39  }
0x314: {  	s23 =	sadd.s32 s2, s10;
	v6 =	vadd.f32 v10, v6;
	v48 =	vunpack.i.u.bf16.f32 v39;
	v47 =	vld [tilespmem:s22+$0x0];
	v1 =	vadd.f32 v1, v3  }
0x315: {  	v3 =	vunpack.i.l.bf16.f32 v40;
	v49 =	vunpack.i.l.bf16.f32 v42;
	v50 =	vld [tilespmem:s23+$0x0];
	v2 =	vadd.f32 v48, v2  }
0x316: {  	s26 =	sadd.s32 s2, s8;
	v51 =	vunpack.i.u.bf16.f32 v40;
	v10 =	vunpack.i.u.bf16.f32 v42;
	v3 =	vadd.f32 v49, v3;
	[tilespmem:s25+$0xFFFFF2F0] =	vst v1  }
0x317: {  	v35 =	vunpack.i.u.bf16.f32 v24;
	s28 =	sadd.s32 s31, s17;
	v52 =	vunpack.i.l.bf16.f32 v44;
	v8 =	vadd.f32 v10, v51;
	v1 =	vld [tilespmem:s26+$0x0];
	[tilespmem:s25+$0xFFFFF300] =	vst v2  }
0x318: {  	s24 =	sld [smem:$0x7CA];
	v33 =	vunpack.i.u.bf16.f32 v18;
	s15 =	sadd.s32 s31, s10;
	v2 =	vunpack.i.u.bf16.f32 v44;
	v3 =	vadd.f32 v52, v3;
	v53 =	vld [tilespmem:s28+$0x0]  }
0x319: {  	v7 =	vunpack.i.l.bf16.f32 v24;
	v46 =	vadd.f32 v33, v30;
	v54 =	vld [tilespmem:s15+$0x0];
	v2 =	vadd.f32 v2, v8  }
0x31a: {  	s8 =	sadd.s32 s31, s8;
	v45 =	vadd.f32 v7, v6;
	[tilespmem:s25+$0xFFFFF330] =	vst v3;
	v3 =	vunpack.i.l.bf16.f32 v47;
	v55 =	vunpack.i.l.bf16.f32 v50  }
0x31b: {  	s0 =	sadd.s32 s30, s24;
	s24 =	sld [smem:$0x7A4];
	s21 =	sadd.s32 s1, s4;
	[tilespmem:s25+$0xFFFFF340] =	vst v2;
	v2 =	vld [tilespmem:s8+$0x0];
	v7 =	vunpack.i.u.bf16.f32 v47;
	v56 =	vunpack.i.u.bf16.f32 v50;
	v3 =	vadd.f32 v55, v3  }
0x31c: {  	v6 =	vadd.f32 v35, v46;
	s22 =	sadd.s32 s1, s13;
	v57 =	vld [tilespmem:s21+$0x0];
	v7 =	vadd.f32 v56, v7;
	v58 =	vunpack.i.l.bf16.f32 v1  }
0x31d: {  	[tilespmem:s25+$0xFFFFFD10] =	vst v45;
	v59 =	vld [tilespmem:s22+$0x0];
	v1 =	vunpack.i.u.bf16.f32 v1;
	v3 =	vadd.f32 v58, v3  }
0x31e: {  	s17 =	sld [smem:$0x7CB];
	[tilespmem:s25+$0xFFFFFD20] =	vst v6;
	s26 =	sadd.s32 s1, s24;
	v1 =	vadd.f32 v1, v7;
	v61 =	vunpack.i.l.bf16.f32 v53;
	v62 =	vunpack.i.l.bf16.f32 v54  }
0x31f: {  	s16 =	sadd.s32 s29, s0;
	v63 =	vld [tilespmem:s26+$0x0];
	v16 =	vunpack.i.u.bf16.f32 v54;
	v17 =	vadd.f32 v62, v61;
	[tilespmem:s25+$0xFFFFF350] =	vst v3;
	v3 =	vunpack.i.u.bf16.f32 v53  }
0x320: {  	s20 =	sld [smem:$0x7CC];
	v6 =	vld [tilespmem:s16+$0x0];
	s16 =	sadd.s32 s2, s4;
	[tilespmem:s25+$0xFFFFF360] =	vst v1;
	v1 =	vunpack.i.l.bf16.f32 v2;
	v3 =	vadd.f32 v16, v3  }
0x321: {  	s8 =	sadd.s32 s30, s17;
	s17 =	sadd.s32 s2, s13;
	v2 =	vunpack.i.u.bf16.f32 v2;
	v19 =	vld [tilespmem:s16+$0x0];
	v1 =	vadd.f32 v1, v17  }
0x322: {  	v20 =	vunpack.i.l.bf16.f32 v57;
	v21 =	vunpack.i.l.bf16.f32 v59;
	v22 =	vld [tilespmem:s17+$0x0];
	v2 =	vadd.f32 v2, v3  }
0x323: {  	s10 =	sadd.s32 s30, s20;
	s20 =	sadd.s32 s2, s24;
	v23 =	vunpack.i.u.bf16.f32 v59;
	v5 =	vadd.f32 v21, v20;
	v3 =	vunpack.i.u.bf16.f32 v57;
	[tilespmem:s25+$0xFFFFF370] =	vst v1  }
0x324: {  	s4 =	sadd.s32 s31, s4;
	v25 =	vunpack.i.l.bf16.f32 v63;
	v1 =	vld [tilespmem:s20+$0x0];
	v3 =	vadd.f32 v23, v3;
	[tilespmem:s25+$0xFFFFF380] =	vst v2  }
0x325: {  	s21 =	sadd.s32 s31, s13;
	v26 =	vunpack.i.u.bf16.f32 v63;
	v5 =	vadd.f32 v25, v5;
	v2 =	vld [tilespmem:s4+$0x0]  }
0x326: {  	s23 =	sadd.s32 s29, s8;
	v3 =	vadd.f32 v26, v3;
	v28 =	vld [tilespmem:s21+$0x0]  }
0x327: {  	s22 =	sadd.s32 s31, s24;
	v60 =	vld [tilespmem:s23+$0x0];
	[tilespmem:s25+$0xFFFFF3B0] =	vst v5;
	v30 =	vunpack.i.l.bf16.f32 v19;
	v31 =	vunpack.i.l.bf16.f32 v22  }
0x328: {  	s23 =	sadd.s32 s1, s12;
	v32 =	vunpack.i.u.bf16.f32 v22;
	v33 =	vld [tilespmem:s22+$0x0];
	v5 =	vadd.f32 v31, v30;
	[tilespmem:s25+$0xFFFFF3C0] =	vst v3;
	v3 =	vunpack.i.u.bf16.f32 v19  }
0x329: {  	v24 =	vunpack.i.u.bf16.f32 v6;
	s24 =	sadd.s32 s1, s6;
	v35 =	vunpack.i.l.bf16.f32 v1;
	v34 =	vld [tilespmem:s23+$0x0];
	v3 =	vadd.f32 v32, v3  }
0x32a: {  	v6 =	vunpack.i.l.bf16.f32 v6;
	s28 =	sadd.s32 s29, s10;
	v1 =	vunpack.i.u.bf16.f32 v1;
	v36 =	vld [tilespmem:s24+$0x0];
	v4 =	vadd.f32 v35, v5  }
0x32b: {  	v18 =	vld [tilespmem:s28+$0x0];
	s26 =	sadd.s32 s1, s14;
	v1 =	vadd.f32 v1, v3;
	v3 =	vunpack.i.l.bf16.f32 v2;
	v37 =	vunpack.i.l.bf16.f32 v28  }
0x32c: {  	v38 =	vld [tilespmem:s26+$0x0];
	[tilespmem:s25+$0xFFFFF3D0] =	vst v4;
	v2 =	vunpack.i.u.bf16.f32 v2;
	v8 =	vunpack.i.u.bf16.f32 v28;
	v3 =	vadd.f32 v37, v3  }
0x32d: {  	s28 =	sadd.s32 s2, s12;
	v10 =	vunpack.i.l.bf16.f32 v60;
	v2 =	vadd.f32 v8, v2;
	[tilespmem:s25+$0xFFFFF3E0] =	vst v1;
	v1 =	vunpack.i.l.bf16.f32 v33  }
0x32e: {  	s7 =	sadd.s32 s2, s6;
	v6 =	vadd.f32 v10, v6;
	v42 =	vunpack.i.u.bf16.f32 v33;
	v41 =	vld [tilespmem:s28+$0x0];
	v1 =	vadd.f32 v1, v3  }
0x32f: {  	v3 =	vunpack.i.l.bf16.f32 v34;
	v43 =	vunpack.i.l.bf16.f32 v36;
	v44 =	vld [tilespmem:s7+$0x0];
	v2 =	vadd.f32 v42, v2  }
0x330: {  	s15 =	sadd.s32 s2, s14;
	v45 =	vunpack.i.u.bf16.f32 v34;
	v10 =	vunpack.i.u.bf16.f32 v36;
	v3 =	vadd.f32 v43, v3;
	[tilespmem:s25+$0xFFFFF3F0] =	vst v1  }
0x331: {  	s12 =	sadd.s32 s31, s12;
	v29 =	vunpack.i.u.bf16.f32 v18;
	v46 =	vunpack.i.l.bf16.f32 v38;
	v8 =	vadd.f32 v10, v45;
	v1 =	vld [tilespmem:s15+$0x0];
	[tilespmem:s25+$0xFFFFF400] =	vst v2  }
0x332: {  	s6 =	sadd.s32 s31, s6;
	v27 =	vunpack.i.u.bf16.f32 v60;
	v2 =	vunpack.i.u.bf16.f32 v38;
	v3 =	vadd.f32 v46, v3;
	v47 =	vld [tilespmem:s12+$0x0]  }
0x333: {  	v7 =	vunpack.i.l.bf16.f32 v18;
	v40 =	vadd.f32 v27, v24;
	v48 =	vld [tilespmem:s6+$0x0];
	v2 =	vadd.f32 v2, v8  }
0x334: {  	s17 =	sadd.s32 s31, s14;
	v39 =	vadd.f32 v7, v6;
	[tilespmem:s25+$0xFFFFFC30] =	vst v3;
	v3 =	vunpack.i.l.bf16.f32 v41;
	v49 =	vunpack.i.l.bf16.f32 v44  }
0x335: {  	s13 =	sld [smem:$0x7CD];
	s21 =	sadd.s32 s1, s18;
	[tilespmem:s25+$0xFFFFFC40] =	vst v2;
	v2 =	vld [tilespmem:s17+$0x0];
	v7 =	vunpack.i.u.bf16.f32 v41;
	v50 =	vunpack.i.u.bf16.f32 v44;
	v3 =	vadd.f32 v49, v3  }
0x336: {  	v6 =	vadd.f32 v29, v40;
	s22 =	sadd.s32 s1, s11;
	v51 =	vld [tilespmem:s21+$0x0];
	v7 =	vadd.f32 v50, v7;
	v52 =	vunpack.i.l.bf16.f32 v1  }
0x337: {  	[tilespmem:s25+$0xFFFFFD90] =	vst v39;
	v53 =	vld [tilespmem:s22+$0x0];
	v1 =	vunpack.i.u.bf16.f32 v1;
	v3 =	vadd.f32 v52, v3  }
0x338: {  	s16 =	sld [smem:$0x7CE];
	s4 =	sadd.s32 s30, s13;
	[tilespmem:s25+$0xFFFFFDA0] =	vst v6;
	s24 =	sadd.s32 s1, s19;
	v1 =	vadd.f32 v1, v7;
	v55 =	vunpack.i.l.bf16.f32 v47;
	v56 =	vunpack.i.l.bf16.f32 v48  }
0x339: {  	s7 =	sadd.s32 s29, s4;
	v57 =	vld [tilespmem:s24+$0x0];
	v58 =	vunpack.i.u.bf16.f32 v48;
	v59 =	vadd.f32 v56, v55;
	[tilespmem:s25+$0xFFFFFC50] =	vst v3;
	v3 =	vunpack.i.u.bf16.f32 v47  }
0x33a: {  	s28 =	sadd.s32 s2, s18;
	v6 =	vld [tilespmem:s7+$0x0];
	[tilespmem:s25+$0xFFFFFC60] =	vst v1;
	v1 =	vunpack.i.l.bf16.f32 v2;
	v3 =	vadd.f32 v58, v3  }
0x33b: {  	s13 =	sadd.s32 s2, s11;
	s7 =	sadd.s32 s30, s16;
	v2 =	vunpack.i.u.bf16.f32 v2;
	v61 =	vld [tilespmem:s28+$0x0];
	v1 =	vadd.f32 v1, v59  }
0x33c: {  	s23 =	sadd.s32 s29, s7;
	v62 =	vunpack.i.l.bf16.f32 v51;
	v63 =	vunpack.i.l.bf16.f32 v53;
	v16 =	vld [tilespmem:s13+$0x0];
	v2 =	vadd.f32 v2, v3  }
0x33d: {  	s14 =	sadd.s32 s2, s19;
	v54 =	vld [tilespmem:s23+$0x0];
	v17 =	vunpack.i.u.bf16.f32 v53;
	v5 =	vadd.f32 v63, v62;
	v3 =	vunpack.i.u.bf16.f32 v51;
	[tilespmem:s25+$0xFFFFFC70] =	vst v1  }
0x33e: {  	s15 =	sadd.s32 s31, s18;
	v19 =	vunpack.i.l.bf16.f32 v57;
	v1 =	vld [tilespmem:s14+$0x0];
	v3 =	vadd.f32 v17, v3;
	[tilespmem:s25+$0xFFFFFC80] =	vst v2  }
0x33f: {  	s11 =	sadd.s32 s31, s11;
	v20 =	vunpack.i.u.bf16.f32 v57;
	v5 =	vadd.f32 v19, v5;
	v2 =	vld [tilespmem:s15+$0x0]  }
0x340: {  	v3 =	vadd.f32 v20, v3;
	v22 =	vld [tilespmem:s11+$0x0]  }
0x341: {  	s16 =	sadd.s32 s31, s19;
	v18 =	vunpack.i.u.bf16.f32 v6;
	[tilespmem:s25+$0xFFFFFCB0] =	vst v5;
	v24 =	vunpack.i.l.bf16.f32 v61;
	v25 =	vunpack.i.l.bf16.f32 v16  }
0x342: {  	s20 =	sld [smem:$0x7CF];
	s17 =	sadd.s32 s1, s3;
	v26 =	vunpack.i.u.bf16.f32 v16;
	v27 =	vld [tilespmem:s16+$0x0];
	v5 =	vadd.f32 v25, v24;
	[tilespmem:s25+$0xFFFFFCC0] =	vst v3;
	v3 =	vunpack.i.u.bf16.f32 v61  }
0x343: {  	s18 =	sadd.s32 s1, s5;
	v6 =	vunpack.i.l.bf16.f32 v6;
	v29 =	vunpack.i.l.bf16.f32 v1;
	v28 =	vld [tilespmem:s17+$0x0];
	v3 =	vadd.f32 v26, v3  }
0x344: {  	v21 =	vunpack.i.u.bf16.f32 v54;
	v1 =	vunpack.i.u.bf16.f32 v1;
	v30 =	vld [tilespmem:s18+$0x0];
	v4 =	vadd.f32 v29, v5  }
0x345: {  	s19 =	sadd.s32 s1, s9;
	s6 =	sadd.s32 s30, s20;
	v1 =	vadd.f32 v1, v3;
	v3 =	vunpack.i.l.bf16.f32 v2;
	v31 =	vunpack.i.l.bf16.f32 v22  }
0x346: {  	s26 =	sadd.s32 s29, s6;
	v32 =	vld [tilespmem:s19+$0x0];
	[tilespmem:s25+$0xFFFFFCD0] =	vst v4;
	v2 =	vunpack.i.u.bf16.f32 v2;
	v8 =	vunpack.i.u.bf16.f32 v22;
	v3 =	vadd.f32 v31, v3  }
0x347: {  	s20 =	sadd.s32 s2, s3;
	v60 =	vld [tilespmem:s26+$0x0];
	v10 =	vunpack.i.l.bf16.f32 v54;
	v2 =	vadd.f32 v8, v2;
	[tilespmem:s25+$0xFFFFFCE0] =	vst v1;
	v1 =	vunpack.i.l.bf16.f32 v27  }
0x348: {  	s21 =	sadd.s32 s2, s5;
	v6 =	vadd.f32 v10, v6;
	v36 =	vunpack.i.u.bf16.f32 v27;
	v35 =	vld [tilespmem:s20+$0x0];
	v1 =	vadd.f32 v1, v3  }
0x349: {  	v3 =	vunpack.i.l.bf16.f32 v28;
	v37 =	vunpack.i.l.bf16.f32 v30;
	v38 =	vld [tilespmem:s21+$0x0];
	v2 =	vadd.f32 v36, v2  }
0x34a: {  	s23 =	sadd.s32 s2, s9;
	v39 =	vunpack.i.u.bf16.f32 v28;
	v10 =	vunpack.i.u.bf16.f32 v30;
	v3 =	vadd.f32 v37, v3;
	[tilespmem:s25+$0xFFFFFCF0] =	vst v1  }
0x34b: {  	s24 =	sadd.s32 s31, s3;
	v34 =	vadd.f32 v21, v18;
	v40 =	vunpack.i.l.bf16.f32 v32;
	v8 =	vadd.f32 v10, v39;
	v1 =	vld [tilespmem:s23+$0x0];
	[tilespmem:s25+$0xFFFFFD00] =	vst v2  }
0x34c: {  	s5 =	sadd.s32 s31, s5;
	v7 =	vunpack.i.l.bf16.f32 v60;
	v2 =	vunpack.i.u.bf16.f32 v32;
	v3 =	vadd.f32 v40, v3;
	v41 =	vld [tilespmem:s24+$0x0]  }
0x34d: {  	s22 =	sld [smem:$0x7D0];
	v23 =	vunpack.i.u.bf16.f32 v60;
	v33 =	vadd.f32 v7, v6;
	v42 =	vld [tilespmem:s5+$0x0];
	v2 =	vadd.f32 v2, v8  }
0x34e: {  	s9 =	sadd.s32 s31, s9;
	v6 =	vadd.f32 v23, v34;
	[tilespmem:s25+$0xFFFFFD30] =	vst v3;
	v3 =	vunpack.i.l.bf16.f32 v35;
	v43 =	vunpack.i.l.bf16.f32 v38  }
0x34f: {  	s28 =	sld [smem:$0x7D1];
	s13 =	sadd.s32 s1, s0;
	[tilespmem:s25+$0xFFFFFD40] =	vst v2;
	v2 =	vld [tilespmem:s9+$0x0];
	v7 =	vunpack.i.u.bf16.f32 v35;
	v44 =	vunpack.i.u.bf16.f32 v38;
	v3 =	vadd.f32 v43, v3  }
0x350: {  	s3 =	sadd.s32 s30, s22;
	[tilespmem:s25+$0xFFFFFE10] =	vst v33;
	s14 =	sadd.s32 s1, s8;
	v45 =	vld [tilespmem:s13+$0x0];
	v7 =	vadd.f32 v44, v7;
	v46 =	vunpack.i.l.bf16.f32 v1  }
0x351: {  	s26 =	sadd.s32 s29, s3;
	[tilespmem:s25+$0xFFFFFE20] =	vst v6;
	v47 =	vld [tilespmem:s14+$0x0];
	v1 =	vunpack.i.u.bf16.f32 v1;
	v3 =	vadd.f32 v46, v3  }
0x352: {  	s12 =	sld [smem:$0x7D2];
	v6 =	vld [tilespmem:s26+$0x0];
	s16 =	sadd.s32 s1, s10;
	s5 =	sadd.s32 s30, s28;
	v1 =	vadd.f32 v1, v7;
	v49 =	vunpack.i.l.bf16.f32 v41;
	v50 =	vunpack.i.l.bf16.f32 v42  }
0x353: {  	s15 =	sadd.s32 s29, s5;
	v51 =	vld [tilespmem:s16+$0x0];
	v52 =	vunpack.i.u.bf16.f32 v42;
	v53 =	vadd.f32 v50, v49;
	[tilespmem:s25+$0xFFFFFD50] =	vst v3;
	v3 =	vunpack.i.u.bf16.f32 v41  }
0x354: {  	s18 =	sadd.s32 s2, s0;
	v48 =	vld [tilespmem:s15+$0x0];
	[tilespmem:s25+$0xFFFFFD60] =	vst v1;
	v1 =	vunpack.i.l.bf16.f32 v2;
	v3 =	vadd.f32 v52, v3  }
0x355: {  	s19 =	sadd.s32 s2, s8;
	s9 =	sadd.s32 s30, s12;
	v2 =	vunpack.i.u.bf16.f32 v2;
	v55 =	vld [tilespmem:s18+$0x0];
	v1 =	vadd.f32 v1, v53  }
0x356: {  	s17 =	sadd.s32 s29, s9;
	v56 =	vunpack.i.l.bf16.f32 v45;
	v57 =	vunpack.i.l.bf16.f32 v47;
	v58 =	vld [tilespmem:s19+$0x0];
	v2 =	vadd.f32 v2, v3  }
0x357: {  	s20 =	sadd.s32 s2, s10;
	v54 =	vld [tilespmem:s17+$0x0];
	v59 =	vunpack.i.u.bf16.f32 v47;
	v5 =	vadd.f32 v57, v56;
	v3 =	vunpack.i.u.bf16.f32 v45;
	[tilespmem:s25+$0xFFFFFD70] =	vst v1  }
0x358: {  	v60 =	vunpack.i.u.bf16.f32 v6;
	s0 =	sadd.s32 s31, s0;
	v61 =	vunpack.i.l.bf16.f32 v51;
	v1 =	vld [tilespmem:s20+$0x0];
	v3 =	vadd.f32 v59, v3;
	[tilespmem:s25+$0xFFFFFD80] =	vst v2  }
0x359: {  	v6 =	vunpack.i.l.bf16.f32 v6;
	s21 =	sadd.s32 s31, s8;
	v62 =	vunpack.i.u.bf16.f32 v51;
	v5 =	vadd.f32 v61, v5;
	v2 =	vld [tilespmem:s0+$0x0]  }
0x35a: {  	v63 =	vunpack.i.u.bf16.f32 v48;
	v10 =	vunpack.i.l.bf16.f32 v48;
	v3 =	vadd.f32 v62, v3;
	v16 =	vld [tilespmem:s21+$0x0]  }
0x35b: {  	s22 =	sadd.s32 s31, s10;
	v6 =	vadd.f32 v10, v6;
	[tilespmem:s25+$0xFFFFFDB0] =	vst v5;
	v18 =	vunpack.i.l.bf16.f32 v55;
	v19 =	vunpack.i.l.bf16.f32 v58  }
0x35c: {  	s23 =	sadd.s32 s1, s4;
	v20 =	vunpack.i.u.bf16.f32 v58;
	v21 =	vld [tilespmem:s22+$0x0];
	v5 =	vadd.f32 v19, v18;
	[tilespmem:s25+$0xFFFFFDC0] =	vst v3;
	v3 =	vunpack.i.u.bf16.f32 v55  }
0x35d: {  	s24 =	sadd.s32 s1, s7;
	v28 =	vadd.f32 v63, v60;
	v23 =	vunpack.i.l.bf16.f32 v1;
	v22 =	vld [tilespmem:s23+$0x0];
	v3 =	vadd.f32 v20, v3  }
0x35e: {  	v17 =	vunpack.i.u.bf16.f32 v54;
	v1 =	vunpack.i.u.bf16.f32 v1;
	v24 =	vld [tilespmem:s24+$0x0];
	v4 =	vadd.f32 v23, v5  }
0x35f: {  	s26 =	sadd.s32 s1, s6;
	v1 =	vadd.f32 v1, v3;
	v3 =	vunpack.i.l.bf16.f32 v2;
	v25 =	vunpack.i.l.bf16.f32 v16  }
0x360: {  	v26 =	vld [tilespmem:s26+$0x0];
	[tilespmem:s25+$0xFFFFFDD0] =	vst v4;
	v2 =	vunpack.i.u.bf16.f32 v2;
	v8 =	vunpack.i.u.bf16.f32 v16;
	v3 =	vadd.f32 v25, v3  }
0x361: {  	s28 =	sadd.s32 s2, s4;
	v7 =	vunpack.i.l.bf16.f32 v54;
	v2 =	vadd.f32 v8, v2;
	[tilespmem:s25+$0xFFFFFDE0] =	vst v1;
	v1 =	vunpack.i.l.bf16.f32 v21  }
0x362: {  	s8 =	sadd.s32 s2, s7;
	v27 =	vadd.f32 v7, v6;
	v30 =	vunpack.i.u.bf16.f32 v21;
	v29 =	vld [tilespmem:s28+$0x0];
	v1 =	vadd.f32 v1, v3  }
0x363: {  	s15 =	sld [smem:$0x7D5];
	v3 =	vunpack.i.l.bf16.f32 v22;
	v31 =	vunpack.i.l.bf16.f32 v24;
	v32 =	vld [tilespmem:s8+$0x0];
	v2 =	vadd.f32 v30, v2  }
0x364: {  	s11 =	sadd.s32 s2, s6;
	v33 =	vunpack.i.u.bf16.f32 v22;
	v10 =	vunpack.i.u.bf16.f32 v24;
	v3 =	vadd.f32 v31, v3;
	[tilespmem:s25+$0xFFFFFDF0] =	vst v1  }
0x365: {  	s10 =	sld [smem:$0x7D3];
	s4 =	sadd.s32 s31, s4;
	v6 =	vadd.f32 v17, v28;
	v34 =	vunpack.i.l.bf16.f32 v26;
	v8 =	vadd.f32 v10, v33;
	v1 =	vld [tilespmem:s11+$0x0];
	[tilespmem:s25+$0xFFFFFE00] =	vst v2  }
0x366: {  	s12 =	sadd.s32 s31, s7;
	s20 =	sadd.s32 s30, s15;
	[tilespmem:s25+$0xFFFFFE90] =	vst v27;
	v2 =	vunpack.i.u.bf16.f32 v26;
	v3 =	vadd.f32 v34, v3;
	v35 =	vld [tilespmem:s4+$0x0]  }
0x367: {  	s7 =	sadd.s32 s29, s20;
	[tilespmem:s25+$0xFFFFFEA0] =	vst v6;
	v36 =	vld [tilespmem:s12+$0x0];
	v2 =	vadd.f32 v2, v8  }
0x368: {  	s6 =	sadd.s32 s31, s6;
	s14 =	sld [smem:$0x7D4];
	s0 =	sadd.s32 s30, s10;
	v45 =	vld [tilespmem:s7+$0x0];
	[tilespmem:s25+$0xFFFFFE30] =	vst v3;
	v3 =	vunpack.i.l.bf16.f32 v29;
	v37 =	vunpack.i.l.bf16.f32 v32  }
0x369: {  	s13 =	sadd.s32 s29, s0;
	[tilespmem:s25+$0xFFFFFE40] =	vst v2;
	v2 =	vld [tilespmem:s6+$0x0];
	v7 =	vunpack.i.u.bf16.f32 v29;
	v38 =	vunpack.i.u.bf16.f32 v32;
	v3 =	vadd.f32 v37, v3  }
0x36a: {  	s16 =	sadd.s32 s1, s3;
	v6 =	vld [tilespmem:s13+$0x0];
	v7 =	vadd.f32 v38, v7;
	v40 =	vunpack.i.l.bf16.f32 v1  }
0x36b: {  	s17 =	sadd.s32 s30, s14;
	s18 =	sadd.s32 s1, s5;
	v39 =	vld [tilespmem:s16+$0x0];
	v1 =	vunpack.i.u.bf16.f32 v1;
	v3 =	vadd.f32 v40, v3  }
0x36c: {  	s19 =	sadd.s32 s29, s17;
	v41 =	vld [tilespmem:s18+$0x0];
	v1 =	vadd.f32 v1, v7;
	v43 =	vunpack.i.l.bf16.f32 v35;
	v44 =	vunpack.i.l.bf16.f32 v36  }
0x36d: {  	v42 =	vld [tilespmem:s19+$0x0];
	s21 =	sadd.s32 s1, s9;
	v46 =	vunpack.i.u.bf16.f32 v36;
	v47 =	vadd.f32 v44, v43;
	[tilespmem:s25+$0xFFFFFE50] =	vst v3;
	v3 =	vunpack.i.u.bf16.f32 v35  }
0x36e: {  	s22 =	sadd.s32 s2, s3;
	v49 =	vld [tilespmem:s21+$0x0];
	[tilespmem:s25+$0xFFFFFE60] =	vst v1;
	v1 =	vunpack.i.l.bf16.f32 v2;
	v3 =	vadd.f32 v46, v3  }
0x36f: {  	s23 =	sadd.s32 s2, s5;
	v2 =	vunpack.i.u.bf16.f32 v2;
	v51 =	vld [tilespmem:s22+$0x0];
	v1 =	vadd.f32 v1, v47  }
0x370: {  	v55 =	vunpack.i.u.bf16.f32 v45;
	v48 =	vunpack.i.u.bf16.f32 v6;
	v54 =	vld [tilespmem:s23+$0x0];
	v2 =	vadd.f32 v2, v3  }
0x371: {  	s24 =	sadd.s32 s2, s9;
	v50 =	vunpack.i.l.bf16.f32 v6;
	v52 =	vunpack.i.l.bf16.f32 v39;
	v53 =	vunpack.i.l.bf16.f32 v41;
	[tilespmem:s25+$0xFFFFFE70] =	vst v1  }
0x372: {  	s3 =	sadd.s32 s31, s3;
	v8 =	vunpack.i.u.bf16.f32 v39;
	v9 =	vunpack.i.u.bf16.f32 v41;
	v5 =	vadd.f32 v53, v52;
	v1 =	vld [tilespmem:s24+$0x0];
	[tilespmem:s25+$0xFFFFFE80] =	vst v2  }
0x373: {  	s26 =	sadd.s32 s31, s5;
	v10 =	vunpack.i.l.bf16.f32 v42;
	v56 =	vunpack.i.l.bf16.f32 v49;
	v8 =	vadd.f32 v9, v8;
	v2 =	vld [tilespmem:s3+$0x0]  }
0x374: {  	v4 =	vadd.f32 v10, v50;
	v57 =	vunpack.i.u.bf16.f32 v49;
	v5 =	vadd.f32 v56, v5;
	v58 =	vld [tilespmem:s26+$0x0]  }
0x375: {  	s28 =	sadd.s32 s31, s9;
	v8 =	vadd.f32 v57, v8;
	v59 =	vunpack.i.l.bf16.f32 v51;
	v60 =	vunpack.i.l.bf16.f32 v54  }
0x376: {  	[tilespmem:s25+$0xFFFFFEB0] =	vst v5;
	v61 =	vunpack.i.u.bf16.f32 v51;
	v62 =	vunpack.i.u.bf16.f32 v54;
	v63 =	vld [tilespmem:s28+$0x0];
	v10 =	vadd.f32 v60, v59  }
0x377: {  	s5 =	sadd.s32 s1, s0;
	v3 =	vunpack.i.u.bf16.f32 v42;
	[tilespmem:s25+$0xFFFFFEC0] =	vst v8;
	v5 =	vadd.f32 v62, v61;
	v14 =	vunpack.i.l.bf16.f32 v1  }
0x378: {  	s7 =	sadd.s32 s1, s17;
	v3 =	vadd.f32 v3, v48;
	v15 =	vld [tilespmem:s5+$0x0];
	v1 =	vunpack.i.u.bf16.f32 v1;
	v16 =	vadd.f32 v14, v10  }
0x379: {  	v17 =	vld [tilespmem:s7+$0x0];
	v1 =	vadd.f32 v1, v5;
	v18 =	vunpack.i.l.bf16.f32 v2;
	v19 =	vunpack.i.l.bf16.f32 v58  }
0x37a: {  	s9 =	sadd.s32 s1, s20;
	[tilespmem:s25+$0xFFFFFED0] =	vst v16;
	v2 =	vunpack.i.u.bf16.f32 v2;
	v20 =	vunpack.i.u.bf16.f32 v58;
	v5 =	vadd.f32 v19, v18  }
0x37b: {  	s10 =	sadd.s32 s2, s0;
	v3 =	vadd.f32 v55, v3;
	v21 =	vld [tilespmem:s9+$0x0];
	[tilespmem:s25+$0xFFFFFEE0] =	vst v1;
	v1 =	vunpack.i.l.bf16.f32 v63;
	v2 =	vadd.f32 v20, v2  }
0x37c: {  	s12 =	sadd.s32 s2, s17;
	v23 =	vunpack.i.u.bf16.f32 v63;
	v22 =	vld [tilespmem:s10+$0x0];
	v1 =	vadd.f32 v1, v5  }
0x37d: {  	v12 =	vunpack.i.l.bf16.f32 v45;
	s8 =	sld [smem:$0x7D6];
	[tilespmem:s25+$0xFFFFFF20] =	vst v3;
	v3 =	vld [tilespmem:s12+$0x0];
	v2 =	vadd.f32 v23, v2  }
0x37e: {  	s14 =	sadd.s32 s2, s20;
	v4 =	vadd.f32 v12, v4;
	v25 =	vunpack.i.l.bf16.f32 v15;
	v26 =	vunpack.i.l.bf16.f32 v17;
	[tilespmem:s25+$0xFFFFFEF0] =	vst v1  }
0x37f: {  	s0 =	sadd.s32 s31, s0;
	v6 =	vunpack.i.u.bf16.f32 v15;
	v8 =	vunpack.i.u.bf16.f32 v17;
	v7 =	vadd.f32 v26, v25;
	v1 =	vld [tilespmem:s14+$0x0];
	[tilespmem:s25+$0xFFFFFF00] =	vst v2  }
0x380: {  	s15 =	sld [smem:$0x7D7];
	s11 =	sadd.s32 s30, s8;
	s16 =	sadd.s32 s31, s17;
	v27 =	vunpack.i.l.bf16.f32 v21;
	v6 =	vadd.f32 v8, v6;
	v2 =	vld [tilespmem:s0+$0x0]  }
0x381: {  	s13 =	sadd.s32 s29, s11;
	[tilespmem:s25+$0xFFFFFF10] =	vst v4;
	v9 =	vunpack.i.u.bf16.f32 v21;
	v7 =	vadd.f32 v27, v7;
	v28 =	vld [tilespmem:s16+$0x0]  }
0x382: {  	s4 =	sadd.s32 s31, s20;
	v24 =	vld [tilespmem:s13+$0x0];
	v6 =	vadd.f32 v9, v6;
	v29 =	vunpack.i.l.bf16.f32 v22;
	v30 =	vunpack.i.l.bf16.f32 v3  }
0x383: {  	s17 =	sld [smem:$0x7D8];
	s5 =	sadd.s32 s30, s15;
	v31 =	vld [tilespmem:s4+$0x0];
	v4 =	vunpack.i.u.bf16.f32 v22;
	v3 =	vunpack.i.u.bf16.f32 v3;
	v8 =	vadd.f32 v30, v29  }
0x384: {  	s18 =	sadd.s32 s29, s5;
	[tilespmem:s25+$0xFFFFFF30] =	vst v7;
	v3 =	vadd.f32 v3, v4;
	v33 =	vunpack.i.l.bf16.f32 v1  }
0x385: {  	s20 =	sadd.s32 s1, s11;
	v32 =	vld [tilespmem:s18+$0x0];
	[tilespmem:s25+$0xFFFFFF40] =	vst v6;
	v1 =	vunpack.i.u.bf16.f32 v1;
	v35 =	vadd.f32 v33, v8  }
0x386: {  	s21 =	sadd.s32 s1, s5;
	s0 =	sadd.s32 s30, s17;
	v38 =	vld [tilespmem:s20+$0x0];
	v1 =	vadd.f32 v1, v3;
	v3 =	vunpack.i.l.bf16.f32 v2;
	v37 =	vunpack.i.l.bf16.f32 v28  }
0x387: {  	s19 =	sadd.s32 s29, s0;
	v39 =	vld [tilespmem:s21+$0x0];
	v2 =	vunpack.i.u.bf16.f32 v2;
	v11 =	vunpack.i.u.bf16.f32 v28;
	v3 =	vadd.f32 v37, v3  }
0x388: {  	v34 =	vunpack.i.u.bf16.f32 v24;
	s1 =	sadd.s32 s1, s0;
	v36 =	vld [tilespmem:s19+$0x0];
	v40 =	vunpack.i.l.bf16.f32 v31;
	v2 =	vadd.f32 v11, v2;
	[tilespmem:s25+$0xFFFFFF50] =	vst v35  }
0x389: {  	s22 =	sadd.s32 s2, s11;
	v5 =	vunpack.i.l.bf16.f32 v24;
	v42 =	vld [tilespmem:s1+$0x0];
	[tilespmem:s25+$0xFFFFFF60] =	vst v1;
	v1 =	vunpack.i.u.bf16.f32 v31;
	v3 =	vadd.f32 v40, v3  }
0x38a: {  	s23 =	sadd.s32 s2, s5;
	v41 =	vunpack.i.l.bf16.f32 v32;
	v43 =	vunpack.i.u.bf16.f32 v32;
	v44 =	vld [tilespmem:s22+$0x0];
	v1 =	vadd.f32 v1, v2  }
0x38b: {  	v5 =	vadd.f32 v41, v5;
	v4 =	vadd.f32 v43, v34;
	s24 =	sadd.s32 s2, s0;
	v47 =	vunpack.i.l.bf16.f32 v38;
	v2 =	vld [tilespmem:s23+$0x0];
	[tilespmem:s25+$0xFFFFFF70] =	vst v3  }
0x38c: {  	s28 =	sadd.s32 s31, s11;
	v48 =	vunpack.i.l.bf16.f32 v39;
	v9 =	vunpack.i.u.bf16.f32 v38;
	v6 =	vunpack.i.u.bf16.f32 v39;
	v3 =	vld [tilespmem:s24+$0x0];
	[tilespmem:s25+$0xFFFFFF80] =	vst v1  }
0x38d: {  	s30 =	sadd.s32 s31, s5;
	v45 =	vunpack.i.l.bf16.f32 v36;
	v46 =	vunpack.i.u.bf16.f32 v36;
	v7 =	vadd.f32 v48, v47;
	v1 =	vld [tilespmem:s28+$0x0]  }
0x38e: {  	v51 =	vunpack.i.l.bf16.f32 v42;
	v6 =	vadd.f32 v6, v9;
	v5 =	vadd.f32 v45, v5;
	v49 =	vld [tilespmem:s30+$0x0]  }
0x38f: {  	s0 =	sadd.s32 s31, s0;
	v50 =	vunpack.i.u.bf16.f32 v42;
	v4 =	vadd.f32 v46, v4;
	v7 =	vadd.f32 v51, v7  }
0x390: {  	s31 =	sld [smem:$0x7A7];
	v6 =	vadd.f32 v50, v6;
	v54 =	vld [tilespmem:s0+$0x0];
	v52 =	vunpack.i.l.bf16.f32 v44;
	v53 =	vunpack.i.l.bf16.f32 v2  }
0x391: {  	v56 =	vunpack.i.u.bf16.f32 v44;
	v2 =	vunpack.i.u.bf16.f32 v2;
	v55 =	vadd.f32 v53, v52  }
0x392: {  	[tilespmem:s25+$0xFFFFFF90] =	vst v5;
	v2 =	vadd.f32 v2, v56;
	v57 =	vunpack.i.l.bf16.f32 v3;
	v3 =	vunpack.i.u.bf16.f32 v3  }
0x393: {  	[tilespmem:s25+$0xFFFFFFA0] =	vst v4;
	s0 =	sadd.s32 $0x4, s31;
	v58 =	vadd.f32 v57, v55;
	v59 =	vunpack.i.l.bf16.f32 v1;
	v60 =	vunpack.i.l.bf16.f32 v49  }
0x394: {  	[tilespmem:s25+$0xFFFFFFB0] =	vst v7;
	p0 =	slt.u32 s0, $0x8;
	v1 =	vunpack.i.u.bf16.f32 v1;
	v62 =	vunpack.i.u.bf16.f32 v49;
	v61 =	vadd.f32 v60, v59  }
.Ltmp2:
0x395: {  	s26 =	sld [smem:$0x7A5];
	[tilespmem:s25+$0xFFFFFFC0] =	vst v6;
	v2 =	vadd.f32 v3, v2;
	v3 =	vunpack.i.l.bf16.f32 v54;
	v1 =	vadd.f32 v62, v1;
	(pc) =	sbr.rel @p0 .LBB2_8-.Ltmp2, $4  }
0x396: {  	s29 =	sld [smem:$0x7A6];
	v63 =	vunpack.i.u.bf16.f32 v54;
	[tilespmem:s25+$0xFFFFFFD0] =	vst v58;
	v3 =	vadd.f32 v3, v61  }
0x397: {  	[tilespmem:s25+$0xFFFFFFE0] =	vst v2;
	v1 =	vadd.f32 v63, v1  }
0x398: {  	[tilespmem:s25+$0xFFFFFFF0] =	vst v3  }
0x399: {  	s2 =	sadd.s32 $0x200, s26;
	s3 =	sadd.s32 $0x40, s29;
	[tilespmem:s25+$0x0] =	vst v1;
	s25 =	sadd.s32 $0x400, s25  }
0x39a: {  	s0 =	sld [smem:$0x7A8];
	_ =	sdelay $0x2  }
0x39b: {  	s0 =	sadd.s32 $0x1, s0  }
0x39c: {  	p0 =	sne.s32 s0, $0x4  }
.Ltmp3:
0x39d: {  	_ = 	snop;
	(pc) =	sbr.rel @p0 .LBB2_7-.Ltmp3, $2  }
0x39e: {  	s25 =	sld [smem:$0x7D9];
	_ =	sdelay $0x2  }
0x39f: {  	s25 =	sadd.s32 $0x1800, s25  }
0x3a0: {  	s0 =	sld [smem:$0x7F8]  }
0x3a1: {  	s1 =	sld [smem:$0x7DA]  }
0x3a2: {  	s31 =	sld [smem:$0x7F4];
	_ =	sdelay $0x1  }
0x3a3: {  	s0 =	sadd.s32 s0, s1  }
0x3a4: {  	s28 =	sld [smem:$0x7FC];
	s1 =	sadd.s32 $0x1, s31;
	s0 =	sshrl.u32 s0, $0x3  }
0x3a5: {  	p0 =	sne.s32 s1, $0x10;
	s0 =	smul.u32 $0xC00, s0  }
.Ltmp4:
0x3a6: {  	_ = 	snop;
	(pc) =	sbr.rel @p0 .LBB2_2-.Ltmp4, $4  }
0x3a7: {  	s0 =	sadd.s32 s28, s0  }
0x3a8: {  	s29 =	rddreg [dreg:$0x1];
	s0 =	sshrl.u32 s0, $0x3  }
0x3a9: {  	s30 =	simm.s32 $0x0;
	s2 =	simm.s32 $0x13800;
	s0 =	sadd.s32 s29, s0  }
0x3aa: {  	[hbm4b:s0+s30] =	stream.linear.scatter [tilespmem:s2], [sflag:$0x2], $0x6000, $0x38;
	[tilespmem:$0x19800] =	vst v63  }
0x3ab: {  	s0 =	simm.s32 $0x1  }
0x3ac: {  	_ =	swait.ge [sflag:s0], $0x6000  }
0x3ad: {  	[sflag:s0] =	ssyncset.done $0x0  }
0x3ae: {  	s1 =	simm.s32 $0x2;
	[sflag:s0] =	ssyncadd.s32 $0xFFFFA000  }
0x3af: {  	_ =	swait.ge [sflag:s1], $0x6000  }
0x3b0: {  	s2 =	sld [smem:$0x7F6]  }
0x3b1: {  	s31 =	sld [smem:$0x7FD];
	_ =	sdelay $0x1  }
0x3b2: {  	s2 =	sadd.s32 $0x1, s2  }
0x3b3: {  	p0 =	sne.s32 s2, s31  }
.Ltmp5:
0x3b4: {  	_ = 	snop;
	(pc) =	sbr.rel @p0 .LBB2_1-.Ltmp5, $3  }
0x3b5: {  	_ =	sdelay $0x1  }
0x3b6: {  	[sflag:s1] =	ssyncset.done $0x0  }
0x3b7: {  	[sflag:s1] =	ssyncadd.s32 $0xFFFFA000  }
0x3b8: {  	_ =	sfence.sel $0x180000  }
0x3b9: {  	[bflag:$0x0] =	sbarrier.arrive $0xFFFF  }
0x3ba: {  	_ =	strace $0x90000047  }
0x3bb: {  	s0 =	stileid.u32;
	[bflag:$0x2] =	sbarrier.arrive $0xFFFF  }
0x3bc: {  	p0 =	sne.s32 s0, $0x0;
	s0 =	rddreg [dreg:$0x2]  }
0x3bd: {  	s0 =	sadd.s32 @!p0 $0x100000, s0  }
0x3be: {  	[sflag:s0] =	ssyncadd.tile.s32 @!p0 $0x1;
	_ =	shalt  }
.Lfunc_end2:
_tile_overlayer_lowered:
.L_overlay_start_2:
0x3bf: {  	(tag) =	ssettag $0x2  }
0x3c0: {  	s0 =	rddreg [dreg:$0x0];
	s2 =	stileid.u32  }
0x3c1: {  	s1 =	rddreg [dreg:$0x1];
	p0 =	sne.s32 s2, $0x0  }
0x3c2: {  	s3 =	rddreg [dreg:$0x2];
	[bflag:$0x3] =	sbarrier.arrive $0xFFFF;
	s2 =	simm.s32 @!p0 $0x1C03  }
0x3c3: {  	[timem:s3], [sflag:s2] =	dma.local @!p0 [hbm:s0], s1  }
0x3c4: {  	s0 =	simm.s32 @!p0 $0x3  }
0x3c5: {  	_ =	swait.ge @!p0 [sflag:s0], s1  }
0x3c6: {  	s1 =	ssub.s32 @!p0 $0x0, s1;
	[sflag:s0] =	ssyncset.done @!p0 $0x0  }
0x3c7: {  	[sflag:s0] =	ssyncadd.s32 @!p0 s1  }
0x3c8: {  	[bflag:$0x3] =	sbarrier.arrive $0xFFFF  }
0x3c9: {  	_ =	shalt  }

</sc_bundles>
